<compile_context>
chip_gen: v7x
topology: tpu7x:2x2x1
jax: 0.10.2.dev20260603
libtpu: 0.0.44.dev20260713+nightly
codegen_flags: <defaults>
</compile_context>

<pallas_src>
import functools

import jax
import jax.numpy as jnp
import numpy as np
from jax import lax
from jax.experimental import pallas as pl
from jax.experimental.pallas import tpu as pltpu
from jax.experimental.pallas import tpu_sc as plsc

N = 49152
E = 589824
D = 128
H = 4
DH = 32

NC, NS = 2, 16
NW = NC * NS
C = 128
EPW = E // NW
GCHUNKS = EPW // C
EPT = E // NS
SCHUNKS = EPT // C
AW = 128
CH = C // 2
ZB = 16
NWIN = 4
NH = N // NWIN
ACC_ROWS = NH + 1024
ZPT = ACC_ROWS // NS
DPT = NH // NS

NB1 = 2048
EB = 4096
NB5 = 2048
PB = NB5 // 4

_f32 = jnp.float32


def _qkv_body(x_ref, wq_ref, wk_ref, wv_ref, q_ref, kv_ref):
    x = x_ref[...]
    q_ref[...] = jnp.dot(x, wq_ref[...], preferred_element_type=_f32)
    k = jnp.dot(x, wk_ref[...], preferred_element_type=_f32)
    v = jnp.dot(x, wv_ref[...], preferred_element_type=_f32)
    kv_ref[...] = jnp.concatenate([k, v], axis=-1)


def _qkv(xT, Wq, Wk, Wv):
    grid = (N // NB1,)
    wspec = pl.BlockSpec((D, D), lambda i: (0, 0))
    return pl.pallas_call(
        _qkv_body,
        grid=grid,
        in_specs=[pl.BlockSpec((NB1, D), lambda i: (i, 0)), wspec, wspec, wspec],
        out_specs=[pl.BlockSpec((NB1, D), lambda i: (i, 0)),
                   pl.BlockSpec((NB1, 2 * D), lambda i: (i, 0))],
        out_shape=[jax.ShapeDtypeStruct((N, D), _f32),
                   jax.ShapeDtypeStruct((N, 2 * D), _f32)],
    )(xT, Wq, Wk, Wv)


def _gather_body(q_hbm, kv_hbm, dsti_hbm, srci_hbm, qd_hbm, kvs_hbm,
                 didx, sidx, qbuf, kvbuf, sem_q, sem_kv):
    wid = lax.axis_index("s") * NC + lax.axis_index("c")
    pltpu.sync_copy(dsti_hbm.at[wid], didx)
    pltpu.sync_copy(srci_hbm.at[wid], sidx)

    def step(j, carry):
        base = wid * EPW + j * C
        cq = pltpu.async_copy(q_hbm.at[didx.at[j]], qbuf, sem_q)
        ckv = pltpu.async_copy(kv_hbm.at[sidx.at[j]], kvbuf, sem_kv)
        cq.wait()
        pltpu.sync_copy(qbuf, qd_hbm.at[pl.ds(base, C)])
        ckv.wait()
        pltpu.sync_copy(kvbuf, kvs_hbm.at[pl.ds(base, C)])
        return carry

    lax.fori_loop(0, GCHUNKS, step, 0)


def _gather(q, kv, dsti, srci):
    mesh = plsc.VectorSubcoreMesh(core_axis_name="c", subcore_axis_name="s",
                                  num_cores=NC, num_subcores=NS)
    f = pl.kernel(
        _gather_body,
        out_type=[jax.ShapeDtypeStruct((E, D), _f32),
                  jax.ShapeDtypeStruct((E, 2 * D), _f32)],
        mesh=mesh,
        scratch_types=[
            pltpu.VMEM((GCHUNKS, C), jnp.int32),
            pltpu.VMEM((GCHUNKS, C), jnp.int32),
            pltpu.VMEM((C, D), _f32),
            pltpu.VMEM((C, 2 * D), _f32),
            pltpu.SemaphoreType.DMA,
            pltpu.SemaphoreType.DMA,
        ],
    )
    return f(q, kv, dsti, srci)


def _score_body(qd_ref, kvs_ref, b_ref, r_ref, out_ref):
    qd = qd_ref[...]
    kvs = kvs_ref[...]
    k = kvs[:, :D]
    v = kvs[:, D:]
    prod = qd * k
    s = jnp.dot(prod, b_ref[...], preferred_element_type=_f32) * (1.0 / np.sqrt(DH))
    e = jnp.exp(s)
    eexp = jnp.dot(e, r_ref[...], preferred_element_type=_f32)
    wm = v * eexp
    zz = jnp.zeros((EB, DH - 1), _f32)
    for c in range(NC):
        row = jnp.concatenate(
            [wm[:, DH * 2 * c:DH * (2 * c + 1)], e[:, 2 * c:2 * c + 1], zz,
             wm[:, DH * (2 * c + 1):DH * (2 * c + 2)],
             e[:, 2 * c + 1:2 * c + 2], zz], axis=-1)
        out_ref[c] = row


def _score(qd, kvs, Bsel, Rsel):
    grid = (E // EB,)
    return pl.pallas_call(
        _score_body,
        grid=grid,
        in_specs=[pl.BlockSpec((EB, D), lambda i: (i, 0)),
                  pl.BlockSpec((EB, 2 * D), lambda i: (i, 0)),
                  pl.BlockSpec((D, H), lambda i: (0, 0)),
                  pl.BlockSpec((H, D), lambda i: (0, 0))],
        out_specs=pl.BlockSpec((NC, EB, AW), lambda i: (0, i, 0)),
        out_shape=jax.ShapeDtypeStruct((NC, E, AW), _f32),
    )(qd, kvs, Bsel, Rsel)


def _scatter_body(wma_hbm, dsti_hbm, z_hbm, out_hbm,
                  idxc, idxta, idxtb, bufa, bufb, zv, acc, sema, semb):
    c = lax.axis_index("c")
    sid = lax.axis_index("s")
    ebase = sid * EPT
    pltpu.sync_copy(z_hbm, zv)
    for w in range(NWIN):
        base = w * NH

        def zero_step(i, carry):
            pltpu.sync_copy(zv, acc.at[pl.ds(sid * ZPT + i * ZB, ZB)])
            return carry

        lax.fori_loop(0, ZPT // ZB, zero_step, 0)
        plsc.subcore_barrier()

        pltpu.async_copy(wma_hbm.at[c, pl.ds(ebase, CH)], bufa, sema)

        def step(j, carry):
            e0 = ebase + j * C
            pltpu.async_copy(wma_hbm.at[c, pl.ds(e0 + CH, CH)], bufb, semb)
            pltpu.sync_copy(dsti_hbm.at[sid, j], idxc)
            for u in range(CH // 16):
                a = idxc[pl.ds(u * 16, 16)]
                t = a - base
                ok = (t >= 0) & (t < NH)
                idxta[pl.ds(u * 16, 16)] = jnp.where(ok, t, NH)
                a2 = idxc[pl.ds(CH + u * 16, 16)]
                t2 = a2 - base
                ok2 = (t2 >= 0) & (t2 < NH)
                idxtb[pl.ds(u * 16, 16)] = jnp.where(ok2, t2, NH)
            pltpu.make_async_copy(wma_hbm.at[c, pl.ds(e0, CH)], bufa,
                                  sema).wait()
            pltpu.sync_copy(bufa, acc.at[idxta], add=True)
            en = lax.min(e0 + C, EPT * NS - CH)
            pltpu.async_copy(wma_hbm.at[c, pl.ds(en, CH)], bufa, sema)
            pltpu.make_async_copy(wma_hbm.at[c, pl.ds(e0 + CH, CH)], bufb,
                                  semb).wait()
            pltpu.sync_copy(bufb, acc.at[idxtb], add=True)
            return carry

        lax.fori_loop(0, SCHUNKS, step, 0)
        pltpu.make_async_copy(wma_hbm.at[c, pl.ds(0, CH)], bufa, sema).wait()
        plsc.subcore_barrier()
        pltpu.sync_copy(acc.at[pl.ds(sid * DPT, DPT)],
                        out_hbm.at[c, pl.ds(base + sid * DPT, DPT)])
        plsc.subcore_barrier()


def _scatter(wma, dsti, zrows):
    mesh = plsc.VectorSubcoreMesh(core_axis_name="c", subcore_axis_name="s",
                                  num_cores=NC, num_subcores=NS)
    f = pl.kernel(
        _scatter_body,
        out_type=jax.ShapeDtypeStruct((NC, N, AW), _f32),
        mesh=mesh,
        scratch_types=[
            pltpu.VMEM((C,), jnp.int32),
            pltpu.VMEM((CH,), jnp.int32),
            pltpu.VMEM((CH,), jnp.int32),
            pltpu.VMEM((CH, AW), _f32),
            pltpu.VMEM((CH, AW), _f32),
            pltpu.VMEM((ZB, AW), _f32),
            pltpu.VMEM_SHARED((ACC_ROWS, AW), _f32),
            pltpu.SemaphoreType.DMA,
            pltpu.SemaphoreType.DMA,
        ],
    )
    return f(wma, dsti, zrows)


def _post_body(x_ref, msgu_ref, pos_ref, wo_ref, w1a_ref, w1b_ref, b1_ref,
               w2_ref, b2_ref, pool_ref, feat_ref, pos_out_ref):
    x = x_ref[...]
    mu = msgu_ref[...]
    pieces = []
    for c in range(NC):
        bh = mu[c]
        for p in range(2):
            num = bh[:, 64 * p:64 * p + DH]
            den = bh[:, 64 * p + DH:64 * p + DH + 1] + 1e-9
            pieces.append(num / den)
    msg = jnp.concatenate(pieces, axis=-1)
    mo = jnp.dot(msg, wo_ref[...], preferred_element_type=_f32)
    h1 = jnp.dot(x, w1a_ref[...], preferred_element_type=_f32)
    h1 = h1 + jnp.dot(mo, w1b_ref[...], preferred_element_type=_f32)
    h1 = jnp.maximum(h1 + b1_ref[...], 0.0)
    y = x + jnp.dot(h1, w2_ref[...], preferred_element_type=_f32) + b2_ref[...]
    feat_ref[...] = jnp.dot(pool_ref[...], y, preferred_element_type=_f32)
    pp = jnp.dot(pool_ref[...], pos_ref[...], preferred_element_type=_f32)
    nrm = jnp.sqrt(jnp.sum(pp * pp, axis=-1, keepdims=True))
    pos_out_ref[...] = pp / (nrm + 1e-9)


def _post(xT, msgu, pos, Wo, W1a, W1b, b1r, W2, b2r, PoolM):
    grid = (N // NB5,)
    return pl.pallas_call(
        _post_body,
        grid=grid,
        in_specs=[pl.BlockSpec((NB5, D), lambda i: (i, 0)),
                  pl.BlockSpec((NC, NB5, AW), lambda i: (0, i, 0)),
                  pl.BlockSpec((NB5, 3), lambda i: (i, 0)),
                  pl.BlockSpec((D, D), lambda i: (0, 0)),
                  pl.BlockSpec((D, 2 * D), lambda i: (0, 0)),
                  pl.BlockSpec((D, 2 * D), lambda i: (0, 0)),
                  pl.BlockSpec((1, 2 * D), lambda i: (0, 0)),
                  pl.BlockSpec((2 * D, D), lambda i: (0, 0)),
                  pl.BlockSpec((1, D), lambda i: (0, 0)),
                  pl.BlockSpec((PB, NB5), lambda i: (0, 0))],
        out_specs=[pl.BlockSpec((PB, D), lambda i: (i, 0)),
                   pl.BlockSpec((PB, 3), lambda i: (i, 0))],
        out_shape=[jax.ShapeDtypeStruct((N // 4, D), _f32),
                   jax.ShapeDtypeStruct((N // 4, 3), _f32)],
    )(xT, msgu, pos, Wo, W1a, W1b, b1r, W2, b2r, PoolM)


def _consts():
    Bsel = np.zeros((D, H), np.float32)
    for j in range(D):
        Bsel[j, j // DH] = 1.0
    Rsel = Bsel.T.copy()
    PoolM = np.kron(np.eye(PB, dtype=np.float32),
                    np.full((1, 4), 0.25, np.float32))
    return jnp.asarray(Bsel), jnp.asarray(Rsel), jnp.asarray(PoolM)


def _one_image(xT, edges, pos, Wq, Wk, Wv, Wo, W1a, W1b, b1r, W2, b2r,
               Bsel, Rsel, PoolM, zrows):
    src = edges[0]
    dst = edges[1]
    dsti_g = dst.reshape(NW, GCHUNKS, C)
    srci_g = src.reshape(NW, GCHUNKS, C)
    dsti_s = dst.reshape(NS, SCHUNKS, C)
    q, kv = _qkv(xT, Wq, Wk, Wv)
    qd, kvs = _gather(q, kv, dsti_g, srci_g)
    wma = _score(qd, kvs, Bsel, Rsel)
    msgu = _scatter(wma, dsti_s, zrows)
    feat, ppos = _post(xT, msgu, pos, Wo, W1a, W1b, b1r, W2, b2r, PoolM)
    return feat, ppos


def kernel(x0, x1, edges1, edges2, pos0, pos1, Wq, Wk, Wv, Wo, W1, b1, W2, b2):
    x0T = x0[0].T
    x1T = x1[0].T
    W1a = W1[:D]
    W1b = W1[D:]
    b1r = b1.reshape(1, 2 * D)
    b2r = b2.reshape(1, D)
    Bsel, Rsel, PoolM = _consts()
    zrows = jnp.zeros((ZB, AW), _f32)
    f0, p0 = _one_image(x0T, edges1, pos0[0], Wq, Wk, Wv, Wo, W1a, W1b,
                        b1r, W2, b2r, Bsel, Rsel, PoolM, zrows)
    f1, p1 = _one_image(x1T, edges2, pos1[0], Wq, Wk, Wv, Wo, W1a, W1b,
                        b1r, W2, b2r, Bsel, Rsel, PoolM, zrows)
    return (f0[None], f1[None], p0[None], p1[None])

# --- scband reference (transcript-rebuilt; emitter-appended) ---
"""Pipeline reference for scband-healpix-hierarchy-88021059764735 (READ-ONLY COPY).

The authoritative reference and input builder live on the scoring server;
editing this copy changes nothing except your own understanding.
"""

import jax, jax.numpy as jnp
import numpy as np

N = 49152
E = 589824
D = 128
H = 4
DH = D // H


def edge_softmax(scores, dst, n):
    m = jax.ops.segment_max(scores, dst, num_segments=n)
    scores = scores - m[dst]
    e = jnp.exp(scores)
    s = jax.ops.segment_sum(e, dst, num_segments=n)
    return e / (s[dst] + 1e-9)


def attn_layer(x, edges, Wq, Wk, Wv, Wo, W1, b1, W2, b2):
    # x: [N, D]; graph-attentional propagation (SelfAttentionalGNN 'self' layer)
    n = x.shape[0]
    q = (x @ Wq).reshape(n, H, DH)
    k = (x @ Wk).reshape(n, H, DH)
    v = (x @ Wv).reshape(n, H, DH)
    src = edges[0]
    dst = edges[1]
    s = jnp.sum(q[dst] * k[src], axis=-1) / jnp.sqrt(float(DH))  # [E, H]
    a = edge_softmax(s, dst, n)
    msg = jax.ops.segment_sum(a[..., None] * v[src], dst, num_segments=n)
    msg = msg.reshape(n, D) @ Wo
    h = jnp.concatenate([x, msg], axis=-1)
    h = jax.nn.relu(h @ W1 + b1) @ W2 + b2
    return x + h


def healpix_avg_pool(feat, pos):
    # feat: [N, D] children at nside*2 -> parents at nside (4 children per parent)
    pf = feat.reshape(-1, 4, feat.shape[-1]).mean(axis=1)
    pp = pos.reshape(-1, 4, 3).mean(axis=1)
    pp = pp / (jnp.linalg.norm(pp, axis=-1, keepdims=True) + 1e-9)
    return pf, pp


def setup_inputs(seed: int = 0) -> dict:
    key = jax.random.key(seed)
    ks = jax.random.split(key, 16)
    x0 = jax.random.normal(ks[0], (1, D, N), dtype=jnp.float32)
    x1 = jax.random.normal(ks[1], (1, D, N), dtype=jnp.float32)
    edges1 = jax.random.randint(ks[2], (2, E), 0, N, dtype=jnp.int32)
    edges2 = jax.random.randint(ks[3], (2, E), 0, N, dtype=jnp.int32)
    pos0 = jax.random.normal(ks[4], (1, N, 3), dtype=jnp.float32)
    pos0 = pos0 / (jnp.linalg.norm(pos0, axis=-1, keepdims=True) + 1e-9)
    pos1 = jax.random.normal(ks[5], (1, N, 3), dtype=jnp.float32)
    pos1 = pos1 / (jnp.linalg.norm(pos1, axis=-1, keepdims=True) + 1e-9)
    sc = 1.0 / np.sqrt(D)
    Wq = jax.random.normal(ks[6], (D, D), dtype=jnp.float32) * sc
    Wk = jax.random.normal(ks[7], (D, D), dtype=jnp.float32) * sc
    Wv = jax.random.normal(ks[8], (D, D), dtype=jnp.float32) * sc
    Wo = jax.random.normal(ks[9], (D, D), dtype=jnp.float32) * sc
    W1 = jax.random.normal(ks[10], (2 * D, 2 * D), dtype=jnp.float32) * (1.0 / np.sqrt(2 * D))
    b1 = jnp.zeros((2 * D,), dtype=jnp.float32)
    W2 = jax.random.normal(ks[11], (2 * D, D), dtype=jnp.float32) * (1.0 / np.sqrt(2 * D))
    b2 = jnp.zeros((D,), dtype=jnp.float32)
    return {"x0": x0, "x1": x1, "edges1": edges1, "edges2": edges2,
            "pos0": pos0, "pos1": pos1, "Wq": Wq, "Wk": Wk, "Wv": Wv,
            "Wo": Wo, "W1": W1, "b1": b1, "W2": W2, "b2": b2}


def reference(x0, x1, edges1, edges2, pos0, pos1, Wq, Wk, Wv, Wo, W1, b1, W2, b2):
    # Faithful to HealpixHierarchy.forward up to the exit() after the first
    # attention + spherical pooling stage (attn1 weights shared across images,
    # SuperGlue-style).
    x0f = x0[0].T  # [N, D]
    x1f = x1[0].T
    x0a = attn_layer(x0f, edges1, Wq, Wk, Wv, Wo, W1, b1, W2, b2)
    x1a = attn_layer(x1f, edges2, Wq, Wk, Wv, Wo, W1, b1, W2, b2)
    p0_feat, p0_pos = healpix_avg_pool(x0a, pos0[0])
    p1_feat, p1_pos = healpix_avg_pool(x1a, pos1[0])
    return (p0_feat[None], p1_feat[None], p0_pos[None], p1_pos[None])

if __name__ == "__main__":
    import jax
    _d = setup_inputs()
    print(jax.jit(kernel)(*tuple(_d.values())))

</pallas_src>

<mosaic_0001>
#map = affine_map<(d0, d1) -> (0, 0, 0)>
#map1 = affine_map<(d0, d1) -> (0, 0)>
module attributes {stable_mosaic.version = 14 : i64} {
  func.func @_scatter_body(%arg0: i32, %arg1: i32, %arg2: memref<2x589824x128xf32, #tpu.memory_space<hbm>>, %arg3: memref<16x288x128xi32, #tpu.memory_space<hbm>>, %arg4: memref<16x128xf32, #tpu.memory_space<hbm>>, %arg5: memref<2x49152x128xf32, #tpu.memory_space<hbm>>, %arg6: memref<128xi32, #tpu.memory_space<vmem>>, %arg7: memref<64xi32, #tpu.memory_space<vmem>>, %arg8: memref<64xi32, #tpu.memory_space<vmem>>, %arg9: memref<64x128xf32, #tpu.memory_space<vmem>>, %arg10: memref<64x128xf32, #tpu.memory_space<vmem>>, %arg11: memref<16x128xf32, #tpu.memory_space<vmem>>, %arg12: memref<13312x128xf32, #tpu.memory_space<vmem_shared>>, %arg13: memref<!tpu.dma_semaphore, #tpu.memory_space<semaphore_mem>>, %arg14: memref<!tpu.dma_semaphore, #tpu.memory_space<semaphore_mem>>) attributes {dimension_semantics = [#tpu.dimension_semantics<core_parallel>, #tpu.dimension_semantics<subcore_parallel>], iteration_bounds = array<i64: 2, 16>, scalar_prefetch = 0 : i64, scratch_operands = 9 : i64, tpu.core_type = #tpu.core_type<sc_vector_subcore>, window_params = [{transform_indices = #map}, {transform_indices = #map}, {transform_indices = #map1}, {transform_indices = #map}]} {
    %mul3A = arith.constant 36864 : i32
    %mul3A_0 = arith.muli %arg1, %mul3A : i32
    "tpu.region"() ({
      %run_scoped3A = tpu.sem_alloc : memref<!tpu.dma_semaphore, #tpu.memory_space<semaphore_mem>>
      tpu.enqueue_dma source(%arg4 : memref<16x128xf32, #tpu.memory_space<hbm>>) target(%arg11 : memref<16x128xf32, #tpu.memory_space<vmem>>) target_semaphore(%run_scoped3A : memref<!tpu.dma_semaphore, #tpu.memory_space<semaphore_mem>>)
      tpu.wait_dma2 semaphore(%run_scoped3A : memref<!tpu.dma_semaphore, #tpu.memory_space<semaphore_mem>>) src(%arg4 : memref<16x128xf32, #tpu.memory_space<hbm>>) dst(%arg11 : memref<16x128xf32, #tpu.memory_space<vmem>>)
      tpu.yield
    }) : () -> ()
    %scan3A = arith.constant 0 : i32
    %scan3A_1 = arith.constant 0 : i32
    %scan3A_2 = arith.constant 52 : i32
    %scan3A_3 = arith.addi %scan3A_1, %scan3A_2 : i32
    %scan3A_4 = arith.constant 1 : i32
    scf.for %scan3A_136 = %scan3A_1 to %scan3A_3 step %scan3A_4  : i32 {
      %mul3A_137 = arith.constant 832 : i32
      %mul3A_138 = arith.muli %arg1, %mul3A_137 : i32
      %mul3A_139 = arith.constant 16 : i32
      %mul3A_140 = arith.muli %scan3A_136, %mul3A_139 : i32
      %add3A_141 = arith.addi %mul3A_138, %mul3A_140 : i32
      "tpu.region"() ({
        %run_scoped3A = tpu.sem_alloc : memref<!tpu.dma_semaphore, #tpu.memory_space<semaphore_mem>>
        %dma_start3A_142 = arith.constant 0 : i32
        %dma_start3A_143 = tpu.memref_slice %arg12[%add3A_141, %dma_start3A_142] : memref<13312x128xf32, #tpu.memory_space<vmem_shared>> -> memref<16x128xf32, #tpu.memory_space<vmem_shared>>
        %dma_start3A_144 = arith.constant 0 : i32
        %dma_start3A_145 = tpu.memref_slice %arg12[%add3A_141, %dma_start3A_144] : memref<13312x128xf32, #tpu.memory_space<vmem_shared>> -> memref<16x128xf32, #tpu.memory_space<vmem_shared>>
        tpu.enqueue_dma source(%arg11 : memref<16x128xf32, #tpu.memory_space<vmem>>) target(%dma_start3A_145 : memref<16x128xf32, #tpu.memory_space<vmem_shared>>) target_semaphore(%run_scoped3A : memref<!tpu.dma_semaphore, #tpu.memory_space<semaphore_mem>>)
        %dma_wait3A_146 = arith.constant 0 : i32
        %dma_wait3A_147 = tpu.memref_slice %arg12[%add3A_141, %dma_wait3A_146] : memref<13312x128xf32, #tpu.memory_space<vmem_shared>> -> memref<16x128xf32, #tpu.memory_space<vmem_shared>>
        %dma_wait3A_148 = arith.constant 0 : i32
        %dma_wait3A_149 = tpu.memref_slice %arg12[%add3A_141, %dma_wait3A_148] : memref<13312x128xf32, #tpu.memory_space<vmem_shared>> -> memref<16x128xf32, #tpu.memory_space<vmem_shared>>
        tpu.wait_dma2 semaphore(%run_scoped3A : memref<!tpu.dma_semaphore, #tpu.memory_space<semaphore_mem>>) src(%arg11 : memref<16x128xf32, #tpu.memory_space<vmem>>) dst(%dma_wait3A_149 : memref<16x128xf32, #tpu.memory_space<vmem_shared>>)
        tpu.yield
      }) : () -> ()
    }
    %scan3A_5 = arith.constant 52 : i32
    %barrier3A = arith.constant 0 : index
    tpu.barrier barrier_id(%barrier3A)
    %dma_start3A = arith.constant 0 : i32
    %dma_start3A_6 = tpu.memref_slice %arg2[%arg0, %mul3A_0, %dma_start3A] : memref<2x589824x128xf32, #tpu.memory_space<hbm>> -> memref<1x64x128xf32, #tpu.memory_space<hbm>>
    %dma_start3A_7 = tpu.memref_squeeze %dma_start3A_6 : memref<1x64x128xf32, #tpu.memory_space<hbm>> -> memref<64x128xf32, #tpu.memory_space<hbm>>
    %dma_start3A_8 = arith.constant 0 : i32
    %dma_start3A_9 = tpu.memref_slice %arg2[%arg0, %mul3A_0, %dma_start3A_8] : memref<2x589824x128xf32, #tpu.memory_space<hbm>> -> memref<1x64x128xf32, #tpu.memory_space<hbm>>
    %dma_start3A_10 = tpu.memref_squeeze %dma_start3A_9 : memref<1x64x128xf32, #tpu.memory_space<hbm>> -> memref<64x128xf32, #tpu.memory_space<hbm>>
    tpu.enqueue_dma source(%dma_start3A_10 : memref<64x128xf32, #tpu.memory_space<hbm>>) target(%arg9 : memref<64x128xf32, #tpu.memory_space<vmem>>) target_semaphore(%arg13 : memref<!tpu.dma_semaphore, #tpu.memory_space<semaphore_mem>>)
    %scan3A_11 = arith.constant 0 : i32
    %scan3A_12 = arith.constant 0 : i32
    %scan3A_13 = arith.constant 288 : i32
    %scan3A_14 = arith.addi %scan3A_12, %scan3A_13 : i32
    %scan3A_15 = arith.constant 1 : i32
    scf.for %scan3A_136 = %scan3A_12 to %scan3A_14 step %scan3A_15  : i32 {
      %mul3A_137 = arith.constant 128 : i32
      %mul3A_138 = arith.muli %scan3A_136, %mul3A_137 : i32
      %add3A_139 = arith.addi %mul3A_0, %mul3A_138 : i32
      %add3A_140 = arith.constant 64 : i32
      %add3A_141 = arith.addi %add3A_139, %add3A_140 : i32
      %dma_start3A_142 = arith.constant 0 : i32
      %dma_start3A_143 = tpu.memref_slice %arg2[%arg0, %add3A_141, %dma_start3A_142] : memref<2x589824x128xf32, #tpu.memory_space<hbm>> -> memref<1x64x128xf32, #tpu.memory_space<hbm>>
      %dma_start3A_144 = tpu.memref_squeeze %dma_start3A_143 : memref<1x64x128xf32, #tpu.memory_space<hbm>> -> memref<64x128xf32, #tpu.memory_space<hbm>>
      %dma_start3A_145 = arith.constant 0 : i32
      %dma_start3A_146 = tpu.memref_slice %arg2[%arg0, %add3A_141, %dma_start3A_145] : memref<2x589824x128xf32, #tpu.memory_space<hbm>> -> memref<1x64x128xf32, #tpu.memory_space<hbm>>
      %dma_start3A_147 = tpu.memref_squeeze %dma_start3A_146 : memref<1x64x128xf32, #tpu.memory_space<hbm>> -> memref<64x128xf32, #tpu.memory_space<hbm>>
      tpu.enqueue_dma source(%dma_start3A_147 : memref<64x128xf32, #tpu.memory_space<hbm>>) target(%arg10 : memref<64x128xf32, #tpu.memory_space<vmem>>) target_semaphore(%arg14 : memref<!tpu.dma_semaphore, #tpu.memory_space<semaphore_mem>>)
      "tpu.region"() ({
        %run_scoped3A = tpu.sem_alloc : memref<!tpu.dma_semaphore, #tpu.memory_space<semaphore_mem>>
        %dma_start3A_322 = arith.constant 0 : i32
        %dma_start3A_323 = tpu.memref_slice %arg3[%arg1, %scan3A_136, %dma_start3A_322] : memref<16x288x128xi32, #tpu.memory_space<hbm>> -> memref<1x1x128xi32, #tpu.memory_space<hbm>>
        %dma_start3A_324 = tpu.memref_squeeze %dma_start3A_323 : memref<1x1x128xi32, #tpu.memory_space<hbm>> -> memref<128xi32, #tpu.memory_space<hbm>>
        %dma_start3A_325 = arith.constant 0 : i32
        %dma_start3A_326 = tpu.memref_slice %arg3[%arg1, %scan3A_136, %dma_start3A_325] : memref<16x288x128xi32, #tpu.memory_space<hbm>> -> memref<1x1x128xi32, #tpu.memory_space<hbm>>
        %dma_start3A_327 = tpu.memref_squeeze %dma_start3A_326 : memref<1x1x128xi32, #tpu.memory_space<hbm>> -> memref<128xi32, #tpu.memory_space<hbm>>
        tpu.enqueue_dma source(%dma_start3A_327 : memref<128xi32, #tpu.memory_space<hbm>>) target(%arg6 : memref<128xi32, #tpu.memory_space<vmem>>) target_semaphore(%run_scoped3A : memref<!tpu.dma_semaphore, #tpu.memory_space<semaphore_mem>>)
        %dma_wait3A_328 = arith.constant 0 : i32
        %dma_wait3A_329 = tpu.memref_slice %arg3[%arg1, %scan3A_136, %dma_wait3A_328] : memref<16x288x128xi32, #tpu.memory_space<hbm>> -> memref<1x1x128xi32, #tpu.memory_space<hbm>>
        %dma_wait3A_330 = tpu.memref_squeeze %dma_wait3A_329 : memref<1x1x128xi32, #tpu.memory_space<hbm>> -> memref<128xi32, #tpu.memory_space<hbm>>
        %dma_wait3A_331 = arith.constant 0 : i32
        %dma_wait3A_332 = tpu.memref_slice %arg3[%arg1, %scan3A_136, %dma_wait3A_331] : memref<16x288x128xi32, #tpu.memory_space<hbm>> -> memref<1x1x128xi32, #tpu.memory_space<hbm>>
        %dma_wait3A_333 = tpu.memref_squeeze %dma_wait3A_332 : memref<1x1x128xi32, #tpu.memory_space<hbm>> -> memref<128xi32, #tpu.memory_space<hbm>>
        tpu.wait_dma2 semaphore(%run_scoped3A : memref<!tpu.dma_semaphore, #tpu.memory_space<semaphore_mem>>) src(%dma_wait3A_333 : memref<128xi32, #tpu.memory_space<hbm>>) dst(%arg6 : memref<128xi32, #tpu.memory_space<vmem>>)
        tpu.yield
      }) : () -> ()
      %get3A = arith.constant 0 : index
      %get3A_148 = tpu.vector_load %arg6[%get3A] {strides = array<i32>} : memref<128xi32, #tpu.memory_space<vmem>>, vector<16xi32>,
      %get3A_149 = vector.shape_cast %get3A_148 : vector<16xi32> to vector<16xi32>
      %sub3A = arith.constant 0 : i32
      %sub3A_150 = vector.broadcast %sub3A : i32 to vector<16xi32>
      %sub3A_151 = arith.subi %get3A_149, %sub3A_150 : vector<16xi32>
      %ge3A = arith.constant 0 : i32
      %ge3A_152 = vector.broadcast %ge3A : i32 to vector<16xi32>
      %ge3A_153 = arith.cmpi sge, %sub3A_151, %ge3A_152 : vector<16xi32>
      %lt3A = arith.constant 12288 : i32
      %lt3A_154 = vector.broadcast %lt3A : i32 to vector<16xi32>
      %lt3A_155 = arith.cmpi slt, %sub3A_151, %lt3A_154 : vector<16xi32>
      %and3A = arith.andi %ge3A_153, %lt3A_155 : vector<16xi1>
      %jit3A = arith.constant 12288 : i32
      %broadcast_in_dim3A = vector.broadcast %jit3A : i32 to vector<16xi32>
      %select_n3A = arith.select %and3A, %sub3A_151, %broadcast_in_dim3A : vector<16xi1>, vector<16xi32>
      %swap3A = arith.constant 0 : index
      %swap3A_156 = tpu.vector_load %arg7[%swap3A] {strides = array<i32>} : memref<64xi32, #tpu.memory_space<vmem>>, vector<16xi32>,
      %swap3A_157 = vector.shape_cast %swap3A_156 : vector<16xi32> to vector<16xi32>
      %swap3A_158 = vector.shape_cast %select_n3A : vector<16xi32> to vector<16xi32>
      tpu.vector_store %arg7[%swap3A], %swap3A_158 {strides = array<i32>} : memref<64xi32, #tpu.memory_space<vmem>>, vector<16xi32>,
      %get3A_159 = arith.constant 64 : index
      %get3A_160 = tpu.vector_load %arg6[%get3A_159] {strides = array<i32>} : memref<128xi32, #tpu.memory_space<vmem>>, vector<16xi32>,
      %get3A_161 = vector.shape_cast %get3A_160 : vector<16xi32> to vector<16xi32>
      %sub3A_162 = arith.constant 0 : i32
      %sub3A_163 = vector.broadcast %sub3A_162 : i32 to vector<16xi32>
      %sub3A_164 = arith.subi %get3A_161, %sub3A_163 : vector<16xi32>
      %ge3A_165 = arith.constant 0 : i32
      %ge3A_166 = vector.broadcast %ge3A_165 : i32 to vector<16xi32>
      %ge3A_167 = arith.cmpi sge, %sub3A_164, %ge3A_166 : vector<16xi32>
      %lt3A_168 = arith.constant 12288 : i32
      %lt3A_169 = vector.broadcast %lt3A_168 : i32 to vector<16xi32>
      %lt3A_170 = arith.cmpi slt, %sub3A_164, %lt3A_169 : vector<16xi32>
      %and3A_171 = arith.andi %ge3A_167, %lt3A_170 : vector<16xi1>
      %jit3A_172 = arith.constant 12288 : i32
      %broadcast_in_dim3A_173 = vector.broadcast %jit3A_172 : i32 to vector<16xi32>
      %select_n3A_174 = arith.select %and3A_171, %sub3A_164, %broadcast_in_dim3A_173 : vector<16xi1>, vector<16xi32>
      %swap3A_175 = arith.constant 0 : index
      %swap3A_176 = tpu.vector_load %arg8[%swap3A_175] {strides = array<i32>} : memref<64xi32, #tpu.memory_space<vmem>>, vector<16xi32>,
      %swap3A_177 = vector.shape_cast %swap3A_176 : vector<16xi32> to vector<16xi32>
      %swap3A_178 = vector.shape_cast %select_n3A_174 : vector<16xi32> to vector<16xi32>
      tpu.vector_store %arg8[%swap3A_175], %swap3A_178 {strides = array<i32>} : memref<64xi32, #tpu.memory_space<vmem>>, vector<16xi32>,
      %get3A_179 = arith.constant 16 : index
      %get3A_180 = tpu.vector_load %arg6[%get3A_179] {strides = array<i32>} : memref<128xi32, #tpu.memory_space<vmem>>, vector<16xi32>,
      %get3A_181 = vector.shape_cast %get3A_180 : vector<16xi32> to vector<16xi32>
      %sub3A_182 = arith.constant 0 : i32
      %sub3A_183 = vector.broadcast %sub3A_182 : i32 to vector<16xi32>
      %sub3A_184 = arith.subi %get3A_181, %sub3A_183 : vector<16xi32>
      %ge3A_185 = arith.constant 0 : i32
      %ge3A_186 = vector.broadcast %ge3A_185 : i32 to vector<16xi32>
      %ge3A_187 = arith.cmpi sge, %sub3A_184, %ge3A_186 : vector<16xi32>
      %lt3A_188 = arith.constant 12288 : i32
      %lt3A_189 = vector.broadcast %lt3A_188 : i32 to vector<16xi32>
      %lt3A_190 = arith.cmpi slt, %sub3A_184, %lt3A_189 : vector<16xi32>
      %and3A_191 = arith.andi %ge3A_187, %lt3A_190 : vector<16xi1>
      %jit3A_192 = arith.constant 12288 : i32
      %broadcast_in_dim3A_193 = vector.broadcast %jit3A_192 : i32 to vector<16xi32>
      %select_n3A_194 = arith.select %and3A_191, %sub3A_184, %broadcast_in_dim3A_193 : vector<16xi1>, vector<16xi32>
      %swap3A_195 = arith.constant 16 : index
      %swap3A_196 = tpu.vector_load %arg7[%swap3A_195] {strides = array<i32>} : memref<64xi32, #tpu.memory_space<vmem>>, vector<16xi32>,
      %swap3A_197 = vector.shape_cast %swap3A_196 : vector<16xi32> to vector<16xi32>
      %swap3A_198 = vector.shape_cast %select_n3A_194 : vector<16xi32> to vector<16xi32>
      tpu.vector_store %arg7[%swap3A_195], %swap3A_198 {strides = array<i32>} : memref<64xi32, #tpu.memory_space<vmem>>, vector<16xi32>,
      %get3A_199 = arith.constant 80 : index
      %get3A_200 = tpu.vector_load %arg6[%get3A_199] {strides = array<i32>} : memref<128xi32, #tpu.memory_space<vmem>>, vector<16xi32>,
      %get3A_201 = vector.shape_cast %get3A_200 : vector<16xi32> to vector<16xi32>
      %sub3A_202 = arith.constant 0 : i32
      %sub3A_203 = vector.broadcast %sub3A_202 : i32 to vector<16xi32>
      %sub3A_204 = arith.subi %get3A_201, %sub3A_203 : vector<16xi32>
      %ge3A_205 = arith.constant 0 : i32
      %ge3A_206 = vector.broadcast %ge3A_205 : i32 to vector<16xi32>
      %ge3A_207 = arith.cmpi sge, %sub3A_204, %ge3A_206 : vector<16xi32>
      %lt3A_208 = arith.constant 12288 : i32
      %lt3A_209 = vector.broadcast %lt3A_208 : i32 to vector<16xi32>
      %lt3A_210 = arith.cmpi slt, %sub3A_204, %lt3A_209 : vector<16xi32>
      %and3A_211 = arith.andi %ge3A_207, %lt3A_210 : vector<16xi1>
      %jit3A_212 = arith.constant 12288 : i32
      %broadcast_in_dim3A_213 = vector.broadcast %jit3A_212 : i32 to vector<16xi32>
      %select_n3A_214 = arith.select %and3A_211, %sub3A_204, %broadcast_in_dim3A_213 : vector<16xi1>, vector<16xi32>
      %swap3A_215 = arith.constant 16 : index
      %swap3A_216 = tpu.vector_load %arg8[%swap3A_215] {strides = array<i32>} : memref<64xi32, #tpu.memory_space<vmem>>, vector<16xi32>,
      %swap3A_217 = vector.shape_cast %swap3A_216 : vector<16xi32> to vector<16xi32>
      %swap3A_218 = vector.shape_cast %select_n3A_214 : vector<16xi32> to vector<16xi32>
      tpu.vector_store %arg8[%swap3A_215], %swap3A_218 {strides = array<i32>} : memref<64xi32, #tpu.memory_space<vmem>>, vector<16xi32>,
      %get3A_219 = arith.constant 32 : index
      %get3A_220 = tpu.vector_load %arg6[%get3A_219] {strides = array<i32>} : memref<128xi32, #tpu.memory_space<vmem>>, vector<16xi32>,
      %get3A_221 = vector.shape_cast %get3A_220 : vector<16xi32> to vector<16xi32>
      %sub3A_222 = arith.constant 0 : i32
      %sub3A_223 = vector.broadcast %sub3A_222 : i32 to vector<16xi32>
      %sub3A_224 = arith.subi %get3A_221, %sub3A_223 : vector<16xi32>
      %ge3A_225 = arith.constant 0 : i32
      %ge3A_226 = vector.broadcast %ge3A_225 : i32 to vector<16xi32>
      %ge3A_227 = arith.cmpi sge, %sub3A_224, %ge3A_226 : vector<16xi32>
      %lt3A_228 = arith.constant 12288 : i32
      %lt3A_229 = vector.broadcast %lt3A_228 : i32 to vector<16xi32>
      %lt3A_230 = arith.cmpi slt, %sub3A_224, %lt3A_229 : vector<16xi32>
      %and3A_231 = arith.andi %ge3A_227, %lt3A_230 : vector<16xi1>
      %jit3A_232 = arith.constant 12288 : i32
      %broadcast_in_dim3A_233 = vector.broadcast %jit3A_232 : i32 to vector<16xi32>
      %select_n3A_234 = arith.select %and3A_231, %sub3A_224, %broadcast_in_dim3A_233 : vector<16xi1>, vector<16xi32>
      %swap3A_235 = arith.constant 32 : index
      %swap3A_236 = tpu.vector_load %arg7[%swap3A_235] {strides = array<i32>} : memref<64xi32, #tpu.memory_space<vmem>>, vector<16xi32>,
      %swap3A_237 = vector.shape_cast %swap3A_236 : vector<16xi32> to vector<16xi32>
      %swap3A_238 = vector.shape_cast %select_n3A_234 : vector<16xi32> to vector<16xi32>
      tpu.vector_store %arg7[%swap3A_235], %swap3A_238 {strides = array<i32>} : memref<64xi32, #tpu.memory_space<vmem>>, vector<16xi32>,
      %get3A_239 = arith.constant 96 : index
      %get3A_240 = tpu.vector_load %arg6[%get3A_239] {strides = array<i32>} : memref<128xi32, #tpu.memory_space<vmem>>, vector<16xi32>,
      %get3A_241 = vector.shape_cast %get3A_240 : vector<16xi32> to vector<16xi32>
      %sub3A_242 = arith.constant 0 : i32
      %sub3A_243 = vector.broadcast %sub3A_242 : i32 to vector<16xi32>
      %sub3A_244 = arith.subi %get3A_241, %sub3A_243 : vector<16xi32>
      %ge3A_245 = arith.constant 0 : i32
      %ge3A_246 = vector.broadcast %ge3A_245 : i32 to vector<16xi32>
      %ge3A_247 = arith.cmpi sge, %sub3A_244, %ge3A_246 : vector<16xi32>
      %lt3A_248 = arith.constant 12288 : i32
      %lt3A_249 = vector.broadcast %lt3A_248 : i32 to vector<16xi32>
      %lt3A_250 = arith.cmpi slt, %sub3A_244, %lt3A_249 : vector<16xi32>
      %and3A_251 = arith.andi %ge3A_247, %lt3A_250 : vector<16xi1>
      %jit3A_252 = arith.constant 12288 : i32
      %broadcast_in_dim3A_253 = vector.broadcast %jit3A_252 : i32 to vector<16xi32>
      %select_n3A_254 = arith.select %and3A_251, %sub3A_244, %broadcast_in_dim3A_253 : vector<16xi1>, vector<16xi32>
      %swap3A_255 = arith.constant 32 : index
      %swap3A_256 = tpu.vector_load %arg8[%swap3A_255] {strides = array<i32>} : memref<64xi32, #tpu.memory_space<vmem>>, vector<16xi32>,
      %swap3A_257 = vector.shape_cast %swap3A_256 : vector<16xi32> to vector<16xi32>
      %swap3A_258 = vector.shape_cast %select_n3A_254 : vector<16xi32> to vector<16xi32>
      tpu.vector_store %arg8[%swap3A_255], %swap3A_258 {strides = array<i32>} : memref<64xi32, #tpu.memory_space<vmem>>, vector<16xi32>,
      %get3A_259 = arith.constant 48 : index
      %get3A_260 = tpu.vector_load %arg6[%get3A_259] {strides = array<i32>} : memref<128xi32, #tpu.memory_space<vmem>>, vector<16xi32>,
      %get3A_261 = vector.shape_cast %get3A_260 : vector<16xi32> to vector<16xi32>
      %sub3A_262 = arith.constant 0 : i32
      %sub3A_263 = vector.broadcast %sub3A_262 : i32 to vector<16xi32>
      %sub3A_264 = arith.subi %get3A_261, %sub3A_263 : vector<16xi32>
      %ge3A_265 = arith.constant 0 : i32
      %ge3A_266 = vector.broadcast %ge3A_265 : i32 to vector<16xi32>
      %ge3A_267 = arith.cmpi sge, %sub3A_264, %ge3A_266 : vector<16xi32>
      %lt3A_268 = arith.constant 12288 : i32
      %lt3A_269 = vector.broadcast %lt3A_268 : i32 to vector<16xi32>
      %lt3A_270 = arith.cmpi slt, %sub3A_264, %lt3A_269 : vector<16xi32>
      %and3A_271 = arith.andi %ge3A_267, %lt3A_270 : vector<16xi1>
      %jit3A_272 = arith.constant 12288 : i32
      %broadcast_in_dim3A_273 = vector.broadcast %jit3A_272 : i32 to vector<16xi32>
      %select_n3A_274 = arith.select %and3A_271, %sub3A_264, %broadcast_in_dim3A_273 : vector<16xi1>, vector<16xi32>
      %swap3A_275 = arith.constant 48 : index
      %swap3A_276 = tpu.vector_load %arg7[%swap3A_275] {strides = array<i32>} : memref<64xi32, #tpu.memory_space<vmem>>, vector<16xi32>,
      %swap3A_277 = vector.shape_cast %swap3A_276 : vector<16xi32> to vector<16xi32>
      %swap3A_278 = vector.shape_cast %select_n3A_274 : vector<16xi32> to vector<16xi32>
      tpu.vector_store %arg7[%swap3A_275], %swap3A_278 {strides = array<i32>} : memref<64xi32, #tpu.memory_space<vmem>>, vector<16xi32>,
      %get3A_279 = arith.constant 112 : index
      %get3A_280 = tpu.vector_load %arg6[%get3A_279] {strides = array<i32>} : memref<128xi32, #tpu.memory_space<vmem>>, vector<16xi32>,
      %get3A_281 = vector.shape_cast %get3A_280 : vector<16xi32> to vector<16xi32>
      %sub3A_282 = arith.constant 0 : i32
      %sub3A_283 = vector.broadcast %sub3A_282 : i32 to vector<16xi32>
      %sub3A_284 = arith.subi %get3A_281, %sub3A_283 : vector<16xi32>
      %ge3A_285 = arith.constant 0 : i32
      %ge3A_286 = vector.broadcast %ge3A_285 : i32 to vector<16xi32>
      %ge3A_287 = arith.cmpi sge, %sub3A_284, %ge3A_286 : vector<16xi32>
      %lt3A_288 = arith.constant 12288 : i32
      %lt3A_289 = vector.broadcast %lt3A_288 : i32 to vector<16xi32>
      %lt3A_290 = arith.cmpi slt, %sub3A_284, %lt3A_289 : vector<16xi32>
      %and3A_291 = arith.andi %ge3A_287, %lt3A_290 : vector<16xi1>
      %jit3A_292 = arith.constant 12288 : i32
      %broadcast_in_dim3A_293 = vector.broadcast %jit3A_292 : i32 to vector<16xi32>
      %select_n3A_294 = arith.select %and3A_291, %sub3A_284, %broadcast_in_dim3A_293 : vector<16xi1>, vector<16xi32>
      %swap3A_295 = arith.constant 48 : index
      %swap3A_296 = tpu.vector_load %arg8[%swap3A_295] {strides = array<i32>} : memref<64xi32, #tpu.memory_space<vmem>>, vector<16xi32>,
      %swap3A_297 = vector.shape_cast %swap3A_296 : vector<16xi32> to vector<16xi32>
      %swap3A_298 = vector.shape_cast %select_n3A_294 : vector<16xi32> to vector<16xi32>
      tpu.vector_store %arg8[%swap3A_295], %swap3A_298 {strides = array<i32>} : memref<64xi32, #tpu.memory_space<vmem>>, vector<16xi32>,
      %dma_wait3A_299 = arith.constant 0 : i32
      %dma_wait3A_300 = tpu.memref_slice %arg2[%arg0, %add3A_139, %dma_wait3A_299] : memref<2x589824x128xf32, #tpu.memory_space<hbm>> -> memref<1x64x128xf32, #tpu.memory_space<hbm>>
      %dma_wait3A_301 = tpu.memref_squeeze %dma_wait3A_300 : memref<1x64x128xf32, #tpu.memory_space<hbm>> -> memref<64x128xf32, #tpu.memory_space<hbm>>
      %dma_wait3A_302 = arith.constant 0 : i32
      %dma_wait3A_303 = tpu.memref_slice %arg2[%arg0, %add3A_139, %dma_wait3A_302] : memref<2x589824x128xf32, #tpu.memory_space<hbm>> -> memref<1x64x128xf32, #tpu.memory_space<hbm>>
      %dma_wait3A_304 = tpu.memref_squeeze %dma_wait3A_303 : memref<1x64x128xf32, #tpu.memory_space<hbm>> -> memref<64x128xf32, #tpu.memory_space<hbm>>
      tpu.wait_dma2 semaphore(%arg13 : memref<!tpu.dma_semaphore, #tpu.memory_space<semaphore_mem>>) src(%dma_wait3A_304 : memref<64x128xf32, #tpu.memory_space<hbm>>) dst(%arg9 : memref<64x128xf32, #tpu.memory_space<vmem>>)
      "tpu.region"() ({
        %run_scoped3A = tpu.sem_alloc : memref<!tpu.dma_semaphore, #tpu.memory_space<semaphore_mem>>
        %dma_start3A_322 = arith.constant 0 : i32
        %dma_start3A_323 = arith.constant 0 : i32
        %dma_start3A_324 = tpu.memref_slice %arg12[%dma_start3A_322, %dma_start3A_323] : memref<13312x128xf32, #tpu.memory_space<vmem_shared>> -> memref<13312x128xf32, #tpu.memory_space<vmem_shared>>
        tpu.enqueue_indirect_dma source(%arg9 : memref<64x128xf32, #tpu.memory_space<vmem>>) target(%dma_start3A_324 : memref<13312x128xf32, #tpu.memory_space<vmem_shared>>) offsets(%arg7 : memref<64xi32, #tpu.memory_space<vmem>>) semaphore(%run_scoped3A : memref<!tpu.dma_semaphore, #tpu.memory_space<semaphore_mem>>) {add = true}
        %dma_wait3A_325 = arith.constant 0 : i32
        %dma_wait3A_326 = arith.constant 0 : i32
        %dma_wait3A_327 = tpu.memref_slice %arg12[%dma_wait3A_325, %dma_wait3A_326] : memref<13312x128xf32, #tpu.memory_space<vmem_shared>> -> memref<13312x128xf32, #tpu.memory_space<vmem_shared>>
        tpu.wait_indirect_dma semaphore(%run_scoped3A : memref<!tpu.dma_semaphore, #tpu.memory_space<semaphore_mem>>) src(%arg9 : memref<64x128xf32, #tpu.memory_space<vmem>>) dst(%dma_wait3A_327 : memref<13312x128xf32, #tpu.memory_space<vmem_shared>>)
        tpu.yield
      }) : () -> ()
      %add3A_305 = arith.constant 128 : i32
      %add3A_306 = arith.addi %add3A_139, %add3A_305 : i32
      %min3A = arith.constant 589760 : i32
      %min3A_307 = arith.minsi %add3A_306, %min3A : i32
      %dma_start3A_308 = arith.constant 0 : i32
      %dma_start3A_309 = tpu.memref_slice %arg2[%arg0, %min3A_307, %dma_start3A_308] : memref<2x589824x128xf32, #tpu.memory_space<hbm>> -> memref<1x64x128xf32, #tpu.memory_space<hbm>>
      %dma_start3A_310 = tpu.memref_squeeze %dma_start3A_309 : memref<1x64x128xf32, #tpu.memory_space<hbm>> -> memref<64x128xf32, #tpu.memory_space<hbm>>
      %dma_start3A_311 = arith.constant 0 : i32
      %dma_start3A_312 = tpu.memref_slice %arg2[%arg0, %min3A_307, %dma_start3A_311] : memref<2x589824x128xf32, #tpu.memory_space<hbm>> -> memref<1x64x128xf32, #tpu.memory_space<hbm>>
      %dma_start3A_313 = tpu.memref_squeeze %dma_start3A_312 : memref<1x64x128xf32, #tpu.memory_space<hbm>> -> memref<64x128xf32, #tpu.memory_space<hbm>>
      tpu.enqueue_dma source(%dma_start3A_313 : memref<64x128xf32, #tpu.memory_space<hbm>>) target(%arg9 : memref<64x128xf32, #tpu.memory_space<vmem>>) target_semaphore(%arg13 : memref<!tpu.dma_semaphore, #tpu.memory_space<semaphore_mem>>)
      %add3A_314 = arith.constant 64 : i32
      %add3A_315 = arith.addi %add3A_139, %add3A_314 : i32
      %dma_wait3A_316 = arith.constant 0 : i32
      %dma_wait3A_317 = tpu.memref_slice %arg2[%arg0, %add3A_315, %dma_wait3A_316] : memref<2x589824x128xf32, #tpu.memory_space<hbm>> -> memref<1x64x128xf32, #tpu.memory_space<hbm>>
      %dma_wait3A_318 = tpu.memref_squeeze %dma_wait3A_317 : memref<1x64x128xf32, #tpu.memory_space<hbm>> -> memref<64x128xf32, #tpu.memory_space<hbm>>
      %dma_wait3A_319 = arith.constant 0 : i32
      %dma_wait3A_320 = tpu.memref_slice %arg2[%arg0, %add3A_315, %dma_wait3A_319] : memref<2x589824x128xf32, #tpu.memory_space<hbm>> -> memref<1x64x128xf32, #tpu.memory_space<hbm>>
      %dma_wait3A_321 = tpu.memref_squeeze %dma_wait3A_320 : memref<1x64x128xf32, #tpu.memory_space<hbm>> -> memref<64x128xf32, #tpu.memory_space<hbm>>
      tpu.wait_dma2 semaphore(%arg14 : memref<!tpu.dma_semaphore, #tpu.memory_space<semaphore_mem>>) src(%dma_wait3A_321 : memref<64x128xf32, #tpu.memory_space<hbm>>) dst(%arg10 : memref<64x128xf32, #tpu.memory_space<vmem>>)
      "tpu.region"() ({
        %run_scoped3A = tpu.sem_alloc : memref<!tpu.dma_semaphore, #tpu.memory_space<semaphore_mem>>
        %dma_start3A_322 = arith.constant 0 : i32
        %dma_start3A_323 = arith.constant 0 : i32
        %dma_start3A_324 = tpu.memref_slice %arg12[%dma_start3A_322, %dma_start3A_323] : memref<13312x128xf32, #tpu.memory_space<vmem_shared>> -> memref<13312x128xf32, #tpu.memory_space<vmem_shared>>
        tpu.enqueue_indirect_dma source(%arg10 : memref<64x128xf32, #tpu.memory_space<vmem>>) target(%dma_start3A_324 : memref<13312x128xf32, #tpu.memory_space<vmem_shared>>) offsets(%arg8 : memref<64xi32, #tpu.memory_space<vmem>>) semaphore(%run_scoped3A : memref<!tpu.dma_semaphore, #tpu.memory_space<semaphore_mem>>) {add = true}
        %dma_wait3A_325 = arith.constant 0 : i32
        %dma_wait3A_326 = arith.constant 0 : i32
        %dma_wait3A_327 = tpu.memref_slice %arg12[%dma_wait3A_325, %dma_wait3A_326] : memref<13312x128xf32, #tpu.memory_space<vmem_shared>> -> memref<13312x128xf32, #tpu.memory_space<vmem_shared>>
        tpu.wait_indirect_dma semaphore(%run_scoped3A : memref<!tpu.dma_semaphore, #tpu.memory_space<semaphore_mem>>) src(%arg10 : memref<64x128xf32, #tpu.memory_space<vmem>>) dst(%dma_wait3A_327 : memref<13312x128xf32, #tpu.memory_space<vmem_shared>>)
        tpu.yield
      }) : () -> ()
    }
    %scan3A_16 = arith.constant 288 : i32
    %dma_wait3A = arith.constant 0 : i32
    %dma_wait3A_17 = arith.constant 0 : i32
    %dma_wait3A_18 = tpu.memref_slice %arg2[%arg0, %dma_wait3A, %dma_wait3A_17] : memref<2x589824x128xf32, #tpu.memory_space<hbm>> -> memref<1x64x128xf32, #tpu.memory_space<hbm>>
    %dma_wait3A_19 = tpu.memref_squeeze %dma_wait3A_18 : memref<1x64x128xf32, #tpu.memory_space<hbm>> -> memref<64x128xf32, #tpu.memory_space<hbm>>
    %dma_wait3A_20 = arith.constant 0 : i32
    %dma_wait3A_21 = arith.constant 0 : i32
    %dma_wait3A_22 = tpu.memref_slice %arg2[%arg0, %dma_wait3A_20, %dma_wait3A_21] : memref<2x589824x128xf32, #tpu.memory_space<hbm>> -> memref<1x64x128xf32, #tpu.memory_space<hbm>>
    %dma_wait3A_23 = tpu.memref_squeeze %dma_wait3A_22 : memref<1x64x128xf32, #tpu.memory_space<hbm>> -> memref<64x128xf32, #tpu.memory_space<hbm>>
    tpu.wait_dma2 semaphore(%arg13 : memref<!tpu.dma_semaphore, #tpu.memory_space<semaphore_mem>>) src(%dma_wait3A_23 : memref<64x128xf32, #tpu.memory_space<hbm>>) dst(%arg9 : memref<64x128xf32, #tpu.memory_space<vmem>>)
    %barrier3A_24 = arith.constant 0 : index
    tpu.barrier barrier_id(%barrier3A_24)
    %mul3A_25 = arith.constant 768 : i32
    %mul3A_26 = arith.muli %arg1, %mul3A_25 : i32
    %mul3A_27 = arith.constant 768 : i32
    %mul3A_28 = arith.muli %arg1, %mul3A_27 : i32
    %add3A = arith.constant 0 : i32
    %add3A_29 = arith.addi %add3A, %mul3A_28 : i32
    "tpu.region"() ({
      %run_scoped3A = tpu.sem_alloc : memref<!tpu.dma_semaphore, #tpu.memory_space<semaphore_mem>>
      %dma_start3A_136 = arith.constant 0 : i32
      %dma_start3A_137 = tpu.memref_slice %arg5[%arg0, %add3A_29, %dma_start3A_136] : memref<2x49152x128xf32, #tpu.memory_space<hbm>> -> memref<1x768x128xf32, #tpu.memory_space<hbm>>
      %dma_start3A_138 = tpu.memref_squeeze %dma_start3A_137 : memref<1x768x128xf32, #tpu.memory_space<hbm>> -> memref<768x128xf32, #tpu.memory_space<hbm>>
      %dma_start3A_139 = arith.constant 0 : i32
      %dma_start3A_140 = tpu.memref_slice %arg12[%mul3A_26, %dma_start3A_139] : memref<13312x128xf32, #tpu.memory_space<vmem_shared>> -> memref<768x128xf32, #tpu.memory_space<vmem_shared>>
      tpu.enqueue_dma source(%dma_start3A_140 : memref<768x128xf32, #tpu.memory_space<vmem_shared>>) target(%dma_start3A_138 : memref<768x128xf32, #tpu.memory_space<hbm>>) target_semaphore(%run_scoped3A : memref<!tpu.dma_semaphore, #tpu.memory_space<semaphore_mem>>)
      %dma_wait3A_141 = arith.constant 0 : i32
      %dma_wait3A_142 = tpu.memref_slice %arg5[%arg0, %add3A_29, %dma_wait3A_141] : memref<2x49152x128xf32, #tpu.memory_space<hbm>> -> memref<1x768x128xf32, #tpu.memory_space<hbm>>
      %dma_wait3A_143 = tpu.memref_squeeze %dma_wait3A_142 : memref<1x768x128xf32, #tpu.memory_space<hbm>> -> memref<768x128xf32, #tpu.memory_space<hbm>>
      %dma_wait3A_144 = arith.constant 0 : i32
      %dma_wait3A_145 = tpu.memref_slice %arg12[%mul3A_26, %dma_wait3A_144] : memref<13312x128xf32, #tpu.memory_space<vmem_shared>> -> memref<768x128xf32, #tpu.memory_space<vmem_shared>>
      tpu.wait_dma2 semaphore(%run_scoped3A : memref<!tpu.dma_semaphore, #tpu.memory_space<semaphore_mem>>) src(%dma_wait3A_145 : memref<768x128xf32, #tpu.memory_space<vmem_shared>>) dst(%dma_wait3A_143 : memref<768x128xf32, #tpu.memory_space<hbm>>)
      tpu.yield
    }) : () -> ()
    %barrier3A_30 = arith.constant 0 : index
    tpu.barrier barrier_id(%barrier3A_30)
    %scan3A_31 = arith.constant 0 : i32
    %scan3A_32 = arith.constant 0 : i32
    %scan3A_33 = arith.constant 52 : i32
    %scan3A_34 = arith.addi %scan3A_32, %scan3A_33 : i32
    %scan3A_35 = arith.constant 1 : i32
    scf.for %scan3A_136 = %scan3A_32 to %scan3A_34 step %scan3A_35  : i32 {
      %mul3A_137 = arith.constant 832 : i32
      %mul3A_138 = arith.muli %arg1, %mul3A_137 : i32
      %mul3A_139 = arith.constant 16 : i32
      %mul3A_140 = arith.muli %scan3A_136, %mul3A_139 : i32
      %add3A_141 = arith.addi %mul3A_138, %mul3A_140 : i32
      "tpu.region"() ({
        %run_scoped3A = tpu.sem_alloc : memref<!tpu.dma_semaphore, #tpu.memory_space<semaphore_mem>>
        %dma_start3A_142 = arith.constant 0 : i32
        %dma_start3A_143 = tpu.memref_slice %arg12[%add3A_141, %dma_start3A_142] : memref<13312x128xf32, #tpu.memory_space<vmem_shared>> -> memref<16x128xf32, #tpu.memory_space<vmem_shared>>
        %dma_start3A_144 = arith.constant 0 : i32
        %dma_start3A_145 = tpu.memref_slice %arg12[%add3A_141, %dma_start3A_144] : memref<13312x128xf32, #tpu.memory_space<vmem_shared>> -> memref<16x128xf32, #tpu.memory_space<vmem_shared>>
        tpu.enqueue_dma source(%arg11 : memref<16x128xf32, #tpu.memory_space<vmem>>) target(%dma_start3A_145 : memref<16x128xf32, #tpu.memory_space<vmem_shared>>) target_semaphore(%run_scoped3A : memref<!tpu.dma_semaphore, #tpu.memory_space<semaphore_mem>>)
        %dma_wait3A_146 = arith.constant 0 : i32
        %dma_wait3A_147 = tpu.memref_slice %arg12[%add3A_141, %dma_wait3A_146] : memref<13312x128xf32, #tpu.memory_space<vmem_shared>> -> memref<16x128xf32, #tpu.memory_space<vmem_shared>>
        %dma_wait3A_148 = arith.constant 0 : i32
        %dma_wait3A_149 = tpu.memref_slice %arg12[%add3A_141, %dma_wait3A_148] : memref<13312x128xf32, #tpu.memory_space<vmem_shared>> -> memref<16x128xf32, #tpu.memory_space<vmem_shared>>
        tpu.wait_dma2 semaphore(%run_scoped3A : memref<!tpu.dma_semaphore, #tpu.memory_space<semaphore_mem>>) src(%arg11 : memref<16x128xf32, #tpu.memory_space<vmem>>) dst(%dma_wait3A_149 : memref<16x128xf32, #tpu.memory_space<vmem_shared>>)
        tpu.yield
      }) : () -> ()
    }
    %scan3A_36 = arith.constant 52 : i32
    %barrier3A_37 = arith.constant 0 : index
    tpu.barrier barrier_id(%barrier3A_37)
    %dma_start3A_38 = arith.constant 0 : i32
    %dma_start3A_39 = tpu.memref_slice %arg2[%arg0, %mul3A_0, %dma_start3A_38] : memref<2x589824x128xf32, #tpu.memory_space<hbm>> -> memref<1x64x128xf32, #tpu.memory_space<hbm>>
    %dma_start3A_40 = tpu.memref_squeeze %dma_start3A_39 : memref<1x64x128xf32, #tpu.memory_space<hbm>> -> memref<64x128xf32, #tpu.memory_space<hbm>>
    %dma_start3A_41 = arith.constant 0 : i32
    %dma_start3A_42 = tpu.memref_slice %arg2[%arg0, %mul3A_0, %dma_start3A_41] : memref<2x589824x128xf32, #tpu.memory_space<hbm>> -> memref<1x64x128xf32, #tpu.memory_space<hbm>>
    %dma_start3A_43 = tpu.memref_squeeze %dma_start3A_42 : memref<1x64x128xf32, #tpu.memory_space<hbm>> -> memref<64x128xf32, #tpu.memory_space<hbm>>
    tpu.enqueue_dma source(%dma_start3A_43 : memref<64x128xf32, #tpu.memory_space<hbm>>) target(%arg9 : memref<64x128xf32, #tpu.memory_space<vmem>>) target_semaphore(%arg13 : memref<!tpu.dma_semaphore, #tpu.memory_space<semaphore_mem>>)
    %scan3A_44 = arith.constant 0 : i32
    %scan3A_45 = arith.constant 0 : i32
    %scan3A_46 = arith.constant 288 : i32
    %scan3A_47 = arith.addi %scan3A_45, %scan3A_46 : i32
    %scan3A_48 = arith.constant 1 : i32
    scf.for %scan3A_136 = %scan3A_45 to %scan3A_47 step %scan3A_48  : i32 {
      %mul3A_137 = arith.constant 128 : i32
      %mul3A_138 = arith.muli %scan3A_136, %mul3A_137 : i32
      %add3A_139 = arith.addi %mul3A_0, %mul3A_138 : i32
      %add3A_140 = arith.constant 64 : i32
      %add3A_141 = arith.addi %add3A_139, %add3A_140 : i32
      %dma_start3A_142 = arith.constant 0 : i32
      %dma_start3A_143 = tpu.memref_slice %arg2[%arg0, %add3A_141, %dma_start3A_142] : memref<2x589824x128xf32, #tpu.memory_space<hbm>> -> memref<1x64x128xf32, #tpu.memory_space<hbm>>
      %dma_start3A_144 = tpu.memref_squeeze %dma_start3A_143 : memref<1x64x128xf32, #tpu.memory_space<hbm>> -> memref<64x128xf32, #tpu.memory_space<hbm>>
      %dma_start3A_145 = arith.constant 0 : i32
      %dma_start3A_146 = tpu.memref_slice %arg2[%arg0, %add3A_141, %dma_start3A_145] : memref<2x589824x128xf32, #tpu.memory_space<hbm>> -> memref<1x64x128xf32, #tpu.memory_space<hbm>>
      %dma_start3A_147 = tpu.memref_squeeze %dma_start3A_146 : memref<1x64x128xf32, #tpu.memory_space<hbm>> -> memref<64x128xf32, #tpu.memory_space<hbm>>
      tpu.enqueue_dma source(%dma_start3A_147 : memref<64x128xf32, #tpu.memory_space<hbm>>) target(%arg10 : memref<64x128xf32, #tpu.memory_space<vmem>>) target_semaphore(%arg14 : memref<!tpu.dma_semaphore, #tpu.memory_space<semaphore_mem>>)
      "tpu.region"() ({
        %run_scoped3A = tpu.sem_alloc : memref<!tpu.dma_semaphore, #tpu.memory_space<semaphore_mem>>
        %dma_start3A_322 = arith.constant 0 : i32
        %dma_start3A_323 = tpu.memref_slice %arg3[%arg1, %scan3A_136, %dma_start3A_322] : memref<16x288x128xi32, #tpu.memory_space<hbm>> -> memref<1x1x128xi32, #tpu.memory_space<hbm>>
        %dma_start3A_324 = tpu.memref_squeeze %dma_start3A_323 : memref<1x1x128xi32, #tpu.memory_space<hbm>> -> memref<128xi32, #tpu.memory_space<hbm>>
        %dma_start3A_325 = arith.constant 0 : i32
        %dma_start3A_326 = tpu.memref_slice %arg3[%arg1, %scan3A_136, %dma_start3A_325] : memref<16x288x128xi32, #tpu.memory_space<hbm>> -> memref<1x1x128xi32, #tpu.memory_space<hbm>>
        %dma_start3A_327 = tpu.memref_squeeze %dma_start3A_326 : memref<1x1x128xi32, #tpu.memory_space<hbm>> -> memref<128xi32, #tpu.memory_space<hbm>>
        tpu.enqueue_dma source(%dma_start3A_327 : memref<128xi32, #tpu.memory_space<hbm>>) target(%arg6 : memref<128xi32, #tpu.memory_space<vmem>>) target_semaphore(%run_scoped3A : memref<!tpu.dma_semaphore, #tpu.memory_space<semaphore_mem>>)
        %dma_wait3A_328 = arith.constant 0 : i32
        %dma_wait3A_329 = tpu.memref_slice %arg3[%arg1, %scan3A_136, %dma_wait3A_328] : memref<16x288x128xi32, #tpu.memory_space<hbm>> -> memref<1x1x128xi32, #tpu.memory_space<hbm>>
        %dma_wait3A_330 = tpu.memref_squeeze %dma_wait3A_329 : memref<1x1x128xi32, #tpu.memory_space<hbm>> -> memref<128xi32, #tpu.memory_space<hbm>>
        %dma_wait3A_331 = arith.constant 0 : i32
        %dma_wait3A_332 = tpu.memref_slice %arg3[%arg1, %scan3A_136, %dma_wait3A_331] : memref<16x288x128xi32, #tpu.memory_space<hbm>> -> memref<1x1x128xi32, #tpu.memory_space<hbm>>
        %dma_wait3A_333 = tpu.memref_squeeze %dma_wait3A_332 : memref<1x1x128xi32, #tpu.memory_space<hbm>> -> memref<128xi32, #tpu.memory_space<hbm>>
        tpu.wait_dma2 semaphore(%run_scoped3A : memref<!tpu.dma_semaphore, #tpu.memory_space<semaphore_mem>>) src(%dma_wait3A_333 : memref<128xi32, #tpu.memory_space<hbm>>) dst(%arg6 : memref<128xi32, #tpu.memory_space<vmem>>)
        tpu.yield
      }) : () -> ()
      %get3A = arith.constant 0 : index
      %get3A_148 = tpu.vector_load %arg6[%get3A] {strides = array<i32>} : memref<128xi32, #tpu.memory_space<vmem>>, vector<16xi32>,
      %get3A_149 = vector.shape_cast %get3A_148 : vector<16xi32> to vector<16xi32>
      %sub3A = arith.constant 12288 : i32
      %sub3A_150 = vector.broadcast %sub3A : i32 to vector<16xi32>
      %sub3A_151 = arith.subi %get3A_149, %sub3A_150 : vector<16xi32>
      %ge3A = arith.constant 0 : i32
      %ge3A_152 = vector.broadcast %ge3A : i32 to vector<16xi32>
      %ge3A_153 = arith.cmpi sge, %sub3A_151, %ge3A_152 : vector<16xi32>
      %lt3A = arith.constant 12288 : i32
      %lt3A_154 = vector.broadcast %lt3A : i32 to vector<16xi32>
      %lt3A_155 = arith.cmpi slt, %sub3A_151, %lt3A_154 : vector<16xi32>
      %and3A = arith.andi %ge3A_153, %lt3A_155 : vector<16xi1>
      %jit3A = arith.constant 12288 : i32
      %broadcast_in_dim3A = vector.broadcast %jit3A : i32 to vector<16xi32>
      %select_n3A = arith.select %and3A, %sub3A_151, %broadcast_in_dim3A : vector<16xi1>, vector<16xi32>
      %swap3A = arith.constant 0 : index
      %swap3A_156 = tpu.vector_load %arg7[%swap3A] {strides = array<i32>} : memref<64xi32, #tpu.memory_space<vmem>>, vector<16xi32>,
      %swap3A_157 = vector.shape_cast %swap3A_156 : vector<16xi32> to vector<16xi32>
      %swap3A_158 = vector.shape_cast %select_n3A : vector<16xi32> to vector<16xi32>
      tpu.vector_store %arg7[%swap3A], %swap3A_158 {strides = array<i32>} : memref<64xi32, #tpu.memory_space<vmem>>, vector<16xi32>,
      %get3A_159 = arith.constant 64 : index
      %get3A_160 = tpu.vector_load %arg6[%get3A_159] {strides = array<i32>} : memref<128xi32, #tpu.memory_space<vmem>>, vector<16xi32>,
      %get3A_161 = vector.shape_cast %get3A_160 : vector<16xi32> to vector<16xi32>
      %sub3A_162 = arith.constant 12288 : i32
      %sub3A_163 = vector.broadcast %sub3A_162 : i32 to vector<16xi32>
      %sub3A_164 = arith.subi %get3A_161, %sub3A_163 : vector<16xi32>
      %ge3A_165 = arith.constant 0 : i32
      %ge3A_166 = vector.broadcast %ge3A_165 : i32 to vector<16xi32>
      %ge3A_167 = arith.cmpi sge, %sub3A_164, %ge3A_166 : vector<16xi32>
      %lt3A_168 = arith.constant 12288 : i32
      %lt3A_169 = vector.broadcast %lt3A_168 : i32 to vector<16xi32>
      %lt3A_170 = arith.cmpi slt, %sub3A_164, %lt3A_169 : vector<16xi32>
      %and3A_171 = arith.andi %ge3A_167, %lt3A_170 : vector<16xi1>
      %jit3A_172 = arith.constant 12288 : i32
      %broadcast_in_dim3A_173 = vector.broadcast %jit3A_172 : i32 to vector<16xi32>
      %select_n3A_174 = arith.select %and3A_171, %sub3A_164, %broadcast_in_dim3A_173 : vector<16xi1>, vector<16xi32>
      %swap3A_175 = arith.constant 0 : index
      %swap3A_176 = tpu.vector_load %arg8[%swap3A_175] {strides = array<i32>} : memref<64xi32, #tpu.memory_space<vmem>>, vector<16xi32>,
      %swap3A_177 = vector.shape_cast %swap3A_176 : vector<16xi32> to vector<16xi32>
      %swap3A_178 = vector.shape_cast %select_n3A_174 : vector<16xi32> to vector<16xi32>
      tpu.vector_store %arg8[%swap3A_175], %swap3A_178 {strides = array<i32>} : memref<64xi32, #tpu.memory_space<vmem>>, vector<16xi32>,
      %get3A_179 = arith.constant 16 : index
      %get3A_180 = tpu.vector_load %arg6[%get3A_179] {strides = array<i32>} : memref<128xi32, #tpu.memory_space<vmem>>, vector<16xi32>,
      %get3A_181 = vector.shape_cast %get3A_180 : vector<16xi32> to vector<16xi32>
      %sub3A_182 = arith.constant 12288 : i32
      %sub3A_183 = vector.broadcast %sub3A_182 : i32 to vector<16xi32>
      %sub3A_184 = arith.subi %get3A_181, %sub3A_183 : vector<16xi32>
      %ge3A_185 = arith.constant 0 : i32
      %ge3A_186 = vector.broadcast %ge3A_185 : i32 to vector<16xi32>
      %ge3A_187 = arith.cmpi sge, %sub3A_184, %ge3A_186 : vector<16xi32>
      %lt3A_188 = arith.constant 12288 : i32
      %lt3A_189 = vector.broadcast %lt3A_188 : i32 to vector<16xi32>
      %lt3A_190 = arith.cmpi slt, %sub3A_184, %lt3A_189 : vector<16xi32>
      %and3A_191 = arith.andi %ge3A_187, %lt3A_190 : vector<16xi1>
      %jit3A_192 = arith.constant 12288 : i32
      %broadcast_in_dim3A_193 = vector.broadcast %jit3A_192 : i32 to vector<16xi32>
      %select_n3A_194 = arith.select %and3A_191, %sub3A_184, %broadcast_in_dim3A_193 : vector<16xi1>, vector<16xi32>
      %swap3A_195 = arith.constant 16 : index
      %swap3A_196 = tpu.vector_load %arg7[%swap3A_195] {strides = array<i32>} : memref<64xi32, #tpu.memory_space<vmem>>, vector<16xi32>,
      %swap3A_197 = vector.shape_cast %swap3A_196 : vector<16xi32> to vector<16xi32>
      %swap3A_198 = vector.shape_cast %select_n3A_194 : vector<16xi32> to vector<16xi32>
      tpu.vector_store %arg7[%swap3A_195], %swap3A_198 {strides = array<i32>} : memref<64xi32, #tpu.memory_space<vmem>>, vector<16xi32>,
      %get3A_199 = arith.constant 80 : index
      %get3A_200 = tpu.vector_load %arg6[%get3A_199] {strides = array<i32>} : memref<128xi32, #tpu.memory_space<vmem>>, vector<16xi32>,
      %get3A_201 = vector.shape_cast %get3A_200 : vector<16xi32> to vector<16xi32>
      %sub3A_202 = arith.constant 12288 : i32
      %sub3A_203 = vector.broadcast %sub3A_202 : i32 to vector<16xi32>
      %sub3A_204 = arith.subi %get3A_201, %sub3A_203 : vector<16xi32>
      %ge3A_205 = arith.constant 0 : i32
      %ge3A_206 = vector.broadcast %ge3A_205 : i32 to vector<16xi32>
      %ge3A_207 = arith.cmpi sge, %sub3A_204, %ge3A_206 : vector<16xi32>
      %lt3A_208 = arith.constant 12288 : i32
      %lt3A_209 = vector.broadcast %lt3A_208 : i32 to vector<16xi32>
      %lt3A_210 = arith.cmpi slt, %sub3A_204, %lt3A_209 : vector<16xi32>
      %and3A_211 = arith.andi %ge3A_207, %lt3A_210 : vector<16xi1>
      %jit3A_212 = arith.constant 12288 : i32
      %broadcast_in_dim3A_213 = vector.broadcast %jit3A_212 : i32 to vector<16xi32>
      %select_n3A_214 = arith.select %and3A_211, %sub3A_204, %broadcast_in_dim3A_213 : vector<16xi1>, vector<16xi32>
      %swap3A_215 = arith.constant 16 : index
      %swap3A_216 = tpu.vector_load %arg8[%swap3A_215] {strides = array<i32>} : memref<64xi32, #tpu.memory_space<vmem>>, vector<16xi32>,
      %swap3A_217 = vector.shape_cast %swap3A_216 : vector<16xi32> to vector<16xi32>
      %swap3A_218 = vector.shape_cast %select_n3A_214 : vector<16xi32> to vector<16xi32>
      tpu.vector_store %arg8[%swap3A_215], %swap3A_218 {strides = array<i32>} : memref<64xi32, #tpu.memory_space<vmem>>, vector<16xi32>,
      %get3A_219 = arith.constant 32 : index
      %get3A_220 = tpu.vector_load %arg6[%get3A_219] {strides = array<i32>} : memref<128xi32, #tpu.memory_space<vmem>>, vector<16xi32>,
      %get3A_221 = vector.shape_cast %get3A_220 : vector<16xi32> to vector<16xi32>
      %sub3A_222 = arith.constant 12288 : i32
      %sub3A_223 = vector.broadcast %sub3A_222 : i32 to vector<16xi32>
      %sub3A_224 = arith.subi %get3A_221, %sub3A_223 : vector<16xi32>
      %ge3A_225 = arith.constant 0 : i32
      %ge3A_226 = vector.broadcast %ge3A_225 : i32 to vector<16xi32>
      %ge3A_227 = arith.cmpi sge, %sub3A_224, %ge3A_226 : vector<16xi32>
      %lt3A_228 = arith.constant 12288 : i32
      %lt3A_229 = vector.broadcast %lt3A_228 : i32 to vector<16xi32>
      %lt3A_230 = arith.cmpi slt, %sub3A_224, %lt3A_229 : vector<16xi32>
      %and3A_231 = arith.andi %ge3A_227, %lt3A_230 : vector<16xi1>
      %jit3A_232 = arith.constant 12288 : i32
      %broadcast_in_dim3A_233 = vector.broadcast %jit3A_232 : i32 to vector<16xi32>
      %select_n3A_234 = arith.select %and3A_231, %sub3A_224, %broadcast_in_dim3A_233 : vector<16xi1>, vector<16xi32>
      %swap3A_235 = arith.constant 32 : index
      %swap3A_236 = tpu.vector_load %arg7[%swap3A_235] {strides = array<i32>} : memref<64xi32, #tpu.memory_space<vmem>>, vector<16xi32>,
      %swap3A_237 = vector.shape_cast %swap3A_236 : vector<16xi32> to vector<16xi32>
      %swap3A_238 = vector.shape_cast %select_n3A_234 : vector<16xi32> to vector<16xi32>
      tpu.vector_store %arg7[%swap3A_235], %swap3A_238 {strides = array<i32>} : memref<64xi32, #tpu.memory_space<vmem>>, vector<16xi32>,
      %get3A_239 = arith.constant 96 : index
      %get3A_240 = tpu.vector_load %arg6[%get3A_239] {strides = array<i32>} : memref<128xi32, #tpu.memory_space<vmem>>, vector<16xi32>,
      %get3A_241 = vector.shape_cast %get3A_240 : vector<16xi32> to vector<16xi32>
      %sub3A_242 = arith.constant 12288 : i32
      %sub3A_243 = vector.broadcast %sub3A_242 : i32 to vector<16xi32>
      %sub3A_244 = arith.subi %get3A_241, %sub3A_243 : vector<16xi32>
      %ge3A_245 = arith.constant 0 : i32
      %ge3A_246 = vector.broadcast %ge3A_245 : i32 to vector<16xi32>
      %ge3A_247 = arith.cmpi sge, %sub3A_244, %ge3A_246 : vector<16xi32>
      %lt3A_248 = arith.constant 12288 : i32
      %lt3A_249 = vector.broadcast %lt3A_248 : i32 to vector<16xi32>
      %lt3A_250 = arith.cmpi slt, %sub3A_244, %lt3A_249 : vector<16xi32>
      %and3A_251 = arith.andi %ge3A_247, %lt3A_250 : vector<16xi1>
      %jit3A_252 = arith.constant 12288 : i32
      %broadcast_in_dim3A_253 = vector.broadcast %jit3A_252 : i32 to vector<16xi32>
      %select_n3A_254 = arith.select %and3A_251, %sub3A_244, %broadcast_in_dim3A_253 : vector<16xi1>, vector<16xi32>
      %swap3A_255 = arith.constant 32 : index
      %swap3A_256 = tpu.vector_load %arg8[%swap3A_255] {strides = array<i32>} : memref<64xi32, #tpu.memory_space<vmem>>, vector<16xi32>,
      %swap3A_257 = vector.shape_cast %swap3A_256 : vector<16xi32> to vector<16xi32>
      %swap3A_258 = vector.shape_cast %select_n3A_254 : vector<16xi32> to vector<16xi32>
      tpu.vector_store %arg8[%swap3A_255], %swap3A_258 {strides = array<i32>} : memref<64xi32, #tpu.memory_space<vmem>>, vector<16xi32>,
      %get3A_259 = arith.constant 48 : index
      %get3A_260 = tpu.vector_load %arg6[%get3A_259] {strides = array<i32>} : memref<128xi32, #tpu.memory_space<vmem>>, vector<16xi32>,
      %get3A_261 = vector.shape_cast %get3A_260 : vector<16xi32> to vector<16xi32>
      %sub3A_262 = arith.constant 12288 : i32
      %sub3A_263 = vector.broadcast %sub3A_262 : i32 to vector<16xi32>
      %sub3A_264 = arith.subi %get3A_261, %sub3A_263 : vector<16xi32>
      %ge3A_265 = arith.constant 0 : i32
      %ge3A_266 = vector.broadcast %ge3A_265 : i32 to vector<16xi32>
      %ge3A_267 = arith.cmpi sge, %sub3A_264, %ge3A_266 : vector<16xi32>
      %lt3A_268 = arith.constant 12288 : i32
      %lt3A_269 = vector.broadcast %lt3A_268 : i32 to vector<16xi32>
      %lt3A_270 = arith.cmpi slt, %sub3A_264, %lt3A_269 : vector<16xi32>
      %and3A_271 = arith.andi %ge3A_267, %lt3A_270 : vector<16xi1>
      %jit3A_272 = arith.constant 12288 : i32
      %broadcast_in_dim3A_273 = vector.broadcast %jit3A_272 : i32 to vector<16xi32>
      %select_n3A_274 = arith.select %and3A_271, %sub3A_264, %broadcast_in_dim3A_273 : vector<16xi1>, vector<16xi32>
      %swap3A_275 = arith.constant 48 : index
      %swap3A_276 = tpu.vector_load %arg7[%swap3A_275] {strides = array<i32>} : memref<64xi32, #tpu.memory_space<vmem>>, vector<16xi32>,
      %swap3A_277 = vector.shape_cast %swap3A_276 : vector<16xi32> to vector<16xi32>
      %swap3A_278 = vector.shape_cast %select_n3A_274 : vector<16xi32> to vector<16xi32>
      tpu.vector_store %arg7[%swap3A_275], %swap3A_278 {strides = array<i32>} : memref<64xi32, #tpu.memory_space<vmem>>, vector<16xi32>,
      %get3A_279 = arith.constant 112 : index
      %get3A_280 = tpu.vector_load %arg6[%get3A_279] {strides = array<i32>} : memref<128xi32, #tpu.memory_space<vmem>>, vector<16xi32>,
      %get3A_281 = vector.shape_cast %get3A_280 : vector<16xi32> to vector<16xi32>
      %sub3A_282 = arith.constant 12288 : i32
      %sub3A_283 = vector.broadcast %sub3A_282 : i32 to vector<16xi32>
      %sub3A_284 = arith.subi %get3A_281, %sub3A_283 : vector<16xi32>
      %ge3A_285 = arith.constant 0 : i32
      %ge3A_286 = vector.broadcast %ge3A_285 : i32 to vector<16xi32>
      %ge3A_287 = arith.cmpi sge, %sub3A_284, %ge3A_286 : vector<16xi32>
      %lt3A_288 = arith.constant 12288 : i32
      %lt3A_289 = vector.broadcast %lt3A_288 : i32 to vector<16xi32>
      %lt3A_290 = arith.cmpi slt, %sub3A_284, %lt3A_289 : vector<16xi32>
      %and3A_291 = arith.andi %ge3A_287, %lt3A_290 : vector<16xi1>
      %jit3A_292 = arith.constant 12288 : i32
      %broadcast_in_dim3A_293 = vector.broadcast %jit3A_292 : i32 to vector<16xi32>
      %select_n3A_294 = arith.select %and3A_291, %sub3A_284, %broadcast_in_dim3A_293 : vector<16xi1>, vector<16xi32>
      %swap3A_295 = arith.constant 48 : index
      %swap3A_296 = tpu.vector_load %arg8[%swap3A_295] {strides = array<i32>} : memref<64xi32, #tpu.memory_space<vmem>>, vector<16xi32>,
      %swap3A_297 = vector.shape_cast %swap3A_296 : vector<16xi32> to vector<16xi32>
      %swap3A_298 = vector.shape_cast %select_n3A_294 : vector<16xi32> to vector<16xi32>
      tpu.vector_store %arg8[%swap3A_295], %swap3A_298 {strides = array<i32>} : memref<64xi32, #tpu.memory_space<vmem>>, vector<16xi32>,
      %dma_wait3A_299 = arith.constant 0 : i32
      %dma_wait3A_300 = tpu.memref_slice %arg2[%arg0, %add3A_139, %dma_wait3A_299] : memref<2x589824x128xf32, #tpu.memory_space<hbm>> -> memref<1x64x128xf32, #tpu.memory_space<hbm>>
      %dma_wait3A_301 = tpu.memref_squeeze %dma_wait3A_300 : memref<1x64x128xf32, #tpu.memory_space<hbm>> -> memref<64x128xf32, #tpu.memory_space<hbm>>
      %dma_wait3A_302 = arith.constant 0 : i32
      %dma_wait3A_303 = tpu.memref_slice %arg2[%arg0, %add3A_139, %dma_wait3A_302] : memref<2x589824x128xf32, #tpu.memory_space<hbm>> -> memref<1x64x128xf32, #tpu.memory_space<hbm>>
      %dma_wait3A_304 = tpu.memref_squeeze %dma_wait3A_303 : memref<1x64x128xf32, #tpu.memory_space<hbm>> -> memref<64x128xf32, #tpu.memory_space<hbm>>
      tpu.wait_dma2 semaphore(%arg13 : memref<!tpu.dma_semaphore, #tpu.memory_space<semaphore_mem>>) src(%dma_wait3A_304 : memref<64x128xf32, #tpu.memory_space<hbm>>) dst(%arg9 : memref<64x128xf32, #tpu.memory_space<vmem>>)
      "tpu.region"() ({
        %run_scoped3A = tpu.sem_alloc : memref<!tpu.dma_semaphore, #tpu.memory_space<semaphore_mem>>
        %dma_start3A_322 = arith.constant 0 : i32
        %dma_start3A_323 = arith.constant 0 : i32
        %dma_start3A_324 = tpu.memref_slice %arg12[%dma_start3A_322, %dma_start3A_323] : memref<13312x128xf32, #tpu.memory_space<vmem_shared>> -> memref<13312x128xf32, #tpu.memory_space<vmem_shared>>
        tpu.enqueue_indirect_dma source(%arg9 : memref<64x128xf32, #tpu.memory_space<vmem>>) target(%dma_start3A_324 : memref<13312x128xf32, #tpu.memory_space<vmem_shared>>) offsets(%arg7 : memref<64xi32, #tpu.memory_space<vmem>>) semaphore(%run_scoped3A : memref<!tpu.dma_semaphore, #tpu.memory_space<semaphore_mem>>) {add = true}
        %dma_wait3A_325 = arith.constant 0 : i32
        %dma_wait3A_326 = arith.constant 0 : i32
        %dma_wait3A_327 = tpu.memref_slice %arg12[%dma_wait3A_325, %dma_wait3A_326] : memref<13312x128xf32, #tpu.memory_space<vmem_shared>> -> memref<13312x128xf32, #tpu.memory_space<vmem_shared>>
        tpu.wait_indirect_dma semaphore(%run_scoped3A : memref<!tpu.dma_semaphore, #tpu.memory_space<semaphore_mem>>) src(%arg9 : memref<64x128xf32, #tpu.memory_space<vmem>>) dst(%dma_wait3A_327 : memref<13312x128xf32, #tpu.memory_space<vmem_shared>>)
        tpu.yield
      }) : () -> ()
      %add3A_305 = arith.constant 128 : i32
      %add3A_306 = arith.addi %add3A_139, %add3A_305 : i32
      %min3A = arith.constant 589760 : i32
      %min3A_307 = arith.minsi %add3A_306, %min3A : i32
      %dma_start3A_308 = arith.constant 0 : i32
      %dma_start3A_309 = tpu.memref_slice %arg2[%arg0, %min3A_307, %dma_start3A_308] : memref<2x589824x128xf32, #tpu.memory_space<hbm>> -> memref<1x64x128xf32, #tpu.memory_space<hbm>>
      %dma_start3A_310 = tpu.memref_squeeze %dma_start3A_309 : memref<1x64x128xf32, #tpu.memory_space<hbm>> -> memref<64x128xf32, #tpu.memory_space<hbm>>
      %dma_start3A_311 = arith.constant 0 : i32
      %dma_start3A_312 = tpu.memref_slice %arg2[%arg0, %min3A_307, %dma_start3A_311] : memref<2x589824x128xf32, #tpu.memory_space<hbm>> -> memref<1x64x128xf32, #tpu.memory_space<hbm>>
      %dma_start3A_313 = tpu.memref_squeeze %dma_start3A_312 : memref<1x64x128xf32, #tpu.memory_space<hbm>> -> memref<64x128xf32, #tpu.memory_space<hbm>>
      tpu.enqueue_dma source(%dma_start3A_313 : memref<64x128xf32, #tpu.memory_space<hbm>>) target(%arg9 : memref<64x128xf32, #tpu.memory_space<vmem>>) target_semaphore(%arg13 : memref<!tpu.dma_semaphore, #tpu.memory_space<semaphore_mem>>)
      %add3A_314 = arith.constant 64 : i32
      %add3A_315 = arith.addi %add3A_139, %add3A_314 : i32
      %dma_wait3A_316 = arith.constant 0 : i32
      %dma_wait3A_317 = tpu.memref_slice %arg2[%arg0, %add3A_315, %dma_wait3A_316] : memref<2x589824x128xf32, #tpu.memory_space<hbm>> -> memref<1x64x128xf32, #tpu.memory_space<hbm>>
      %dma_wait3A_318 = tpu.memref_squeeze %dma_wait3A_317 : memref<1x64x128xf32, #tpu.memory_space<hbm>> -> memref<64x128xf32, #tpu.memory_space<hbm>>
      %dma_wait3A_319 = arith.constant 0 : i32
      %dma_wait3A_320 = tpu.memref_slice %arg2[%arg0, %add3A_315, %dma_wait3A_319] : memref<2x589824x128xf32, #tpu.memory_space<hbm>> -> memref<1x64x128xf32, #tpu.memory_space<hbm>>
      %dma_wait3A_321 = tpu.memref_squeeze %dma_wait3A_320 : memref<1x64x128xf32, #tpu.memory_space<hbm>> -> memref<64x128xf32, #tpu.memory_space<hbm>>
      tpu.wait_dma2 semaphore(%arg14 : memref<!tpu.dma_semaphore, #tpu.memory_space<semaphore_mem>>) src(%dma_wait3A_321 : memref<64x128xf32, #tpu.memory_space<hbm>>) dst(%arg10 : memref<64x128xf32, #tpu.memory_space<vmem>>)
      "tpu.region"() ({
        %run_scoped3A = tpu.sem_alloc : memref<!tpu.dma_semaphore, #tpu.memory_space<semaphore_mem>>
        %dma_start3A_322 = arith.constant 0 : i32
        %dma_start3A_323 = arith.constant 0 : i32
        %dma_start3A_324 = tpu.memref_slice %arg12[%dma_start3A_322, %dma_start3A_323] : memref<13312x128xf32, #tpu.memory_space<vmem_shared>> -> memref<13312x128xf32, #tpu.memory_space<vmem_shared>>
        tpu.enqueue_indirect_dma source(%arg10 : memref<64x128xf32, #tpu.memory_space<vmem>>) target(%dma_start3A_324 : memref<13312x128xf32, #tpu.memory_space<vmem_shared>>) offsets(%arg8 : memref<64xi32, #tpu.memory_space<vmem>>) semaphore(%run_scoped3A : memref<!tpu.dma_semaphore, #tpu.memory_space<semaphore_mem>>) {add = true}
        %dma_wait3A_325 = arith.constant 0 : i32
        %dma_wait3A_326 = arith.constant 0 : i32
        %dma_wait3A_327 = tpu.memref_slice %arg12[%dma_wait3A_325, %dma_wait3A_326] : memref<13312x128xf32, #tpu.memory_space<vmem_shared>> -> memref<13312x128xf32, #tpu.memory_space<vmem_shared>>
        tpu.wait_indirect_dma semaphore(%run_scoped3A : memref<!tpu.dma_semaphore, #tpu.memory_space<semaphore_mem>>) src(%arg10 : memref<64x128xf32, #tpu.memory_space<vmem>>) dst(%dma_wait3A_327 : memref<13312x128xf32, #tpu.memory_space<vmem_shared>>)
        tpu.yield
      }) : () -> ()
    }
    %scan3A_49 = arith.constant 288 : i32
    %dma_wait3A_50 = arith.constant 0 : i32
    %dma_wait3A_51 = arith.constant 0 : i32
    %dma_wait3A_52 = tpu.memref_slice %arg2[%arg0, %dma_wait3A_50, %dma_wait3A_51] : memref<2x589824x128xf32, #tpu.memory_space<hbm>> -> memref<1x64x128xf32, #tpu.memory_space<hbm>>
    %dma_wait3A_53 = tpu.memref_squeeze %dma_wait3A_52 : memref<1x64x128xf32, #tpu.memory_space<hbm>> -> memref<64x128xf32, #tpu.memory_space<hbm>>
    %dma_wait3A_54 = arith.constant 0 : i32
    %dma_wait3A_55 = arith.constant 0 : i32
    %dma_wait3A_56 = tpu.memref_slice %arg2[%arg0, %dma_wait3A_54, %dma_wait3A_55] : memref<2x589824x128xf32, #tpu.memory_space<hbm>> -> memref<1x64x128xf32, #tpu.memory_space<hbm>>
    %dma_wait3A_57 = tpu.memref_squeeze %dma_wait3A_56 : memref<1x64x128xf32, #tpu.memory_space<hbm>> -> memref<64x128xf32, #tpu.memory_space<hbm>>
    tpu.wait_dma2 semaphore(%arg13 : memref<!tpu.dma_semaphore, #tpu.memory_space<semaphore_mem>>) src(%dma_wait3A_57 : memref<64x128xf32, #tpu.memory_space<hbm>>) dst(%arg9 : memref<64x128xf32, #tpu.memory_space<vmem>>)
    %barrier3A_58 = arith.constant 0 : index
    tpu.barrier barrier_id(%barrier3A_58)
    %mul3A_59 = arith.constant 768 : i32
    %mul3A_60 = arith.muli %arg1, %mul3A_59 : i32
    %mul3A_61 = arith.constant 768 : i32
    %mul3A_62 = arith.muli %arg1, %mul3A_61 : i32
    %add3A_63 = arith.constant 12288 : i32
    %add3A_64 = arith.addi %add3A_63, %mul3A_62 : i32
    "tpu.region"() ({
      %run_scoped3A = tpu.sem_alloc : memref<!tpu.dma_semaphore, #tpu.memory_space<semaphore_mem>>
      %dma_start3A_136 = arith.constant 0 : i32
      %dma_start3A_137 = tpu.memref_slice %arg5[%arg0, %add3A_64, %dma_start3A_136] : memref<2x49152x128xf32, #tpu.memory_space<hbm>> -> memref<1x768x128xf32, #tpu.memory_space<hbm>>
      %dma_start3A_138 = tpu.memref_squeeze %dma_start3A_137 : memref<1x768x128xf32, #tpu.memory_space<hbm>> -> memref<768x128xf32, #tpu.memory_space<hbm>>
      %dma_start3A_139 = arith.constant 0 : i32
      %dma_start3A_140 = tpu.memref_slice %arg12[%mul3A_60, %dma_start3A_139] : memref<13312x128xf32, #tpu.memory_space<vmem_shared>> -> memref<768x128xf32, #tpu.memory_space<vmem_shared>>
      tpu.enqueue_dma source(%dma_start3A_140 : memref<768x128xf32, #tpu.memory_space<vmem_shared>>) target(%dma_start3A_138 : memref<768x128xf32, #tpu.memory_space<hbm>>) target_semaphore(%run_scoped3A : memref<!tpu.dma_semaphore, #tpu.memory_space<semaphore_mem>>)
      %dma_wait3A_141 = arith.constant 0 : i32
      %dma_wait3A_142 = tpu.memref_slice %arg5[%arg0, %add3A_64, %dma_wait3A_141] : memref<2x49152x128xf32, #tpu.memory_space<hbm>> -> memref<1x768x128xf32, #tpu.memory_space<hbm>>
      %dma_wait3A_143 = tpu.memref_squeeze %dma_wait3A_142 : memref<1x768x128xf32, #tpu.memory_space<hbm>> -> memref<768x128xf32, #tpu.memory_space<hbm>>
      %dma_wait3A_144 = arith.constant 0 : i32
      %dma_wait3A_145 = tpu.memref_slice %arg12[%mul3A_60, %dma_wait3A_144] : memref<13312x128xf32, #tpu.memory_space<vmem_shared>> -> memref<768x128xf32, #tpu.memory_space<vmem_shared>>
      tpu.wait_dma2 semaphore(%run_scoped3A : memref<!tpu.dma_semaphore, #tpu.memory_space<semaphore_mem>>) src(%dma_wait3A_145 : memref<768x128xf32, #tpu.memory_space<vmem_shared>>) dst(%dma_wait3A_143 : memref<768x128xf32, #tpu.memory_space<hbm>>)
      tpu.yield
    }) : () -> ()
    %barrier3A_65 = arith.constant 0 : index
    tpu.barrier barrier_id(%barrier3A_65)
    %scan3A_66 = arith.constant 0 : i32
    %scan3A_67 = arith.constant 0 : i32
    %scan3A_68 = arith.constant 52 : i32
    %scan3A_69 = arith.addi %scan3A_67, %scan3A_68 : i32
    %scan3A_70 = arith.constant 1 : i32
    scf.for %scan3A_136 = %scan3A_67 to %scan3A_69 step %scan3A_70  : i32 {
      %mul3A_137 = arith.constant 832 : i32
      %mul3A_138 = arith.muli %arg1, %mul3A_137 : i32
      %mul3A_139 = arith.constant 16 : i32
      %mul3A_140 = arith.muli %scan3A_136, %mul3A_139 : i32
      %add3A_141 = arith.addi %mul3A_138, %mul3A_140 : i32
      "tpu.region"() ({
        %run_scoped3A = tpu.sem_alloc : memref<!tpu.dma_semaphore, #tpu.memory_space<semaphore_mem>>
        %dma_start3A_142 = arith.constant 0 : i32
        %dma_start3A_143 = tpu.memref_slice %arg12[%add3A_141, %dma_start3A_142] : memref<13312x128xf32, #tpu.memory_space<vmem_shared>> -> memref<16x128xf32, #tpu.memory_space<vmem_shared>>
        %dma_start3A_144 = arith.constant 0 : i32
        %dma_start3A_145 = tpu.memref_slice %arg12[%add3A_141, %dma_start3A_144] : memref<13312x128xf32, #tpu.memory_space<vmem_shared>> -> memref<16x128xf32, #tpu.memory_space<vmem_shared>>
        tpu.enqueue_dma source(%arg11 : memref<16x128xf32, #tpu.memory_space<vmem>>) target(%dma_start3A_145 : memref<16x128xf32, #tpu.memory_space<vmem_shared>>) target_semaphore(%run_scoped3A : memref<!tpu.dma_semaphore, #tpu.memory_space<semaphore_mem>>)
        %dma_wait3A_146 = arith.constant 0 : i32
        %dma_wait3A_147 = tpu.memref_slice %arg12[%add3A_141, %dma_wait3A_146] : memref<13312x128xf32, #tpu.memory_space<vmem_shared>> -> memref<16x128xf32, #tpu.memory_space<vmem_shared>>
        %dma_wait3A_148 = arith.constant 0 : i32
        %dma_wait3A_149 = tpu.memref_slice %arg12[%add3A_141, %dma_wait3A_148] : memref<13312x128xf32, #tpu.memory_space<vmem_shared>> -> memref<16x128xf32, #tpu.memory_space<vmem_shared>>
        tpu.wait_dma2 semaphore(%run_scoped3A : memref<!tpu.dma_semaphore, #tpu.memory_space<semaphore_mem>>) src(%arg11 : memref<16x128xf32, #tpu.memory_space<vmem>>) dst(%dma_wait3A_149 : memref<16x128xf32, #tpu.memory_space<vmem_shared>>)
        tpu.yield
      }) : () -> ()
    }
    %scan3A_71 = arith.constant 52 : i32
    %barrier3A_72 = arith.constant 0 : index
    tpu.barrier barrier_id(%barrier3A_72)
    %dma_start3A_73 = arith.constant 0 : i32
    %dma_start3A_74 = tpu.memref_slice %arg2[%arg0, %mul3A_0, %dma_start3A_73] : memref<2x589824x128xf32, #tpu.memory_space<hbm>> -> memref<1x64x128xf32, #tpu.memory_space<hbm>>
    %dma_start3A_75 = tpu.memref_squeeze %dma_start3A_74 : memref<1x64x128xf32, #tpu.memory_space<hbm>> -> memref<64x128xf32, #tpu.memory_space<hbm>>
    %dma_start3A_76 = arith.constant 0 : i32
    %dma_start3A_77 = tpu.memref_slice %arg2[%arg0, %mul3A_0, %dma_start3A_76] : memref<2x589824x128xf32, #tpu.memory_space<hbm>> -> memref<1x64x128xf32, #tpu.memory_space<hbm>>
    %dma_start3A_78 = tpu.memref_squeeze %dma_start3A_77 : memref<1x64x128xf32, #tpu.memory_space<hbm>> -> memref<64x128xf32, #tpu.memory_space<hbm>>
    tpu.enqueue_dma source(%dma_start3A_78 : memref<64x128xf32, #tpu.memory_space<hbm>>) target(%arg9 : memref<64x128xf32, #tpu.memory_space<vmem>>) target_semaphore(%arg13 : memref<!tpu.dma_semaphore, #tpu.memory_space<semaphore_mem>>)
    %scan3A_79 = arith.constant 0 : i32
    %scan3A_80 = arith.constant 0 : i32
    %scan3A_81 = arith.constant 288 : i32
    %scan3A_82 = arith.addi %scan3A_80, %scan3A_81 : i32
    %scan3A_83 = arith.constant 1 : i32
    scf.for %scan3A_136 = %scan3A_80 to %scan3A_82 step %scan3A_83  : i32 {
      %mul3A_137 = arith.constant 128 : i32
      %mul3A_138 = arith.muli %scan3A_136, %mul3A_137 : i32
      %add3A_139 = arith.addi %mul3A_0, %mul3A_138 : i32
      %add3A_140 = arith.constant 64 : i32
      %add3A_141 = arith.addi %add3A_139, %add3A_140 : i32
      %dma_start3A_142 = arith.constant 0 : i32
      %dma_start3A_143 = tpu.memref_slice %arg2[%arg0, %add3A_141, %dma_start3A_142] : memref<2x589824x128xf32, #tpu.memory_space<hbm>> -> memref<1x64x128xf32, #tpu.memory_space<hbm>>
      %dma_start3A_144 = tpu.memref_squeeze %dma_start3A_143 : memref<1x64x128xf32, #tpu.memory_space<hbm>> -> memref<64x128xf32, #tpu.memory_space<hbm>>
      %dma_start3A_145 = arith.constant 0 : i32
      %dma_start3A_146 = tpu.memref_slice %arg2[%arg0, %add3A_141, %dma_start3A_145] : memref<2x589824x128xf32, #tpu.memory_space<hbm>> -> memref<1x64x128xf32, #tpu.memory_space<hbm>>
      %dma_start3A_147 = tpu.memref_squeeze %dma_start3A_146 : memref<1x64x128xf32, #tpu.memory_space<hbm>> -> memref<64x128xf32, #tpu.memory_space<hbm>>
      tpu.enqueue_dma source(%dma_start3A_147 : memref<64x128xf32, #tpu.memory_space<hbm>>) target(%arg10 : memref<64x128xf32, #tpu.memory_space<vmem>>) target_semaphore(%arg14 : memref<!tpu.dma_semaphore, #tpu.memory_space<semaphore_mem>>)
      "tpu.region"() ({
        %run_scoped3A = tpu.sem_alloc : memref<!tpu.dma_semaphore, #tpu.memory_space<semaphore_mem>>
        %dma_start3A_322 = arith.constant 0 : i32
        %dma_start3A_323 = tpu.memref_slice %arg3[%arg1, %scan3A_136, %dma_start3A_322] : memref<16x288x128xi32, #tpu.memory_space<hbm>> -> memref<1x1x128xi32, #tpu.memory_space<hbm>>
        %dma_start3A_324 = tpu.memref_squeeze %dma_start3A_323 : memref<1x1x128xi32, #tpu.memory_space<hbm>> -> memref<128xi32, #tpu.memory_space<hbm>>
        %dma_start3A_325 = arith.constant 0 : i32
        %dma_start3A_326 = tpu.memref_slice %arg3[%arg1, %scan3A_136, %dma_start3A_325] : memref<16x288x128xi32, #tpu.memory_space<hbm>> -> memref<1x1x128xi32, #tpu.memory_space<hbm>>
        %dma_start3A_327 = tpu.memref_squeeze %dma_start3A_326 : memref<1x1x128xi32, #tpu.memory_space<hbm>> -> memref<128xi32, #tpu.memory_space<hbm>>
        tpu.enqueue_dma source(%dma_start3A_327 : memref<128xi32, #tpu.memory_space<hbm>>) target(%arg6 : memref<128xi32, #tpu.memory_space<vmem>>) target_semaphore(%run_scoped3A : memref<!tpu.dma_semaphore, #tpu.memory_space<semaphore_mem>>)
        %dma_wait3A_328 = arith.constant 0 : i32
        %dma_wait3A_329 = tpu.memref_slice %arg3[%arg1, %scan3A_136, %dma_wait3A_328] : memref<16x288x128xi32, #tpu.memory_space<hbm>> -> memref<1x1x128xi32, #tpu.memory_space<hbm>>
        %dma_wait3A_330 = tpu.memref_squeeze %dma_wait3A_329 : memref<1x1x128xi32, #tpu.memory_space<hbm>> -> memref<128xi32, #tpu.memory_space<hbm>>
        %dma_wait3A_331 = arith.constant 0 : i32
        %dma_wait3A_332 = tpu.memref_slice %arg3[%arg1, %scan3A_136, %dma_wait3A_331] : memref<16x288x128xi32, #tpu.memory_space<hbm>> -> memref<1x1x128xi32, #tpu.memory_space<hbm>>
        %dma_wait3A_333 = tpu.memref_squeeze %dma_wait3A_332 : memref<1x1x128xi32, #tpu.memory_space<hbm>> -> memref<128xi32, #tpu.memory_space<hbm>>
        tpu.wait_dma2 semaphore(%run_scoped3A : memref<!tpu.dma_semaphore, #tpu.memory_space<semaphore_mem>>) src(%dma_wait3A_333 : memref<128xi32, #tpu.memory_space<hbm>>) dst(%arg6 : memref<128xi32, #tpu.memory_space<vmem>>)
        tpu.yield
      }) : () -> ()
      %get3A = arith.constant 0 : index
      %get3A_148 = tpu.vector_load %arg6[%get3A] {strides = array<i32>} : memref<128xi32, #tpu.memory_space<vmem>>, vector<16xi32>,
      %get3A_149 = vector.shape_cast %get3A_148 : vector<16xi32> to vector<16xi32>
      %sub3A = arith.constant 24576 : i32
      %sub3A_150 = vector.broadcast %sub3A : i32 to vector<16xi32>
      %sub3A_151 = arith.subi %get3A_149, %sub3A_150 : vector<16xi32>
      %ge3A = arith.constant 0 : i32
      %ge3A_152 = vector.broadcast %ge3A : i32 to vector<16xi32>
      %ge3A_153 = arith.cmpi sge, %sub3A_151, %ge3A_152 : vector<16xi32>
      %lt3A = arith.constant 12288 : i32
      %lt3A_154 = vector.broadcast %lt3A : i32 to vector<16xi32>
      %lt3A_155 = arith.cmpi slt, %sub3A_151, %lt3A_154 : vector<16xi32>
      %and3A = arith.andi %ge3A_153, %lt3A_155 : vector<16xi1>
      %jit3A = arith.constant 12288 : i32
      %broadcast_in_dim3A = vector.broadcast %jit3A : i32 to vector<16xi32>
      %select_n3A = arith.select %and3A, %sub3A_151, %broadcast_in_dim3A : vector<16xi1>, vector<16xi32>
      %swap3A = arith.constant 0 : index
      %swap3A_156 = tpu.vector_load %arg7[%swap3A] {strides = array<i32>} : memref<64xi32, #tpu.memory_space<vmem>>, vector<16xi32>,
      %swap3A_157 = vector.shape_cast %swap3A_156 : vector<16xi32> to vector<16xi32>
      %swap3A_158 = vector.shape_cast %select_n3A : vector<16xi32> to vector<16xi32>
      tpu.vector_store %arg7[%swap3A], %swap3A_158 {strides = array<i32>} : memref<64xi32, #tpu.memory_space<vmem>>, vector<16xi32>,
      %get3A_159 = arith.constant 64 : index
      %get3A_160 = tpu.vector_load %arg6[%get3A_159] {strides = array<i32>} : memref<128xi32, #tpu.memory_space<vmem>>, vector<16xi32>,
      %get3A_161 = vector.shape_cast %get3A_160 : vector<16xi32> to vector<16xi32>
      %sub3A_162 = arith.constant 24576 : i32
      %sub3A_163 = vector.broadcast %sub3A_162 : i32 to vector<16xi32>
      %sub3A_164 = arith.subi %get3A_161, %sub3A_163 : vector<16xi32>
      %ge3A_165 = arith.constant 0 : i32
      %ge3A_166 = vector.broadcast %ge3A_165 : i32 to vector<16xi32>
      %ge3A_167 = arith.cmpi sge, %sub3A_164, %ge3A_166 : vector<16xi32>
      %lt3A_168 = arith.constant 12288 : i32
      %lt3A_169 = vector.broadcast %lt3A_168 : i32 to vector<16xi32>
      %lt3A_170 = arith.cmpi slt, %sub3A_164, %lt3A_169 : vector<16xi32>
      %and3A_171 = arith.andi %ge3A_167, %lt3A_170 : vector<16xi1>
      %jit3A_172 = arith.constant 12288 : i32
      %broadcast_in_dim3A_173 = vector.broadcast %jit3A_172 : i32 to vector<16xi32>
      %select_n3A_174 = arith.select %and3A_171, %sub3A_164, %broadcast_in_dim3A_173 : vector<16xi1>, vector<16xi32>
      %swap3A_175 = arith.constant 0 : index
      %swap3A_176 = tpu.vector_load %arg8[%swap3A_175] {strides = array<i32>} : memref<64xi32, #tpu.memory_space<vmem>>, vector<16xi32>,
      %swap3A_177 = vector.shape_cast %swap3A_176 : vector<16xi32> to vector<16xi32>
      %swap3A_178 = vector.shape_cast %select_n3A_174 : vector<16xi32> to vector<16xi32>
      tpu.vector_store %arg8[%swap3A_175], %swap3A_178 {strides = array<i32>} : memref<64xi32, #tpu.memory_space<vmem>>, vector<16xi32>,
      %get3A_179 = arith.constant 16 : index
      %get3A_180 = tpu.vector_load %arg6[%get3A_179] {strides = array<i32>} : memref<128xi32, #tpu.memory_space<vmem>>, vector<16xi32>,
      %get3A_181 = vector.shape_cast %get3A_180 : vector<16xi32> to vector<16xi32>
      %sub3A_182 = arith.constant 24576 : i32
      %sub3A_183 = vector.broadcast %sub3A_182 : i32 to vector<16xi32>
      %sub3A_184 = arith.subi %get3A_181, %sub3A_183 : vector<16xi32>
      %ge3A_185 = arith.constant 0 : i32
      %ge3A_186 = vector.broadcast %ge3A_185 : i32 to vector<16xi32>
      %ge3A_187 = arith.cmpi sge, %sub3A_184, %ge3A_186 : vector<16xi32>
      %lt3A_188 = arith.constant 12288 : i32
      %lt3A_189 = vector.broadcast %lt3A_188 : i32 to vector<16xi32>
      %lt3A_190 = arith.cmpi slt, %sub3A_184, %lt3A_189 : vector<16xi32>
      %and3A_191 = arith.andi %ge3A_187, %lt3A_190 : vector<16xi1>
      %jit3A_192 = arith.constant 12288 : i32
      %broadcast_in_dim3A_193 = vector.broadcast %jit3A_192 : i32 to vector<16xi32>
      %select_n3A_194 = arith.select %and3A_191, %sub3A_184, %broadcast_in_dim3A_193 : vector<16xi1>, vector<16xi32>
      %swap3A_195 = arith.constant 16 : index
      %swap3A_196 = tpu.vector_load %arg7[%swap3A_195] {strides = array<i32>} : memref<64xi32, #tpu.memory_space<vmem>>, vector<16xi32>,
      %swap3A_197 = vector.shape_cast %swap3A_196 : vector<16xi32> to vector<16xi32>
      %swap3A_198 = vector.shape_cast %select_n3A_194 : vector<16xi32> to vector<16xi32>
      tpu.vector_store %arg7[%swap3A_195], %swap3A_198 {strides = array<i32>} : memref<64xi32, #tpu.memory_space<vmem>>, vector<16xi32>,
      %get3A_199 = arith.constant 80 : index
      %get3A_200 = tpu.vector_load %arg6[%get3A_199] {strides = array<i32>} : memref<128xi32, #tpu.memory_space<vmem>>, vector<16xi32>,
      %get3A_201 = vector.shape_cast %get3A_200 : vector<16xi32> to vector<16xi32>
      %sub3A_202 = arith.constant 24576 : i32
      %sub3A_203 = vector.broadcast %sub3A_202 : i32 to vector<16xi32>
      %sub3A_204 = arith.subi %get3A_201, %sub3A_203 : vector<16xi32>
      %ge3A_205 = arith.constant 0 : i32
      %ge3A_206 = vector.broadcast %ge3A_205 : i32 to vector<16xi32>
      %ge3A_207 = arith.cmpi sge, %sub3A_204, %ge3A_206 : vector<16xi32>
      %lt3A_208 = arith.constant 12288 : i32
      %lt3A_209 = vector.broadcast %lt3A_208 : i32 to vector<16xi32>
      %lt3A_210 = arith.cmpi slt, %sub3A_204, %lt3A_209 : vector<16xi32>
      %and3A_211 = arith.andi %ge3A_207, %lt3A_210 : vector<16xi1>
      %jit3A_212 = arith.constant 12288 : i32
      %broadcast_in_dim3A_213 = vector.broadcast %jit3A_212 : i32 to vector<16xi32>
      %select_n3A_214 = arith.select %and3A_211, %sub3A_204, %broadcast_in_dim3A_213 : vector<16xi1>, vector<16xi32>
      %swap3A_215 = arith.constant 16 : index
      %swap3A_216 = tpu.vector_load %arg8[%swap3A_215] {strides = array<i32>} : memref<64xi32, #tpu.memory_space<vmem>>, vector<16xi32>,
      %swap3A_217 = vector.shape_cast %swap3A_216 : vector<16xi32> to vector<16xi32>
      %swap3A_218 = vector.shape_cast %select_n3A_214 : vector<16xi32> to vector<16xi32>
      tpu.vector_store %arg8[%swap3A_215], %swap3A_218 {strides = array<i32>} : memref<64xi32, #tpu.memory_space<vmem>>, vector<16xi32>,
      %get3A_219 = arith.constant 32 : index
      %get3A_220 = tpu.vector_load %arg6[%get3A_219] {strides = array<i32>} : memref<128xi32, #tpu.memory_space<vmem>>, vector<16xi32>,
      %get3A_221 = vector.shape_cast %get3A_220 : vector<16xi32> to vector<16xi32>
      %sub3A_222 = arith.constant 24576 : i32
      %sub3A_223 = vector.broadcast %sub3A_222 : i32 to vector<16xi32>
      %sub3A_224 = arith.subi %get3A_221, %sub3A_223 : vector<16xi32>
      %ge3A_225 = arith.constant 0 : i32
      %ge3A_226 = vector.broadcast %ge3A_225 : i32 to vector<16xi32>
      %ge3A_227 = arith.cmpi sge, %sub3A_224, %ge3A_226 : vector<16xi32>
      %lt3A_228 = arith.constant 12288 : i32
      %lt3A_229 = vector.broadcast %lt3A_228 : i32 to vector<16xi32>
      %lt3A_230 = arith.cmpi slt, %sub3A_224, %lt3A_229 : vector<16xi32>
      %and3A_231 = arith.andi %ge3A_227, %lt3A_230 : vector<16xi1>
      %jit3A_232 = arith.constant 12288 : i32
      %broadcast_in_dim3A_233 = vector.broadcast %jit3A_232 : i32 to vector<16xi32>
      %select_n3A_234 = arith.select %and3A_231, %sub3A_224, %broadcast_in_dim3A_233 : vector<16xi1>, vector<16xi32>
      %swap3A_235 = arith.constant 32 : index
      %swap3A_236 = tpu.vector_load %arg7[%swap3A_235] {strides = array<i32>} : memref<64xi32, #tpu.memory_space<vmem>>, vector<16xi32>,
      %swap3A_237 = vector.shape_cast %swap3A_236 : vector<16xi32> to vector<16xi32>
      %swap3A_238 = vector.shape_cast %select_n3A_234 : vector<16xi32> to vector<16xi32>
      tpu.vector_store %arg7[%swap3A_235], %swap3A_238 {strides = array<i32>} : memref<64xi32, #tpu.memory_space<vmem>>, vector<16xi32>,
      %get3A_239 = arith.constant 96 : index
      %get3A_240 = tpu.vector_load %arg6[%get3A_239] {strides = array<i32>} : memref<128xi32, #tpu.memory_space<vmem>>, vector<16xi32>,
      %get3A_241 = vector.shape_cast %get3A_240 : vector<16xi32> to vector<16xi32>
      %sub3A_242 = arith.constant 24576 : i32
      %sub3A_243 = vector.broadcast %sub3A_242 : i32 to vector<16xi32>
      %sub3A_244 = arith.subi %get3A_241, %sub3A_243 : vector<16xi32>
      %ge3A_245 = arith.constant 0 : i32
      %ge3A_246 = vector.broadcast %ge3A_245 : i32 to vector<16xi32>
      %ge3A_247 = arith.cmpi sge, %sub3A_244, %ge3A_246 : vector<16xi32>
      %lt3A_248 = arith.constant 12288 : i32
      %lt3A_249 = vector.broadcast %lt3A_248 : i32 to vector<16xi32>
      %lt3A_250 = arith.cmpi slt, %sub3A_244, %lt3A_249 : vector<16xi32>
      %and3A_251 = arith.andi %ge3A_247, %lt3A_250 : vector<16xi1>
      %jit3A_252 = arith.constant 12288 : i32
      %broadcast_in_dim3A_253 = vector.broadcast %jit3A_252 : i32 to vector<16xi32>
      %select_n3A_254 = arith.select %and3A_251, %sub3A_244, %broadcast_in_dim3A_253 : vector<16xi1>, vector<16xi32>
      %swap3A_255 = arith.constant 32 : index
      %swap3A_256 = tpu.vector_load %arg8[%swap3A_255] {strides = array<i32>} : memref<64xi32, #tpu.memory_space<vmem>>, vector<16xi32>,
      %swap3A_257 = vector.shape_cast %swap3A_256 : vector<16xi32> to vector<16xi32>
      %swap3A_258 = vector.shape_cast %select_n3A_254 : vector<16xi32> to vector<16xi32>
      tpu.vector_store %arg8[%swap3A_255], %swap3A_258 {strides = array<i32>} : memref<64xi32, #tpu.memory_space<vmem>>, vector<16xi32>,
      %get3A_259 = arith.constant 48 : index
      %get3A_260 = tpu.vector_load %arg6[%get3A_259] {strides = array<i32>} : memref<128xi32, #tpu.memory_space<vmem>>, vector<16xi32>,
      %get3A_261 = vector.shape_cast %get3A_260 : vector<16xi32> to vector<16xi32>
      %sub3A_262 = arith.constant 24576 : i32
      %sub3A_263 = vector.broadcast %sub3A_262 : i32 to vector<16xi32>
      %sub3A_264 = arith.subi %get3A_261, %sub3A_263 : vector<16xi32>
      %ge3A_265 = arith.constant 0 : i32
      %ge3A_266 = vector.broadcast %ge3A_265 : i32 to vector<16xi32>
      %ge3A_267 = arith.cmpi sge, %sub3A_264, %ge3A_266 : vector<16xi32>
      %lt3A_268 = arith.constant 12288 : i32
      %lt3A_269 = vector.broadcast %lt3A_268 : i32 to vector<16xi32>
      %lt3A_270 = arith.cmpi slt, %sub3A_264, %lt3A_269 : vector<16xi32>
      %and3A_271 = arith.andi %ge3A_267, %lt3A_270 : vector<16xi1>
      %jit3A_272 = arith.constant 12288 : i32
      %broadcast_in_dim3A_273 = vector.broadcast %jit3A_272 : i32 to vector<16xi32>
      %select_n3A_274 = arith.select %and3A_271, %sub3A_264, %broadcast_in_dim3A_273 : vector<16xi1>, vector<16xi32>
      %swap3A_275 = arith.constant 48 : index
      %swap3A_276 = tpu.vector_load %arg7[%swap3A_275] {strides = array<i32>} : memref<64xi32, #tpu.memory_space<vmem>>, vector<16xi32>,
      %swap3A_277 = vector.shape_cast %swap3A_276 : vector<16xi32> to vector<16xi32>
      %swap3A_278 = vector.shape_cast %select_n3A_274 : vector<16xi32> to vector<16xi32>
      tpu.vector_store %arg7[%swap3A_275], %swap3A_278 {strides = array<i32>} : memref<64xi32, #tpu.memory_space<vmem>>, vector<16xi32>,
      %get3A_279 = arith.constant 112 : index
      %get3A_280 = tpu.vector_load %arg6[%get3A_279] {strides = array<i32>} : memref<128xi32, #tpu.memory_space<vmem>>, vector<16xi32>,
      %get3A_281 = vector.shape_cast %get3A_280 : vector<16xi32> to vector<16xi32>
      %sub3A_282 = arith.constant 24576 : i32
      %sub3A_283 = vector.broadcast %sub3A_282 : i32 to vector<16xi32>
      %sub3A_284 = arith.subi %get3A_281, %sub3A_283 : vector<16xi32>
      %ge3A_285 = arith.constant 0 : i32
      %ge3A_286 = vector.broadcast %ge3A_285 : i32 to vector<16xi32>
      %ge3A_287 = arith.cmpi sge, %sub3A_284, %ge3A_286 : vector<16xi32>
      %lt3A_288 = arith.constant 12288 : i32
      %lt3A_289 = vector.broadcast %lt3A_288 : i32 to vector<16xi32>
      %lt3A_290 = arith.cmpi slt, %sub3A_284, %lt3A_289 : vector<16xi32>
      %and3A_291 = arith.andi %ge3A_287, %lt3A_290 : vector<16xi1>
      %jit3A_292 = arith.constant 12288 : i32
      %broadcast_in_dim3A_293 = vector.broadcast %jit3A_292 : i32 to vector<16xi32>
      %select_n3A_294 = arith.select %and3A_291, %sub3A_284, %broadcast_in_dim3A_293 : vector<16xi1>, vector<16xi32>
      %swap3A_295 = arith.constant 48 : index
      %swap3A_296 = tpu.vector_load %arg8[%swap3A_295] {strides = array<i32>} : memref<64xi32, #tpu.memory_space<vmem>>, vector<16xi32>,
      %swap3A_297 = vector.shape_cast %swap3A_296 : vector<16xi32> to vector<16xi32>
      %swap3A_298 = vector.shape_cast %select_n3A_294 : vector<16xi32> to vector<16xi32>
      tpu.vector_store %arg8[%swap3A_295], %swap3A_298 {strides = array<i32>} : memref<64xi32, #tpu.memory_space<vmem>>, vector<16xi32>,
      %dma_wait3A_299 = arith.constant 0 : i32
      %dma_wait3A_300 = tpu.memref_slice %arg2[%arg0, %add3A_139, %dma_wait3A_299] : memref<2x589824x128xf32, #tpu.memory_space<hbm>> -> memref<1x64x128xf32, #tpu.memory_space<hbm>>
      %dma_wait3A_301 = tpu.memref_squeeze %dma_wait3A_300 : memref<1x64x128xf32, #tpu.memory_space<hbm>> -> memref<64x128xf32, #tpu.memory_space<hbm>>
      %dma_wait3A_302 = arith.constant 0 : i32
      %dma_wait3A_303 = tpu.memref_slice %arg2[%arg0, %add3A_139, %dma_wait3A_302] : memref<2x589824x128xf32, #tpu.memory_space<hbm>> -> memref<1x64x128xf32, #tpu.memory_space<hbm>>
      %dma_wait3A_304 = tpu.memref_squeeze %dma_wait3A_303 : memref<1x64x128xf32, #tpu.memory_space<hbm>> -> memref<64x128xf32, #tpu.memory_space<hbm>>
      tpu.wait_dma2 semaphore(%arg13 : memref<!tpu.dma_semaphore, #tpu.memory_space<semaphore_mem>>) src(%dma_wait3A_304 : memref<64x128xf32, #tpu.memory_space<hbm>>) dst(%arg9 : memref<64x128xf32, #tpu.memory_space<vmem>>)
      "tpu.region"() ({
        %run_scoped3A = tpu.sem_alloc : memref<!tpu.dma_semaphore, #tpu.memory_space<semaphore_mem>>
        %dma_start3A_322 = arith.constant 0 : i32
        %dma_start3A_323 = arith.constant 0 : i32
        %dma_start3A_324 = tpu.memref_slice %arg12[%dma_start3A_322, %dma_start3A_323] : memref<13312x128xf32, #tpu.memory_space<vmem_shared>> -> memref<13312x128xf32, #tpu.memory_space<vmem_shared>>
        tpu.enqueue_indirect_dma source(%arg9 : memref<64x128xf32, #tpu.memory_space<vmem>>) target(%dma_start3A_324 : memref<13312x128xf32, #tpu.memory_space<vmem_shared>>) offsets(%arg7 : memref<64xi32, #tpu.memory_space<vmem>>) semaphore(%run_scoped3A : memref<!tpu.dma_semaphore, #tpu.memory_space<semaphore_mem>>) {add = true}
        %dma_wait3A_325 = arith.constant 0 : i32
        %dma_wait3A_326 = arith.constant 0 : i32
        %dma_wait3A_327 = tpu.memref_slice %arg12[%dma_wait3A_325, %dma_wait3A_326] : memref<13312x128xf32, #tpu.memory_space<vmem_shared>> -> memref<13312x128xf32, #tpu.memory_space<vmem_shared>>
        tpu.wait_indirect_dma semaphore(%run_scoped3A : memref<!tpu.dma_semaphore, #tpu.memory_space<semaphore_mem>>) src(%arg9 : memref<64x128xf32, #tpu.memory_space<vmem>>) dst(%dma_wait3A_327 : memref<13312x128xf32, #tpu.memory_space<vmem_shared>>)
        tpu.yield
      }) : () -> ()
      %add3A_305 = arith.constant 128 : i32
      %add3A_306 = arith.addi %add3A_139, %add3A_305 : i32
      %min3A = arith.constant 589760 : i32
      %min3A_307 = arith.minsi %add3A_306, %min3A : i32
      %dma_start3A_308 = arith.constant 0 : i32
      %dma_start3A_309 = tpu.memref_slice %arg2[%arg0, %min3A_307, %dma_start3A_308] : memref<2x589824x128xf32, #tpu.memory_space<hbm>> -> memref<1x64x128xf32, #tpu.memory_space<hbm>>
      %dma_start3A_310 = tpu.memref_squeeze %dma_start3A_309 : memref<1x64x128xf32, #tpu.memory_space<hbm>> -> memref<64x128xf32, #tpu.memory_space<hbm>>
      %dma_start3A_311 = arith.constant 0 : i32
      %dma_start3A_312 = tpu.memref_slice %arg2[%arg0, %min3A_307, %dma_start3A_311] : memref<2x589824x128xf32, #tpu.memory_space<hbm>> -> memref<1x64x128xf32, #tpu.memory_space<hbm>>
      %dma_start3A_313 = tpu.memref_squeeze %dma_start3A_312 : memref<1x64x128xf32, #tpu.memory_space<hbm>> -> memref<64x128xf32, #tpu.memory_space<hbm>>
      tpu.enqueue_dma source(%dma_start3A_313 : memref<64x128xf32, #tpu.memory_space<hbm>>) target(%arg9 : memref<64x128xf32, #tpu.memory_space<vmem>>) target_semaphore(%arg13 : memref<!tpu.dma_semaphore, #tpu.memory_space<semaphore_mem>>)
      %add3A_314 = arith.constant 64 : i32
      %add3A_315 = arith.addi %add3A_139, %add3A_314 : i32
      %dma_wait3A_316 = arith.constant 0 : i32
      %dma_wait3A_317 = tpu.memref_slice %arg2[%arg0, %add3A_315, %dma_wait3A_316] : memref<2x589824x128xf32, #tpu.memory_space<hbm>> -> memref<1x64x128xf32, #tpu.memory_space<hbm>>
      %dma_wait3A_318 = tpu.memref_squeeze %dma_wait3A_317 : memref<1x64x128xf32, #tpu.memory_space<hbm>> -> memref<64x128xf32, #tpu.memory_space<hbm>>
      %dma_wait3A_319 = arith.constant 0 : i32
      %dma_wait3A_320 = tpu.memref_slice %arg2[%arg0, %add3A_315, %dma_wait3A_319] : memref<2x589824x128xf32, #tpu.memory_space<hbm>> -> memref<1x64x128xf32, #tpu.memory_space<hbm>>
      %dma_wait3A_321 = tpu.memref_squeeze %dma_wait3A_320 : memref<1x64x128xf32, #tpu.memory_space<hbm>> -> memref<64x128xf32, #tpu.memory_space<hbm>>
      tpu.wait_dma2 semaphore(%arg14 : memref<!tpu.dma_semaphore, #tpu.memory_space<semaphore_mem>>) src(%dma_wait3A_321 : memref<64x128xf32, #tpu.memory_space<hbm>>) dst(%arg10 : memref<64x128xf32, #tpu.memory_space<vmem>>)
      "tpu.region"() ({
        %run_scoped3A = tpu.sem_alloc : memref<!tpu.dma_semaphore, #tpu.memory_space<semaphore_mem>>
        %dma_start3A_322 = arith.constant 0 : i32
        %dma_start3A_323 = arith.constant 0 : i32
        %dma_start3A_324 = tpu.memref_slice %arg12[%dma_start3A_322, %dma_start3A_323] : memref<13312x128xf32, #tpu.memory_space<vmem_shared>> -> memref<13312x128xf32, #tpu.memory_space<vmem_shared>>
        tpu.enqueue_indirect_dma source(%arg10 : memref<64x128xf32, #tpu.memory_space<vmem>>) target(%dma_start3A_324 : memref<13312x128xf32, #tpu.memory_space<vmem_shared>>) offsets(%arg8 : memref<64xi32, #tpu.memory_space<vmem>>) semaphore(%run_scoped3A : memref<!tpu.dma_semaphore, #tpu.memory_space<semaphore_mem>>) {add = true}
        %dma_wait3A_325 = arith.constant 0 : i32
        %dma_wait3A_326 = arith.constant 0 : i32
        %dma_wait3A_327 = tpu.memref_slice %arg12[%dma_wait3A_325, %dma_wait3A_326] : memref<13312x128xf32, #tpu.memory_space<vmem_shared>> -> memref<13312x128xf32, #tpu.memory_space<vmem_shared>>
        tpu.wait_indirect_dma semaphore(%run_scoped3A : memref<!tpu.dma_semaphore, #tpu.memory_space<semaphore_mem>>) src(%arg10 : memref<64x128xf32, #tpu.memory_space<vmem>>) dst(%dma_wait3A_327 : memref<13312x128xf32, #tpu.memory_space<vmem_shared>>)
        tpu.yield
      }) : () -> ()
    }
    %scan3A_84 = arith.constant 288 : i32
    %dma_wait3A_85 = arith.constant 0 : i32
    %dma_wait3A_86 = arith.constant 0 : i32
    %dma_wait3A_87 = tpu.memref_slice %arg2[%arg0, %dma_wait3A_85, %dma_wait3A_86] : memref<2x589824x128xf32, #tpu.memory_space<hbm>> -> memref<1x64x128xf32, #tpu.memory_space<hbm>>
    %dma_wait3A_88 = tpu.memref_squeeze %dma_wait3A_87 : memref<1x64x128xf32, #tpu.memory_space<hbm>> -> memref<64x128xf32, #tpu.memory_space<hbm>>
    %dma_wait3A_89 = arith.constant 0 : i32
    %dma_wait3A_90 = arith.constant 0 : i32
    %dma_wait3A_91 = tpu.memref_slice %arg2[%arg0, %dma_wait3A_89, %dma_wait3A_90] : memref<2x589824x128xf32, #tpu.memory_space<hbm>> -> memref<1x64x128xf32, #tpu.memory_space<hbm>>
    %dma_wait3A_92 = tpu.memref_squeeze %dma_wait3A_91 : memref<1x64x128xf32, #tpu.memory_space<hbm>> -> memref<64x128xf32, #tpu.memory_space<hbm>>
    tpu.wait_dma2 semaphore(%arg13 : memref<!tpu.dma_semaphore, #tpu.memory_space<semaphore_mem>>) src(%dma_wait3A_92 : memref<64x128xf32, #tpu.memory_space<hbm>>) dst(%arg9 : memref<64x128xf32, #tpu.memory_space<vmem>>)
    %barrier3A_93 = arith.constant 0 : index
    tpu.barrier barrier_id(%barrier3A_93)
    %mul3A_94 = arith.constant 768 : i32
    %mul3A_95 = arith.muli %arg1, %mul3A_94 : i32
    %mul3A_96 = arith.constant 768 : i32
    %mul3A_97 = arith.muli %arg1, %mul3A_96 : i32
    %add3A_98 = arith.constant 24576 : i32
    %add3A_99 = arith.addi %add3A_98, %mul3A_97 : i32
    "tpu.region"() ({
      %run_scoped3A = tpu.sem_alloc : memref<!tpu.dma_semaphore, #tpu.memory_space<semaphore_mem>>
      %dma_start3A_136 = arith.constant 0 : i32
      %dma_start3A_137 = tpu.memref_slice %arg5[%arg0, %add3A_99, %dma_start3A_136] : memref<2x49152x128xf32, #tpu.memory_space<hbm>> -> memref<1x768x128xf32, #tpu.memory_space<hbm>>
      %dma_start3A_138 = tpu.memref_squeeze %dma_start3A_137 : memref<1x768x128xf32, #tpu.memory_space<hbm>> -> memref<768x128xf32, #tpu.memory_space<hbm>>
      %dma_start3A_139 = arith.constant 0 : i32
      %dma_start3A_140 = tpu.memref_slice %arg12[%mul3A_95, %dma_start3A_139] : memref<13312x128xf32, #tpu.memory_space<vmem_shared>> -> memref<768x128xf32, #tpu.memory_space<vmem_shared>>
      tpu.enqueue_dma source(%dma_start3A_140 : memref<768x128xf32, #tpu.memory_space<vmem_shared>>) target(%dma_start3A_138 : memref<768x128xf32, #tpu.memory_space<hbm>>) target_semaphore(%run_scoped3A : memref<!tpu.dma_semaphore, #tpu.memory_space<semaphore_mem>>)
      %dma_wait3A_141 = arith.constant 0 : i32
      %dma_wait3A_142 = tpu.memref_slice %arg5[%arg0, %add3A_99, %dma_wait3A_141] : memref<2x49152x128xf32, #tpu.memory_space<hbm>> -> memref<1x768x128xf32, #tpu.memory_space<hbm>>
      %dma_wait3A_143 = tpu.memref_squeeze %dma_wait3A_142 : memref<1x768x128xf32, #tpu.memory_space<hbm>> -> memref<768x128xf32, #tpu.memory_space<hbm>>
      %dma_wait3A_144 = arith.constant 0 : i32
      %dma_wait3A_145 = tpu.memref_slice %arg12[%mul3A_95, %dma_wait3A_144] : memref<13312x128xf32, #tpu.memory_space<vmem_shared>> -> memref<768x128xf32, #tpu.memory_space<vmem_shared>>
      tpu.wait_dma2 semaphore(%run_scoped3A : memref<!tpu.dma_semaphore, #tpu.memory_space<semaphore_mem>>) src(%dma_wait3A_145 : memref<768x128xf32, #tpu.memory_space<vmem_shared>>) dst(%dma_wait3A_143 : memref<768x128xf32, #tpu.memory_space<hbm>>)
      tpu.yield
    }) : () -> ()
    %barrier3A_100 = arith.constant 0 : index
    tpu.barrier barrier_id(%barrier3A_100)
    %scan3A_101 = arith.constant 0 : i32
    %scan3A_102 = arith.constant 0 : i32
    %scan3A_103 = arith.constant 52 : i32
    %scan3A_104 = arith.addi %scan3A_102, %scan3A_103 : i32
    %scan3A_105 = arith.constant 1 : i32
    scf.for %scan3A_136 = %scan3A_102 to %scan3A_104 step %scan3A_105  : i32 {
      %mul3A_137 = arith.constant 832 : i32
      %mul3A_138 = arith.muli %arg1, %mul3A_137 : i32
      %mul3A_139 = arith.constant 16 : i32
      %mul3A_140 = arith.muli %scan3A_136, %mul3A_139 : i32
      %add3A_141 = arith.addi %mul3A_138, %mul3A_140 : i32
      "tpu.region"() ({
        %run_scoped3A = tpu.sem_alloc : memref<!tpu.dma_semaphore, #tpu.memory_space<semaphore_mem>>
        %dma_start3A_142 = arith.constant 0 : i32
        %dma_start3A_143 = tpu.memref_slice %arg12[%add3A_141, %dma_start3A_142] : memref<13312x128xf32, #tpu.memory_space<vmem_shared>> -> memref<16x128xf32, #tpu.memory_space<vmem_shared>>
        %dma_start3A_144 = arith.constant 0 : i32
        %dma_start3A_145 = tpu.memref_slice %arg12[%add3A_141, %dma_start3A_144] : memref<13312x128xf32, #tpu.memory_space<vmem_shared>> -> memref<16x128xf32, #tpu.memory_space<vmem_shared>>
        tpu.enqueue_dma source(%arg11 : memref<16x128xf32, #tpu.memory_space<vmem>>) target(%dma_start3A_145 : memref<16x128xf32, #tpu.memory_space<vmem_shared>>) target_semaphore(%run_scoped3A : memref<!tpu.dma_semaphore, #tpu.memory_space<semaphore_mem>>)
        %dma_wait3A_146 = arith.constant 0 : i32
        %dma_wait3A_147 = tpu.memref_slice %arg12[%add3A_141, %dma_wait3A_146] : memref<13312x128xf32, #tpu.memory_space<vmem_shared>> -> memref<16x128xf32, #tpu.memory_space<vmem_shared>>
        %dma_wait3A_148 = arith.constant 0 : i32
        %dma_wait3A_149 = tpu.memref_slice %arg12[%add3A_141, %dma_wait3A_148] : memref<13312x128xf32, #tpu.memory_space<vmem_shared>> -> memref<16x128xf32, #tpu.memory_space<vmem_shared>>
        tpu.wait_dma2 semaphore(%run_scoped3A : memref<!tpu.dma_semaphore, #tpu.memory_space<semaphore_mem>>) src(%arg11 : memref<16x128xf32, #tpu.memory_space<vmem>>) dst(%dma_wait3A_149 : memref<16x128xf32, #tpu.memory_space<vmem_shared>>)
        tpu.yield
      }) : () -> ()
    }
    %scan3A_106 = arith.constant 52 : i32
    %barrier3A_107 = arith.constant 0 : index
    tpu.barrier barrier_id(%barrier3A_107)
    %dma_start3A_108 = arith.constant 0 : i32
    %dma_start3A_109 = tpu.memref_slice %arg2[%arg0, %mul3A_0, %dma_start3A_108] : memref<2x589824x128xf32, #tpu.memory_space<hbm>> -> memref<1x64x128xf32, #tpu.memory_space<hbm>>
    %dma_start3A_110 = tpu.memref_squeeze %dma_start3A_109 : memref<1x64x128xf32, #tpu.memory_space<hbm>> -> memref<64x128xf32, #tpu.memory_space<hbm>>
    %dma_start3A_111 = arith.constant 0 : i32
    %dma_start3A_112 = tpu.memref_slice %arg2[%arg0, %mul3A_0, %dma_start3A_111] : memref<2x589824x128xf32, #tpu.memory_space<hbm>> -> memref<1x64x128xf32, #tpu.memory_space<hbm>>
    %dma_start3A_113 = tpu.memref_squeeze %dma_start3A_112 : memref<1x64x128xf32, #tpu.memory_space<hbm>> -> memref<64x128xf32, #tpu.memory_space<hbm>>
    tpu.enqueue_dma source(%dma_start3A_113 : memref<64x128xf32, #tpu.memory_space<hbm>>) target(%arg9 : memref<64x128xf32, #tpu.memory_space<vmem>>) target_semaphore(%arg13 : memref<!tpu.dma_semaphore, #tpu.memory_space<semaphore_mem>>)
    %scan3A_114 = arith.constant 0 : i32
    %scan3A_115 = arith.constant 0 : i32
    %scan3A_116 = arith.constant 288 : i32
    %scan3A_117 = arith.addi %scan3A_115, %scan3A_116 : i32
    %scan3A_118 = arith.constant 1 : i32
    scf.for %scan3A_136 = %scan3A_115 to %scan3A_117 step %scan3A_118  : i32 {
      %mul3A_137 = arith.constant 128 : i32
      %mul3A_138 = arith.muli %scan3A_136, %mul3A_137 : i32
      %add3A_139 = arith.addi %mul3A_0, %mul3A_138 : i32
      %add3A_140 = arith.constant 64 : i32
      %add3A_141 = arith.addi %add3A_139, %add3A_140 : i32
      %dma_start3A_142 = arith.constant 0 : i32
      %dma_start3A_143 = tpu.memref_slice %arg2[%arg0, %add3A_141, %dma_start3A_142] : memref<2x589824x128xf32, #tpu.memory_space<hbm>> -> memref<1x64x128xf32, #tpu.memory_space<hbm>>
      %dma_start3A_144 = tpu.memref_squeeze %dma_start3A_143 : memref<1x64x128xf32, #tpu.memory_space<hbm>> -> memref<64x128xf32, #tpu.memory_space<hbm>>
      %dma_start3A_145 = arith.constant 0 : i32
      %dma_start3A_146 = tpu.memref_slice %arg2[%arg0, %add3A_141, %dma_start3A_145] : memref<2x589824x128xf32, #tpu.memory_space<hbm>> -> memref<1x64x128xf32, #tpu.memory_space<hbm>>
      %dma_start3A_147 = tpu.memref_squeeze %dma_start3A_146 : memref<1x64x128xf32, #tpu.memory_space<hbm>> -> memref<64x128xf32, #tpu.memory_space<hbm>>
      tpu.enqueue_dma source(%dma_start3A_147 : memref<64x128xf32, #tpu.memory_space<hbm>>) target(%arg10 : memref<64x128xf32, #tpu.memory_space<vmem>>) target_semaphore(%arg14 : memref<!tpu.dma_semaphore, #tpu.memory_space<semaphore_mem>>)
      "tpu.region"() ({
        %run_scoped3A = tpu.sem_alloc : memref<!tpu.dma_semaphore, #tpu.memory_space<semaphore_mem>>
        %dma_start3A_322 = arith.constant 0 : i32
        %dma_start3A_323 = tpu.memref_slice %arg3[%arg1, %scan3A_136, %dma_start3A_322] : memref<16x288x128xi32, #tpu.memory_space<hbm>> -> memref<1x1x128xi32, #tpu.memory_space<hbm>>
        %dma_start3A_324 = tpu.memref_squeeze %dma_start3A_323 : memref<1x1x128xi32, #tpu.memory_space<hbm>> -> memref<128xi32, #tpu.memory_space<hbm>>
        %dma_start3A_325 = arith.constant 0 : i32
        %dma_start3A_326 = tpu.memref_slice %arg3[%arg1, %scan3A_136, %dma_start3A_325] : memref<16x288x128xi32, #tpu.memory_space<hbm>> -> memref<1x1x128xi32, #tpu.memory_space<hbm>>
        %dma_start3A_327 = tpu.memref_squeeze %dma_start3A_326 : memref<1x1x128xi32, #tpu.memory_space<hbm>> -> memref<128xi32, #tpu.memory_space<hbm>>
        tpu.enqueue_dma source(%dma_start3A_327 : memref<128xi32, #tpu.memory_space<hbm>>) target(%arg6 : memref<128xi32, #tpu.memory_space<vmem>>) target_semaphore(%run_scoped3A : memref<!tpu.dma_semaphore, #tpu.memory_space<semaphore_mem>>)
        %dma_wait3A_328 = arith.constant 0 : i32
        %dma_wait3A_329 = tpu.memref_slice %arg3[%arg1, %scan3A_136, %dma_wait3A_328] : memref<16x288x128xi32, #tpu.memory_space<hbm>> -> memref<1x1x128xi32, #tpu.memory_space<hbm>>
        %dma_wait3A_330 = tpu.memref_squeeze %dma_wait3A_329 : memref<1x1x128xi32, #tpu.memory_space<hbm>> -> memref<128xi32, #tpu.memory_space<hbm>>
        %dma_wait3A_331 = arith.constant 0 : i32
        %dma_wait3A_332 = tpu.memref_slice %arg3[%arg1, %scan3A_136, %dma_wait3A_331] : memref<16x288x128xi32, #tpu.memory_space<hbm>> -> memref<1x1x128xi32, #tpu.memory_space<hbm>>
        %dma_wait3A_333 = tpu.memref_squeeze %dma_wait3A_332 : memref<1x1x128xi32, #tpu.memory_space<hbm>> -> memref<128xi32, #tpu.memory_space<hbm>>
        tpu.wait_dma2 semaphore(%run_scoped3A : memref<!tpu.dma_semaphore, #tpu.memory_space<semaphore_mem>>) src(%dma_wait3A_333 : memref<128xi32, #tpu.memory_space<hbm>>) dst(%arg6 : memref<128xi32, #tpu.memory_space<vmem>>)
        tpu.yield
      }) : () -> ()
      %get3A = arith.constant 0 : index
      %get3A_148 = tpu.vector_load %arg6[%get3A] {strides = array<i32>} : memref<128xi32, #tpu.memory_space<vmem>>, vector<16xi32>,
      %get3A_149 = vector.shape_cast %get3A_148 : vector<16xi32> to vector<16xi32>
      %sub3A = arith.constant 36864 : i32
      %sub3A_150 = vector.broadcast %sub3A : i32 to vector<16xi32>
      %sub3A_151 = arith.subi %get3A_149, %sub3A_150 : vector<16xi32>
      %ge3A = arith.constant 0 : i32
      %ge3A_152 = vector.broadcast %ge3A : i32 to vector<16xi32>
      %ge3A_153 = arith.cmpi sge, %sub3A_151, %ge3A_152 : vector<16xi32>
      %lt3A = arith.constant 12288 : i32
      %lt3A_154 = vector.broadcast %lt3A : i32 to vector<16xi32>
      %lt3A_155 = arith.cmpi slt, %sub3A_151, %lt3A_154 : vector<16xi32>
      %and3A = arith.andi %ge3A_153, %lt3A_155 : vector<16xi1>
      %jit3A = arith.constant 12288 : i32
      %broadcast_in_dim3A = vector.broadcast %jit3A : i32 to vector<16xi32>
      %select_n3A = arith.select %and3A, %sub3A_151, %broadcast_in_dim3A : vector<16xi1>, vector<16xi32>
      %swap3A = arith.constant 0 : index
      %swap3A_156 = tpu.vector_load %arg7[%swap3A] {strides = array<i32>} : memref<64xi32, #tpu.memory_space<vmem>>, vector<16xi32>,
      %swap3A_157 = vector.shape_cast %swap3A_156 : vector<16xi32> to vector<16xi32>
      %swap3A_158 = vector.shape_cast %select_n3A : vector<16xi32> to vector<16xi32>
      tpu.vector_store %arg7[%swap3A], %swap3A_158 {strides = array<i32>} : memref<64xi32, #tpu.memory_space<vmem>>, vector<16xi32>,
      %get3A_159 = arith.constant 64 : index
      %get3A_160 = tpu.vector_load %arg6[%get3A_159] {strides = array<i32>} : memref<128xi32, #tpu.memory_space<vmem>>, vector<16xi32>,
      %get3A_161 = vector.shape_cast %get3A_160 : vector<16xi32> to vector<16xi32>
      %sub3A_162 = arith.constant 36864 : i32
      %sub3A_163 = vector.broadcast %sub3A_162 : i32 to vector<16xi32>
      %sub3A_164 = arith.subi %get3A_161, %sub3A_163 : vector<16xi32>
      %ge3A_165 = arith.constant 0 : i32
      %ge3A_166 = vector.broadcast %ge3A_165 : i32 to vector<16xi32>
      %ge3A_167 = arith.cmpi sge, %sub3A_164, %ge3A_166 : vector<16xi32>
      %lt3A_168 = arith.constant 12288 : i32
      %lt3A_169 = vector.broadcast %lt3A_168 : i32 to vector<16xi32>
      %lt3A_170 = arith.cmpi slt, %sub3A_164, %lt3A_169 : vector<16xi32>
      %and3A_171 = arith.andi %ge3A_167, %lt3A_170 : vector<16xi1>
      %jit3A_172 = arith.constant 12288 : i32
      %broadcast_in_dim3A_173 = vector.broadcast %jit3A_172 : i32 to vector<16xi32>
      %select_n3A_174 = arith.select %and3A_171, %sub3A_164, %broadcast_in_dim3A_173 : vector<16xi1>, vector<16xi32>
      %swap3A_175 = arith.constant 0 : index
      %swap3A_176 = tpu.vector_load %arg8[%swap3A_175] {strides = array<i32>} : memref<64xi32, #tpu.memory_space<vmem>>, vector<16xi32>,
      %swap3A_177 = vector.shape_cast %swap3A_176 : vector<16xi32> to vector<16xi32>
      %swap3A_178 = vector.shape_cast %select_n3A_174 : vector<16xi32> to vector<16xi32>
      tpu.vector_store %arg8[%swap3A_175], %swap3A_178 {strides = array<i32>} : memref<64xi32, #tpu.memory_space<vmem>>, vector<16xi32>,
      %get3A_179 = arith.constant 16 : index
      %get3A_180 = tpu.vector_load %arg6[%get3A_179] {strides = array<i32>} : memref<128xi32, #tpu.memory_space<vmem>>, vector<16xi32>,
      %get3A_181 = vector.shape_cast %get3A_180 : vector<16xi32> to vector<16xi32>
      %sub3A_182 = arith.constant 36864 : i32
      %sub3A_183 = vector.broadcast %sub3A_182 : i32 to vector<16xi32>
      %sub3A_184 = arith.subi %get3A_181, %sub3A_183 : vector<16xi32>
      %ge3A_185 = arith.constant 0 : i32
      %ge3A_186 = vector.broadcast %ge3A_185 : i32 to vector<16xi32>
      %ge3A_187 = arith.cmpi sge, %sub3A_184, %ge3A_186 : vector<16xi32>
      %lt3A_188 = arith.constant 12288 : i32
      %lt3A_189 = vector.broadcast %lt3A_188 : i32 to vector<16xi32>
      %lt3A_190 = arith.cmpi slt, %sub3A_184, %lt3A_189 : vector<16xi32>
      %and3A_191 = arith.andi %ge3A_187, %lt3A_190 : vector<16xi1>
      %jit3A_192 = arith.constant 12288 : i32
      %broadcast_in_dim3A_193 = vector.broadcast %jit3A_192 : i32 to vector<16xi32>
      %select_n3A_194 = arith.select %and3A_191, %sub3A_184, %broadcast_in_dim3A_193 : vector<16xi1>, vector<16xi32>
      %swap3A_195 = arith.constant 16 : index
      %swap3A_196 = tpu.vector_load %arg7[%swap3A_195] {strides = array<i32>} : memref<64xi32, #tpu.memory_space<vmem>>, vector<16xi32>,
      %swap3A_197 = vector.shape_cast %swap3A_196 : vector<16xi32> to vector<16xi32>
      %swap3A_198 = vector.shape_cast %select_n3A_194 : vector<16xi32> to vector<16xi32>
      tpu.vector_store %arg7[%swap3A_195], %swap3A_198 {strides = array<i32>} : memref<64xi32, #tpu.memory_space<vmem>>, vector<16xi32>,
      %get3A_199 = arith.constant 80 : index
      %get3A_200 = tpu.vector_load %arg6[%get3A_199] {strides = array<i32>} : memref<128xi32, #tpu.memory_space<vmem>>, vector<16xi32>,
      %get3A_201 = vector.shape_cast %get3A_200 : vector<16xi32> to vector<16xi32>
      %sub3A_202 = arith.constant 36864 : i32
      %sub3A_203 = vector.broadcast %sub3A_202 : i32 to vector<16xi32>
      %sub3A_204 = arith.subi %get3A_201, %sub3A_203 : vector<16xi32>
      %ge3A_205 = arith.constant 0 : i32
      %ge3A_206 = vector.broadcast %ge3A_205 : i32 to vector<16xi32>
      %ge3A_207 = arith.cmpi sge, %sub3A_204, %ge3A_206 : vector<16xi32>
      %lt3A_208 = arith.constant 12288 : i32
      %lt3A_209 = vector.broadcast %lt3A_208 : i32 to vector<16xi32>
      %lt3A_210 = arith.cmpi slt, %sub3A_204, %lt3A_209 : vector<16xi32>
      %and3A_211 = arith.andi %ge3A_207, %lt3A_210 : vector<16xi1>
      %jit3A_212 = arith.constant 12288 : i32
      %broadcast_in_dim3A_213 = vector.broadcast %jit3A_212 : i32 to vector<16xi32>
      %select_n3A_214 = arith.select %and3A_211, %sub3A_204, %broadcast_in_dim3A_213 : vector<16xi1>, vector<16xi32>
      %swap3A_215 = arith.constant 16 : index
      %swap3A_216 = tpu.vector_load %arg8[%swap3A_215] {strides = array<i32>} : memref<64xi32, #tpu.memory_space<vmem>>, vector<16xi32>,
      %swap3A_217 = vector.shape_cast %swap3A_216 : vector<16xi32> to vector<16xi32>
      %swap3A_218 = vector.shape_cast %select_n3A_214 : vector<16xi32> to vector<16xi32>
      tpu.vector_store %arg8[%swap3A_215], %swap3A_218 {strides = array<i32>} : memref<64xi32, #tpu.memory_space<vmem>>, vector<16xi32>,
      %get3A_219 = arith.constant 32 : index
      %get3A_220 = tpu.vector_load %arg6[%get3A_219] {strides = array<i32>} : memref<128xi32, #tpu.memory_space<vmem>>, vector<16xi32>,
      %get3A_221 = vector.shape_cast %get3A_220 : vector<16xi32> to vector<16xi32>
      %sub3A_222 = arith.constant 36864 : i32
      %sub3A_223 = vector.broadcast %sub3A_222 : i32 to vector<16xi32>
      %sub3A_224 = arith.subi %get3A_221, %sub3A_223 : vector<16xi32>
      %ge3A_225 = arith.constant 0 : i32
      %ge3A_226 = vector.broadcast %ge3A_225 : i32 to vector<16xi32>
      %ge3A_227 = arith.cmpi sge, %sub3A_224, %ge3A_226 : vector<16xi32>
      %lt3A_228 = arith.constant 12288 : i32
      %lt3A_229 = vector.broadcast %lt3A_228 : i32 to vector<16xi32>
      %lt3A_230 = arith.cmpi slt, %sub3A_224, %lt3A_229 : vector<16xi32>
      %and3A_231 = arith.andi %ge3A_227, %lt3A_230 : vector<16xi1>
      %jit3A_232 = arith.constant 12288 : i32
      %broadcast_in_dim3A_233 = vector.broadcast %jit3A_232 : i32 to vector<16xi32>
      %select_n3A_234 = arith.select %and3A_231, %sub3A_224, %broadcast_in_dim3A_233 : vector<16xi1>, vector<16xi32>
      %swap3A_235 = arith.constant 32 : index
      %swap3A_236 = tpu.vector_load %arg7[%swap3A_235] {strides = array<i32>} : memref<64xi32, #tpu.memory_space<vmem>>, vector<16xi32>,
      %swap3A_237 = vector.shape_cast %swap3A_236 : vector<16xi32> to vector<16xi32>
      %swap3A_238 = vector.shape_cast %select_n3A_234 : vector<16xi32> to vector<16xi32>
      tpu.vector_store %arg7[%swap3A_235], %swap3A_238 {strides = array<i32>} : memref<64xi32, #tpu.memory_space<vmem>>, vector<16xi32>,
      %get3A_239 = arith.constant 96 : index
      %get3A_240 = tpu.vector_load %arg6[%get3A_239] {strides = array<i32>} : memref<128xi32, #tpu.memory_space<vmem>>, vector<16xi32>,
      %get3A_241 = vector.shape_cast %get3A_240 : vector<16xi32> to vector<16xi32>
      %sub3A_242 = arith.constant 36864 : i32
      %sub3A_243 = vector.broadcast %sub3A_242 : i32 to vector<16xi32>
      %sub3A_244 = arith.subi %get3A_241, %sub3A_243 : vector<16xi32>
      %ge3A_245 = arith.constant 0 : i32
      %ge3A_246 = vector.broadcast %ge3A_245 : i32 to vector<16xi32>
      %ge3A_247 = arith.cmpi sge, %sub3A_244, %ge3A_246 : vector<16xi32>
      %lt3A_248 = arith.constant 12288 : i32
      %lt3A_249 = vector.broadcast %lt3A_248 : i32 to vector<16xi32>
      %lt3A_250 = arith.cmpi slt, %sub3A_244, %lt3A_249 : vector<16xi32>
      %and3A_251 = arith.andi %ge3A_247, %lt3A_250 : vector<16xi1>
      %jit3A_252 = arith.constant 12288 : i32
      %broadcast_in_dim3A_253 = vector.broadcast %jit3A_252 : i32 to vector<16xi32>
      %select_n3A_254 = arith.select %and3A_251, %sub3A_244, %broadcast_in_dim3A_253 : vector<16xi1>, vector<16xi32>
      %swap3A_255 = arith.constant 32 : index
      %swap3A_256 = tpu.vector_load %arg8[%swap3A_255] {strides = array<i32>} : memref<64xi32, #tpu.memory_space<vmem>>, vector<16xi32>,
      %swap3A_257 = vector.shape_cast %swap3A_256 : vector<16xi32> to vector<16xi32>
      %swap3A_258 = vector.shape_cast %select_n3A_254 : vector<16xi32> to vector<16xi32>
      tpu.vector_store %arg8[%swap3A_255], %swap3A_258 {strides = array<i32>} : memref<64xi32, #tpu.memory_space<vmem>>, vector<16xi32>,
      %get3A_259 = arith.constant 48 : index
      %get3A_260 = tpu.vector_load %arg6[%get3A_259] {strides = array<i32>} : memref<128xi32, #tpu.memory_space<vmem>>, vector<16xi32>,
      %get3A_261 = vector.shape_cast %get3A_260 : vector<16xi32> to vector<16xi32>
      %sub3A_262 = arith.constant 36864 : i32
      %sub3A_263 = vector.broadcast %sub3A_262 : i32 to vector<16xi32>
      %sub3A_264 = arith.subi %get3A_261, %sub3A_263 : vector<16xi32>
      %ge3A_265 = arith.constant 0 : i32
      %ge3A_266 = vector.broadcast %ge3A_265 : i32 to vector<16xi32>
      %ge3A_267 = arith.cmpi sge, %sub3A_264, %ge3A_266 : vector<16xi32>
      %lt3A_268 = arith.constant 12288 : i32
      %lt3A_269 = vector.broadcast %lt3A_268 : i32 to vector<16xi32>
      %lt3A_270 = arith.cmpi slt, %sub3A_264, %lt3A_269 : vector<16xi32>
      %and3A_271 = arith.andi %ge3A_267, %lt3A_270 : vector<16xi1>
      %jit3A_272 = arith.constant 12288 : i32
      %broadcast_in_dim3A_273 = vector.broadcast %jit3A_272 : i32 to vector<16xi32>
      %select_n3A_274 = arith.select %and3A_271, %sub3A_264, %broadcast_in_dim3A_273 : vector<16xi1>, vector<16xi32>
      %swap3A_275 = arith.constant 48 : index
      %swap3A_276 = tpu.vector_load %arg7[%swap3A_275] {strides = array<i32>} : memref<64xi32, #tpu.memory_space<vmem>>, vector<16xi32>,
      %swap3A_277 = vector.shape_cast %swap3A_276 : vector<16xi32> to vector<16xi32>
      %swap3A_278 = vector.shape_cast %select_n3A_274 : vector<16xi32> to vector<16xi32>
      tpu.vector_store %arg7[%swap3A_275], %swap3A_278 {strides = array<i32>} : memref<64xi32, #tpu.memory_space<vmem>>, vector<16xi32>,
      %get3A_279 = arith.constant 112 : index
      %get3A_280 = tpu.vector_load %arg6[%get3A_279] {strides = array<i32>} : memref<128xi32, #tpu.memory_space<vmem>>, vector<16xi32>,
      %get3A_281 = vector.shape_cast %get3A_280 : vector<16xi32> to vector<16xi32>
      %sub3A_282 = arith.constant 36864 : i32
      %sub3A_283 = vector.broadcast %sub3A_282 : i32 to vector<16xi32>
      %sub3A_284 = arith.subi %get3A_281, %sub3A_283 : vector<16xi32>
      %ge3A_285 = arith.constant 0 : i32
      %ge3A_286 = vector.broadcast %ge3A_285 : i32 to vector<16xi32>
      %ge3A_287 = arith.cmpi sge, %sub3A_284, %ge3A_286 : vector<16xi32>
      %lt3A_288 = arith.constant 12288 : i32
      %lt3A_289 = vector.broadcast %lt3A_288 : i32 to vector<16xi32>
      %lt3A_290 = arith.cmpi slt, %sub3A_284, %lt3A_289 : vector<16xi32>
      %and3A_291 = arith.andi %ge3A_287, %lt3A_290 : vector<16xi1>
      %jit3A_292 = arith.constant 12288 : i32
      %broadcast_in_dim3A_293 = vector.broadcast %jit3A_292 : i32 to vector<16xi32>
      %select_n3A_294 = arith.select %and3A_291, %sub3A_284, %broadcast_in_dim3A_293 : vector<16xi1>, vector<16xi32>
      %swap3A_295 = arith.constant 48 : index
      %swap3A_296 = tpu.vector_load %arg8[%swap3A_295] {strides = array<i32>} : memref<64xi32, #tpu.memory_space<vmem>>, vector<16xi32>,
      %swap3A_297 = vector.shape_cast %swap3A_296 : vector<16xi32> to vector<16xi32>
      %swap3A_298 = vector.shape_cast %select_n3A_294 : vector<16xi32> to vector<16xi32>
      tpu.vector_store %arg8[%swap3A_295], %swap3A_298 {strides = array<i32>} : memref<64xi32, #tpu.memory_space<vmem>>, vector<16xi32>,
      %dma_wait3A_299 = arith.constant 0 : i32
      %dma_wait3A_300 = tpu.memref_slice %arg2[%arg0, %add3A_139, %dma_wait3A_299] : memref<2x589824x128xf32, #tpu.memory_space<hbm>> -> memref<1x64x128xf32, #tpu.memory_space<hbm>>
      %dma_wait3A_301 = tpu.memref_squeeze %dma_wait3A_300 : memref<1x64x128xf32, #tpu.memory_space<hbm>> -> memref<64x128xf32, #tpu.memory_space<hbm>>
      %dma_wait3A_302 = arith.constant 0 : i32
      %dma_wait3A_303 = tpu.memref_slice %arg2[%arg0, %add3A_139, %dma_wait3A_302] : memref<2x589824x128xf32, #tpu.memory_space<hbm>> -> memref<1x64x128xf32, #tpu.memory_space<hbm>>
      %dma_wait3A_304 = tpu.memref_squeeze %dma_wait3A_303 : memref<1x64x128xf32, #tpu.memory_space<hbm>> -> memref<64x128xf32, #tpu.memory_space<hbm>>
      tpu.wait_dma2 semaphore(%arg13 : memref<!tpu.dma_semaphore, #tpu.memory_space<semaphore_mem>>) src(%dma_wait3A_304 : memref<64x128xf32, #tpu.memory_space<hbm>>) dst(%arg9 : memref<64x128xf32, #tpu.memory_space<vmem>>)
      "tpu.region"() ({
        %run_scoped3A = tpu.sem_alloc : memref<!tpu.dma_semaphore, #tpu.memory_space<semaphore_mem>>
        %dma_start3A_322 = arith.constant 0 : i32
        %dma_start3A_323 = arith.constant 0 : i32
        %dma_start3A_324 = tpu.memref_slice %arg12[%dma_start3A_322, %dma_start3A_323] : memref<13312x128xf32, #tpu.memory_space<vmem_shared>> -> memref<13312x128xf32, #tpu.memory_space<vmem_shared>>
        tpu.enqueue_indirect_dma source(%arg9 : memref<64x128xf32, #tpu.memory_space<vmem>>) target(%dma_start3A_324 : memref<13312x128xf32, #tpu.memory_space<vmem_shared>>) offsets(%arg7 : memref<64xi32, #tpu.memory_space<vmem>>) semaphore(%run_scoped3A : memref<!tpu.dma_semaphore, #tpu.memory_space<semaphore_mem>>) {add = true}
        %dma_wait3A_325 = arith.constant 0 : i32
        %dma_wait3A_326 = arith.constant 0 : i32
        %dma_wait3A_327 = tpu.memref_slice %arg12[%dma_wait3A_325, %dma_wait3A_326] : memref<13312x128xf32, #tpu.memory_space<vmem_shared>> -> memref<13312x128xf32, #tpu.memory_space<vmem_shared>>
        tpu.wait_indirect_dma semaphore(%run_scoped3A : memref<!tpu.dma_semaphore, #tpu.memory_space<semaphore_mem>>) src(%arg9 : memref<64x128xf32, #tpu.memory_space<vmem>>) dst(%dma_wait3A_327 : memref<13312x128xf32, #tpu.memory_space<vmem_shared>>)
        tpu.yield
      }) : () -> ()
      %add3A_305 = arith.constant 128 : i32
      %add3A_306 = arith.addi %add3A_139, %add3A_305 : i32
      %min3A = arith.constant 589760 : i32
      %min3A_307 = arith.minsi %add3A_306, %min3A : i32
      %dma_start3A_308 = arith.constant 0 : i32
      %dma_start3A_309 = tpu.memref_slice %arg2[%arg0, %min3A_307, %dma_start3A_308] : memref<2x589824x128xf32, #tpu.memory_space<hbm>> -> memref<1x64x128xf32, #tpu.memory_space<hbm>>
      %dma_start3A_310 = tpu.memref_squeeze %dma_start3A_309 : memref<1x64x128xf32, #tpu.memory_space<hbm>> -> memref<64x128xf32, #tpu.memory_space<hbm>>
      %dma_start3A_311 = arith.constant 0 : i32
      %dma_start3A_312 = tpu.memref_slice %arg2[%arg0, %min3A_307, %dma_start3A_311] : memref<2x589824x128xf32, #tpu.memory_space<hbm>> -> memref<1x64x128xf32, #tpu.memory_space<hbm>>
      %dma_start3A_313 = tpu.memref_squeeze %dma_start3A_312 : memref<1x64x128xf32, #tpu.memory_space<hbm>> -> memref<64x128xf32, #tpu.memory_space<hbm>>
      tpu.enqueue_dma source(%dma_start3A_313 : memref<64x128xf32, #tpu.memory_space<hbm>>) target(%arg9 : memref<64x128xf32, #tpu.memory_space<vmem>>) target_semaphore(%arg13 : memref<!tpu.dma_semaphore, #tpu.memory_space<semaphore_mem>>)
      %add3A_314 = arith.constant 64 : i32
      %add3A_315 = arith.addi %add3A_139, %add3A_314 : i32
      %dma_wait3A_316 = arith.constant 0 : i32
      %dma_wait3A_317 = tpu.memref_slice %arg2[%arg0, %add3A_315, %dma_wait3A_316] : memref<2x589824x128xf32, #tpu.memory_space<hbm>> -> memref<1x64x128xf32, #tpu.memory_space<hbm>>
      %dma_wait3A_318 = tpu.memref_squeeze %dma_wait3A_317 : memref<1x64x128xf32, #tpu.memory_space<hbm>> -> memref<64x128xf32, #tpu.memory_space<hbm>>
      %dma_wait3A_319 = arith.constant 0 : i32
      %dma_wait3A_320 = tpu.memref_slice %arg2[%arg0, %add3A_315, %dma_wait3A_319] : memref<2x589824x128xf32, #tpu.memory_space<hbm>> -> memref<1x64x128xf32, #tpu.memory_space<hbm>>
      %dma_wait3A_321 = tpu.memref_squeeze %dma_wait3A_320 : memref<1x64x128xf32, #tpu.memory_space<hbm>> -> memref<64x128xf32, #tpu.memory_space<hbm>>
      tpu.wait_dma2 semaphore(%arg14 : memref<!tpu.dma_semaphore, #tpu.memory_space<semaphore_mem>>) src(%dma_wait3A_321 : memref<64x128xf32, #tpu.memory_space<hbm>>) dst(%arg10 : memref<64x128xf32, #tpu.memory_space<vmem>>)
      "tpu.region"() ({
        %run_scoped3A = tpu.sem_alloc : memref<!tpu.dma_semaphore, #tpu.memory_space<semaphore_mem>>
        %dma_start3A_322 = arith.constant 0 : i32
        %dma_start3A_323 = arith.constant 0 : i32
        %dma_start3A_324 = tpu.memref_slice %arg12[%dma_start3A_322, %dma_start3A_323] : memref<13312x128xf32, #tpu.memory_space<vmem_shared>> -> memref<13312x128xf32, #tpu.memory_space<vmem_shared>>
        tpu.enqueue_indirect_dma source(%arg10 : memref<64x128xf32, #tpu.memory_space<vmem>>) target(%dma_start3A_324 : memref<13312x128xf32, #tpu.memory_space<vmem_shared>>) offsets(%arg8 : memref<64xi32, #tpu.memory_space<vmem>>) semaphore(%run_scoped3A : memref<!tpu.dma_semaphore, #tpu.memory_space<semaphore_mem>>) {add = true}
        %dma_wait3A_325 = arith.constant 0 : i32
        %dma_wait3A_326 = arith.constant 0 : i32
        %dma_wait3A_327 = tpu.memref_slice %arg12[%dma_wait3A_325, %dma_wait3A_326] : memref<13312x128xf32, #tpu.memory_space<vmem_shared>> -> memref<13312x128xf32, #tpu.memory_space<vmem_shared>>
        tpu.wait_indirect_dma semaphore(%run_scoped3A : memref<!tpu.dma_semaphore, #tpu.memory_space<semaphore_mem>>) src(%arg10 : memref<64x128xf32, #tpu.memory_space<vmem>>) dst(%dma_wait3A_327 : memref<13312x128xf32, #tpu.memory_space<vmem_shared>>)
        tpu.yield
      }) : () -> ()
    }
    %scan3A_119 = arith.constant 288 : i32
    %dma_wait3A_120 = arith.constant 0 : i32
    %dma_wait3A_121 = arith.constant 0 : i32
    %dma_wait3A_122 = tpu.memref_slice %arg2[%arg0, %dma_wait3A_120, %dma_wait3A_121] : memref<2x589824x128xf32, #tpu.memory_space<hbm>> -> memref<1x64x128xf32, #tpu.memory_space<hbm>>
    %dma_wait3A_123 = tpu.memref_squeeze %dma_wait3A_122 : memref<1x64x128xf32, #tpu.memory_space<hbm>> -> memref<64x128xf32, #tpu.memory_space<hbm>>
    %dma_wait3A_124 = arith.constant 0 : i32
    %dma_wait3A_125 = arith.constant 0 : i32
    %dma_wait3A_126 = tpu.memref_slice %arg2[%arg0, %dma_wait3A_124, %dma_wait3A_125] : memref<2x589824x128xf32, #tpu.memory_space<hbm>> -> memref<1x64x128xf32, #tpu.memory_space<hbm>>
    %dma_wait3A_127 = tpu.memref_squeeze %dma_wait3A_126 : memref<1x64x128xf32, #tpu.memory_space<hbm>> -> memref<64x128xf32, #tpu.memory_space<hbm>>
    tpu.wait_dma2 semaphore(%arg13 : memref<!tpu.dma_semaphore, #tpu.memory_space<semaphore_mem>>) src(%dma_wait3A_127 : memref<64x128xf32, #tpu.memory_space<hbm>>) dst(%arg9 : memref<64x128xf32, #tpu.memory_space<vmem>>)
    %barrier3A_128 = arith.constant 0 : index
    tpu.barrier barrier_id(%barrier3A_128)
    %mul3A_129 = arith.constant 768 : i32
    %mul3A_130 = arith.muli %arg1, %mul3A_129 : i32
    %mul3A_131 = arith.constant 768 : i32
    %mul3A_132 = arith.muli %arg1, %mul3A_131 : i32
    %add3A_133 = arith.constant 36864 : i32
    %add3A_134 = arith.addi %add3A_133, %mul3A_132 : i32
    "tpu.region"() ({
      %run_scoped3A = tpu.sem_alloc : memref<!tpu.dma_semaphore, #tpu.memory_space<semaphore_mem>>
      %dma_start3A_136 = arith.constant 0 : i32
      %dma_start3A_137 = tpu.memref_slice %arg5[%arg0, %add3A_134, %dma_start3A_136] : memref<2x49152x128xf32, #tpu.memory_space<hbm>> -> memref<1x768x128xf32, #tpu.memory_space<hbm>>
      %dma_start3A_138 = tpu.memref_squeeze %dma_start3A_137 : memref<1x768x128xf32, #tpu.memory_space<hbm>> -> memref<768x128xf32, #tpu.memory_space<hbm>>
      %dma_start3A_139 = arith.constant 0 : i32
      %dma_start3A_140 = tpu.memref_slice %arg12[%mul3A_130, %dma_start3A_139] : memref<13312x128xf32, #tpu.memory_space<vmem_shared>> -> memref<768x128xf32, #tpu.memory_space<vmem_shared>>
      tpu.enqueue_dma source(%dma_start3A_140 : memref<768x128xf32, #tpu.memory_space<vmem_shared>>) target(%dma_start3A_138 : memref<768x128xf32, #tpu.memory_space<hbm>>) target_semaphore(%run_scoped3A : memref<!tpu.dma_semaphore, #tpu.memory_space<semaphore_mem>>)
      %dma_wait3A_141 = arith.constant 0 : i32
      %dma_wait3A_142 = tpu.memref_slice %arg5[%arg0, %add3A_134, %dma_wait3A_141] : memref<2x49152x128xf32, #tpu.memory_space<hbm>> -> memref<1x768x128xf32, #tpu.memory_space<hbm>>
      %dma_wait3A_143 = tpu.memref_squeeze %dma_wait3A_142 : memref<1x768x128xf32, #tpu.memory_space<hbm>> -> memref<768x128xf32, #tpu.memory_space<hbm>>
      %dma_wait3A_144 = arith.constant 0 : i32
      %dma_wait3A_145 = tpu.memref_slice %arg12[%mul3A_130, %dma_wait3A_144] : memref<13312x128xf32, #tpu.memory_space<vmem_shared>> -> memref<768x128xf32, #tpu.memory_space<vmem_shared>>
      tpu.wait_dma2 semaphore(%run_scoped3A : memref<!tpu.dma_semaphore, #tpu.memory_space<semaphore_mem>>) src(%dma_wait3A_145 : memref<768x128xf32, #tpu.memory_space<vmem_shared>>) dst(%dma_wait3A_143 : memref<768x128xf32, #tpu.memory_space<hbm>>)
      tpu.yield
    }) : () -> ()
    %barrier3A_135 = arith.constant 0 : index
    tpu.barrier barrier_id(%barrier3A_135)
    return
  }
}

#map = affine_map<(d0, d1) -> (0, 0, 0)>
#map1 = affine_map<(d0, d1) -> (0, 0)>
module attributes {stable_mosaic.version = 14 : i64} {
  func.func @_scatter_body(%arg0: i32, %arg1: i32, %arg2: memref<2x589824x128xf32, #tpu.memory_space<hbm>>, %arg3: memref<16x288x128xi32, #tpu.memory_space<hbm>>, %arg4: memref<16x128xf32, #tpu.memory_space<hbm>>, %arg5: memref<2x49152x128xf32, #tpu.memory_space<hbm>>, %arg6: memref<128xi32, #tpu.memory_space<vmem>>, %arg7: memref<64xi32, #tpu.memory_space<vmem>>, %arg8: memref<64xi32, #tpu.memory_space<vmem>>, %arg9: memref<64x128xf32, #tpu.memory_space<vmem>>, %arg10: memref<64x128xf32, #tpu.memory_space<vmem>>, %arg11: memref<16x128xf32, #tpu.memory_space<vmem>>, %arg12: memref<13312x128xf32, #tpu.memory_space<vmem_shared>>, %arg13: memref<!tpu.dma_semaphore, #tpu.memory_space<semaphore_mem>>, %arg14: memref<!tpu.dma_semaphore, #tpu.memory_space<semaphore_mem>>) attributes {dimension_semantics = [#tpu.dimension_semantics<core_parallel>, #tpu.dimension_semantics<subcore_parallel>], iteration_bounds = array<i64: 2, 16>, scalar_prefetch = 0 : i64, scratch_operands = 9 : i64, tpu.core_type = #tpu.core_type<sc_vector_subcore>, window_params = [{transform_indices = #map}, {transform_indices = #map}, {transform_indices = #map1}, {transform_indices = #map}]} {
    %mul3A = arith.constant 36864 : i32
    %mul3A_0 = arith.muli %arg1, %mul3A : i32
    "tpu.region"() ({
      %run_scoped3A = tpu.sem_alloc : memref<!tpu.dma_semaphore, #tpu.memory_space<semaphore_mem>>
      tpu.enqueue_dma source(%arg4 : memref<16x128xf32, #tpu.memory_space<hbm>>) target(%arg11 : memref<16x128xf32, #tpu.memory_space<vmem>>) target_semaphore(%run_scoped3A : memref<!tpu.dma_semaphore, #tpu.memory_space<semaphore_mem>>)
      tpu.wait_dma2 semaphore(%run_scoped3A : memref<!tpu.dma_semaphore, #tpu.memory_space<semaphore_mem>>) src(%arg4 : memref<16x128xf32, #tpu.memory_space<hbm>>) dst(%arg11 : memref<16x128xf32, #tpu.memory_space<vmem>>)
      tpu.yield
    }) : () -> ()
    %scan3A = arith.constant 0 : i32
    %scan3A_1 = arith.constant 0 : i32
    %scan3A_2 = arith.constant 52 : i32
    %scan3A_3 = arith.addi %scan3A_1, %scan3A_2 : i32
    %scan3A_4 = arith.constant 1 : i32
    scf.for %scan3A_136 = %scan3A_1 to %scan3A_3 step %scan3A_4  : i32 {
      %mul3A_137 = arith.constant 832 : i32
      %mul3A_138 = arith.muli %arg1, %mul3A_137 : i32
      %mul3A_139 = arith.constant 16 : i32
      %mul3A_140 = arith.muli %scan3A_136, %mul3A_139 : i32
      %add3A_141 = arith.addi %mul3A_138, %mul3A_140 : i32
      "tpu.region"() ({
        %run_scoped3A = tpu.sem_alloc : memref<!tpu.dma_semaphore, #tpu.memory_space<semaphore_mem>>
        %dma_start3A_142 = arith.constant 0 : i32
        %dma_start3A_143 = tpu.memref_slice %arg12[%add3A_141, %dma_start3A_142] : memref<13312x128xf32, #tpu.memory_space<vmem_shared>> -> memref<16x128xf32, #tpu.memory_space<vmem_shared>>
        %dma_start3A_144 = arith.constant 0 : i32
        %dma_start3A_145 = tpu.memref_slice %arg12[%add3A_141, %dma_start3A_144] : memref<13312x128xf32, #tpu.memory_space<vmem_shared>> -> memref<16x128xf32, #tpu.memory_space<vmem_shared>>
        tpu.enqueue_dma source(%arg11 : memref<16x128xf32, #tpu.memory_space<vmem>>) target(%dma_start3A_145 : memref<16x128xf32, #tpu.memory_space<vmem_shared>>) target_semaphore(%run_scoped3A : memref<!tpu.dma_semaphore, #tpu.memory_space<semaphore_mem>>)
        %dma_wait3A_146 = arith.constant 0 : i32
        %dma_wait3A_147 = tpu.memref_slice %arg12[%add3A_141, %dma_wait3A_146] : memref<13312x128xf32, #tpu.memory_space<vmem_shared>> -> memref<16x128xf32, #tpu.memory_space<vmem_shared>>
        %dma_wait3A_148 = arith.constant 0 : i32
        %dma_wait3A_149 = tpu.memref_slice %arg12[%add3A_141, %dma_wait3A_148] : memref<13312x128xf32, #tpu.memory_space<vmem_shared>> -> memref<16x128xf32, #tpu.memory_space<vmem_shared>>
        tpu.wait_dma2 semaphore(%run_scoped3A : memref<!tpu.dma_semaphore, #tpu.memory_space<semaphore_mem>>) src(%arg11 : memref<16x128xf32, #tpu.memory_space<vmem>>) dst(%dma_wait3A_149 : memref<16x128xf32, #tpu.memory_space<vmem_shared>>)
        tpu.yield
      }) : () -> ()
    }
    %scan3A_5 = arith.constant 52 : i32
    %barrier3A = arith.constant 0 : index
    tpu.barrier barrier_id(%barrier3A)
    %dma_start3A = arith.constant 0 : i32
    %dma_start3A_6 = tpu.memref_slice %arg2[%arg0, %mul3A_0, %dma_start3A] : memref<2x589824x128xf32, #tpu.memory_space<hbm>> -> memref<1x64x128xf32, #tpu.memory_space<hbm>>
    %dma_start3A_7 = tpu.memref_squeeze %dma_start3A_6 : memref<1x64x128xf32, #tpu.memory_space<hbm>> -> memref<64x128xf32, #tpu.memory_space<hbm>>
    %dma_start3A_8 = arith.constant 0 : i32
    %dma_start3A_9 = tpu.memref_slice %arg2[%arg0, %mul3A_0, %dma_start3A_8] : memref<2x589824x128xf32, #tpu.memory_space<hbm>> -> memref<1x64x128xf32, #tpu.memory_space<hbm>>
    %dma_start3A_10 = tpu.memref_squeeze %dma_start3A_9 : memref<1x64x128xf32, #tpu.memory_space<hbm>> -> memref<64x128xf32, #tpu.memory_space<hbm>>
    tpu.enqueue_dma source(%dma_start3A_10 : memref<64x128xf32, #tpu.memory_space<hbm>>) target(%arg9 : memref<64x128xf32, #tpu.memory_space<vmem>>) target_semaphore(%arg13 : memref<!tpu.dma_semaphore, #tpu.memory_space<semaphore_mem>>)
    %scan3A_11 = arith.constant 0 : i32
    %scan3A_12 = arith.constant 0 : i32
    %scan3A_13 = arith.constant 288 : i32
    %scan3A_14 = arith.addi %scan3A_12, %scan3A_13 : i32
    %scan3A_15 = arith.constant 1 : i32
    scf.for %scan3A_136 = %scan3A_12 to %scan3A_14 step %scan3A_15  : i32 {
      %mul3A_137 = arith.constant 128 : i32
      %mul3A_138 = arith.muli %scan3A_136, %mul3A_137 : i32
      %add3A_139 = arith.addi %mul3A_0, %mul3A_138 : i32
      %add3A_140 = arith.constant 64 : i32
      %add3A_141 = arith.addi %add3A_139, %add3A_140 : i32
      %dma_start3A_142 = arith.constant 0 : i32
      %dma_start3A_143 = tpu.memref_slice %arg2[%arg0, %add3A_141, %dma_start3A_142] : memref<2x589824x128xf32, #tpu.memory_space<hbm>> -> memref<1x64x128xf32, #tpu.memory_space<hbm>>
      %dma_start3A_144 = tpu.memref_squeeze %dma_start3A_143 : memref<1x64x128xf32, #tpu.memory_space<hbm>> -> memref<64x128xf32, #tpu.memory_space<hbm>>
      %dma_start3A_145 = arith.constant 0 : i32
      %dma_start3A_146 = tpu.memref_slice %arg2[%arg0, %add3A_141, %dma_start3A_145] : memref<2x589824x128xf32, #tpu.memory_space<hbm>> -> memref<1x64x128xf32, #tpu.memory_space<hbm>>
      %dma_start3A_147 = tpu.memref_squeeze %dma_start3A_146 : memref<1x64x128xf32, #tpu.memory_space<hbm>> -> memref<64x128xf32, #tpu.memory_space<hbm>>
      tpu.enqueue_dma source(%dma_start3A_147 : memref<64x128xf32, #tpu.memory_space<hbm>>) target(%arg10 : memref<64x128xf32, #tpu.memory_space<vmem>>) target_semaphore(%arg14 : memref<!tpu.dma_semaphore, #tpu.memory_space<semaphore_mem>>)
      "tpu.region"() ({
        %run_scoped3A = tpu.sem_alloc : memref<!tpu.dma_semaphore, #tpu.memory_space<semaphore_mem>>
        %dma_start3A_322 = arith.constant 0 : i32
        %dma_start3A_323 = tpu.memref_slice %arg3[%arg1, %scan3A_136, %dma_start3A_322] : memref<16x288x128xi32, #tpu.memory_space<hbm>> -> memref<1x1x128xi32, #tpu.memory_space<hbm>>
        %dma_start3A_324 = tpu.memref_squeeze %dma_start3A_323 : memref<1x1x128xi32, #tpu.memory_space<hbm>> -> memref<128xi32, #tpu.memory_space<hbm>>
        %dma_start3A_325 = arith.constant 0 : i32
        %dma_start3A_326 = tpu.memref_slice %arg3[%arg1, %scan3A_136, %dma_start3A_325] : memref<16x288x128xi32, #tpu.memory_space<hbm>> -> memref<1x1x128xi32, #tpu.memory_space<hbm>>
        %dma_start3A_327 = tpu.memref_squeeze %dma_start3A_326 : memref<1x1x128xi32, #tpu.memory_space<hbm>> -> memref<128xi32, #tpu.memory_space<hbm>>
        tpu.enqueue_dma source(%dma_start3A_327 : memref<128xi32, #tpu.memory_space<hbm>>) target(%arg6 : memref<128xi32, #tpu.memory_space<vmem>>) target_semaphore(%run_scoped3A : memref<!tpu.dma_semaphore, #tpu.memory_space<semaphore_mem>>)
        %dma_wait3A_328 = arith.constant 0 : i32
        %dma_wait3A_329 = tpu.memref_slice %arg3[%arg1, %scan3A_136, %dma_wait3A_328] : memref<16x288x128xi32, #tpu.memory_space<hbm>> -> memref<1x1x128xi32, #tpu.memory_space<hbm>>
        %dma_wait3A_330 = tpu.memref_squeeze %dma_wait3A_329 : memref<1x1x128xi32, #tpu.memory_space<hbm>> -> memref<128xi32, #tpu.memory_space<hbm>>
        %dma_wait3A_331 = arith.constant 0 : i32
        %dma_wait3A_332 = tpu.memref_slice %arg3[%arg1, %scan3A_136, %dma_wait3A_331] : memref<16x288x128xi32, #tpu.memory_space<hbm>> -> memref<1x1x128xi32, #tpu.memory_space<hbm>>
        %dma_wait3A_333 = tpu.memref_squeeze %dma_wait3A_332 : memref<1x1x128xi32, #tpu.memory_space<hbm>> -> memref<128xi32, #tpu.memory_space<hbm>>
        tpu.wait_dma2 semaphore(%run_scoped3A : memref<!tpu.dma_semaphore, #tpu.memory_space<semaphore_mem>>) src(%dma_wait3A_333 : memref<128xi32, #tpu.memory_space<hbm>>) dst(%arg6 : memref<128xi32, #tpu.memory_space<vmem>>)
        tpu.yield
      }) : () -> ()
      %get3A = arith.constant 0 : index
      %get3A_148 = tpu.vector_load %arg6[%get3A] {strides = array<i32>} : memref<128xi32, #tpu.memory_space<vmem>>, vector<16xi32>,
      %get3A_149 = vector.shape_cast %get3A_148 : vector<16xi32> to vector<16xi32>
      %sub3A = arith.constant 0 : i32
      %sub3A_150 = vector.broadcast %sub3A : i32 to vector<16xi32>
      %sub3A_151 = arith.subi %get3A_149, %sub3A_150 : vector<16xi32>
      %ge3A = arith.constant 0 : i32
      %ge3A_152 = vector.broadcast %ge3A : i32 to vector<16xi32>
      %ge3A_153 = arith.cmpi sge, %sub3A_151, %ge3A_152 : vector<16xi32>
      %lt3A = arith.constant 12288 : i32
      %lt3A_154 = vector.broadcast %lt3A : i32 to vector<16xi32>
      %lt3A_155 = arith.cmpi slt, %sub3A_151, %lt3A_154 : vector<16xi32>
      %and3A = arith.andi %ge3A_153, %lt3A_155 : vector<16xi1>
      %jit3A = arith.constant 12288 : i32
      %broadcast_in_dim3A = vector.broadcast %jit3A : i32 to vector<16xi32>
      %select_n3A = arith.select %and3A, %sub3A_151, %broadcast_in_dim3A : vector<16xi1>, vector<16xi32>
      %swap3A = arith.constant 0 : index
      %swap3A_156 = tpu.vector_load %arg7[%swap3A] {strides = array<i32>} : memref<64xi32, #tpu.memory_space<vmem>>, vector<16xi32>,
      %swap3A_157 = vector.shape_cast %swap3A_156 : vector<16xi32> to vector<16xi32>
      %swap3A_158 = vector.shape_cast %select_n3A : vector<16xi32> to vector<16xi32>
      tpu.vector_store %arg7[%swap3A], %swap3A_158 {strides = array<i32>} : memref<64xi32, #tpu.memory_space<vmem>>, vector<16xi32>,
      %get3A_159 = arith.constant 64 : index
      %get3A_160 = tpu.vector_load %arg6[%get3A_159] {strides = array<i32>} : memref<128xi32, #tpu.memory_space<vmem>>, vector<16xi32>,
      %get3A_161 = vector.shape_cast %get3A_160 : vector<16xi32> to vector<16xi32>
      %sub3A_162 = arith.constant 0 : i32
      %sub3A_163 = vector.broadcast %sub3A_162 : i32 to vector<16xi32>
      %sub3A_164 = arith.subi %get3A_161, %sub3A_163 : vector<16xi32>
      %ge3A_165 = arith.constant 0 : i32
      %ge3A_166 = vector.broadcast %ge3A_165 : i32 to vector<16xi32>
      %ge3A_167 = arith.cmpi sge, %sub3A_164, %ge3A_166 : vector<16xi32>
      %lt3A_168 = arith.constant 12288 : i32
      %lt3A_169 = vector.broadcast %lt3A_168 : i32 to vector<16xi32>
      %lt3A_170 = arith.cmpi slt, %sub3A_164, %lt3A_169 : vector<16xi32>
      %and3A_171 = arith.andi %ge3A_167, %lt3A_170 : vector<16xi1>
      %jit3A_172 = arith.constant 12288 : i32
      %broadcast_in_dim3A_173 = vector.broadcast %jit3A_172 : i32 to vector<16xi32>
      %select_n3A_174 = arith.select %and3A_171, %sub3A_164, %broadcast_in_dim3A_173 : vector<16xi1>, vector<16xi32>
      %swap3A_175 = arith.constant 0 : index
      %swap3A_176 = tpu.vector_load %arg8[%swap3A_175] {strides = array<i32>} : memref<64xi32, #tpu.memory_space<vmem>>, vector<16xi32>,
      %swap3A_177 = vector.shape_cast %swap3A_176 : vector<16xi32> to vector<16xi32>
      %swap3A_178 = vector.shape_cast %select_n3A_174 : vector<16xi32> to vector<16xi32>
      tpu.vector_store %arg8[%swap3A_175], %swap3A_178 {strides = array<i32>} : memref<64xi32, #tpu.memory_space<vmem>>, vector<16xi32>,
      %get3A_179 = arith.constant 16 : index
      %get3A_180 = tpu.vector_load %arg6[%get3A_179] {strides = array<i32>} : memref<128xi32, #tpu.memory_space<vmem>>, vector<16xi32>,
      %get3A_181 = vector.shape_cast %get3A_180 : vector<16xi32> to vector<16xi32>
      %sub3A_182 = arith.constant 0 : i32
      %sub3A_183 = vector.broadcast %sub3A_182 : i32 to vector<16xi32>
      %sub3A_184 = arith.subi %get3A_181, %sub3A_183 : vector<16xi32>
      %ge3A_185 = arith.constant 0 : i32
      %ge3A_186 = vector.broadcast %ge3A_185 : i32 to vector<16xi32>
      %ge3A_187 = arith.cmpi sge, %sub3A_184, %ge3A_186 : vector<16xi32>
      %lt3A_188 = arith.constant 12288 : i32
      %lt3A_189 = vector.broadcast %lt3A_188 : i32 to vector<16xi32>
      %lt3A_190 = arith.cmpi slt, %sub3A_184, %lt3A_189 : vector<16xi32>
      %and3A_191 = arith.andi %ge3A_187, %lt3A_190 : vector<16xi1>
      %jit3A_192 = arith.constant 12288 : i32
      %broadcast_in_dim3A_193 = vector.broadcast %jit3A_192 : i32 to vector<16xi32>
      %select_n3A_194 = arith.select %and3A_191, %sub3A_184, %broadcast_in_dim3A_193 : vector<16xi1>, vector<16xi32>
      %swap3A_195 = arith.constant 16 : index
      %swap3A_196 = tpu.vector_load %arg7[%swap3A_195] {strides = array<i32>} : memref<64xi32, #tpu.memory_space<vmem>>, vector<16xi32>,
      %swap3A_197 = vector.shape_cast %swap3A_196 : vector<16xi32> to vector<16xi32>
      %swap3A_198 = vector.shape_cast %select_n3A_194 : vector<16xi32> to vector<16xi32>
      tpu.vector_store %arg7[%swap3A_195], %swap3A_198 {strides = array<i32>} : memref<64xi32, #tpu.memory_space<vmem>>, vector<16xi32>,
      %get3A_199 = arith.constant 80 : index
      %get3A_200 = tpu.vector_load %arg6[%get3A_199] {strides = array<i32>} : memref<128xi32, #tpu.memory_space<vmem>>, vector<16xi32>,
      %get3A_201 = vector.shape_cast %get3A_200 : vector<16xi32> to vector<16xi32>
      %sub3A_202 = arith.constant 0 : i32
      %sub3A_203 = vector.broadcast %sub3A_202 : i32 to vector<16xi32>
      %sub3A_204 = arith.subi %get3A_201, %sub3A_203 : vector<16xi32>
      %ge3A_205 = arith.constant 0 : i32
      %ge3A_206 = vector.broadcast %ge3A_205 : i32 to vector<16xi32>
      %ge3A_207 = arith.cmpi sge, %sub3A_204, %ge3A_206 : vector<16xi32>
      %lt3A_208 = arith.constant 12288 : i32
      %lt3A_209 = vector.broadcast %lt3A_208 : i32 to vector<16xi32>
      %lt3A_210 = arith.cmpi slt, %sub3A_204, %lt3A_209 : vector<16xi32>
      %and3A_211 = arith.andi %ge3A_207, %lt3A_210 : vector<16xi1>
      %jit3A_212 = arith.constant 12288 : i32
      %broadcast_in_dim3A_213 = vector.broadcast %jit3A_212 : i32 to vector<16xi32>
      %select_n3A_214 = arith.select %and3A_211, %sub3A_204, %broadcast_in_dim3A_213 : vector<16xi1>, vector<16xi32>
      %swap3A_215 = arith.constant 16 : index
      %swap3A_216 = tpu.vector_load %arg8[%swap3A_215] {strides = array<i32>} : memref<64xi32, #tpu.memory_space<vmem>>, vector<16xi32>,
      %swap3A_217 = vector.shape_cast %swap3A_216 : vector<16xi32> to vector<16xi32>
      %swap3A_218 = vector.shape_cast %select_n3A_214 : vector<16xi32> to vector<16xi32>
      tpu.vector_store %arg8[%swap3A_215], %swap3A_218 {strides = array<i32>} : memref<64xi32, #tpu.memory_space<vmem>>, vector<16xi32>,
      %get3A_219 = arith.constant 32 : index
      %get3A_220 = tpu.vector_load %arg6[%get3A_219] {strides = array<i32>} : memref<128xi32, #tpu.memory_space<vmem>>, vector<16xi32>,
      %get3A_221 = vector.shape_cast %get3A_220 : vector<16xi32> to vector<16xi32>
      %sub3A_222 = arith.constant 0 : i32
      %sub3A_223 = vector.broadcast %sub3A_222 : i32 to vector<16xi32>
      %sub3A_224 = arith.subi %get3A_221, %sub3A_223 : vector<16xi32>
      %ge3A_225 = arith.constant 0 : i32
      %ge3A_226 = vector.broadcast %ge3A_225 : i32 to vector<16xi32>
      %ge3A_227 = arith.cmpi sge, %sub3A_224, %ge3A_226 : vector<16xi32>
      %lt3A_228 = arith.constant 12288 : i32
      %lt3A_229 = vector.broadcast %lt3A_228 : i32 to vector<16xi32>
      %lt3A_230 = arith.cmpi slt, %sub3A_224, %lt3A_229 : vector<16xi32>
      %and3A_231 = arith.andi %ge3A_227, %lt3A_230 : vector<16xi1>
      %jit3A_232 = arith.constant 12288 : i32
      %broadcast_in_dim3A_233 = vector.broadcast %jit3A_232 : i32 to vector<16xi32>
      %select_n3A_234 = arith.select %and3A_231, %sub3A_224, %broadcast_in_dim3A_233 : vector<16xi1>, vector<16xi32>
      %swap3A_235 = arith.constant 32 : index
      %swap3A_236 = tpu.vector_load %arg7[%swap3A_235] {strides = array<i32>} : memref<64xi32, #tpu.memory_space<vmem>>, vector<16xi32>,
      %swap3A_237 = vector.shape_cast %swap3A_236 : vector<16xi32> to vector<16xi32>
      %swap3A_238 = vector.shape_cast %select_n3A_234 : vector<16xi32> to vector<16xi32>
      tpu.vector_store %arg7[%swap3A_235], %swap3A_238 {strides = array<i32>} : memref<64xi32, #tpu.memory_space<vmem>>, vector<16xi32>,
      %get3A_239 = arith.constant 96 : index
      %get3A_240 = tpu.vector_load %arg6[%get3A_239] {strides = array<i32>} : memref<128xi32, #tpu.memory_space<vmem>>, vector<16xi32>,
      %get3A_241 = vector.shape_cast %get3A_240 : vector<16xi32> to vector<16xi32>
      %sub3A_242 = arith.constant 0 : i32
      %sub3A_243 = vector.broadcast %sub3A_242 : i32 to vector<16xi32>
      %sub3A_244 = arith.subi %get3A_241, %sub3A_243 : vector<16xi32>
      %ge3A_245 = arith.constant 0 : i32
      %ge3A_246 = vector.broadcast %ge3A_245 : i32 to vector<16xi32>
      %ge3A_247 = arith.cmpi sge, %sub3A_244, %ge3A_246 : vector<16xi32>
      %lt3A_248 = arith.constant 12288 : i32
      %lt3A_249 = vector.broadcast %lt3A_248 : i32 to vector<16xi32>
      %lt3A_250 = arith.cmpi slt, %sub3A_244, %lt3A_249 : vector<16xi32>
      %and3A_251 = arith.andi %ge3A_247, %lt3A_250 : vector<16xi1>
      %jit3A_252 = arith.constant 12288 : i32
      %broadcast_in_dim3A_253 = vector.broadcast %jit3A_252 : i32 to vector<16xi32>
      %select_n3A_254 = arith.select %and3A_251, %sub3A_244, %broadcast_in_dim3A_253 : vector<16xi1>, vector<16xi32>
      %swap3A_255 = arith.constant 32 : index
      %swap3A_256 = tpu.vector_load %arg8[%swap3A_255] {strides = array<i32>} : memref<64xi32, #tpu.memory_space<vmem>>, vector<16xi32>,
      %swap3A_257 = vector.shape_cast %swap3A_256 : vector<16xi32> to vector<16xi32>
      %swap3A_258 = vector.shape_cast %select_n3A_254 : vector<16xi32> to vector<16xi32>
      tpu.vector_store %arg8[%swap3A_255], %swap3A_258 {strides = array<i32>} : memref<64xi32, #tpu.memory_space<vmem>>, vector<16xi32>,
      %get3A_259 = arith.constant 48 : index
      %get3A_260 = tpu.vector_load %arg6[%get3A_259] {strides = array<i32>} : memref<128xi32, #tpu.memory_space<vmem>>, vector<16xi32>,
      %get3A_261 = vector.shape_cast %get3A_260 : vector<16xi32> to vector<16xi32>
      %sub3A_262 = arith.constant 0 : i32
      %sub3A_263 = vector.broadcast %sub3A_262 : i32 to vector<16xi32>
      %sub3A_264 = arith.subi %get3A_261, %sub3A_263 : vector<16xi32>
      %ge3A_265 = arith.constant 0 : i32
      %ge3A_266 = vector.broadcast %ge3A_265 : i32 to vector<16xi32>
      %ge3A_267 = arith.cmpi sge, %sub3A_264, %ge3A_266 : vector<16xi32>
      %lt3A_268 = arith.constant 12288 : i32
      %lt3A_269 = vector.broadcast %lt3A_268 : i32 to vector<16xi32>
      %lt3A_270 = arith.cmpi slt, %sub3A_264, %lt3A_269 : vector<16xi32>
      %and3A_271 = arith.andi %ge3A_267, %lt3A_270 : vector<16xi1>
      %jit3A_272 = arith.constant 12288 : i32
      %broadcast_in_dim3A_273 = vector.broadcast %jit3A_272 : i32 to vector<16xi32>
      %select_n3A_274 = arith.select %and3A_271, %sub3A_264, %broadcast_in_dim3A_273 : vector<16xi1>, vector<16xi32>
      %swap3A_275 = arith.constant 48 : index
      %swap3A_276 = tpu.vector_load %arg7[%swap3A_275] {strides = array<i32>} : memref<64xi32, #tpu.memory_space<vmem>>, vector<16xi32>,
      %swap3A_277 = vector.shape_cast %swap3A_276 : vector<16xi32> to vector<16xi32>
      %swap3A_278 = vector.shape_cast %select_n3A_274 : vector<16xi32> to vector<16xi32>
      tpu.vector_store %arg7[%swap3A_275], %swap3A_278 {strides = array<i32>} : memref<64xi32, #tpu.memory_space<vmem>>, vector<16xi32>,
      %get3A_279 = arith.constant 112 : index
      %get3A_280 = tpu.vector_load %arg6[%get3A_279] {strides = array<i32>} : memref<128xi32, #tpu.memory_space<vmem>>, vector<16xi32>,
      %get3A_281 = vector.shape_cast %get3A_280 : vector<16xi32> to vector<16xi32>
      %sub3A_282 = arith.constant 0 : i32
      %sub3A_283 = vector.broadcast %sub3A_282 : i32 to vector<16xi32>
      %sub3A_284 = arith.subi %get3A_281, %sub3A_283 : vector<16xi32>
      %ge3A_285 = arith.constant 0 : i32
      %ge3A_286 = vector.broadcast %ge3A_285 : i32 to vector<16xi32>
      %ge3A_287 = arith.cmpi sge, %sub3A_284, %ge3A_286 : vector<16xi32>
      %lt3A_288 = arith.constant 12288 : i32
      %lt3A_289 = vector.broadcast %lt3A_288 : i32 to vector<16xi32>
      %lt3A_290 = arith.cmpi slt, %sub3A_284, %lt3A_289 : vector<16xi32>
      %and3A_291 = arith.andi %ge3A_287, %lt3A_290 : vector<16xi1>
      %jit3A_292 = arith.constant 12288 : i32
      %broadcast_in_dim3A_293 = vector.broadcast %jit3A_292 : i32 to vector<16xi32>
      %select_n3A_294 = arith.select %and3A_291, %sub3A_284, %broadcast_in_dim3A_293 : vector<16xi1>, vector<16xi32>
      %swap3A_295 = arith.constant 48 : index
      %swap3A_296 = tpu.vector_load %arg8[%swap3A_295] {strides = array<i32>} : memref<64xi32, #tpu.memory_space<vmem>>, vector<16xi32>,
      %swap3A_297 = vector.shape_cast %swap3A_296 : vector<16xi32> to vector<16xi32>
      %swap3A_298 = vector.shape_cast %select_n3A_294 : vector<16xi32> to vector<16xi32>
      tpu.vector_store %arg8[%swap3A_295], %swap3A_298 {strides = array<i32>} : memref<64xi32, #tpu.memory_space<vmem>>, vector<16xi32>,
      %dma_wait3A_299 = arith.constant 0 : i32
      %dma_wait3A_300 = tpu.memref_slice %arg2[%arg0, %add3A_139, %dma_wait3A_299] : memref<2x589824x128xf32, #tpu.memory_space<hbm>> -> memref<1x64x128xf32, #tpu.memory_space<hbm>>
      %dma_wait3A_301 = tpu.memref_squeeze %dma_wait3A_300 : memref<1x64x128xf32, #tpu.memory_space<hbm>> -> memref<64x128xf32, #tpu.memory_space<hbm>>
      %dma_wait3A_302 = arith.constant 0 : i32
      %dma_wait3A_303 = tpu.memref_slice %arg2[%arg0, %add3A_139, %dma_wait3A_302] : memref<2x589824x128xf32, #tpu.memory_space<hbm>> -> memref<1x64x128xf32, #tpu.memory_space<hbm>>
      %dma_wait3A_304 = tpu.memref_squeeze %dma_wait3A_303 : memref<1x64x128xf32, #tpu.memory_space<hbm>> -> memref<64x128xf32, #tpu.memory_space<hbm>>
      tpu.wait_dma2 semaphore(%arg13 : memref<!tpu.dma_semaphore, #tpu.memory_space<semaphore_mem>>) src(%dma_wait3A_304 : memref<64x128xf32, #tpu.memory_space<hbm>>) dst(%arg9 : memref<64x128xf32, #tpu.memory_space<vmem>>)
      "tpu.region"() ({
        %run_scoped3A = tpu.sem_alloc : memref<!tpu.dma_semaphore, #tpu.memory_space<semaphore_mem>>
        %dma_start3A_322 = arith.constant 0 : i32
        %dma_start3A_323 = arith.constant 0 : i32
        %dma_start3A_324 = tpu.memref_slice %arg12[%dma_start3A_322, %dma_start3A_323] : memref<13312x128xf32, #tpu.memory_space<vmem_shared>> -> memref<13312x128xf32, #tpu.memory_space<vmem_shared>>
        tpu.enqueue_indirect_dma source(%arg9 : memref<64x128xf32, #tpu.memory_space<vmem>>) target(%dma_start3A_324 : memref<13312x128xf32, #tpu.memory_space<vmem_shared>>) offsets(%arg7 : memref<64xi32, #tpu.memory_space<vmem>>) semaphore(%run_scoped3A : memref<!tpu.dma_semaphore, #tpu.memory_space<semaphore_mem>>) {add = true}
        %dma_wait3A_325 = arith.constant 0 : i32
        %dma_wait3A_326 = arith.constant 0 : i32
        %dma_wait3A_327 = tpu.memref_slice %arg12[%dma_wait3A_325, %dma_wait3A_326] : memref<13312x128xf32, #tpu.memory_space<vmem_shared>> -> memref<13312x128xf32, #tpu.memory_space<vmem_shared>>
        tpu.wait_indirect_dma semaphore(%run_scoped3A : memref<!tpu.dma_semaphore, #tpu.memory_space<semaphore_mem>>) src(%arg9 : memref<64x128xf32, #tpu.memory_space<vmem>>) dst(%dma_wait3A_327 : memref<13312x128xf32, #tpu.memory_space<vmem_shared>>)
        tpu.yield
      }) : () -> ()
      %add3A_305 = arith.constant 128 : i32
      %add3A_306 = arith.addi %add3A_139, %add3A_305 : i32
      %min3A = arith.constant 589760 : i32
      %min3A_307 = arith.minsi %add3A_306, %min3A : i32
      %dma_start3A_308 = arith.constant 0 : i32
      %dma_start3A_309 = tpu.memref_slice %arg2[%arg0, %min3A_307, %dma_start3A_308] : memref<2x589824x128xf32, #tpu.memory_space<hbm>> -> memref<1x64x128xf32, #tpu.memory_space<hbm>>
      %dma_start3A_310 = tpu.memref_squeeze %dma_start3A_309 : memref<1x64x128xf32, #tpu.memory_space<hbm>> -> memref<64x128xf32, #tpu.memory_space<hbm>>
      %dma_start3A_311 = arith.constant 0 : i32
      %dma_start3A_312 = tpu.memref_slice %arg2[%arg0, %min3A_307, %dma_start3A_311] : memref<2x589824x128xf32, #tpu.memory_space<hbm>> -> memref<1x64x128xf32, #tpu.memory_space<hbm>>
      %dma_start3A_313 = tpu.memref_squeeze %dma_start3A_312 : memref<1x64x128xf32, #tpu.memory_space<hbm>> -> memref<64x128xf32, #tpu.memory_space<hbm>>
      tpu.enqueue_dma source(%dma_start3A_313 : memref<64x128xf32, #tpu.memory_space<hbm>>) target(%arg9 : memref<64x128xf32, #tpu.memory_space<vmem>>) target_semaphore(%arg13 : memref<!tpu.dma_semaphore, #tpu.memory_space<semaphore_mem>>)
      %add3A_314 = arith.constant 64 : i32
      %add3A_315 = arith.addi %add3A_139, %add3A_314 : i32
      %dma_wait3A_316 = arith.constant 0 : i32
      %dma_wait3A_317 = tpu.memref_slice %arg2[%arg0, %add3A_315, %dma_wait3A_316] : memref<2x589824x128xf32, #tpu.memory_space<hbm>> -> memref<1x64x128xf32, #tpu.memory_space<hbm>>
      %dma_wait3A_318 = tpu.memref_squeeze %dma_wait3A_317 : memref<1x64x128xf32, #tpu.memory_space<hbm>> -> memref<64x128xf32, #tpu.memory_space<hbm>>
      %dma_wait3A_319 = arith.constant 0 : i32
      %dma_wait3A_320 = tpu.memref_slice %arg2[%arg0, %add3A_315, %dma_wait3A_319] : memref<2x589824x128xf32, #tpu.memory_space<hbm>> -> memref<1x64x128xf32, #tpu.memory_space<hbm>>
      %dma_wait3A_321 = tpu.memref_squeeze %dma_wait3A_320 : memref<1x64x128xf32, #tpu.memory_space<hbm>> -> memref<64x128xf32, #tpu.memory_space<hbm>>
      tpu.wait_dma2 semaphore(%arg14 : memref<!tpu.dma_semaphore, #tpu.memory_space<semaphore_mem>>) src(%dma_wait3A_321 : memref<64x128xf32, #tpu.memory_space<hbm>>) dst(%arg10 : memref<64x128xf32, #tpu.memory_space<vmem>>)
      "tpu.region"() ({
        %run_scoped3A = tpu.sem_alloc : memref<!tpu.dma_semaphore, #tpu.memory_space<semaphore_mem>>
        %dma_start3A_322 = arith.constant 0 : i32
        %dma_start3A_323 = arith.constant 0 : i32
        %dma_start3A_324 = tpu.memref_slice %arg12[%dma_start3A_322, %dma_start3A_323] : memref<13312x128xf32, #tpu.memory_space<vmem_shared>> -> memref<13312x128xf32, #tpu.memory_space<vmem_shared>>
        tpu.enqueue_indirect_dma source(%arg10 : memref<64x128xf32, #tpu.memory_space<vmem>>) target(%dma_start3A_324 : memref<13312x128xf32, #tpu.memory_space<vmem_shared>>) offsets(%arg8 : memref<64xi32, #tpu.memory_space<vmem>>) semaphore(%run_scoped3A : memref<!tpu.dma_semaphore, #tpu.memory_space<semaphore_mem>>) {add = true}
        %dma_wait3A_325 = arith.constant 0 : i32
        %dma_wait3A_326 = arith.constant 0 : i32
        %dma_wait3A_327 = tpu.memref_slice %arg12[%dma_wait3A_325, %dma_wait3A_326] : memref<13312x128xf32, #tpu.memory_space<vmem_shared>> -> memref<13312x128xf32, #tpu.memory_space<vmem_shared>>
        tpu.wait_indirect_dma semaphore(%run_scoped3A : memref<!tpu.dma_semaphore, #tpu.memory_space<semaphore_mem>>) src(%arg10 : memref<64x128xf32, #tpu.memory_space<vmem>>) dst(%dma_wait3A_327 : memref<13312x128xf32, #tpu.memory_space<vmem_shared>>)
        tpu.yield
      }) : () -> ()
    }
    %scan3A_16 = arith.constant 288 : i32
    %dma_wait3A = arith.constant 0 : i32
    %dma_wait3A_17 = arith.constant 0 : i32
    %dma_wait3A_18 = tpu.memref_slice %arg2[%arg0, %dma_wait3A, %dma_wait3A_17] : memref<2x589824x128xf32, #tpu.memory_space<hbm>> -> memref<1x64x128xf32, #tpu.memory_space<hbm>>
    %dma_wait3A_19 = tpu.memref_squeeze %dma_wait3A_18 : memref<1x64x128xf32, #tpu.memory_space<hbm>> -> memref<64x128xf32, #tpu.memory_space<hbm>>
    %dma_wait3A_20 = arith.constant 0 : i32
    %dma_wait3A_21 = arith.constant 0 : i32
    %dma_wait3A_22 = tpu.memref_slice %arg2[%arg0, %dma_wait3A_20, %dma_wait3A_21] : memref<2x589824x128xf32, #tpu.memory_space<hbm>> -> memref<1x64x128xf32, #tpu.memory_space<hbm>>
    %dma_wait3A_23 = tpu.memref_squeeze %dma_wait3A_22 : memref<1x64x128xf32, #tpu.memory_space<hbm>> -> memref<64x128xf32, #tpu.memory_space<hbm>>
    tpu.wait_dma2 semaphore(%arg13 : memref<!tpu.dma_semaphore, #tpu.memory_space<semaphore_mem>>) src(%dma_wait3A_23 : memref<64x128xf32, #tpu.memory_space<hbm>>) dst(%arg9 : memref<64x128xf32, #tpu.memory_space<vmem>>)
    %barrier3A_24 = arith.constant 0 : index
    tpu.barrier barrier_id(%barrier3A_24)
    %mul3A_25 = arith.constant 768 : i32
    %mul3A_26 = arith.muli %arg1, %mul3A_25 : i32
    %mul3A_27 = arith.constant 768 : i32
    %mul3A_28 = arith.muli %arg1, %mul3A_27 : i32
    %add3A = arith.constant 0 : i32
    %add3A_29 = arith.addi %add3A, %mul3A_28 : i32
    "tpu.region"() ({
      %run_scoped3A = tpu.sem_alloc : memref<!tpu.dma_semaphore, #tpu.memory_space<semaphore_mem>>
      %dma_start3A_136 = arith.constant 0 : i32
      %dma_start3A_137 = tpu.memref_slice %arg5[%arg0, %add3A_29, %dma_start3A_136] : memref<2x49152x128xf32, #tpu.memory_space<hbm>> -> memref<1x768x128xf32, #tpu.memory_space<hbm>>
      %dma_start3A_138 = tpu.memref_squeeze %dma_start3A_137 : memref<1x768x128xf32, #tpu.memory_space<hbm>> -> memref<768x128xf32, #tpu.memory_space<hbm>>
      %dma_start3A_139 = arith.constant 0 : i32
      %dma_start3A_140 = tpu.memref_slice %arg12[%mul3A_26, %dma_start3A_139] : memref<13312x128xf32, #tpu.memory_space<vmem_shared>> -> memref<768x128xf32, #tpu.memory_space<vmem_shared>>
      tpu.enqueue_dma source(%dma_start3A_140 : memref<768x128xf32, #tpu.memory_space<vmem_shared>>) target(%dma_start3A_138 : memref<768x128xf32, #tpu.memory_space<hbm>>) target_semaphore(%run_scoped3A : memref<!tpu.dma_semaphore, #tpu.memory_space<semaphore_mem>>)
      %dma_wait3A_141 = arith.constant 0 : i32
      %dma_wait3A_142 = tpu.memref_slice %arg5[%arg0, %add3A_29, %dma_wait3A_141] : memref<2x49152x128xf32, #tpu.memory_space<hbm>> -> memref<1x768x128xf32, #tpu.memory_space<hbm>>
      %dma_wait3A_143 = tpu.memref_squeeze %dma_wait3A_142 : memref<1x768x128xf32, #tpu.memory_space<hbm>> -> memref<768x128xf32, #tpu.memory_space<hbm>>
      %dma_wait3A_144 = arith.constant 0 : i32
      %dma_wait3A_145 = tpu.memref_slice %arg12[%mul3A_26, %dma_wait3A_144] : memref<13312x128xf32, #tpu.memory_space<vmem_shared>> -> memref<768x128xf32, #tpu.memory_space<vmem_shared>>
      tpu.wait_dma2 semaphore(%run_scoped3A : memref<!tpu.dma_semaphore, #tpu.memory_space<semaphore_mem>>) src(%dma_wait3A_145 : memref<768x128xf32, #tpu.memory_space<vmem_shared>>) dst(%dma_wait3A_143 : memref<768x128xf32, #tpu.memory_space<hbm>>)
      tpu.yield
    }) : () -> ()
    %barrier3A_30 = arith.constant 0 : index
    tpu.barrier barrier_id(%barrier3A_30)
    %scan3A_31 = arith.constant 0 : i32
    %scan3A_32 = arith.constant 0 : i32
    %scan3A_33 = arith.constant 52 : i32
    %scan3A_34 = arith.addi %scan3A_32, %scan3A_33 : i32
    %scan3A_35 = arith.constant 1 : i32
    scf.for %scan3A_136 = %scan3A_32 to %scan3A_34 step %scan3A_35  : i32 {
      %mul3A_137 = arith.constant 832 : i32
      %mul3A_138 = arith.muli %arg1, %mul3A_137 : i32
      %mul3A_139 = arith.constant 16 : i32
      %mul3A_140 = arith.muli %scan3A_136, %mul3A_139 : i32
      %add3A_141 = arith.addi %mul3A_138, %mul3A_140 : i32
      "tpu.region"() ({
        %run_scoped3A = tpu.sem_alloc : memref<!tpu.dma_semaphore, #tpu.memory_space<semaphore_mem>>
        %dma_start3A_142 = arith.constant 0 : i32
        %dma_start3A_143 = tpu.memref_slice %arg12[%add3A_141, %dma_start3A_142] : memref<13312x128xf32, #tpu.memory_space<vmem_shared>> -> memref<16x128xf32, #tpu.memory_space<vmem_shared>>
        %dma_start3A_144 = arith.constant 0 : i32
        %dma_start3A_145 = tpu.memref_slice %arg12[%add3A_141, %dma_start3A_144] : memref<13312x128xf32, #tpu.memory_space<vmem_shared>> -> memref<16x128xf32, #tpu.memory_space<vmem_shared>>
        tpu.enqueue_dma source(%arg11 : memref<16x128xf32, #tpu.memory_space<vmem>>) target(%dma_start3A_145 : memref<16x128xf32, #tpu.memory_space<vmem_shared>>) target_semaphore(%run_scoped3A : memref<!tpu.dma_semaphore, #tpu.memory_space<semaphore_mem>>)
        %dma_wait3A_146 = arith.constant 0 : i32
        %dma_wait3A_147 = tpu.memref_slice %arg12[%add3A_141, %dma_wait3A_146] : memref<13312x128xf32, #tpu.memory_space<vmem_shared>> -> memref<16x128xf32, #tpu.memory_space<vmem_shared>>
        %dma_wait3A_148 = arith.constant 0 : i32
        %dma_wait3A_149 = tpu.memref_slice %arg12[%add3A_141, %dma_wait3A_148] : memref<13312x128xf32, #tpu.memory_space<vmem_shared>> -> memref<16x128xf32, #tpu.memory_space<vmem_shared>>
        tpu.wait_dma2 semaphore(%run_scoped3A : memref<!tpu.dma_semaphore, #tpu.memory_space<semaphore_mem>>) src(%arg11 : memref<16x128xf32, #tpu.memory_space<vmem>>) dst(%dma_wait3A_149 : memref<16x128xf32, #tpu.memory_space<vmem_shared>>)
        tpu.yield
      }) : () -> ()
    }
    %scan3A_36 = arith.constant 52 : i32
    %barrier3A_37 = arith.constant 0 : index
    tpu.barrier barrier_id(%barrier3A_37)
    %dma_start3A_38 = arith.constant 0 : i32
    %dma_start3A_39 = tpu.memref_slice %arg2[%arg0, %mul3A_0, %dma_start3A_38] : memref<2x589824x128xf32, #tpu.memory_space<hbm>> -> memref<1x64x128xf32, #tpu.memory_space<hbm>>
    %dma_start3A_40 = tpu.memref_squeeze %dma_start3A_39 : memref<1x64x128xf32, #tpu.memory_space<hbm>> -> memref<64x128xf32, #tpu.memory_space<hbm>>
    %dma_start3A_41 = arith.constant 0 : i32
    %dma_start3A_42 = tpu.memref_slice %arg2[%arg0, %mul3A_0, %dma_start3A_41] : memref<2x589824x128xf32, #tpu.memory_space<hbm>> -> memref<1x64x128xf32, #tpu.memory_space<hbm>>
    %dma_start3A_43 = tpu.memref_squeeze %dma_start3A_42 : memref<1x64x128xf32, #tpu.memory_space<hbm>> -> memref<64x128xf32, #tpu.memory_space<hbm>>
    tpu.enqueue_dma source(%dma_start3A_43 : memref<64x128xf32, #tpu.memory_space<hbm>>) target(%arg9 : memref<64x128xf32, #tpu.memory_space<vmem>>) target_semaphore(%arg13 : memref<!tpu.dma_semaphore, #tpu.memory_space<semaphore_mem>>)
    %scan3A_44 = arith.constant 0 : i32
    %scan3A_45 = arith.constant 0 : i32
    %scan3A_46 = arith.constant 288 : i32
    %scan3A_47 = arith.addi %scan3A_45, %scan3A_46 : i32
    %scan3A_48 = arith.constant 1 : i32
    scf.for %scan3A_136 = %scan3A_45 to %scan3A_47 step %scan3A_48  : i32 {
      %mul3A_137 = arith.constant 128 : i32
      %mul3A_138 = arith.muli %scan3A_136, %mul3A_137 : i32
      %add3A_139 = arith.addi %mul3A_0, %mul3A_138 : i32
      %add3A_140 = arith.constant 64 : i32
      %add3A_141 = arith.addi %add3A_139, %add3A_140 : i32
      %dma_start3A_142 = arith.constant 0 : i32
      %dma_start3A_143 = tpu.memref_slice %arg2[%arg0, %add3A_141, %dma_start3A_142] : memref<2x589824x128xf32, #tpu.memory_space<hbm>> -> memref<1x64x128xf32, #tpu.memory_space<hbm>>
      %dma_start3A_144 = tpu.memref_squeeze %dma_start3A_143 : memref<1x64x128xf32, #tpu.memory_space<hbm>> -> memref<64x128xf32, #tpu.memory_space<hbm>>
      %dma_start3A_145 = arith.constant 0 : i32
      %dma_start3A_146 = tpu.memref_slice %arg2[%arg0, %add3A_141, %dma_start3A_145] : memref<2x589824x128xf32, #tpu.memory_space<hbm>> -> memref<1x64x128xf32, #tpu.memory_space<hbm>>
      %dma_start3A_147 = tpu.memref_squeeze %dma_start3A_146 : memref<1x64x128xf32, #tpu.memory_space<hbm>> -> memref<64x128xf32, #tpu.memory_space<hbm>>
      tpu.enqueue_dma source(%dma_start3A_147 : memref<64x128xf32, #tpu.memory_space<hbm>>) target(%arg10 : memref<64x128xf32, #tpu.memory_space<vmem>>) target_semaphore(%arg14 : memref<!tpu.dma_semaphore, #tpu.memory_space<semaphore_mem>>)
      "tpu.region"() ({
        %run_scoped3A = tpu.sem_alloc : memref<!tpu.dma_semaphore, #tpu.memory_space<semaphore_mem>>
        %dma_start3A_322 = arith.constant 0 : i32
        %dma_start3A_323 = tpu.memref_slice %arg3[%arg1, %scan3A_136, %dma_start3A_322] : memref<16x288x128xi32, #tpu.memory_space<hbm>> -> memref<1x1x128xi32, #tpu.memory_space<hbm>>
        %dma_start3A_324 = tpu.memref_squeeze %dma_start3A_323 : memref<1x1x128xi32, #tpu.memory_space<hbm>> -> memref<128xi32, #tpu.memory_space<hbm>>
        %dma_start3A_325 = arith.constant 0 : i32
        %dma_start3A_326 = tpu.memref_slice %arg3[%arg1, %scan3A_136, %dma_start3A_325] : memref<16x288x128xi32, #tpu.memory_space<hbm>> -> memref<1x1x128xi32, #tpu.memory_space<hbm>>
        %dma_start3A_327 = tpu.memref_squeeze %dma_start3A_326 : memref<1x1x128xi32, #tpu.memory_space<hbm>> -> memref<128xi32, #tpu.memory_space<hbm>>
        tpu.enqueue_dma source(%dma_start3A_327 : memref<128xi32, #tpu.memory_space<hbm>>) target(%arg6 : memref<128xi32, #tpu.memory_space<vmem>>) target_semaphore(%run_scoped3A : memref<!tpu.dma_semaphore, #tpu.memory_space<semaphore_mem>>)
        %dma_wait3A_328 = arith.constant 0 : i32
        %dma_wait3A_329 = tpu.memref_slice %arg3[%arg1, %scan3A_136, %dma_wait3A_328] : memref<16x288x128xi32, #tpu.memory_space<hbm>> -> memref<1x1x128xi32, #tpu.memory_space<hbm>>
        %dma_wait3A_330 = tpu.memref_squeeze %dma_wait3A_329 : memref<1x1x128xi32, #tpu.memory_space<hbm>> -> memref<128xi32, #tpu.memory_space<hbm>>
        %dma_wait3A_331 = arith.constant 0 : i32
        %dma_wait3A_332 = tpu.memref_slice %arg3[%arg1, %scan3A_136, %dma_wait3A_331] : memref<16x288x128xi32, #tpu.memory_space<hbm>> -> memref<1x1x128xi32, #tpu.memory_space<hbm>>
        %dma_wait3A_333 = tpu.memref_squeeze %dma_wait3A_332 : memref<1x1x128xi32, #tpu.memory_space<hbm>> -> memref<128xi32, #tpu.memory_space<hbm>>
        tpu.wait_dma2 semaphore(%run_scoped3A : memref<!tpu.dma_semaphore, #tpu.memory_space<semaphore_mem>>) src(%dma_wait3A_333 : memref<128xi32, #tpu.memory_space<hbm>>) dst(%arg6 : memref<128xi32, #tpu.memory_space<vmem>>)
        tpu.yield
      }) : () -> ()
      %get3A = arith.constant 0 : index
      %get3A_148 = tpu.vector_load %arg6[%get3A] {strides = array<i32>} : memref<128xi32, #tpu.memory_space<vmem>>, vector<16xi32>,
      %get3A_149 = vector.shape_cast %get3A_148 : vector<16xi32> to vector<16xi32>
      %sub3A = arith.constant 12288 : i32
      %sub3A_150 = vector.broadcast %sub3A : i32 to vector<16xi32>
      %sub3A_151 = arith.subi %get3A_149, %sub3A_150 : vector<16xi32>
      %ge3A = arith.constant 0 : i32
      %ge3A_152 = vector.broadcast %ge3A : i32 to vector<16xi32>
      %ge3A_153 = arith.cmpi sge, %sub3A_151, %ge3A_152 : vector<16xi32>
      %lt3A = arith.constant 12288 : i32
      %lt3A_154 = vector.broadcast %lt3A : i32 to vector<16xi32>
      %lt3A_155 = arith.cmpi slt, %sub3A_151, %lt3A_154 : vector<16xi32>
      %and3A = arith.andi %ge3A_153, %lt3A_155 : vector<16xi1>
      %jit3A = arith.constant 12288 : i32
      %broadcast_in_dim3A = vector.broadcast %jit3A : i32 to vector<16xi32>
      %select_n3A = arith.select %and3A, %sub3A_151, %broadcast_in_dim3A : vector<16xi1>, vector<16xi32>
      %swap3A = arith.constant 0 : index
      %swap3A_156 = tpu.vector_load %arg7[%swap3A] {strides = array<i32>} : memref<64xi32, #tpu.memory_space<vmem>>, vector<16xi32>,
      %swap3A_157 = vector.shape_cast %swap3A_156 : vector<16xi32> to vector<16xi32>
      %swap3A_158 = vector.shape_cast %select_n3A : vector<16xi32> to vector<16xi32>
      tpu.vector_store %arg7[%swap3A], %swap3A_158 {strides = array<i32>} : memref<64xi32, #tpu.memory_space<vmem>>, vector<16xi32>,
      %get3A_159 = arith.constant 64 : index
      %get3A_160 = tpu.vector_load %arg6[%get3A_159] {strides = array<i32>} : memref<128xi32, #tpu.memory_space<vmem>>, vector<16xi32>,
      %get3A_161 = vector.shape_cast %get3A_160 : vector<16xi32> to vector<16xi32>
      %sub3A_162 = arith.constant 12288 : i32
      %sub3A_163 = vector.broadcast %sub3A_162 : i32 to vector<16xi32>
      %sub3A_164 = arith.subi %get3A_161, %sub3A_163 : vector<16xi32>
      %ge3A_165 = arith.constant 0 : i32
      %ge3A_166 = vector.broadcast %ge3A_165 : i32 to vector<16xi32>
      %ge3A_167 = arith.cmpi sge, %sub3A_164, %ge3A_166 : vector<16xi32>
      %lt3A_168 = arith.constant 12288 : i32
      %lt3A_169 = vector.broadcast %lt3A_168 : i32 to vector<16xi32>
      %lt3A_170 = arith.cmpi slt, %sub3A_164, %lt3A_169 : vector<16xi32>
      %and3A_171 = arith.andi %ge3A_167, %lt3A_170 : vector<16xi1>
      %jit3A_172 = arith.constant 12288 : i32
      %broadcast_in_dim3A_173 = vector.broadcast %jit3A_172 : i32 to vector<16xi32>
      %select_n3A_174 = arith.select %and3A_171, %sub3A_164, %broadcast_in_dim3A_173 : vector<16xi1>, vector<16xi32>
      %swap3A_175 = arith.constant 0 : index
      %swap3A_176 = tpu.vector_load %arg8[%swap3A_175] {strides = array<i32>} : memref<64xi32, #tpu.memory_space<vmem>>, vector<16xi32>,
      %swap3A_177 = vector.shape_cast %swap3A_176 : vector<16xi32> to vector<16xi32>
      %swap3A_178 = vector.shape_cast %select_n3A_174 : vector<16xi32> to vector<16xi32>
      tpu.vector_store %arg8[%swap3A_175], %swap3A_178 {strides = array<i32>} : memref<64xi32, #tpu.memory_space<vmem>>, vector<16xi32>,
      %get3A_179 = arith.constant 16 : index
      %get3A_180 = tpu.vector_load %arg6[%get3A_179] {strides = array<i32>} : memref<128xi32, #tpu.memory_space<vmem>>, vector<16xi32>,
      %get3A_181 = vector.shape_cast %get3A_180 : vector<16xi32> to vector<16xi32>
      %sub3A_182 = arith.constant 12288 : i32
      %sub3A_183 = vector.broadcast %sub3A_182 : i32 to vector<16xi32>
      %sub3A_184 = arith.subi %get3A_181, %sub3A_183 : vector<16xi32>
      %ge3A_185 = arith.constant 0 : i32
      %ge3A_186 = vector.broadcast %ge3A_185 : i32 to vector<16xi32>
      %ge3A_187 = arith.cmpi sge, %sub3A_184, %ge3A_186 : vector<16xi32>
      %lt3A_188 = arith.constant 12288 : i32
      %lt3A_189 = vector.broadcast %lt3A_188 : i32 to vector<16xi32>
      %lt3A_190 = arith.cmpi slt, %sub3A_184, %lt3A_189 : vector<16xi32>
      %and3A_191 = arith.andi %ge3A_187, %lt3A_190 : vector<16xi1>
      %jit3A_192 = arith.constant 12288 : i32
      %broadcast_in_dim3A_193 = vector.broadcast %jit3A_192 : i32 to vector<16xi32>
      %select_n3A_194 = arith.select %and3A_191, %sub3A_184, %broadcast_in_dim3A_193 : vector<16xi1>, vector<16xi32>
      %swap3A_195 = arith.constant 16 : index
      %swap3A_196 = tpu.vector_load %arg7[%swap3A_195] {strides = array<i32>} : memref<64xi32, #tpu.memory_space<vmem>>, vector<16xi32>,
      %swap3A_197 = vector.shape_cast %swap3A_196 : vector<16xi32> to vector<16xi32>
      %swap3A_198 = vector.shape_cast %select_n3A_194 : vector<16xi32> to vector<16xi32>
      tpu.vector_store %arg7[%swap3A_195], %swap3A_198 {strides = array<i32>} : memref<64xi32, #tpu.memory_space<vmem>>, vector<16xi32>,
      %get3A_199 = arith.constant 80 : index
      %get3A_200 = tpu.vector_load %arg6[%get3A_199] {strides = array<i32>} : memref<128xi32, #tpu.memory_space<vmem>>, vector<16xi32>,
      %get3A_201 = vector.shape_cast %get3A_200 : vector<16xi32> to vector<16xi32>
      %sub3A_202 = arith.constant 12288 : i32
      %sub3A_203 = vector.broadcast %sub3A_202 : i32 to vector<16xi32>
      %sub3A_204 = arith.subi %get3A_201, %sub3A_203 : vector<16xi32>
      %ge3A_205 = arith.constant 0 : i32
      %ge3A_206 = vector.broadcast %ge3A_205 : i32 to vector<16xi32>
      %ge3A_207 = arith.cmpi sge, %sub3A_204, %ge3A_206 : vector<16xi32>
      %lt3A_208 = arith.constant 12288 : i32
      %lt3A_209 = vector.broadcast %lt3A_208 : i32 to vector<16xi32>
      %lt3A_210 = arith.cmpi slt, %sub3A_204, %lt3A_209 : vector<16xi32>
      %and3A_211 = arith.andi %ge3A_207, %lt3A_210 : vector<16xi1>
      %jit3A_212 = arith.constant 12288 : i32
      %broadcast_in_dim3A_213 = vector.broadcast %jit3A_212 : i32 to vector<16xi32>
      %select_n3A_214 = arith.select %and3A_211, %sub3A_204, %broadcast_in_dim3A_213 : vector<16xi1>, vector<16xi32>
      %swap3A_215 = arith.constant 16 : index
      %swap3A_216 = tpu.vector_load %arg8[%swap3A_215] {strides = array<i32>} : memref<64xi32, #tpu.memory_space<vmem>>, vector<16xi32>,
      %swap3A_217 = vector.shape_cast %swap3A_216 : vector<16xi32> to vector<16xi32>
      %swap3A_218 = vector.shape_cast %select_n3A_214 : vector<16xi32> to vector<16xi32>
      tpu.vector_store %arg8[%swap3A_215], %swap3A_218 {strides = array<i32>} : memref<64xi32, #tpu.memory_space<vmem>>, vector<16xi32>,
      %get3A_219 = arith.constant 32 : index
      %get3A_220 = tpu.vector_load %arg6[%get3A_219] {strides = array<i32>} : memref<128xi32, #tpu.memory_space<vmem>>, vector<16xi32>,
      %get3A_221 = vector.shape_cast %get3A_220 : vector<16xi32> to vector<16xi32>
      %sub3A_222 = arith.constant 12288 : i32
      %sub3A_223 = vector.broadcast %sub3A_222 : i32 to vector<16xi32>
      %sub3A_224 = arith.subi %get3A_221, %sub3A_223 : vector<16xi32>
      %ge3A_225 = arith.constant 0 : i32
      %ge3A_226 = vector.broadcast %ge3A_225 : i32 to vector<16xi32>
      %ge3A_227 = arith.cmpi sge, %sub3A_224, %ge3A_226 : vector<16xi32>
      %lt3A_228 = arith.constant 12288 : i32
      %lt3A_229 = vector.broadcast %lt3A_228 : i32 to vector<16xi32>
      %lt3A_230 = arith.cmpi slt, %sub3A_224, %lt3A_229 : vector<16xi32>
      %and3A_231 = arith.andi %ge3A_227, %lt3A_230 : vector<16xi1>
      %jit3A_232 = arith.constant 12288 : i32
      %broadcast_in_dim3A_233 = vector.broadcast %jit3A_232 : i32 to vector<16xi32>
      %select_n3A_234 = arith.select %and3A_231, %sub3A_224, %broadcast_in_dim3A_233 : vector<16xi1>, vector<16xi32>
      %swap3A_235 = arith.constant 32 : index
      %swap3A_236 = tpu.vector_load %arg7[%swap3A_235] {strides = array<i32>} : memref<64xi32, #tpu.memory_space<vmem>>, vector<16xi32>,
      %swap3A_237 = vector.shape_cast %swap3A_236 : vector<16xi32> to vector<16xi32>
      %swap3A_238 = vector.shape_cast %select_n3A_234 : vector<16xi32> to vector<16xi32>
      tpu.vector_store %arg7[%swap3A_235], %swap3A_238 {strides = array<i32>} : memref<64xi32, #tpu.memory_space<vmem>>, vector<16xi32>,
      %get3A_239 = arith.constant 96 : index
      %get3A_240 = tpu.vector_load %arg6[%get3A_239] {strides = array<i32>} : memref<128xi32, #tpu.memory_space<vmem>>, vector<16xi32>,
      %get3A_241 = vector.shape_cast %get3A_240 : vector<16xi32> to vector<16xi32>
      %sub3A_242 = arith.constant 12288 : i32
      %sub3A_243 = vector.broadcast %sub3A_242 : i32 to vector<16xi32>
      %sub3A_244 = arith.subi %get3A_241, %sub3A_243 : vector<16xi32>
      %ge3A_245 = arith.constant 0 : i32
      %ge3A_246 = vector.broadcast %ge3A_245 : i32 to vector<16xi32>
      %ge3A_247 = arith.cmpi sge, %sub3A_244, %ge3A_246 : vector<16xi32>
      %lt3A_248 = arith.constant 12288 : i32
      %lt3A_249 = vector.broadcast %lt3A_248 : i32 to vector<16xi32>
      %lt3A_250 = arith.cmpi slt, %sub3A_244, %lt3A_249 : vector<16xi32>
      %and3A_251 = arith.andi %ge3A_247, %lt3A_250 : vector<16xi1>
      %jit3A_252 = arith.constant 12288 : i32
      %broadcast_in_dim3A_253 = vector.broadcast %jit3A_252 : i32 to vector<16xi32>
      %select_n3A_254 = arith.select %and3A_251, %sub3A_244, %broadcast_in_dim3A_253 : vector<16xi1>, vector<16xi32>
      %swap3A_255 = arith.constant 32 : index
      %swap3A_256 = tpu.vector_load %arg8[%swap3A_255] {strides = array<i32>} : memref<64xi32, #tpu.memory_space<vmem>>, vector<16xi32>,
      %swap3A_257 = vector.shape_cast %swap3A_256 : vector<16xi32> to vector<16xi32>
      %swap3A_258 = vector.shape_cast %select_n3A_254 : vector<16xi32> to vector<16xi32>
      tpu.vector_store %arg8[%swap3A_255], %swap3A_258 {strides = array<i32>} : memref<64xi32, #tpu.memory_space<vmem>>, vector<16xi32>,
      %get3A_259 = arith.constant 48 : index
      %get3A_260 = tpu.vector_load %arg6[%get3A_259] {strides = array<i32>} : memref<128xi32, #tpu.memory_space<vmem>>, vector<16xi32>,
      %get3A_261 = vector.shape_cast %get3A_260 : vector<16xi32> to vector<16xi32>
      %sub3A_262 = arith.constant 12288 : i32
      %sub3A_263 = vector.broadcast %sub3A_262 : i32 to vector<16xi32>
      %sub3A_264 = arith.subi %get3A_261, %sub3A_263 : vector<16xi32>
      %ge3A_265 = arith.constant 0 : i32
      %ge3A_266 = vector.broadcast %ge3A_265 : i32 to vector<16xi32>
      %ge3A_267 = arith.cmpi sge, %sub3A_264, %ge3A_266 : vector<16xi32>
      %lt3A_268 = arith.constant 12288 : i32
      %lt3A_269 = vector.broadcast %lt3A_268 : i32 to vector<16xi32>
      %lt3A_270 = arith.cmpi slt, %sub3A_264, %lt3A_269 : vector<16xi32>
      %and3A_271 = arith.andi %ge3A_267, %lt3A_270 : vector<16xi1>
      %jit3A_272 = arith.constant 12288 : i32
      %broadcast_in_dim3A_273 = vector.broadcast %jit3A_272 : i32 to vector<16xi32>
      %select_n3A_274 = arith.select %and3A_271, %sub3A_264, %broadcast_in_dim3A_273 : vector<16xi1>, vector<16xi32>
      %swap3A_275 = arith.constant 48 : index
      %swap3A_276 = tpu.vector_load %arg7[%swap3A_275] {strides = array<i32>} : memref<64xi32, #tpu.memory_space<vmem>>, vector<16xi32>,
      %swap3A_277 = vector.shape_cast %swap3A_276 : vector<16xi32> to vector<16xi32>
      %swap3A_278 = vector.shape_cast %select_n3A_274 : vector<16xi32> to vector<16xi32>
      tpu.vector_store %arg7[%swap3A_275], %swap3A_278 {strides = array<i32>} : memref<64xi32, #tpu.memory_space<vmem>>, vector<16xi32>,
      %get3A_279 = arith.constant 112 : index
      %get3A_280 = tpu.vector_load %arg6[%get3A_279] {strides = array<i32>} : memref<128xi32, #tpu.memory_space<vmem>>, vector<16xi32>,
      %get3A_281 = vector.shape_cast %get3A_280 : vector<16xi32> to vector<16xi32>
      %sub3A_282 = arith.constant 12288 : i32
      %sub3A_283 = vector.broadcast %sub3A_282 : i32 to vector<16xi32>
      %sub3A_284 = arith.subi %get3A_281, %sub3A_283 : vector<16xi32>
      %ge3A_285 = arith.constant 0 : i32
      %ge3A_286 = vector.broadcast %ge3A_285 : i32 to vector<16xi32>
      %ge3A_287 = arith.cmpi sge, %sub3A_284, %ge3A_286 : vector<16xi32>
      %lt3A_288 = arith.constant 12288 : i32
      %lt3A_289 = vector.broadcast %lt3A_288 : i32 to vector<16xi32>
      %lt3A_290 = arith.cmpi slt, %sub3A_284, %lt3A_289 : vector<16xi32>
      %and3A_291 = arith.andi %ge3A_287, %lt3A_290 : vector<16xi1>
      %jit3A_292 = arith.constant 12288 : i32
      %broadcast_in_dim3A_293 = vector.broadcast %jit3A_292 : i32 to vector<16xi32>
      %select_n3A_294 = arith.select %and3A_291, %sub3A_284, %broadcast_in_dim3A_293 : vector<16xi1>, vector<16xi32>
      %swap3A_295 = arith.constant 48 : index
      %swap3A_296 = tpu.vector_load %arg8[%swap3A_295] {strides = array<i32>} : memref<64xi32, #tpu.memory_space<vmem>>, vector<16xi32>,
      %swap3A_297 = vector.shape_cast %swap3A_296 : vector<16xi32> to vector<16xi32>
      %swap3A_298 = vector.shape_cast %select_n3A_294 : vector<16xi32> to vector<16xi32>
      tpu.vector_store %arg8[%swap3A_295], %swap3A_298 {strides = array<i32>} : memref<64xi32, #tpu.memory_space<vmem>>, vector<16xi32>,
      %dma_wait3A_299 = arith.constant 0 : i32
      %dma_wait3A_300 = tpu.memref_slice %arg2[%arg0, %add3A_139, %dma_wait3A_299] : memref<2x589824x128xf32, #tpu.memory_space<hbm>> -> memref<1x64x128xf32, #tpu.memory_space<hbm>>
      %dma_wait3A_301 = tpu.memref_squeeze %dma_wait3A_300 : memref<1x64x128xf32, #tpu.memory_space<hbm>> -> memref<64x128xf32, #tpu.memory_space<hbm>>
      %dma_wait3A_302 = arith.constant 0 : i32
      %dma_wait3A_303 = tpu.memref_slice %arg2[%arg0, %add3A_139, %dma_wait3A_302] : memref<2x589824x128xf32, #tpu.memory_space<hbm>> -> memref<1x64x128xf32, #tpu.memory_space<hbm>>
      %dma_wait3A_304 = tpu.memref_squeeze %dma_wait3A_303 : memref<1x64x128xf32, #tpu.memory_space<hbm>> -> memref<64x128xf32, #tpu.memory_space<hbm>>
      tpu.wait_dma2 semaphore(%arg13 : memref<!tpu.dma_semaphore, #tpu.memory_space<semaphore_mem>>) src(%dma_wait3A_304 : memref<64x128xf32, #tpu.memory_space<hbm>>) dst(%arg9 : memref<64x128xf32, #tpu.memory_space<vmem>>)
      "tpu.region"() ({
        %run_scoped3A = tpu.sem_alloc : memref<!tpu.dma_semaphore, #tpu.memory_space<semaphore_mem>>
        %dma_start3A_322 = arith.constant 0 : i32
        %dma_start3A_323 = arith.constant 0 : i32
        %dma_start3A_324 = tpu.memref_slice %arg12[%dma_start3A_322, %dma_start3A_323] : memref<13312x128xf32, #tpu.memory_space<vmem_shared>> -> memref<13312x128xf32, #tpu.memory_space<vmem_shared>>
        tpu.enqueue_indirect_dma source(%arg9 : memref<64x128xf32, #tpu.memory_space<vmem>>) target(%dma_start3A_324 : memref<13312x128xf32, #tpu.memory_space<vmem_shared>>) offsets(%arg7 : memref<64xi32, #tpu.memory_space<vmem>>) semaphore(%run_scoped3A : memref<!tpu.dma_semaphore, #tpu.memory_space<semaphore_mem>>) {add = true}
        %dma_wait3A_325 = arith.constant 0 : i32
        %dma_wait3A_326 = arith.constant 0 : i32
        %dma_wait3A_327 = tpu.memref_slice %arg12[%dma_wait3A_325, %dma_wait3A_326] : memref<13312x128xf32, #tpu.memory_space<vmem_shared>> -> memref<13312x128xf32, #tpu.memory_space<vmem_shared>>
        tpu.wait_indirect_dma semaphore(%run_scoped3A : memref<!tpu.dma_semaphore, #tpu.memory_space<semaphore_mem>>) src(%arg9 : memref<64x128xf32, #tpu.memory_space<vmem>>) dst(%dma_wait3A_327 : memref<13312x128xf32, #tpu.memory_space<vmem_shared>>)
        tpu.yield
      }) : () -> ()
      %add3A_305 = arith.constant 128 : i32
      %add3A_306 = arith.addi %add3A_139, %add3A_305 : i32
      %min3A = arith.constant 589760 : i32
      %min3A_307 = arith.minsi %add3A_306, %min3A : i32
      %dma_start3A_308 = arith.constant 0 : i32
      %dma_start3A_309 = tpu.memref_slice %arg2[%arg0, %min3A_307, %dma_start3A_308] : memref<2x589824x128xf32, #tpu.memory_space<hbm>> -> memref<1x64x128xf32, #tpu.memory_space<hbm>>
      %dma_start3A_310 = tpu.memref_squeeze %dma_start3A_309 : memref<1x64x128xf32, #tpu.memory_space<hbm>> -> memref<64x128xf32, #tpu.memory_space<hbm>>
      %dma_start3A_311 = arith.constant 0 : i32
      %dma_start3A_312 = tpu.memref_slice %arg2[%arg0, %min3A_307, %dma_start3A_311] : memref<2x589824x128xf32, #tpu.memory_space<hbm>> -> memref<1x64x128xf32, #tpu.memory_space<hbm>>
      %dma_start3A_313 = tpu.memref_squeeze %dma_start3A_312 : memref<1x64x128xf32, #tpu.memory_space<hbm>> -> memref<64x128xf32, #tpu.memory_space<hbm>>
      tpu.enqueue_dma source(%dma_start3A_313 : memref<64x128xf32, #tpu.memory_space<hbm>>) target(%arg9 : memref<64x128xf32, #tpu.memory_space<vmem>>) target_semaphore(%arg13 : memref<!tpu.dma_semaphore, #tpu.memory_space<semaphore_mem>>)
      %add3A_314 = arith.constant 64 : i32
      %add3A_315 = arith.addi %add3A_139, %add3A_314 : i32
      %dma_wait3A_316 = arith.constant 0 : i32
      %dma_wait3A_317 = tpu.memref_slice %arg2[%arg0, %add3A_315, %dma_wait3A_316] : memref<2x589824x128xf32, #tpu.memory_space<hbm>> -> memref<1x64x128xf32, #tpu.memory_space<hbm>>
      %dma_wait3A_318 = tpu.memref_squeeze %dma_wait3A_317 : memref<1x64x128xf32, #tpu.memory_space<hbm>> -> memref<64x128xf32, #tpu.memory_space<hbm>>
      %dma_wait3A_319 = arith.constant 0 : i32
      %dma_wait3A_320 = tpu.memref_slice %arg2[%arg0, %add3A_315, %dma_wait3A_319] : memref<2x589824x128xf32, #tpu.memory_space<hbm>> -> memref<1x64x128xf32, #tpu.memory_space<hbm>>
      %dma_wait3A_321 = tpu.memref_squeeze %dma_wait3A_320 : memref<1x64x128xf32, #tpu.memory_space<hbm>> -> memref<64x128xf32, #tpu.memory_space<hbm>>
      tpu.wait_dma2 semaphore(%arg14 : memref<!tpu.dma_semaphore, #tpu.memory_space<semaphore_mem>>) src(%dma_wait3A_321 : memref<64x128xf32, #tpu.memory_space<hbm>>) dst(%arg10 : memref<64x128xf32, #tpu.memory_space<vmem>>)
      "tpu.region"() ({
        %run_scoped3A = tpu.sem_alloc : memref<!tpu.dma_semaphore, #tpu.memory_space<semaphore_mem>>
        %dma_start3A_322 = arith.constant 0 : i32
        %dma_start3A_323 = arith.constant 0 : i32
        %dma_start3A_324 = tpu.memref_slice %arg12[%dma_start3A_322, %dma_start3A_323] : memref<13312x128xf32, #tpu.memory_space<vmem_shared>> -> memref<13312x128xf32, #tpu.memory_space<vmem_shared>>
        tpu.enqueue_indirect_dma source(%arg10 : memref<64x128xf32, #tpu.memory_space<vmem>>) target(%dma_start3A_324 : memref<13312x128xf32, #tpu.memory_space<vmem_shared>>) offsets(%arg8 : memref<64xi32, #tpu.memory_space<vmem>>) semaphore(%run_scoped3A : memref<!tpu.dma_semaphore, #tpu.memory_space<semaphore_mem>>) {add = true}
        %dma_wait3A_325 = arith.constant 0 : i32
        %dma_wait3A_326 = arith.constant 0 : i32
        %dma_wait3A_327 = tpu.memref_slice %arg12[%dma_wait3A_325, %dma_wait3A_326] : memref<13312x128xf32, #tpu.memory_space<vmem_shared>> -> memref<13312x128xf32, #tpu.memory_space<vmem_shared>>
        tpu.wait_indirect_dma semaphore(%run_scoped3A : memref<!tpu.dma_semaphore, #tpu.memory_space<semaphore_mem>>) src(%arg10 : memref<64x128xf32, #tpu.memory_space<vmem>>) dst(%dma_wait3A_327 : memref<13312x128xf32, #tpu.memory_space<vmem_shared>>)
        tpu.yield
      }) : () -> ()
    }
    %scan3A_49 = arith.constant 288 : i32
    %dma_wait3A_50 = arith.constant 0 : i32
    %dma_wait3A_51 = arith.constant 0 : i32
    %dma_wait3A_52 = tpu.memref_slice %arg2[%arg0, %dma_wait3A_50, %dma_wait3A_51] : memref<2x589824x128xf32, #tpu.memory_space<hbm>> -> memref<1x64x128xf32, #tpu.memory_space<hbm>>
    %dma_wait3A_53 = tpu.memref_squeeze %dma_wait3A_52 : memref<1x64x128xf32, #tpu.memory_space<hbm>> -> memref<64x128xf32, #tpu.memory_space<hbm>>
    %dma_wait3A_54 = arith.constant 0 : i32
    %dma_wait3A_55 = arith.constant 0 : i32
    %dma_wait3A_56 = tpu.memref_slice %arg2[%arg0, %dma_wait3A_54, %dma_wait3A_55] : memref<2x589824x128xf32, #tpu.memory_space<hbm>> -> memref<1x64x128xf32, #tpu.memory_space<hbm>>
    %dma_wait3A_57 = tpu.memref_squeeze %dma_wait3A_56 : memref<1x64x128xf32, #tpu.memory_space<hbm>> -> memref<64x128xf32, #tpu.memory_space<hbm>>
    tpu.wait_dma2 semaphore(%arg13 : memref<!tpu.dma_semaphore, #tpu.memory_space<semaphore_mem>>) src(%dma_wait3A_57 : memref<64x128xf32, #tpu.memory_space<hbm>>) dst(%arg9 : memref<64x128xf32, #tpu.memory_space<vmem>>)
    %barrier3A_58 = arith.constant 0 : index
    tpu.barrier barrier_id(%barrier3A_58)
    %mul3A_59 = arith.constant 768 : i32
    %mul3A_60 = arith.muli %arg1, %mul3A_59 : i32
    %mul3A_61 = arith.constant 768 : i32
    %mul3A_62 = arith.muli %arg1, %mul3A_61 : i32
    %add3A_63 = arith.constant 12288 : i32
    %add3A_64 = arith.addi %add3A_63, %mul3A_62 : i32
    "tpu.region"() ({
      %run_scoped3A = tpu.sem_alloc : memref<!tpu.dma_semaphore, #tpu.memory_space<semaphore_mem>>
      %dma_start3A_136 = arith.constant 0 : i32
      %dma_start3A_137 = tpu.memref_slice %arg5[%arg0, %add3A_64, %dma_start3A_136] : memref<2x49152x128xf32, #tpu.memory_space<hbm>> -> memref<1x768x128xf32, #tpu.memory_space<hbm>>
      %dma_start3A_138 = tpu.memref_squeeze %dma_start3A_137 : memref<1x768x128xf32, #tpu.memory_space<hbm>> -> memref<768x128xf32, #tpu.memory_space<hbm>>
      %dma_start3A_139 = arith.constant 0 : i32
      %dma_start3A_140 = tpu.memref_slice %arg12[%mul3A_60, %dma_start3A_139] : memref<13312x128xf32, #tpu.memory_space<vmem_shared>> -> memref<768x128xf32, #tpu.memory_space<vmem_shared>>
      tpu.enqueue_dma source(%dma_start3A_140 : memref<768x128xf32, #tpu.memory_space<vmem_shared>>) target(%dma_start3A_138 : memref<768x128xf32, #tpu.memory_space<hbm>>) target_semaphore(%run_scoped3A : memref<!tpu.dma_semaphore, #tpu.memory_space<semaphore_mem>>)
      %dma_wait3A_141 = arith.constant 0 : i32
      %dma_wait3A_142 = tpu.memref_slice %arg5[%arg0, %add3A_64, %dma_wait3A_141] : memref<2x49152x128xf32, #tpu.memory_space<hbm>> -> memref<1x768x128xf32, #tpu.memory_space<hbm>>
      %dma_wait3A_143 = tpu.memref_squeeze %dma_wait3A_142 : memref<1x768x128xf32, #tpu.memory_space<hbm>> -> memref<768x128xf32, #tpu.memory_space<hbm>>
      %dma_wait3A_144 = arith.constant 0 : i32
      %dma_wait3A_145 = tpu.memref_slice %arg12[%mul3A_60, %dma_wait3A_144] : memref<13312x128xf32, #tpu.memory_space<vmem_shared>> -> memref<768x128xf32, #tpu.memory_space<vmem_shared>>
      tpu.wait_dma2 semaphore(%run_scoped3A : memref<!tpu.dma_semaphore, #tpu.memory_space<semaphore_mem>>) src(%dma_wait3A_145 : memref<768x128xf32, #tpu.memory_space<vmem_shared>>) dst(%dma_wait3A_143 : memref<768x128xf32, #tpu.memory_space<hbm>>)
      tpu.yield
    }) : () -> ()
    %barrier3A_65 = arith.constant 0 : index
    tpu.barrier barrier_id(%barrier3A_65)
    %scan3A_66 = arith.constant 0 : i32
    %scan3A_67 = arith.constant 0 : i32
    %scan3A_68 = arith.constant 52 : i32
    %scan3A_69 = arith.addi %scan3A_67, %scan3A_68 : i32
    %scan3A_70 = arith.constant 1 : i32
    scf.for %scan3A_136 = %scan3A_67 to %scan3A_69 step %scan3A_70  : i32 {
      %mul3A_137 = arith.constant 832 : i32
      %mul3A_138 = arith.muli %arg1, %mul3A_137 : i32
      %mul3A_139 = arith.constant 16 : i32
      %mul3A_140 = arith.muli %scan3A_136, %mul3A_139 : i32
      %add3A_141 = arith.addi %mul3A_138, %mul3A_140 : i32
      "tpu.region"() ({
        %run_scoped3A = tpu.sem_alloc : memref<!tpu.dma_semaphore, #tpu.memory_space<semaphore_mem>>
        %dma_start3A_142 = arith.constant 0 : i32
        %dma_start3A_143 = tpu.memref_slice %arg12[%add3A_141, %dma_start3A_142] : memref<13312x128xf32, #tpu.memory_space<vmem_shared>> -> memref<16x128xf32, #tpu.memory_space<vmem_shared>>
        %dma_start3A_144 = arith.constant 0 : i32
        %dma_start3A_145 = tpu.memref_slice %arg12[%add3A_141, %dma_start3A_144] : memref<13312x128xf32, #tpu.memory_space<vmem_shared>> -> memref<16x128xf32, #tpu.memory_space<vmem_shared>>
        tpu.enqueue_dma source(%arg11 : memref<16x128xf32, #tpu.memory_space<vmem>>) target(%dma_start3A_145 : memref<16x128xf32, #tpu.memory_space<vmem_shared>>) target_semaphore(%run_scoped3A : memref<!tpu.dma_semaphore, #tpu.memory_space<semaphore_mem>>)
        %dma_wait3A_146 = arith.constant 0 : i32
        %dma_wait3A_147 = tpu.memref_slice %arg12[%add3A_141, %dma_wait3A_146] : memref<13312x128xf32, #tpu.memory_space<vmem_shared>> -> memref<16x128xf32, #tpu.memory_space<vmem_shared>>
        %dma_wait3A_148 = arith.constant 0 : i32
        %dma_wait3A_149 = tpu.memref_slice %arg12[%add3A_141, %dma_wait3A_148] : memref<13312x128xf32, #tpu.memory_space<vmem_shared>> -> memref<16x128xf32, #tpu.memory_space<vmem_shared>>
        tpu.wait_dma2 semaphore(%run_scoped3A : memref<!tpu.dma_semaphore, #tpu.memory_space<semaphore_mem>>) src(%arg11 : memref<16x128xf32, #tpu.memory_space<vmem>>) dst(%dma_wait3A_149 : memref<16x128xf32, #tpu.memory_space<vmem_shared>>)
        tpu.yield
      }) : () -> ()
    }
    %scan3A_71 = arith.constant 52 : i32
    %barrier3A_72 = arith.constant 0 : index
    tpu.barrier barrier_id(%barrier3A_72)
    %dma_start3A_73 = arith.constant 0 : i32
    %dma_start3A_74 = tpu.memref_slice %arg2[%arg0, %mul3A_0, %dma_start3A_73] : memref<2x589824x128xf32, #tpu.memory_space<hbm>> -> memref<1x64x128xf32, #tpu.memory_space<hbm>>
    %dma_start3A_75 = tpu.memref_squeeze %dma_start3A_74 : memref<1x64x128xf32, #tpu.memory_space<hbm>> -> memref<64x128xf32, #tpu.memory_space<hbm>>
    %dma_start3A_76 = arith.constant 0 : i32
    %dma_start3A_77 = tpu.memref_slice %arg2[%arg0, %mul3A_0, %dma_start3A_76] : memref<2x589824x128xf32, #tpu.memory_space<hbm>> -> memref<1x64x128xf32, #tpu.memory_space<hbm>>
    %dma_start3A_78 = tpu.memref_squeeze %dma_start3A_77 : memref<1x64x128xf32, #tpu.memory_space<hbm>> -> memref<64x128xf32, #tpu.memory_space<hbm>>
    tpu.enqueue_dma source(%dma_start3A_78 : memref<64x128xf32, #tpu.memory_space<hbm>>) target(%arg9 : memref<64x128xf32, #tpu.memory_space<vmem>>) target_semaphore(%arg13 : memref<!tpu.dma_semaphore, #tpu.memory_space<semaphore_mem>>)
    %scan3A_79 = arith.constant 0 : i32
    %scan3A_80 = arith.constant 0 : i32
    %scan3A_81 = arith.constant 288 : i32
    %scan3A_82 = arith.addi %scan3A_80, %scan3A_81 : i32
    %scan3A_83 = arith.constant 1 : i32
    scf.for %scan3A_136 = %scan3A_80 to %scan3A_82 step %scan3A_83  : i32 {
      %mul3A_137 = arith.constant 128 : i32
      %mul3A_138 = arith.muli %scan3A_136, %mul3A_137 : i32
      %add3A_139 = arith.addi %mul3A_0, %mul3A_138 : i32
      %add3A_140 = arith.constant 64 : i32
      %add3A_141 = arith.addi %add3A_139, %add3A_140 : i32
      %dma_start3A_142 = arith.constant 0 : i32
      %dma_start3A_143 = tpu.memref_slice %arg2[%arg0, %add3A_141, %dma_start3A_142] : memref<2x589824x128xf32, #tpu.memory_space<hbm>> -> memref<1x64x128xf32, #tpu.memory_space<hbm>>
      %dma_start3A_144 = tpu.memref_squeeze %dma_start3A_143 : memref<1x64x128xf32, #tpu.memory_space<hbm>> -> memref<64x128xf32, #tpu.memory_space<hbm>>
      %dma_start3A_145 = arith.constant 0 : i32
      %dma_start3A_146 = tpu.memref_slice %arg2[%arg0, %add3A_141, %dma_start3A_145] : memref<2x589824x128xf32, #tpu.memory_space<hbm>> -> memref<1x64x128xf32, #tpu.memory_space<hbm>>
      %dma_start3A_147 = tpu.memref_squeeze %dma_start3A_146 : memref<1x64x128xf32, #tpu.memory_space<hbm>> -> memref<64x128xf32, #tpu.memory_space<hbm>>
      tpu.enqueue_dma source(%dma_start3A_147 : memref<64x128xf32, #tpu.memory_space<hbm>>) target(%arg10 : memref<64x128xf32, #tpu.memory_space<vmem>>) target_semaphore(%arg14 : memref<!tpu.dma_semaphore, #tpu.memory_space<semaphore_mem>>)
      "tpu.region"() ({
        %run_scoped3A = tpu.sem_alloc : memref<!tpu.dma_semaphore, #tpu.memory_space<semaphore_mem>>
        %dma_start3A_322 = arith.constant 0 : i32
        %dma_start3A_323 = tpu.memref_slice %arg3[%arg1, %scan3A_136, %dma_start3A_322] : memref<16x288x128xi32, #tpu.memory_space<hbm>> -> memref<1x1x128xi32, #tpu.memory_space<hbm>>
        %dma_start3A_324 = tpu.memref_squeeze %dma_start3A_323 : memref<1x1x128xi32, #tpu.memory_space<hbm>> -> memref<128xi32, #tpu.memory_space<hbm>>
        %dma_start3A_325 = arith.constant 0 : i32
        %dma_start3A_326 = tpu.memref_slice %arg3[%arg1, %scan3A_136, %dma_start3A_325] : memref<16x288x128xi32, #tpu.memory_space<hbm>> -> memref<1x1x128xi32, #tpu.memory_space<hbm>>
        %dma_start3A_327 = tpu.memref_squeeze %dma_start3A_326 : memref<1x1x128xi32, #tpu.memory_space<hbm>> -> memref<128xi32, #tpu.memory_space<hbm>>
        tpu.enqueue_dma source(%dma_start3A_327 : memref<128xi32, #tpu.memory_space<hbm>>) target(%arg6 : memref<128xi32, #tpu.memory_space<vmem>>) target_semaphore(%run_scoped3A : memref<!tpu.dma_semaphore, #tpu.memory_space<semaphore_mem>>)
        %dma_wait3A_328 = arith.constant 0 : i32
        %dma_wait3A_329 = tpu.memref_slice %arg3[%arg1, %scan3A_136, %dma_wait3A_328] : memref<16x288x128xi32, #tpu.memory_space<hbm>> -> memref<1x1x128xi32, #tpu.memory_space<hbm>>
        %dma_wait3A_330 = tpu.memref_squeeze %dma_wait3A_329 : memref<1x1x128xi32, #tpu.memory_space<hbm>> -> memref<128xi32, #tpu.memory_space<hbm>>
        %dma_wait3A_331 = arith.constant 0 : i32
        %dma_wait3A_332 = tpu.memref_slice %arg3[%arg1, %scan3A_136, %dma_wait3A_331] : memref<16x288x128xi32, #tpu.memory_space<hbm>> -> memref<1x1x128xi32, #tpu.memory_space<hbm>>
        %dma_wait3A_333 = tpu.memref_squeeze %dma_wait3A_332 : memref<1x1x128xi32, #tpu.memory_space<hbm>> -> memref<128xi32, #tpu.memory_space<hbm>>
        tpu.wait_dma2 semaphore(%run_scoped3A : memref<!tpu.dma_semaphore, #tpu.memory_space<semaphore_mem>>) src(%dma_wait3A_333 : memref<128xi32, #tpu.memory_space<hbm>>) dst(%arg6 : memref<128xi32, #tpu.memory_space<vmem>>)
        tpu.yield
      }) : () -> ()
      %get3A = arith.constant 0 : index
      %get3A_148 = tpu.vector_load %arg6[%get3A] {strides = array<i32>} : memref<128xi32, #tpu.memory_space<vmem>>, vector<16xi32>,
      %get3A_149 = vector.shape_cast %get3A_148 : vector<16xi32> to vector<16xi32>
      %sub3A = arith.constant 24576 : i32
      %sub3A_150 = vector.broadcast %sub3A : i32 to vector<16xi32>
      %sub3A_151 = arith.subi %get3A_149, %sub3A_150 : vector<16xi32>
      %ge3A = arith.constant 0 : i32
      %ge3A_152 = vector.broadcast %ge3A : i32 to vector<16xi32>
      %ge3A_153 = arith.cmpi sge, %sub3A_151, %ge3A_152 : vector<16xi32>
      %lt3A = arith.constant 12288 : i32
      %lt3A_154 = vector.broadcast %lt3A : i32 to vector<16xi32>
      %lt3A_155 = arith.cmpi slt, %sub3A_151, %lt3A_154 : vector<16xi32>
      %and3A = arith.andi %ge3A_153, %lt3A_155 : vector<16xi1>
      %jit3A = arith.constant 12288 : i32
      %broadcast_in_dim3A = vector.broadcast %jit3A : i32 to vector<16xi32>
      %select_n3A = arith.select %and3A, %sub3A_151, %broadcast_in_dim3A : vector<16xi1>, vector<16xi32>
      %swap3A = arith.constant 0 : index
      %swap3A_156 = tpu.vector_load %arg7[%swap3A] {strides = array<i32>} : memref<64xi32, #tpu.memory_space<vmem>>, vector<16xi32>,
      %swap3A_157 = vector.shape_cast %swap3A_156 : vector<16xi32> to vector<16xi32>
      %swap3A_158 = vector.shape_cast %select_n3A : vector<16xi32> to vector<16xi32>
      tpu.vector_store %arg7[%swap3A], %swap3A_158 {strides = array<i32>} : memref<64xi32, #tpu.memory_space<vmem>>, vector<16xi32>,
      %get3A_159 = arith.constant 64 : index
      %get3A_160 = tpu.vector_load %arg6[%get3A_159] {strides = array<i32>} : memref<128xi32, #tpu.memory_space<vmem>>, vector<16xi32>,
      %get3A_161 = vector.shape_cast %get3A_160 : vector<16xi32> to vector<16xi32>
      %sub3A_162 = arith.constant 24576 : i32
      %sub3A_163 = vector.broadcast %sub3A_162 : i32 to vector<16xi32>
      %sub3A_164 = arith.subi %get3A_161, %sub3A_163 : vector<16xi32>
      %ge3A_165 = arith.constant 0 : i32
      %ge3A_166 = vector.broadcast %ge3A_165 : i32 to vector<16xi32>
      %ge3A_167 = arith.cmpi sge, %sub3A_164, %ge3A_166 : vector<16xi32>
      %lt3A_168 = arith.constant 12288 : i32
      %lt3A_169 = vector.broadcast %lt3A_168 : i32 to vector<16xi32>
      %lt3A_170 = arith.cmpi slt, %sub3A_164, %lt3A_169 : vector<16xi32>
      %and3A_171 = arith.andi %ge3A_167, %lt3A_170 : vector<16xi1>
      %jit3A_172 = arith.constant 12288 : i32
      %broadcast_in_dim3A_173 = vector.broadcast %jit3A_172 : i32 to vector<16xi32>
      %select_n3A_174 = arith.select %and3A_171, %sub3A_164, %broadcast_in_dim3A_173 : vector<16xi1>, vector<16xi32>
      %swap3A_175 = arith.constant 0 : index
      %swap3A_176 = tpu.vector_load %arg8[%swap3A_175] {strides = array<i32>} : memref<64xi32, #tpu.memory_space<vmem>>, vector<16xi32>,
      %swap3A_177 = vector.shape_cast %swap3A_176 : vector<16xi32> to vector<16xi32>
      %swap3A_178 = vector.shape_cast %select_n3A_174 : vector<16xi32> to vector<16xi32>
      tpu.vector_store %arg8[%swap3A_175], %swap3A_178 {strides = array<i32>} : memref<64xi32, #tpu.memory_space<vmem>>, vector<16xi32>,
      %get3A_179 = arith.constant 16 : index
      %get3A_180 = tpu.vector_load %arg6[%get3A_179] {strides = array<i32>} : memref<128xi32, #tpu.memory_space<vmem>>, vector<16xi32>,
      %get3A_181 = vector.shape_cast %get3A_180 : vector<16xi32> to vector<16xi32>
      %sub3A_182 = arith.constant 24576 : i32
      %sub3A_183 = vector.broadcast %sub3A_182 : i32 to vector<16xi32>
      %sub3A_184 = arith.subi %get3A_181, %sub3A_183 : vector<16xi32>
      %ge3A_185 = arith.constant 0 : i32
      %ge3A_186 = vector.broadcast %ge3A_185 : i32 to vector<16xi32>
      %ge3A_187 = arith.cmpi sge, %sub3A_184, %ge3A_186 : vector<16xi32>
      %lt3A_188 = arith.constant 12288 : i32
      %lt3A_189 = vector.broadcast %lt3A_188 : i32 to vector<16xi32>
      %lt3A_190 = arith.cmpi slt, %sub3A_184, %lt3A_189 : vector<16xi32>
      %and3A_191 = arith.andi %ge3A_187, %lt3A_190 : vector<16xi1>
      %jit3A_192 = arith.constant 12288 : i32
      %broadcast_in_dim3A_193 = vector.broadcast %jit3A_192 : i32 to vector<16xi32>
      %select_n3A_194 = arith.select %and3A_191, %sub3A_184, %broadcast_in_dim3A_193 : vector<16xi1>, vector<16xi32>
      %swap3A_195 = arith.constant 16 : index
      %swap3A_196 = tpu.vector_load %arg7[%swap3A_195] {strides = array<i32>} : memref<64xi32, #tpu.memory_space<vmem>>, vector<16xi32>,
      %swap3A_197 = vector.shape_cast %swap3A_196 : vector<16xi32> to vector<16xi32>
      %swap3A_198 = vector.shape_cast %select_n3A_194 : vector<16xi32> to vector<16xi32>
      tpu.vector_store %arg7[%swap3A_195], %swap3A_198 {strides = array<i32>} : memref<64xi32, #tpu.memory_space<vmem>>, vector<16xi32>,
      %get3A_199 = arith.constant 80 : index
      %get3A_200 = tpu.vector_load %arg6[%get3A_199] {strides = array<i32>} : memref<128xi32, #tpu.memory_space<vmem>>, vector<16xi32>,
      %get3A_201 = vector.shape_cast %get3A_200 : vector<16xi32> to vector<16xi32>
      %sub3A_202 = arith.constant 24576 : i32
      %sub3A_203 = vector.broadcast %sub3A_202 : i32 to vector<16xi32>
      %sub3A_204 = arith.subi %get3A_201, %sub3A_203 : vector<16xi32>
      %ge3A_205 = arith.constant 0 : i32
      %ge3A_206 = vector.broadcast %ge3A_205 : i32 to vector<16xi32>
      %ge3A_207 = arith.cmpi sge, %sub3A_204, %ge3A_206 : vector<16xi32>
      %lt3A_208 = arith.constant 12288 : i32
      %lt3A_209 = vector.broadcast %lt3A_208 : i32 to vector<16xi32>
      %lt3A_210 = arith.cmpi slt, %sub3A_204, %lt3A_209 : vector<16xi32>
      %and3A_211 = arith.andi %ge3A_207, %lt3A_210 : vector<16xi1>
      %jit3A_212 = arith.constant 12288 : i32
      %broadcast_in_dim3A_213 = vector.broadcast %jit3A_212 : i32 to vector<16xi32>
      %select_n3A_214 = arith.select %and3A_211, %sub3A_204, %broadcast_in_dim3A_213 : vector<16xi1>, vector<16xi32>
      %swap3A_215 = arith.constant 16 : index
      %swap3A_216 = tpu.vector_load %arg8[%swap3A_215] {strides = array<i32>} : memref<64xi32, #tpu.memory_space<vmem>>, vector<16xi32>,
      %swap3A_217 = vector.shape_cast %swap3A_216 : vector<16xi32> to vector<16xi32>
      %swap3A_218 = vector.shape_cast %select_n3A_214 : vector<16xi32> to vector<16xi32>
      tpu.vector_store %arg8[%swap3A_215], %swap3A_218 {strides = array<i32>} : memref<64xi32, #tpu.memory_space<vmem>>, vector<16xi32>,
      %get3A_219 = arith.constant 32 : index
      %get3A_220 = tpu.vector_load %arg6[%get3A_219] {strides = array<i32>} : memref<128xi32, #tpu.memory_space<vmem>>, vector<16xi32>,
      %get3A_221 = vector.shape_cast %get3A_220 : vector<16xi32> to vector<16xi32>
      %sub3A_222 = arith.constant 24576 : i32
      %sub3A_223 = vector.broadcast %sub3A_222 : i32 to vector<16xi32>
      %sub3A_224 = arith.subi %get3A_221, %sub3A_223 : vector<16xi32>
      %ge3A_225 = arith.constant 0 : i32
      %ge3A_226 = vector.broadcast %ge3A_225 : i32 to vector<16xi32>
      %ge3A_227 = arith.cmpi sge, %sub3A_224, %ge3A_226 : vector<16xi32>
      %lt3A_228 = arith.constant 12288 : i32
      %lt3A_229 = vector.broadcast %lt3A_228 : i32 to vector<16xi32>
      %lt3A_230 = arith.cmpi slt, %sub3A_224, %lt3A_229 : vector<16xi32>
      %and3A_231 = arith.andi %ge3A_227, %lt3A_230 : vector<16xi1>
      %jit3A_232 = arith.constant 12288 : i32
      %broadcast_in_dim3A_233 = vector.broadcast %jit3A_232 : i32 to vector<16xi32>
      %select_n3A_234 = arith.select %and3A_231, %sub3A_224, %broadcast_in_dim3A_233 : vector<16xi1>, vector<16xi32>
      %swap3A_235 = arith.constant 32 : index
      %swap3A_236 = tpu.vector_load %arg7[%swap3A_235] {strides = array<i32>} : memref<64xi32, #tpu.memory_space<vmem>>, vector<16xi32>,
      %swap3A_237 = vector.shape_cast %swap3A_236 : vector<16xi32> to vector<16xi32>
      %swap3A_238 = vector.shape_cast %select_n3A_234 : vector<16xi32> to vector<16xi32>
      tpu.vector_store %arg7[%swap3A_235], %swap3A_238 {strides = array<i32>} : memref<64xi32, #tpu.memory_space<vmem>>, vector<16xi32>,
      %get3A_239 = arith.constant 96 : index
      %get3A_240 = tpu.vector_load %arg6[%get3A_239] {strides = array<i32>} : memref<128xi32, #tpu.memory_space<vmem>>, vector<16xi32>,
      %get3A_241 = vector.shape_cast %get3A_240 : vector<16xi32> to vector<16xi32>
      %sub3A_242 = arith.constant 24576 : i32
      %sub3A_243 = vector.broadcast %sub3A_242 : i32 to vector<16xi32>
      %sub3A_244 = arith.subi %get3A_241, %sub3A_243 : vector<16xi32>
      %ge3A_245 = arith.constant 0 : i32
      %ge3A_246 = vector.broadcast %ge3A_245 : i32 to vector<16xi32>
      %ge3A_247 = arith.cmpi sge, %sub3A_244, %ge3A_246 : vector<16xi32>
      %lt3A_248 = arith.constant 12288 : i32
      %lt3A_249 = vector.broadcast %lt3A_248 : i32 to vector<16xi32>
      %lt3A_250 = arith.cmpi slt, %sub3A_244, %lt3A_249 : vector<16xi32>
      %and3A_251 = arith.andi %ge3A_247, %lt3A_250 : vector<16xi1>
      %jit3A_252 = arith.constant 12288 : i32
      %broadcast_in_dim3A_253 = vector.broadcast %jit3A_252 : i32 to vector<16xi32>
      %select_n3A_254 = arith.select %and3A_251, %sub3A_244, %broadcast_in_dim3A_253 : vector<16xi1>, vector<16xi32>
      %swap3A_255 = arith.constant 32 : index
      %swap3A_256 = tpu.vector_load %arg8[%swap3A_255] {strides = array<i32>} : memref<64xi32, #tpu.memory_space<vmem>>, vector<16xi32>,
      %swap3A_257 = vector.shape_cast %swap3A_256 : vector<16xi32> to vector<16xi32>
      %swap3A_258 = vector.shape_cast %select_n3A_254 : vector<16xi32> to vector<16xi32>
      tpu.vector_store %arg8[%swap3A_255], %swap3A_258 {strides = array<i32>} : memref<64xi32, #tpu.memory_space<vmem>>, vector<16xi32>,
      %get3A_259 = arith.constant 48 : index
      %get3A_260 = tpu.vector_load %arg6[%get3A_259] {strides = array<i32>} : memref<128xi32, #tpu.memory_space<vmem>>, vector<16xi32>,
      %get3A_261 = vector.shape_cast %get3A_260 : vector<16xi32> to vector<16xi32>
      %sub3A_262 = arith.constant 24576 : i32
      %sub3A_263 = vector.broadcast %sub3A_262 : i32 to vector<16xi32>
      %sub3A_264 = arith.subi %get3A_261, %sub3A_263 : vector<16xi32>
      %ge3A_265 = arith.constant 0 : i32
      %ge3A_266 = vector.broadcast %ge3A_265 : i32 to vector<16xi32>
      %ge3A_267 = arith.cmpi sge, %sub3A_264, %ge3A_266 : vector<16xi32>
      %lt3A_268 = arith.constant 12288 : i32
      %lt3A_269 = vector.broadcast %lt3A_268 : i32 to vector<16xi32>
      %lt3A_270 = arith.cmpi slt, %sub3A_264, %lt3A_269 : vector<16xi32>
      %and3A_271 = arith.andi %ge3A_267, %lt3A_270 : vector<16xi1>
      %jit3A_272 = arith.constant 12288 : i32
      %broadcast_in_dim3A_273 = vector.broadcast %jit3A_272 : i32 to vector<16xi32>
      %select_n3A_274 = arith.select %and3A_271, %sub3A_264, %broadcast_in_dim3A_273 : vector<16xi1>, vector<16xi32>
      %swap3A_275 = arith.constant 48 : index
      %swap3A_276 = tpu.vector_load %arg7[%swap3A_275] {strides = array<i32>} : memref<64xi32, #tpu.memory_space<vmem>>, vector<16xi32>,
      %swap3A_277 = vector.shape_cast %swap3A_276 : vector<16xi32> to vector<16xi32>
      %swap3A_278 = vector.shape_cast %select_n3A_274 : vector<16xi32> to vector<16xi32>
      tpu.vector_store %arg7[%swap3A_275], %swap3A_278 {strides = array<i32>} : memref<64xi32, #tpu.memory_space<vmem>>, vector<16xi32>,
      %get3A_279 = arith.constant 112 : index
      %get3A_280 = tpu.vector_load %arg6[%get3A_279] {strides = array<i32>} : memref<128xi32, #tpu.memory_space<vmem>>, vector<16xi32>,
      %get3A_281 = vector.shape_cast %get3A_280 : vector<16xi32> to vector<16xi32>
      %sub3A_282 = arith.constant 24576 : i32
      %sub3A_283 = vector.broadcast %sub3A_282 : i32 to vector<16xi32>
      %sub3A_284 = arith.subi %get3A_281, %sub3A_283 : vector<16xi32>
      %ge3A_285 = arith.constant 0 : i32
      %ge3A_286 = vector.broadcast %ge3A_285 : i32 to vector<16xi32>
      %ge3A_287 = arith.cmpi sge, %sub3A_284, %ge3A_286 : vector<16xi32>
      %lt3A_288 = arith.constant 12288 : i32
      %lt3A_289 = vector.broadcast %lt3A_288 : i32 to vector<16xi32>
      %lt3A_290 = arith.cmpi slt, %sub3A_284, %lt3A_289 : vector<16xi32>
      %and3A_291 = arith.andi %ge3A_287, %lt3A_290 : vector<16xi1>
      %jit3A_292 = arith.constant 12288 : i32
      %broadcast_in_dim3A_293 = vector.broadcast %jit3A_292 : i32 to vector<16xi32>
      %select_n3A_294 = arith.select %and3A_291, %sub3A_284, %broadcast_in_dim3A_293 : vector<16xi1>, vector<16xi32>
      %swap3A_295 = arith.constant 48 : index
      %swap3A_296 = tpu.vector_load %arg8[%swap3A_295] {strides = array<i32>} : memref<64xi32, #tpu.memory_space<vmem>>, vector<16xi32>,
      %swap3A_297 = vector.shape_cast %swap3A_296 : vector<16xi32> to vector<16xi32>
      %swap3A_298 = vector.shape_cast %select_n3A_294 : vector<16xi32> to vector<16xi32>
      tpu.vector_store %arg8[%swap3A_295], %swap3A_298 {strides = array<i32>} : memref<64xi32, #tpu.memory_space<vmem>>, vector<16xi32>,
      %dma_wait3A_299 = arith.constant 0 : i32
      %dma_wait3A_300 = tpu.memref_slice %arg2[%arg0, %add3A_139, %dma_wait3A_299] : memref<2x589824x128xf32, #tpu.memory_space<hbm>> -> memref<1x64x128xf32, #tpu.memory_space<hbm>>
      %dma_wait3A_301 = tpu.memref_squeeze %dma_wait3A_300 : memref<1x64x128xf32, #tpu.memory_space<hbm>> -> memref<64x128xf32, #tpu.memory_space<hbm>>
      %dma_wait3A_302 = arith.constant 0 : i32
      %dma_wait3A_303 = tpu.memref_slice %arg2[%arg0, %add3A_139, %dma_wait3A_302] : memref<2x589824x128xf32, #tpu.memory_space<hbm>> -> memref<1x64x128xf32, #tpu.memory_space<hbm>>
      %dma_wait3A_304 = tpu.memref_squeeze %dma_wait3A_303 : memref<1x64x128xf32, #tpu.memory_space<hbm>> -> memref<64x128xf32, #tpu.memory_space<hbm>>
      tpu.wait_dma2 semaphore(%arg13 : memref<!tpu.dma_semaphore, #tpu.memory_space<semaphore_mem>>) src(%dma_wait3A_304 : memref<64x128xf32, #tpu.memory_space<hbm>>) dst(%arg9 : memref<64x128xf32, #tpu.memory_space<vmem>>)
      "tpu.region"() ({
        %run_scoped3A = tpu.sem_alloc : memref<!tpu.dma_semaphore, #tpu.memory_space<semaphore_mem>>
        %dma_start3A_322 = arith.constant 0 : i32
        %dma_start3A_323 = arith.constant 0 : i32
        %dma_start3A_324 = tpu.memref_slice %arg12[%dma_start3A_322, %dma_start3A_323] : memref<13312x128xf32, #tpu.memory_space<vmem_shared>> -> memref<13312x128xf32, #tpu.memory_space<vmem_shared>>
        tpu.enqueue_indirect_dma source(%arg9 : memref<64x128xf32, #tpu.memory_space<vmem>>) target(%dma_start3A_324 : memref<13312x128xf32, #tpu.memory_space<vmem_shared>>) offsets(%arg7 : memref<64xi32, #tpu.memory_space<vmem>>) semaphore(%run_scoped3A : memref<!tpu.dma_semaphore, #tpu.memory_space<semaphore_mem>>) {add = true}
        %dma_wait3A_325 = arith.constant 0 : i32
        %dma_wait3A_326 = arith.constant 0 : i32
        %dma_wait3A_327 = tpu.memref_slice %arg12[%dma_wait3A_325, %dma_wait3A_326] : memref<13312x128xf32, #tpu.memory_space<vmem_shared>> -> memref<13312x128xf32, #tpu.memory_space<vmem_shared>>
        tpu.wait_indirect_dma semaphore(%run_scoped3A : memref<!tpu.dma_semaphore, #tpu.memory_space<semaphore_mem>>) src(%arg9 : memref<64x128xf32, #tpu.memory_space<vmem>>) dst(%dma_wait3A_327 : memref<13312x128xf32, #tpu.memory_space<vmem_shared>>)
        tpu.yield
      }) : () -> ()
      %add3A_305 = arith.constant 128 : i32
      %add3A_306 = arith.addi %add3A_139, %add3A_305 : i32
      %min3A = arith.constant 589760 : i32
      %min3A_307 = arith.minsi %add3A_306, %min3A : i32
      %dma_start3A_308 = arith.constant 0 : i32
      %dma_start3A_309 = tpu.memref_slice %arg2[%arg0, %min3A_307, %dma_start3A_308] : memref<2x589824x128xf32, #tpu.memory_space<hbm>> -> memref<1x64x128xf32, #tpu.memory_space<hbm>>
      %dma_start3A_310 = tpu.memref_squeeze %dma_start3A_309 : memref<1x64x128xf32, #tpu.memory_space<hbm>> -> memref<64x128xf32, #tpu.memory_space<hbm>>
      %dma_start3A_311 = arith.constant 0 : i32
      %dma_start3A_312 = tpu.memref_slice %arg2[%arg0, %min3A_307, %dma_start3A_311] : memref<2x589824x128xf32, #tpu.memory_space<hbm>> -> memref<1x64x128xf32, #tpu.memory_space<hbm>>
      %dma_start3A_313 = tpu.memref_squeeze %dma_start3A_312 : memref<1x64x128xf32, #tpu.memory_space<hbm>> -> memref<64x128xf32, #tpu.memory_space<hbm>>
      tpu.enqueue_dma source(%dma_start3A_313 : memref<64x128xf32, #tpu.memory_space<hbm>>) target(%arg9 : memref<64x128xf32, #tpu.memory_space<vmem>>) target_semaphore(%arg13 : memref<!tpu.dma_semaphore, #tpu.memory_space<semaphore_mem>>)
      %add3A_314 = arith.constant 64 : i32
      %add3A_315 = arith.addi %add3A_139, %add3A_314 : i32
      %dma_wait3A_316 = arith.constant 0 : i32
      %dma_wait3A_317 = tpu.memref_slice %arg2[%arg0, %add3A_315, %dma_wait3A_316] : memref<2x589824x128xf32, #tpu.memory_space<hbm>> -> memref<1x64x128xf32, #tpu.memory_space<hbm>>
      %dma_wait3A_318 = tpu.memref_squeeze %dma_wait3A_317 : memref<1x64x128xf32, #tpu.memory_space<hbm>> -> memref<64x128xf32, #tpu.memory_space<hbm>>
      %dma_wait3A_319 = arith.constant 0 : i32
      %dma_wait3A_320 = tpu.memref_slice %arg2[%arg0, %add3A_315, %dma_wait3A_319] : memref<2x589824x128xf32, #tpu.memory_space<hbm>> -> memref<1x64x128xf32, #tpu.memory_space<hbm>>
      %dma_wait3A_321 = tpu.memref_squeeze %dma_wait3A_320 : memref<1x64x128xf32, #tpu.memory_space<hbm>> -> memref<64x128xf32, #tpu.memory_space<hbm>>
      tpu.wait_dma2 semaphore(%arg14 : memref<!tpu.dma_semaphore, #tpu.memory_space<semaphore_mem>>) src(%dma_wait3A_321 : memref<64x128xf32, #tpu.memory_space<hbm>>) dst(%arg10 : memref<64x128xf32, #tpu.memory_space<vmem>>)
      "tpu.region"() ({
        %run_scoped3A = tpu.sem_alloc : memref<!tpu.dma_semaphore, #tpu.memory_space<semaphore_mem>>
        %dma_start3A_322 = arith.constant 0 : i32
        %dma_start3A_323 = arith.constant 0 : i32
        %dma_start3A_324 = tpu.memref_slice %arg12[%dma_start3A_322, %dma_start3A_323] : memref<13312x128xf32, #tpu.memory_space<vmem_shared>> -> memref<13312x128xf32, #tpu.memory_space<vmem_shared>>
        tpu.enqueue_indirect_dma source(%arg10 : memref<64x128xf32, #tpu.memory_space<vmem>>) target(%dma_start3A_324 : memref<13312x128xf32, #tpu.memory_space<vmem_shared>>) offsets(%arg8 : memref<64xi32, #tpu.memory_space<vmem>>) semaphore(%run_scoped3A : memref<!tpu.dma_semaphore, #tpu.memory_space<semaphore_mem>>) {add = true}
        %dma_wait3A_325 = arith.constant 0 : i32
        %dma_wait3A_326 = arith.constant 0 : i32
        %dma_wait3A_327 = tpu.memref_slice %arg12[%dma_wait3A_325, %dma_wait3A_326] : memref<13312x128xf32, #tpu.memory_space<vmem_shared>> -> memref<13312x128xf32, #tpu.memory_space<vmem_shared>>
        tpu.wait_indirect_dma semaphore(%run_scoped3A : memref<!tpu.dma_semaphore, #tpu.memory_space<semaphore_mem>>) src(%arg10 : memref<64x128xf32, #tpu.memory_space<vmem>>) dst(%dma_wait3A_327 : memref<13312x128xf32, #tpu.memory_space<vmem_shared>>)
        tpu.yield
      }) : () -> ()
    }
    %scan3A_84 = arith.constant 288 : i32
    %dma_wait3A_85 = arith.constant 0 : i32
    %dma_wait3A_86 = arith.constant 0 : i32
    %dma_wait3A_87 = tpu.memref_slice %arg2[%arg0, %dma_wait3A_85, %dma_wait3A_86] : memref<2x589824x128xf32, #tpu.memory_space<hbm>> -> memref<1x64x128xf32, #tpu.memory_space<hbm>>
    %dma_wait3A_88 = tpu.memref_squeeze %dma_wait3A_87 : memref<1x64x128xf32, #tpu.memory_space<hbm>> -> memref<64x128xf32, #tpu.memory_space<hbm>>
    %dma_wait3A_89 = arith.constant 0 : i32
    %dma_wait3A_90 = arith.constant 0 : i32
    %dma_wait3A_91 = tpu.memref_slice %arg2[%arg0, %dma_wait3A_89, %dma_wait3A_90] : memref<2x589824x128xf32, #tpu.memory_space<hbm>> -> memref<1x64x128xf32, #tpu.memory_space<hbm>>
    %dma_wait3A_92 = tpu.memref_squeeze %dma_wait3A_91 : memref<1x64x128xf32, #tpu.memory_space<hbm>> -> memref<64x128xf32, #tpu.memory_space<hbm>>
    tpu.wait_dma2 semaphore(%arg13 : memref<!tpu.dma_semaphore, #tpu.memory_space<semaphore_mem>>) src(%dma_wait3A_92 : memref<64x128xf32, #tpu.memory_space<hbm>>) dst(%arg9 : memref<64x128xf32, #tpu.memory_space<vmem>>)
    %barrier3A_93 = arith.constant 0 : index
    tpu.barrier barrier_id(%barrier3A_93)
    %mul3A_94 = arith.constant 768 : i32
    %mul3A_95 = arith.muli %arg1, %mul3A_94 : i32
    %mul3A_96 = arith.constant 768 : i32
    %mul3A_97 = arith.muli %arg1, %mul3A_96 : i32
    %add3A_98 = arith.constant 24576 : i32
    %add3A_99 = arith.addi %add3A_98, %mul3A_97 : i32
    "tpu.region"() ({
      %run_scoped3A = tpu.sem_alloc : memref<!tpu.dma_semaphore, #tpu.memory_space<semaphore_mem>>
      %dma_start3A_136 = arith.constant 0 : i32
      %dma_start3A_137 = tpu.memref_slice %arg5[%arg0, %add3A_99, %dma_start3A_136] : memref<2x49152x128xf32, #tpu.memory_space<hbm>> -> memref<1x768x128xf32, #tpu.memory_space<hbm>>
      %dma_start3A_138 = tpu.memref_squeeze %dma_start3A_137 : memref<1x768x128xf32, #tpu.memory_space<hbm>> -> memref<768x128xf32, #tpu.memory_space<hbm>>
      %dma_start3A_139 = arith.constant 0 : i32
      %dma_start3A_140 = tpu.memref_slice %arg12[%mul3A_95, %dma_start3A_139] : memref<13312x128xf32, #tpu.memory_space<vmem_shared>> -> memref<768x128xf32, #tpu.memory_space<vmem_shared>>
      tpu.enqueue_dma source(%dma_start3A_140 : memref<768x128xf32, #tpu.memory_space<vmem_shared>>) target(%dma_start3A_138 : memref<768x128xf32, #tpu.memory_space<hbm>>) target_semaphore(%run_scoped3A : memref<!tpu.dma_semaphore, #tpu.memory_space<semaphore_mem>>)
      %dma_wait3A_141 = arith.constant 0 : i32
      %dma_wait3A_142 = tpu.memref_slice %arg5[%arg0, %add3A_99, %dma_wait3A_141] : memref<2x49152x128xf32, #tpu.memory_space<hbm>> -> memref<1x768x128xf32, #tpu.memory_space<hbm>>
      %dma_wait3A_143 = tpu.memref_squeeze %dma_wait3A_142 : memref<1x768x128xf32, #tpu.memory_space<hbm>> -> memref<768x128xf32, #tpu.memory_space<hbm>>
      %dma_wait3A_144 = arith.constant 0 : i32
      %dma_wait3A_145 = tpu.memref_slice %arg12[%mul3A_95, %dma_wait3A_144] : memref<13312x128xf32, #tpu.memory_space<vmem_shared>> -> memref<768x128xf32, #tpu.memory_space<vmem_shared>>
      tpu.wait_dma2 semaphore(%run_scoped3A : memref<!tpu.dma_semaphore, #tpu.memory_space<semaphore_mem>>) src(%dma_wait3A_145 : memref<768x128xf32, #tpu.memory_space<vmem_shared>>) dst(%dma_wait3A_143 : memref<768x128xf32, #tpu.memory_space<hbm>>)
      tpu.yield
    }) : () -> ()
    %barrier3A_100 = arith.constant 0 : index
    tpu.barrier barrier_id(%barrier3A_100)
    %scan3A_101 = arith.constant 0 : i32
    %scan3A_102 = arith.constant 0 : i32
    %scan3A_103 = arith.constant 52 : i32
    %scan3A_104 = arith.addi %scan3A_102, %scan3A_103 : i32
    %scan3A_105 = arith.constant 1 : i32
    scf.for %scan3A_136 = %scan3A_102 to %scan3A_104 step %scan3A_105  : i32 {
      %mul3A_137 = arith.constant 832 : i32
      %mul3A_138 = arith.muli %arg1, %mul3A_137 : i32
      %mul3A_139 = arith.constant 16 : i32
      %mul3A_140 = arith.muli %scan3A_136, %mul3A_139 : i32
      %add3A_141 = arith.addi %mul3A_138, %mul3A_140 : i32
      "tpu.region"() ({
        %run_scoped3A = tpu.sem_alloc : memref<!tpu.dma_semaphore, #tpu.memory_space<semaphore_mem>>
        %dma_start3A_142 = arith.constant 0 : i32
        %dma_start3A_143 = tpu.memref_slice %arg12[%add3A_141, %dma_start3A_142] : memref<13312x128xf32, #tpu.memory_space<vmem_shared>> -> memref<16x128xf32, #tpu.memory_space<vmem_shared>>
        %dma_start3A_144 = arith.constant 0 : i32
        %dma_start3A_145 = tpu.memref_slice %arg12[%add3A_141, %dma_start3A_144] : memref<13312x128xf32, #tpu.memory_space<vmem_shared>> -> memref<16x128xf32, #tpu.memory_space<vmem_shared>>
        tpu.enqueue_dma source(%arg11 : memref<16x128xf32, #tpu.memory_space<vmem>>) target(%dma_start3A_145 : memref<16x128xf32, #tpu.memory_space<vmem_shared>>) target_semaphore(%run_scoped3A : memref<!tpu.dma_semaphore, #tpu.memory_space<semaphore_mem>>)
        %dma_wait3A_146 = arith.constant 0 : i32
        %dma_wait3A_147 = tpu.memref_slice %arg12[%add3A_141, %dma_wait3A_146] : memref<13312x128xf32, #tpu.memory_space<vmem_shared>> -> memref<16x128xf32, #tpu.memory_space<vmem_shared>>
        %dma_wait3A_148 = arith.constant 0 : i32
        %dma_wait3A_149 = tpu.memref_slice %arg12[%add3A_141, %dma_wait3A_148] : memref<13312x128xf32, #tpu.memory_space<vmem_shared>> -> memref<16x128xf32, #tpu.memory_space<vmem_shared>>
        tpu.wait_dma2 semaphore(%run_scoped3A : memref<!tpu.dma_semaphore, #tpu.memory_space<semaphore_mem>>) src(%arg11 : memref<16x128xf32, #tpu.memory_space<vmem>>) dst(%dma_wait3A_149 : memref<16x128xf32, #tpu.memory_space<vmem_shared>>)
        tpu.yield
      }) : () -> ()
    }
    %scan3A_106 = arith.constant 52 : i32
    %barrier3A_107 = arith.constant 0 : index
    tpu.barrier barrier_id(%barrier3A_107)
    %dma_start3A_108 = arith.constant 0 : i32
    %dma_start3A_109 = tpu.memref_slice %arg2[%arg0, %mul3A_0, %dma_start3A_108] : memref<2x589824x128xf32, #tpu.memory_space<hbm>> -> memref<1x64x128xf32, #tpu.memory_space<hbm>>
    %dma_start3A_110 = tpu.memref_squeeze %dma_start3A_109 : memref<1x64x128xf32, #tpu.memory_space<hbm>> -> memref<64x128xf32, #tpu.memory_space<hbm>>
    %dma_start3A_111 = arith.constant 0 : i32
    %dma_start3A_112 = tpu.memref_slice %arg2[%arg0, %mul3A_0, %dma_start3A_111] : memref<2x589824x128xf32, #tpu.memory_space<hbm>> -> memref<1x64x128xf32, #tpu.memory_space<hbm>>
    %dma_start3A_113 = tpu.memref_squeeze %dma_start3A_112 : memref<1x64x128xf32, #tpu.memory_space<hbm>> -> memref<64x128xf32, #tpu.memory_space<hbm>>
    tpu.enqueue_dma source(%dma_start3A_113 : memref<64x128xf32, #tpu.memory_space<hbm>>) target(%arg9 : memref<64x128xf32, #tpu.memory_space<vmem>>) target_semaphore(%arg13 : memref<!tpu.dma_semaphore, #tpu.memory_space<semaphore_mem>>)
    %scan3A_114 = arith.constant 0 : i32
    %scan3A_115 = arith.constant 0 : i32
    %scan3A_116 = arith.constant 288 : i32
    %scan3A_117 = arith.addi %scan3A_115, %scan3A_116 : i32
    %scan3A_118 = arith.constant 1 : i32
    scf.for %scan3A_136 = %scan3A_115 to %scan3A_117 step %scan3A_118  : i32 {
      %mul3A_137 = arith.constant 128 : i32
      %mul3A_138 = arith.muli %scan3A_136, %mul3A_137 : i32
      %add3A_139 = arith.addi %mul3A_0, %mul3A_138 : i32
      %add3A_140 = arith.constant 64 : i32
      %add3A_141 = arith.addi %add3A_139, %add3A_140 : i32
      %dma_start3A_142 = arith.constant 0 : i32
      %dma_start3A_143 = tpu.memref_slice %arg2[%arg0, %add3A_141, %dma_start3A_142] : memref<2x589824x128xf32, #tpu.memory_space<hbm>> -> memref<1x64x128xf32, #tpu.memory_space<hbm>>
      %dma_start3A_144 = tpu.memref_squeeze %dma_start3A_143 : memref<1x64x128xf32, #tpu.memory_space<hbm>> -> memref<64x128xf32, #tpu.memory_space<hbm>>
      %dma_start3A_145 = arith.constant 0 : i32
      %dma_start3A_146 = tpu.memref_slice %arg2[%arg0, %add3A_141, %dma_start3A_145] : memref<2x589824x128xf32, #tpu.memory_space<hbm>> -> memref<1x64x128xf32, #tpu.memory_space<hbm>>
      %dma_start3A_147 = tpu.memref_squeeze %dma_start3A_146 : memref<1x64x128xf32, #tpu.memory_space<hbm>> -> memref<64x128xf32, #tpu.memory_space<hbm>>
      tpu.enqueue_dma source(%dma_start3A_147 : memref<64x128xf32, #tpu.memory_space<hbm>>) target(%arg10 : memref<64x128xf32, #tpu.memory_space<vmem>>) target_semaphore(%arg14 : memref<!tpu.dma_semaphore, #tpu.memory_space<semaphore_mem>>)
      "tpu.region"() ({
        %run_scoped3A = tpu.sem_alloc : memref<!tpu.dma_semaphore, #tpu.memory_space<semaphore_mem>>
        %dma_start3A_322 = arith.constant 0 : i32
        %dma_start3A_323 = tpu.memref_slice %arg3[%arg1, %scan3A_136, %dma_start3A_322] : memref<16x288x128xi32, #tpu.memory_space<hbm>> -> memref<1x1x128xi32, #tpu.memory_space<hbm>>
        %dma_start3A_324 = tpu.memref_squeeze %dma_start3A_323 : memref<1x1x128xi32, #tpu.memory_space<hbm>> -> memref<128xi32, #tpu.memory_space<hbm>>
        %dma_start3A_325 = arith.constant 0 : i32
        %dma_start3A_326 = tpu.memref_slice %arg3[%arg1, %scan3A_136, %dma_start3A_325] : memref<16x288x128xi32, #tpu.memory_space<hbm>> -> memref<1x1x128xi32, #tpu.memory_space<hbm>>
        %dma_start3A_327 = tpu.memref_squeeze %dma_start3A_326 : memref<1x1x128xi32, #tpu.memory_space<hbm>> -> memref<128xi32, #tpu.memory_space<hbm>>
        tpu.enqueue_dma source(%dma_start3A_327 : memref<128xi32, #tpu.memory_space<hbm>>) target(%arg6 : memref<128xi32, #tpu.memory_space<vmem>>) target_semaphore(%run_scoped3A : memref<!tpu.dma_semaphore, #tpu.memory_space<semaphore_mem>>)
        %dma_wait3A_328 = arith.constant 0 : i32
        %dma_wait3A_329 = tpu.memref_slice %arg3[%arg1, %scan3A_136, %dma_wait3A_328] : memref<16x288x128xi32, #tpu.memory_space<hbm>> -> memref<1x1x128xi32, #tpu.memory_space<hbm>>
        %dma_wait3A_330 = tpu.memref_squeeze %dma_wait3A_329 : memref<1x1x128xi32, #tpu.memory_space<hbm>> -> memref<128xi32, #tpu.memory_space<hbm>>
        %dma_wait3A_331 = arith.constant 0 : i32
        %dma_wait3A_332 = tpu.memref_slice %arg3[%arg1, %scan3A_136, %dma_wait3A_331] : memref<16x288x128xi32, #tpu.memory_space<hbm>> -> memref<1x1x128xi32, #tpu.memory_space<hbm>>
        %dma_wait3A_333 = tpu.memref_squeeze %dma_wait3A_332 : memref<1x1x128xi32, #tpu.memory_space<hbm>> -> memref<128xi32, #tpu.memory_space<hbm>>
        tpu.wait_dma2 semaphore(%run_scoped3A : memref<!tpu.dma_semaphore, #tpu.memory_space<semaphore_mem>>) src(%dma_wait3A_333 : memref<128xi32, #tpu.memory_space<hbm>>) dst(%arg6 : memref<128xi32, #tpu.memory_space<vmem>>)
        tpu.yield
      }) : () -> ()
      %get3A = arith.constant 0 : index
      %get3A_148 = tpu.vector_load %arg6[%get3A] {strides = array<i32>} : memref<128xi32, #tpu.memory_space<vmem>>, vector<16xi32>,
      %get3A_149 = vector.shape_cast %get3A_148 : vector<16xi32> to vector<16xi32>
      %sub3A = arith.constant 36864 : i32
      %sub3A_150 = vector.broadcast %sub3A : i32 to vector<16xi32>
      %sub3A_151 = arith.subi %get3A_149, %sub3A_150 : vector<16xi32>
      %ge3A = arith.constant 0 : i32
      %ge3A_152 = vector.broadcast %ge3A : i32 to vector<16xi32>
      %ge3A_153 = arith.cmpi sge, %sub3A_151, %ge3A_152 : vector<16xi32>
      %lt3A = arith.constant 12288 : i32
      %lt3A_154 = vector.broadcast %lt3A : i32 to vector<16xi32>
      %lt3A_155 = arith.cmpi slt, %sub3A_151, %lt3A_154 : vector<16xi32>
      %and3A = arith.andi %ge3A_153, %lt3A_155 : vector<16xi1>
      %jit3A = arith.constant 12288 : i32
      %broadcast_in_dim3A = vector.broadcast %jit3A : i32 to vector<16xi32>
      %select_n3A = arith.select %and3A, %sub3A_151, %broadcast_in_dim3A : vector<16xi1>, vector<16xi32>
      %swap3A = arith.constant 0 : index
      %swap3A_156 = tpu.vector_load %arg7[%swap3A] {strides = array<i32>} : memref<64xi32, #tpu.memory_space<vmem>>, vector<16xi32>,
      %swap3A_157 = vector.shape_cast %swap3A_156 : vector<16xi32> to vector<16xi32>
      %swap3A_158 = vector.shape_cast %select_n3A : vector<16xi32> to vector<16xi32>
      tpu.vector_store %arg7[%swap3A], %swap3A_158 {strides = array<i32>} : memref<64xi32, #tpu.memory_space<vmem>>, vector<16xi32>,
      %get3A_159 = arith.constant 64 : index
      %get3A_160 = tpu.vector_load %arg6[%get3A_159] {strides = array<i32>} : memref<128xi32, #tpu.memory_space<vmem>>, vector<16xi32>,
      %get3A_161 = vector.shape_cast %get3A_160 : vector<16xi32> to vector<16xi32>
      %sub3A_162 = arith.constant 36864 : i32
      %sub3A_163 = vector.broadcast %sub3A_162 : i32 to vector<16xi32>
      %sub3A_164 = arith.subi %get3A_161, %sub3A_163 : vector<16xi32>
      %ge3A_165 = arith.constant 0 : i32
      %ge3A_166 = vector.broadcast %ge3A_165 : i32 to vector<16xi32>
      %ge3A_167 = arith.cmpi sge, %sub3A_164, %ge3A_166 : vector<16xi32>
      %lt3A_168 = arith.constant 12288 : i32
      %lt3A_169 = vector.broadcast %lt3A_168 : i32 to vector<16xi32>
      %lt3A_170 = arith.cmpi slt, %sub3A_164, %lt3A_169 : vector<16xi32>
      %and3A_171 = arith.andi %ge3A_167, %lt3A_170 : vector<16xi1>
      %jit3A_172 = arith.constant 12288 : i32
      %broadcast_in_dim3A_173 = vector.broadcast %jit3A_172 : i32 to vector<16xi32>
      %select_n3A_174 = arith.select %and3A_171, %sub3A_164, %broadcast_in_dim3A_173 : vector<16xi1>, vector<16xi32>
      %swap3A_175 = arith.constant 0 : index
      %swap3A_176 = tpu.vector_load %arg8[%swap3A_175] {strides = array<i32>} : memref<64xi32, #tpu.memory_space<vmem>>, vector<16xi32>,
      %swap3A_177 = vector.shape_cast %swap3A_176 : vector<16xi32> to vector<16xi32>
      %swap3A_178 = vector.shape_cast %select_n3A_174 : vector<16xi32> to vector<16xi32>
      tpu.vector_store %arg8[%swap3A_175], %swap3A_178 {strides = array<i32>} : memref<64xi32, #tpu.memory_space<vmem>>, vector<16xi32>,
      %get3A_179 = arith.constant 16 : index
      %get3A_180 = tpu.vector_load %arg6[%get3A_179] {strides = array<i32>} : memref<128xi32, #tpu.memory_space<vmem>>, vector<16xi32>,
      %get3A_181 = vector.shape_cast %get3A_180 : vector<16xi32> to vector<16xi32>
      %sub3A_182 = arith.constant 36864 : i32
      %sub3A_183 = vector.broadcast %sub3A_182 : i32 to vector<16xi32>
      %sub3A_184 = arith.subi %get3A_181, %sub3A_183 : vector<16xi32>
      %ge3A_185 = arith.constant 0 : i32
      %ge3A_186 = vector.broadcast %ge3A_185 : i32 to vector<16xi32>
      %ge3A_187 = arith.cmpi sge, %sub3A_184, %ge3A_186 : vector<16xi32>
      %lt3A_188 = arith.constant 12288 : i32
      %lt3A_189 = vector.broadcast %lt3A_188 : i32 to vector<16xi32>
      %lt3A_190 = arith.cmpi slt, %sub3A_184, %lt3A_189 : vector<16xi32>
      %and3A_191 = arith.andi %ge3A_187, %lt3A_190 : vector<16xi1>
      %jit3A_192 = arith.constant 12288 : i32
      %broadcast_in_dim3A_193 = vector.broadcast %jit3A_192 : i32 to vector<16xi32>
      %select_n3A_194 = arith.select %and3A_191, %sub3A_184, %broadcast_in_dim3A_193 : vector<16xi1>, vector<16xi32>
      %swap3A_195 = arith.constant 16 : index
      %swap3A_196 = tpu.vector_load %arg7[%swap3A_195] {strides = array<i32>} : memref<64xi32, #tpu.memory_space<vmem>>, vector<16xi32>,
      %swap3A_197 = vector.shape_cast %swap3A_196 : vector<16xi32> to vector<16xi32>
      %swap3A_198 = vector.shape_cast %select_n3A_194 : vector<16xi32> to vector<16xi32>
      tpu.vector_store %arg7[%swap3A_195], %swap3A_198 {strides = array<i32>} : memref<64xi32, #tpu.memory_space<vmem>>, vector<16xi32>,
      %get3A_199 = arith.constant 80 : index
      %get3A_200 = tpu.vector_load %arg6[%get3A_199] {strides = array<i32>} : memref<128xi32, #tpu.memory_space<vmem>>, vector<16xi32>,
      %get3A_201 = vector.shape_cast %get3A_200 : vector<16xi32> to vector<16xi32>
      %sub3A_202 = arith.constant 36864 : i32
      %sub3A_203 = vector.broadcast %sub3A_202 : i32 to vector<16xi32>
      %sub3A_204 = arith.subi %get3A_201, %sub3A_203 : vector<16xi32>
      %ge3A_205 = arith.constant 0 : i32
      %ge3A_206 = vector.broadcast %ge3A_205 : i32 to vector<16xi32>
      %ge3A_207 = arith.cmpi sge, %sub3A_204, %ge3A_206 : vector<16xi32>
      %lt3A_208 = arith.constant 12288 : i32
      %lt3A_209 = vector.broadcast %lt3A_208 : i32 to vector<16xi32>
      %lt3A_210 = arith.cmpi slt, %sub3A_204, %lt3A_209 : vector<16xi32>
      %and3A_211 = arith.andi %ge3A_207, %lt3A_210 : vector<16xi1>
      %jit3A_212 = arith.constant 12288 : i32
      %broadcast_in_dim3A_213 = vector.broadcast %jit3A_212 : i32 to vector<16xi32>
      %select_n3A_214 = arith.select %and3A_211, %sub3A_204, %broadcast_in_dim3A_213 : vector<16xi1>, vector<16xi32>
      %swap3A_215 = arith.constant 16 : index
      %swap3A_216 = tpu.vector_load %arg8[%swap3A_215] {strides = array<i32>} : memref<64xi32, #tpu.memory_space<vmem>>, vector<16xi32>,
      %swap3A_217 = vector.shape_cast %swap3A_216 : vector<16xi32> to vector<16xi32>
      %swap3A_218 = vector.shape_cast %select_n3A_214 : vector<16xi32> to vector<16xi32>
      tpu.vector_store %arg8[%swap3A_215], %swap3A_218 {strides = array<i32>} : memref<64xi32, #tpu.memory_space<vmem>>, vector<16xi32>,
      %get3A_219 = arith.constant 32 : index
      %get3A_220 = tpu.vector_load %arg6[%get3A_219] {strides = array<i32>} : memref<128xi32, #tpu.memory_space<vmem>>, vector<16xi32>,
      %get3A_221 = vector.shape_cast %get3A_220 : vector<16xi32> to vector<16xi32>
      %sub3A_222 = arith.constant 36864 : i32
      %sub3A_223 = vector.broadcast %sub3A_222 : i32 to vector<16xi32>
      %sub3A_224 = arith.subi %get3A_221, %sub3A_223 : vector<16xi32>
      %ge3A_225 = arith.constant 0 : i32
      %ge3A_226 = vector.broadcast %ge3A_225 : i32 to vector<16xi32>
      %ge3A_227 = arith.cmpi sge, %sub3A_224, %ge3A_226 : vector<16xi32>
      %lt3A_228 = arith.constant 12288 : i32
      %lt3A_229 = vector.broadcast %lt3A_228 : i32 to vector<16xi32>
      %lt3A_230 = arith.cmpi slt, %sub3A_224, %lt3A_229 : vector<16xi32>
      %and3A_231 = arith.andi %ge3A_227, %lt3A_230 : vector<16xi1>
      %jit3A_232 = arith.constant 12288 : i32
      %broadcast_in_dim3A_233 = vector.broadcast %jit3A_232 : i32 to vector<16xi32>
      %select_n3A_234 = arith.select %and3A_231, %sub3A_224, %broadcast_in_dim3A_233 : vector<16xi1>, vector<16xi32>
      %swap3A_235 = arith.constant 32 : index
      %swap3A_236 = tpu.vector_load %arg7[%swap3A_235] {strides = array<i32>} : memref<64xi32, #tpu.memory_space<vmem>>, vector<16xi32>,
      %swap3A_237 = vector.shape_cast %swap3A_236 : vector<16xi32> to vector<16xi32>
      %swap3A_238 = vector.shape_cast %select_n3A_234 : vector<16xi32> to vector<16xi32>
      tpu.vector_store %arg7[%swap3A_235], %swap3A_238 {strides = array<i32>} : memref<64xi32, #tpu.memory_space<vmem>>, vector<16xi32>,
      %get3A_239 = arith.constant 96 : index
      %get3A_240 = tpu.vector_load %arg6[%get3A_239] {strides = array<i32>} : memref<128xi32, #tpu.memory_space<vmem>>, vector<16xi32>,
      %get3A_241 = vector.shape_cast %get3A_240 : vector<16xi32> to vector<16xi32>
      %sub3A_242 = arith.constant 36864 : i32
      %sub3A_243 = vector.broadcast %sub3A_242 : i32 to vector<16xi32>
      %sub3A_244 = arith.subi %get3A_241, %sub3A_243 : vector<16xi32>
      %ge3A_245 = arith.constant 0 : i32
      %ge3A_246 = vector.broadcast %ge3A_245 : i32 to vector<16xi32>
      %ge3A_247 = arith.cmpi sge, %sub3A_244, %ge3A_246 : vector<16xi32>
      %lt3A_248 = arith.constant 12288 : i32
      %lt3A_249 = vector.broadcast %lt3A_248 : i32 to vector<16xi32>
      %lt3A_250 = arith.cmpi slt, %sub3A_244, %lt3A_249 : vector<16xi32>
      %and3A_251 = arith.andi %ge3A_247, %lt3A_250 : vector<16xi1>
      %jit3A_252 = arith.constant 12288 : i32
      %broadcast_in_dim3A_253 = vector.broadcast %jit3A_252 : i32 to vector<16xi32>
      %select_n3A_254 = arith.select %and3A_251, %sub3A_244, %broadcast_in_dim3A_253 : vector<16xi1>, vector<16xi32>
      %swap3A_255 = arith.constant 32 : index
      %swap3A_256 = tpu.vector_load %arg8[%swap3A_255] {strides = array<i32>} : memref<64xi32, #tpu.memory_space<vmem>>, vector<16xi32>,
      %swap3A_257 = vector.shape_cast %swap3A_256 : vector<16xi32> to vector<16xi32>
      %swap3A_258 = vector.shape_cast %select_n3A_254 : vector<16xi32> to vector<16xi32>
      tpu.vector_store %arg8[%swap3A_255], %swap3A_258 {strides = array<i32>} : memref<64xi32, #tpu.memory_space<vmem>>, vector<16xi32>,
      %get3A_259 = arith.constant 48 : index
      %get3A_260 = tpu.vector_load %arg6[%get3A_259] {strides = array<i32>} : memref<128xi32, #tpu.memory_space<vmem>>, vector<16xi32>,
      %get3A_261 = vector.shape_cast %get3A_260 : vector<16xi32> to vector<16xi32>
      %sub3A_262 = arith.constant 36864 : i32
      %sub3A_263 = vector.broadcast %sub3A_262 : i32 to vector<16xi32>
      %sub3A_264 = arith.subi %get3A_261, %sub3A_263 : vector<16xi32>
      %ge3A_265 = arith.constant 0 : i32
      %ge3A_266 = vector.broadcast %ge3A_265 : i32 to vector<16xi32>
      %ge3A_267 = arith.cmpi sge, %sub3A_264, %ge3A_266 : vector<16xi32>
      %lt3A_268 = arith.constant 12288 : i32
      %lt3A_269 = vector.broadcast %lt3A_268 : i32 to vector<16xi32>
      %lt3A_270 = arith.cmpi slt, %sub3A_264, %lt3A_269 : vector<16xi32>
      %and3A_271 = arith.andi %ge3A_267, %lt3A_270 : vector<16xi1>
      %jit3A_272 = arith.constant 12288 : i32
      %broadcast_in_dim3A_273 = vector.broadcast %jit3A_272 : i32 to vector<16xi32>
      %select_n3A_274 = arith.select %and3A_271, %sub3A_264, %broadcast_in_dim3A_273 : vector<16xi1>, vector<16xi32>
      %swap3A_275 = arith.constant 48 : index
      %swap3A_276 = tpu.vector_load %arg7[%swap3A_275] {strides = array<i32>} : memref<64xi32, #tpu.memory_space<vmem>>, vector<16xi32>,
      %swap3A_277 = vector.shape_cast %swap3A_276 : vector<16xi32> to vector<16xi32>
      %swap3A_278 = vector.shape_cast %select_n3A_274 : vector<16xi32> to vector<16xi32>
      tpu.vector_store %arg7[%swap3A_275], %swap3A_278 {strides = array<i32>} : memref<64xi32, #tpu.memory_space<vmem>>, vector<16xi32>,
      %get3A_279 = arith.constant 112 : index
      %get3A_280 = tpu.vector_load %arg6[%get3A_279] {strides = array<i32>} : memref<128xi32, #tpu.memory_space<vmem>>, vector<16xi32>,
      %get3A_281 = vector.shape_cast %get3A_280 : vector<16xi32> to vector<16xi32>
      %sub3A_282 = arith.constant 36864 : i32
      %sub3A_283 = vector.broadcast %sub3A_282 : i32 to vector<16xi32>
      %sub3A_284 = arith.subi %get3A_281, %sub3A_283 : vector<16xi32>
      %ge3A_285 = arith.constant 0 : i32
      %ge3A_286 = vector.broadcast %ge3A_285 : i32 to vector<16xi32>
      %ge3A_287 = arith.cmpi sge, %sub3A_284, %ge3A_286 : vector<16xi32>
      %lt3A_288 = arith.constant 12288 : i32
      %lt3A_289 = vector.broadcast %lt3A_288 : i32 to vector<16xi32>
      %lt3A_290 = arith.cmpi slt, %sub3A_284, %lt3A_289 : vector<16xi32>
      %and3A_291 = arith.andi %ge3A_287, %lt3A_290 : vector<16xi1>
      %jit3A_292 = arith.constant 12288 : i32
      %broadcast_in_dim3A_293 = vector.broadcast %jit3A_292 : i32 to vector<16xi32>
      %select_n3A_294 = arith.select %and3A_291, %sub3A_284, %broadcast_in_dim3A_293 : vector<16xi1>, vector<16xi32>
      %swap3A_295 = arith.constant 48 : index
      %swap3A_296 = tpu.vector_load %arg8[%swap3A_295] {strides = array<i32>} : memref<64xi32, #tpu.memory_space<vmem>>, vector<16xi32>,
      %swap3A_297 = vector.shape_cast %swap3A_296 : vector<16xi32> to vector<16xi32>
      %swap3A_298 = vector.shape_cast %select_n3A_294 : vector<16xi32> to vector<16xi32>
      tpu.vector_store %arg8[%swap3A_295], %swap3A_298 {strides = array<i32>} : memref<64xi32, #tpu.memory_space<vmem>>, vector<16xi32>,
      %dma_wait3A_299 = arith.constant 0 : i32
      %dma_wait3A_300 = tpu.memref_slice %arg2[%arg0, %add3A_139, %dma_wait3A_299] : memref<2x589824x128xf32, #tpu.memory_space<hbm>> -> memref<1x64x128xf32, #tpu.memory_space<hbm>>
      %dma_wait3A_301 = tpu.memref_squeeze %dma_wait3A_300 : memref<1x64x128xf32, #tpu.memory_space<hbm>> -> memref<64x128xf32, #tpu.memory_space<hbm>>
      %dma_wait3A_302 = arith.constant 0 : i32
      %dma_wait3A_303 = tpu.memref_slice %arg2[%arg0, %add3A_139, %dma_wait3A_302] : memref<2x589824x128xf32, #tpu.memory_space<hbm>> -> memref<1x64x128xf32, #tpu.memory_space<hbm>>
      %dma_wait3A_304 = tpu.memref_squeeze %dma_wait3A_303 : memref<1x64x128xf32, #tpu.memory_space<hbm>> -> memref<64x128xf32, #tpu.memory_space<hbm>>
      tpu.wait_dma2 semaphore(%arg13 : memref<!tpu.dma_semaphore, #tpu.memory_space<semaphore_mem>>) src(%dma_wait3A_304 : memref<64x128xf32, #tpu.memory_space<hbm>>) dst(%arg9 : memref<64x128xf32, #tpu.memory_space<vmem>>)
      "tpu.region"() ({
        %run_scoped3A = tpu.sem_alloc : memref<!tpu.dma_semaphore, #tpu.memory_space<semaphore_mem>>
        %dma_start3A_322 = arith.constant 0 : i32
        %dma_start3A_323 = arith.constant 0 : i32
        %dma_start3A_324 = tpu.memref_slice %arg12[%dma_start3A_322, %dma_start3A_323] : memref<13312x128xf32, #tpu.memory_space<vmem_shared>> -> memref<13312x128xf32, #tpu.memory_space<vmem_shared>>
        tpu.enqueue_indirect_dma source(%arg9 : memref<64x128xf32, #tpu.memory_space<vmem>>) target(%dma_start3A_324 : memref<13312x128xf32, #tpu.memory_space<vmem_shared>>) offsets(%arg7 : memref<64xi32, #tpu.memory_space<vmem>>) semaphore(%run_scoped3A : memref<!tpu.dma_semaphore, #tpu.memory_space<semaphore_mem>>) {add = true}
        %dma_wait3A_325 = arith.constant 0 : i32
        %dma_wait3A_326 = arith.constant 0 : i32
        %dma_wait3A_327 = tpu.memref_slice %arg12[%dma_wait3A_325, %dma_wait3A_326] : memref<13312x128xf32, #tpu.memory_space<vmem_shared>> -> memref<13312x128xf32, #tpu.memory_space<vmem_shared>>
        tpu.wait_indirect_dma semaphore(%run_scoped3A : memref<!tpu.dma_semaphore, #tpu.memory_space<semaphore_mem>>) src(%arg9 : memref<64x128xf32, #tpu.memory_space<vmem>>) dst(%dma_wait3A_327 : memref<13312x128xf32, #tpu.memory_space<vmem_shared>>)
        tpu.yield
      }) : () -> ()
      %add3A_305 = arith.constant 128 : i32
      %add3A_306 = arith.addi %add3A_139, %add3A_305 : i32
      %min3A = arith.constant 589760 : i32
      %min3A_307 = arith.minsi %add3A_306, %min3A : i32
      %dma_start3A_308 = arith.constant 0 : i32
      %dma_start3A_309 = tpu.memref_slice %arg2[%arg0, %min3A_307, %dma_start3A_308] : memref<2x589824x128xf32, #tpu.memory_space<hbm>> -> memref<1x64x128xf32, #tpu.memory_space<hbm>>
      %dma_start3A_310 = tpu.memref_squeeze %dma_start3A_309 : memref<1x64x128xf32, #tpu.memory_space<hbm>> -> memref<64x128xf32, #tpu.memory_space<hbm>>
      %dma_start3A_311 = arith.constant 0 : i32
      %dma_start3A_312 = tpu.memref_slice %arg2[%arg0, %min3A_307, %dma_start3A_311] : memref<2x589824x128xf32, #tpu.memory_space<hbm>> -> memref<1x64x128xf32, #tpu.memory_space<hbm>>
      %dma_start3A_313 = tpu.memref_squeeze %dma_start3A_312 : memref<1x64x128xf32, #tpu.memory_space<hbm>> -> memref<64x128xf32, #tpu.memory_space<hbm>>
      tpu.enqueue_dma source(%dma_start3A_313 : memref<64x128xf32, #tpu.memory_space<hbm>>) target(%arg9 : memref<64x128xf32, #tpu.memory_space<vmem>>) target_semaphore(%arg13 : memref<!tpu.dma_semaphore, #tpu.memory_space<semaphore_mem>>)
      %add3A_314 = arith.constant 64 : i32
      %add3A_315 = arith.addi %add3A_139, %add3A_314 : i32
      %dma_wait3A_316 = arith.constant 0 : i32
      %dma_wait3A_317 = tpu.memref_slice %arg2[%arg0, %add3A_315, %dma_wait3A_316] : memref<2x589824x128xf32, #tpu.memory_space<hbm>> -> memref<1x64x128xf32, #tpu.memory_space<hbm>>
      %dma_wait3A_318 = tpu.memref_squeeze %dma_wait3A_317 : memref<1x64x128xf32, #tpu.memory_space<hbm>> -> memref<64x128xf32, #tpu.memory_space<hbm>>
      %dma_wait3A_319 = arith.constant 0 : i32
      %dma_wait3A_320 = tpu.memref_slice %arg2[%arg0, %add3A_315, %dma_wait3A_319] : memref<2x589824x128xf32, #tpu.memory_space<hbm>> -> memref<1x64x128xf32, #tpu.memory_space<hbm>>
      %dma_wait3A_321 = tpu.memref_squeeze %dma_wait3A_320 : memref<1x64x128xf32, #tpu.memory_space<hbm>> -> memref<64x128xf32, #tpu.memory_space<hbm>>
      tpu.wait_dma2 semaphore(%arg14 : memref<!tpu.dma_semaphore, #tpu.memory_space<semaphore_mem>>) src(%dma_wait3A_321 : memref<64x128xf32, #tpu.memory_space<hbm>>) dst(%arg10 : memref<64x128xf32, #tpu.memory_space<vmem>>)
      "tpu.region"() ({
        %run_scoped3A = tpu.sem_alloc : memref<!tpu.dma_semaphore, #tpu.memory_space<semaphore_mem>>
        %dma_start3A_322 = arith.constant 0 : i32
        %dma_start3A_323 = arith.constant 0 : i32
        %dma_start3A_324 = tpu.memref_slice %arg12[%dma_start3A_322, %dma_start3A_323] : memref<13312x128xf32, #tpu.memory_space<vmem_shared>> -> memref<13312x128xf32, #tpu.memory_space<vmem_shared>>
        tpu.enqueue_indirect_dma source(%arg10 : memref<64x128xf32, #tpu.memory_space<vmem>>) target(%dma_start3A_324 : memref<13312x128xf32, #tpu.memory_space<vmem_shared>>) offsets(%arg8 : memref<64xi32, #tpu.memory_space<vmem>>) semaphore(%run_scoped3A : memref<!tpu.dma_semaphore, #tpu.memory_space<semaphore_mem>>) {add = true}
        %dma_wait3A_325 = arith.constant 0 : i32
        %dma_wait3A_326 = arith.constant 0 : i32
        %dma_wait3A_327 = tpu.memref_slice %arg12[%dma_wait3A_325, %dma_wait3A_326] : memref<13312x128xf32, #tpu.memory_space<vmem_shared>> -> memref<13312x128xf32, #tpu.memory_space<vmem_shared>>
        tpu.wait_indirect_dma semaphore(%run_scoped3A : memref<!tpu.dma_semaphore, #tpu.memory_space<semaphore_mem>>) src(%arg10 : memref<64x128xf32, #tpu.memory_space<vmem>>) dst(%dma_wait3A_327 : memref<13312x128xf32, #tpu.memory_space<vmem_shared>>)
        tpu.yield
      }) : () -> ()
    }
    %scan3A_119 = arith.constant 288 : i32
    %dma_wait3A_120 = arith.constant 0 : i32
    %dma_wait3A_121 = arith.constant 0 : i32
    %dma_wait3A_122 = tpu.memref_slice %arg2[%arg0, %dma_wait3A_120, %dma_wait3A_121] : memref<2x589824x128xf32, #tpu.memory_space<hbm>> -> memref<1x64x128xf32, #tpu.memory_space<hbm>>
    %dma_wait3A_123 = tpu.memref_squeeze %dma_wait3A_122 : memref<1x64x128xf32, #tpu.memory_space<hbm>> -> memref<64x128xf32, #tpu.memory_space<hbm>>
    %dma_wait3A_124 = arith.constant 0 : i32
    %dma_wait3A_125 = arith.constant 0 : i32
    %dma_wait3A_126 = tpu.memref_slice %arg2[%arg0, %dma_wait3A_124, %dma_wait3A_125] : memref<2x589824x128xf32, #tpu.memory_space<hbm>> -> memref<1x64x128xf32, #tpu.memory_space<hbm>>
    %dma_wait3A_127 = tpu.memref_squeeze %dma_wait3A_126 : memref<1x64x128xf32, #tpu.memory_space<hbm>> -> memref<64x128xf32, #tpu.memory_space<hbm>>
    tpu.wait_dma2 semaphore(%arg13 : memref<!tpu.dma_semaphore, #tpu.memory_space<semaphore_mem>>) src(%dma_wait3A_127 : memref<64x128xf32, #tpu.memory_space<hbm>>) dst(%arg9 : memref<64x128xf32, #tpu.memory_space<vmem>>)
    %barrier3A_128 = arith.constant 0 : index
    tpu.barrier barrier_id(%barrier3A_128)
    %mul3A_129 = arith.constant 768 : i32
    %mul3A_130 = arith.muli %arg1, %mul3A_129 : i32
    %mul3A_131 = arith.constant 768 : i32
    %mul3A_132 = arith.muli %arg1, %mul3A_131 : i32
    %add3A_133 = arith.constant 36864 : i32
    %add3A_134 = arith.addi %add3A_133, %mul3A_132 : i32
    "tpu.region"() ({
      %run_scoped3A = tpu.sem_alloc : memref<!tpu.dma_semaphore, #tpu.memory_space<semaphore_mem>>
      %dma_start3A_136 = arith.constant 0 : i32
      %dma_start3A_137 = tpu.memref_slice %arg5[%arg0, %add3A_134, %dma_start3A_136] : memref<2x49152x128xf32, #tpu.memory_space<hbm>> -> memref<1x768x128xf32, #tpu.memory_space<hbm>>
      %dma_start3A_138 = tpu.memref_squeeze %dma_start3A_137 : memref<1x768x128xf32, #tpu.memory_space<hbm>> -> memref<768x128xf32, #tpu.memory_space<hbm>>
      %dma_start3A_139 = arith.constant 0 : i32
      %dma_start3A_140 = tpu.memref_slice %arg12[%mul3A_130, %dma_start3A_139] : memref<13312x128xf32, #tpu.memory_space<vmem_shared>> -> memref<768x128xf32, #tpu.memory_space<vmem_shared>>
      tpu.enqueue_dma source(%dma_start3A_140 : memref<768x128xf32, #tpu.memory_space<vmem_shared>>) target(%dma_start3A_138 : memref<768x128xf32, #tpu.memory_space<hbm>>) target_semaphore(%run_scoped3A : memref<!tpu.dma_semaphore, #tpu.memory_space<semaphore_mem>>)
      %dma_wait3A_141 = arith.constant 0 : i32
      %dma_wait3A_142 = tpu.memref_slice %arg5[%arg0, %add3A_134, %dma_wait3A_141] : memref<2x49152x128xf32, #tpu.memory_space<hbm>> -> memref<1x768x128xf32, #tpu.memory_space<hbm>>
      %dma_wait3A_143 = tpu.memref_squeeze %dma_wait3A_142 : memref<1x768x128xf32, #tpu.memory_space<hbm>> -> memref<768x128xf32, #tpu.memory_space<hbm>>
      %dma_wait3A_144 = arith.constant 0 : i32
      %dma_wait3A_145 = tpu.memref_slice %arg12[%mul3A_130, %dma_wait3A_144] : memref<13312x128xf32, #tpu.memory_space<vmem_shared>> -> memref<768x128xf32, #tpu.memory_space<vmem_shared>>
      tpu.wait_dma2 semaphore(%run_scoped3A : memref<!tpu.dma_semaphore, #tpu.memory_space<semaphore_mem>>) src(%dma_wait3A_145 : memref<768x128xf32, #tpu.memory_space<vmem_shared>>) dst(%dma_wait3A_143 : memref<768x128xf32, #tpu.memory_space<hbm>>)
      tpu.yield
    }) : () -> ()
    %barrier3A_135 = arith.constant 0 : index
    tpu.barrier barrier_id(%barrier3A_135)
    return
  }
}

#map = affine_map<(d0, d1) -> (0, 0)>
#map1 = affine_map<(d0, d1) -> (0, 0, 0)>
module attributes {stable_mosaic.version = 14 : i64} {
  func.func @_gather_body(%arg0: i32, %arg1: i32, %arg2: memref<49152x128xf32, #tpu.memory_space<hbm>>, %arg3: memref<49152x256xf32, #tpu.memory_space<hbm>>, %arg4: memref<32x144x128xi32, #tpu.memory_space<hbm>>, %arg5: memref<32x144x128xi32, #tpu.memory_space<hbm>>, %arg6: memref<589824x128xf32, #tpu.memory_space<hbm>>, %arg7: memref<589824x256xf32, #tpu.memory_space<hbm>>, %arg8: memref<144x128xi32, #tpu.memory_space<vmem>>, %arg9: memref<144x128xi32, #tpu.memory_space<vmem>>, %arg10: memref<128x128xf32, #tpu.memory_space<vmem>>, %arg11: memref<128x256xf32, #tpu.memory_space<vmem>>, %arg12: memref<!tpu.dma_semaphore, #tpu.memory_space<semaphore_mem>>, %arg13: memref<!tpu.dma_semaphore, #tpu.memory_space<semaphore_mem>>) attributes {dimension_semantics = [#tpu.dimension_semantics<core_parallel>, #tpu.dimension_semantics<subcore_parallel>], iteration_bounds = array<i64: 2, 16>, scalar_prefetch = 0 : i64, scratch_operands = 6 : i64, tpu.core_type = #tpu.core_type<sc_vector_subcore>, window_params = [{transform_indices = #map}, {transform_indices = #map}, {transform_indices = #map1}, {transform_indices = #map1}, {transform_indices = #map}, {transform_indices = #map}]} {
    %mul3A = arith.constant 2 : i32
    %mul3A_0 = arith.muli %arg1, %mul3A : i32
    %add3A = arith.addi %mul3A_0, %arg0 : i32
    "tpu.region"() ({
      %run_scoped3A = tpu.sem_alloc : memref<!tpu.dma_semaphore, #tpu.memory_space<semaphore_mem>>
      %dma_start3A = arith.constant 0 : i32
      %dma_start3A_6 = arith.constant 0 : i32
      %dma_start3A_7 = tpu.memref_slice %arg4[%add3A, %dma_start3A, %dma_start3A_6] : memref<32x144x128xi32, #tpu.memory_space<hbm>> -> memref<1x144x128xi32, #tpu.memory_space<hbm>>
      %dma_start3A_8 = tpu.memref_squeeze %dma_start3A_7 : memref<1x144x128xi32, #tpu.memory_space<hbm>> -> memref<144x128xi32, #tpu.memory_space<hbm>>
      %dma_start3A_9 = arith.constant 0 : i32
      %dma_start3A_10 = arith.constant 0 : i32
      %dma_start3A_11 = tpu.memref_slice %arg4[%add3A, %dma_start3A_9, %dma_start3A_10] : memref<32x144x128xi32, #tpu.memory_space<hbm>> -> memref<1x144x128xi32, #tpu.memory_space<hbm>>
      %dma_start3A_12 = tpu.memref_squeeze %dma_start3A_11 : memref<1x144x128xi32, #tpu.memory_space<hbm>> -> memref<144x128xi32, #tpu.memory_space<hbm>>
      tpu.enqueue_dma source(%dma_start3A_12 : memref<144x128xi32, #tpu.memory_space<hbm>>) target(%arg8 : memref<144x128xi32, #tpu.memory_space<vmem>>) target_semaphore(%run_scoped3A : memref<!tpu.dma_semaphore, #tpu.memory_space<semaphore_mem>>)
      %dma_wait3A = arith.constant 0 : i32
      %dma_wait3A_13 = arith.constant 0 : i32
      %dma_wait3A_14 = tpu.memref_slice %arg4[%add3A, %dma_wait3A, %dma_wait3A_13] : memref<32x144x128xi32, #tpu.memory_space<hbm>> -> memref<1x144x128xi32, #tpu.memory_space<hbm>>
      %dma_wait3A_15 = tpu.memref_squeeze %dma_wait3A_14 : memref<1x144x128xi32, #tpu.memory_space<hbm>> -> memref<144x128xi32, #tpu.memory_space<hbm>>
      %dma_wait3A_16 = arith.constant 0 : i32
      %dma_wait3A_17 = arith.constant 0 : i32
      %dma_wait3A_18 = tpu.memref_slice %arg4[%add3A, %dma_wait3A_16, %dma_wait3A_17] : memref<32x144x128xi32, #tpu.memory_space<hbm>> -> memref<1x144x128xi32, #tpu.memory_space<hbm>>
      %dma_wait3A_19 = tpu.memref_squeeze %dma_wait3A_18 : memref<1x144x128xi32, #tpu.memory_space<hbm>> -> memref<144x128xi32, #tpu.memory_space<hbm>>
      tpu.wait_dma2 semaphore(%run_scoped3A : memref<!tpu.dma_semaphore, #tpu.memory_space<semaphore_mem>>) src(%dma_wait3A_19 : memref<144x128xi32, #tpu.memory_space<hbm>>) dst(%arg8 : memref<144x128xi32, #tpu.memory_space<vmem>>)
      tpu.yield
    }) : () -> ()
    "tpu.region"() ({
      %run_scoped3A = tpu.sem_alloc : memref<!tpu.dma_semaphore, #tpu.memory_space<semaphore_mem>>
      %dma_start3A = arith.constant 0 : i32
      %dma_start3A_6 = arith.constant 0 : i32
      %dma_start3A_7 = tpu.memref_slice %arg5[%add3A, %dma_start3A, %dma_start3A_6] : memref<32x144x128xi32, #tpu.memory_space<hbm>> -> memref<1x144x128xi32, #tpu.memory_space<hbm>>
      %dma_start3A_8 = tpu.memref_squeeze %dma_start3A_7 : memref<1x144x128xi32, #tpu.memory_space<hbm>> -> memref<144x128xi32, #tpu.memory_space<hbm>>
      %dma_start3A_9 = arith.constant 0 : i32
      %dma_start3A_10 = arith.constant 0 : i32
      %dma_start3A_11 = tpu.memref_slice %arg5[%add3A, %dma_start3A_9, %dma_start3A_10] : memref<32x144x128xi32, #tpu.memory_space<hbm>> -> memref<1x144x128xi32, #tpu.memory_space<hbm>>
      %dma_start3A_12 = tpu.memref_squeeze %dma_start3A_11 : memref<1x144x128xi32, #tpu.memory_space<hbm>> -> memref<144x128xi32, #tpu.memory_space<hbm>>
      tpu.enqueue_dma source(%dma_start3A_12 : memref<144x128xi32, #tpu.memory_space<hbm>>) target(%arg9 : memref<144x128xi32, #tpu.memory_space<vmem>>) target_semaphore(%run_scoped3A : memref<!tpu.dma_semaphore, #tpu.memory_space<semaphore_mem>>)
      %dma_wait3A = arith.constant 0 : i32
      %dma_wait3A_13 = arith.constant 0 : i32
      %dma_wait3A_14 = tpu.memref_slice %arg5[%add3A, %dma_wait3A, %dma_wait3A_13] : memref<32x144x128xi32, #tpu.memory_space<hbm>> -> memref<1x144x128xi32, #tpu.memory_space<hbm>>
      %dma_wait3A_15 = tpu.memref_squeeze %dma_wait3A_14 : memref<1x144x128xi32, #tpu.memory_space<hbm>> -> memref<144x128xi32, #tpu.memory_space<hbm>>
      %dma_wait3A_16 = arith.constant 0 : i32
      %dma_wait3A_17 = arith.constant 0 : i32
      %dma_wait3A_18 = tpu.memref_slice %arg5[%add3A, %dma_wait3A_16, %dma_wait3A_17] : memref<32x144x128xi32, #tpu.memory_space<hbm>> -> memref<1x144x128xi32, #tpu.memory_space<hbm>>
      %dma_wait3A_19 = tpu.memref_squeeze %dma_wait3A_18 : memref<1x144x128xi32, #tpu.memory_space<hbm>> -> memref<144x128xi32, #tpu.memory_space<hbm>>
      tpu.wait_dma2 semaphore(%run_scoped3A : memref<!tpu.dma_semaphore, #tpu.memory_space<semaphore_mem>>) src(%dma_wait3A_19 : memref<144x128xi32, #tpu.memory_space<hbm>>) dst(%arg9 : memref<144x128xi32, #tpu.memory_space<vmem>>)
      tpu.yield
    }) : () -> ()
    %scan3A = arith.constant 0 : i32
    %scan3A_1 = arith.constant 0 : i32
    %scan3A_2 = arith.constant 144 : i32
    %scan3A_3 = arith.addi %scan3A_1, %scan3A_2 : i32
    %scan3A_4 = arith.constant 1 : i32
    scf.for %scan3A_6 = %scan3A_1 to %scan3A_3 step %scan3A_4  : i32 {
      %mul3A_7 = arith.constant 18432 : i32
      %mul3A_8 = arith.muli %add3A, %mul3A_7 : i32
      %mul3A_9 = arith.constant 128 : i32
      %mul3A_10 = arith.muli %scan3A_6, %mul3A_9 : i32
      %add3A_11 = arith.addi %mul3A_8, %mul3A_10 : i32
      %dma_start3A = arith.constant 0 : i32
      %dma_start3A_12 = tpu.memref_slice %arg8[%scan3A_6, %dma_start3A] : memref<144x128xi32, #tpu.memory_space<vmem>> -> memref<1x128xi32, #tpu.memory_space<vmem>>
      %dma_start3A_13 = tpu.memref_squeeze %dma_start3A_12 : memref<1x128xi32, #tpu.memory_space<vmem>> -> memref<128xi32, #tpu.memory_space<vmem>>
      %dma_start3A_14 = arith.constant 0 : i32
      %dma_start3A_15 = arith.constant 0 : i32
      %dma_start3A_16 = tpu.memref_slice %arg2[%dma_start3A_14, %dma_start3A_15] : memref<49152x128xf32, #tpu.memory_space<hbm>> -> memref<49152x128xf32, #tpu.memory_space<hbm>>
      tpu.enqueue_indirect_dma source(%dma_start3A_16 : memref<49152x128xf32, #tpu.memory_space<hbm>>) target(%arg10 : memref<128x128xf32, #tpu.memory_space<vmem>>) offsets(%dma_start3A_13 : memref<128xi32, #tpu.memory_space<vmem>>) semaphore(%arg12 : memref<!tpu.dma_semaphore, #tpu.memory_space<semaphore_mem>>)
      %dma_start3A_17 = arith.constant 0 : i32
      %dma_start3A_18 = tpu.memref_slice %arg9[%scan3A_6, %dma_start3A_17] : memref<144x128xi32, #tpu.memory_space<vmem>> -> memref<1x128xi32, #tpu.memory_space<vmem>>
      %dma_start3A_19 = tpu.memref_squeeze %dma_start3A_18 : memref<1x128xi32, #tpu.memory_space<vmem>> -> memref<128xi32, #tpu.memory_space<vmem>>
      %dma_start3A_20 = arith.constant 0 : i32
      %dma_start3A_21 = arith.constant 0 : i32
      %dma_start3A_22 = tpu.memref_slice %arg3[%dma_start3A_20, %dma_start3A_21] : memref<49152x256xf32, #tpu.memory_space<hbm>> -> memref<49152x256xf32, #tpu.memory_space<hbm>>
      tpu.enqueue_indirect_dma source(%dma_start3A_22 : memref<49152x256xf32, #tpu.memory_space<hbm>>) target(%arg11 : memref<128x256xf32, #tpu.memory_space<vmem>>) offsets(%dma_start3A_19 : memref<128xi32, #tpu.memory_space<vmem>>) semaphore(%arg13 : memref<!tpu.dma_semaphore, #tpu.memory_space<semaphore_mem>>)
      %dma_wait3A = arith.constant 0 : i32
      %dma_wait3A_23 = tpu.memref_slice %arg8[%scan3A_6, %dma_wait3A] : memref<144x128xi32, #tpu.memory_space<vmem>> -> memref<1x128xi32, #tpu.memory_space<vmem>>
      %dma_wait3A_24 = tpu.memref_squeeze %dma_wait3A_23 : memref<1x128xi32, #tpu.memory_space<vmem>> -> memref<128xi32, #tpu.memory_space<vmem>>
      %dma_wait3A_25 = arith.constant 0 : i32
      %dma_wait3A_26 = arith.constant 0 : i32
      %dma_wait3A_27 = tpu.memref_slice %arg2[%dma_wait3A_25, %dma_wait3A_26] : memref<49152x128xf32, #tpu.memory_space<hbm>> -> memref<49152x128xf32, #tpu.memory_space<hbm>>
      tpu.wait_indirect_dma semaphore(%arg12 : memref<!tpu.dma_semaphore, #tpu.memory_space<semaphore_mem>>) src(%dma_wait3A_27 : memref<49152x128xf32, #tpu.memory_space<hbm>>) dst(%arg10 : memref<128x128xf32, #tpu.memory_space<vmem>>)
      "tpu.region"() ({
        %run_scoped3A = tpu.sem_alloc : memref<!tpu.dma_semaphore, #tpu.memory_space<semaphore_mem>>
        %dma_start3A_34 = arith.constant 0 : i32
        %dma_start3A_35 = tpu.memref_slice %arg6[%add3A_11, %dma_start3A_34] : memref<589824x128xf32, #tpu.memory_space<hbm>> -> memref<128x128xf32, #tpu.memory_space<hbm>>
        %dma_start3A_36 = arith.constant 0 : i32
        %dma_start3A_37 = tpu.memref_slice %arg6[%add3A_11, %dma_start3A_36] : memref<589824x128xf32, #tpu.memory_space<hbm>> -> memref<128x128xf32, #tpu.memory_space<hbm>>
        tpu.enqueue_dma source(%arg10 : memref<128x128xf32, #tpu.memory_space<vmem>>) target(%dma_start3A_37 : memref<128x128xf32, #tpu.memory_space<hbm>>) target_semaphore(%run_scoped3A : memref<!tpu.dma_semaphore, #tpu.memory_space<semaphore_mem>>)
        %dma_wait3A_38 = arith.constant 0 : i32
        %dma_wait3A_39 = tpu.memref_slice %arg6[%add3A_11, %dma_wait3A_38] : memref<589824x128xf32, #tpu.memory_space<hbm>> -> memref<128x128xf32, #tpu.memory_space<hbm>>
        %dma_wait3A_40 = arith.constant 0 : i32
        %dma_wait3A_41 = tpu.memref_slice %arg6[%add3A_11, %dma_wait3A_40] : memref<589824x128xf32, #tpu.memory_space<hbm>> -> memref<128x128xf32, #tpu.memory_space<hbm>>
        tpu.wait_dma2 semaphore(%run_scoped3A : memref<!tpu.dma_semaphore, #tpu.memory_space<semaphore_mem>>) src(%arg10 : memref<128x128xf32, #tpu.memory_space<vmem>>) dst(%dma_wait3A_41 : memref<128x128xf32, #tpu.memory_space<hbm>>)
        tpu.yield
      }) : () -> ()
      %dma_wait3A_28 = arith.constant 0 : i32
      %dma_wait3A_29 = tpu.memref_slice %arg9[%scan3A_6, %dma_wait3A_28] : memref<144x128xi32, #tpu.memory_space<vmem>> -> memref<1x128xi32, #tpu.memory_space<vmem>>
      %dma_wait3A_30 = tpu.memref_squeeze %dma_wait3A_29 : memref<1x128xi32, #tpu.memory_space<vmem>> -> memref<128xi32, #tpu.memory_space<vmem>>
      %dma_wait3A_31 = arith.constant 0 : i32
      %dma_wait3A_32 = arith.constant 0 : i32
      %dma_wait3A_33 = tpu.memref_slice %arg3[%dma_wait3A_31, %dma_wait3A_32] : memref<49152x256xf32, #tpu.memory_space<hbm>> -> memref<49152x256xf32, #tpu.memory_space<hbm>>
      tpu.wait_indirect_dma semaphore(%arg13 : memref<!tpu.dma_semaphore, #tpu.memory_space<semaphore_mem>>) src(%dma_wait3A_33 : memref<49152x256xf32, #tpu.memory_space<hbm>>) dst(%arg11 : memref<128x256xf32, #tpu.memory_space<vmem>>)
      "tpu.region"() ({
        %run_scoped3A = tpu.sem_alloc : memref<!tpu.dma_semaphore, #tpu.memory_space<semaphore_mem>>
        %dma_start3A_34 = arith.constant 0 : i32
        %dma_start3A_35 = tpu.memref_slice %arg7[%add3A_11, %dma_start3A_34] : memref<589824x256xf32, #tpu.memory_space<hbm>> -> memref<128x256xf32, #tpu.memory_space<hbm>>
        %dma_start3A_36 = arith.constant 0 : i32
        %dma_start3A_37 = tpu.memref_slice %arg7[%add3A_11, %dma_start3A_36] : memref<589824x256xf32, #tpu.memory_space<hbm>> -> memref<128x256xf32, #tpu.memory_space<hbm>>
        tpu.enqueue_dma source(%arg11 : memref<128x256xf32, #tpu.memory_space<vmem>>) target(%dma_start3A_37 : memref<128x256xf32, #tpu.memory_space<hbm>>) target_semaphore(%run_scoped3A : memref<!tpu.dma_semaphore, #tpu.memory_space<semaphore_mem>>)
        %dma_wait3A_38 = arith.constant 0 : i32
        %dma_wait3A_39 = tpu.memref_slice %arg7[%add3A_11, %dma_wait3A_38] : memref<589824x256xf32, #tpu.memory_space<hbm>> -> memref<128x256xf32, #tpu.memory_space<hbm>>
        %dma_wait3A_40 = arith.constant 0 : i32
        %dma_wait3A_41 = tpu.memref_slice %arg7[%add3A_11, %dma_wait3A_40] : memref<589824x256xf32, #tpu.memory_space<hbm>> -> memref<128x256xf32, #tpu.memory_space<hbm>>
        tpu.wait_dma2 semaphore(%run_scoped3A : memref<!tpu.dma_semaphore, #tpu.memory_space<semaphore_mem>>) src(%arg11 : memref<128x256xf32, #tpu.memory_space<vmem>>) dst(%dma_wait3A_41 : memref<128x256xf32, #tpu.memory_space<hbm>>)
        tpu.yield
      }) : () -> ()
    }
    %scan3A_5 = arith.constant 144 : i32
    return
  }
}

#map = affine_map<(d0, d1) -> (0, 0)>
#map1 = affine_map<(d0, d1) -> (0, 0, 0)>
module attributes {stable_mosaic.version = 14 : i64} {
  func.func @_gather_body(%arg0: i32, %arg1: i32, %arg2: memref<49152x128xf32, #tpu.memory_space<hbm>>, %arg3: memref<49152x256xf32, #tpu.memory_space<hbm>>, %arg4: memref<32x144x128xi32, #tpu.memory_space<hbm>>, %arg5: memref<32x144x128xi32, #tpu.memory_space<hbm>>, %arg6: memref<589824x128xf32, #tpu.memory_space<hbm>>, %arg7: memref<589824x256xf32, #tpu.memory_space<hbm>>, %arg8: memref<144x128xi32, #tpu.memory_space<vmem>>, %arg9: memref<144x128xi32, #tpu.memory_space<vmem>>, %arg10: memref<128x128xf32, #tpu.memory_space<vmem>>, %arg11: memref<128x256xf32, #tpu.memory_space<vmem>>, %arg12: memref<!tpu.dma_semaphore, #tpu.memory_space<semaphore_mem>>, %arg13: memref<!tpu.dma_semaphore, #tpu.memory_space<semaphore_mem>>) attributes {dimension_semantics = [#tpu.dimension_semantics<core_parallel>, #tpu.dimension_semantics<subcore_parallel>], iteration_bounds = array<i64: 2, 16>, scalar_prefetch = 0 : i64, scratch_operands = 6 : i64, tpu.core_type = #tpu.core_type<sc_vector_subcore>, window_params = [{transform_indices = #map}, {transform_indices = #map}, {transform_indices = #map1}, {transform_indices = #map1}, {transform_indices = #map}, {transform_indices = #map}]} {
    %mul3A = arith.constant 2 : i32
    %mul3A_0 = arith.muli %arg1, %mul3A : i32
    %add3A = arith.addi %mul3A_0, %arg0 : i32
    "tpu.region"() ({
      %run_scoped3A = tpu.sem_alloc : memref<!tpu.dma_semaphore, #tpu.memory_space<semaphore_mem>>
      %dma_start3A = arith.constant 0 : i32
      %dma_start3A_6 = arith.constant 0 : i32
      %dma_start3A_7 = tpu.memref_slice %arg4[%add3A, %dma_start3A, %dma_start3A_6] : memref<32x144x128xi32, #tpu.memory_space<hbm>> -> memref<1x144x128xi32, #tpu.memory_space<hbm>>
      %dma_start3A_8 = tpu.memref_squeeze %dma_start3A_7 : memref<1x144x128xi32, #tpu.memory_space<hbm>> -> memref<144x128xi32, #tpu.memory_space<hbm>>
      %dma_start3A_9 = arith.constant 0 : i32
      %dma_start3A_10 = arith.constant 0 : i32
      %dma_start3A_11 = tpu.memref_slice %arg4[%add3A, %dma_start3A_9, %dma_start3A_10] : memref<32x144x128xi32, #tpu.memory_space<hbm>> -> memref<1x144x128xi32, #tpu.memory_space<hbm>>
      %dma_start3A_12 = tpu.memref_squeeze %dma_start3A_11 : memref<1x144x128xi32, #tpu.memory_space<hbm>> -> memref<144x128xi32, #tpu.memory_space<hbm>>
      tpu.enqueue_dma source(%dma_start3A_12 : memref<144x128xi32, #tpu.memory_space<hbm>>) target(%arg8 : memref<144x128xi32, #tpu.memory_space<vmem>>) target_semaphore(%run_scoped3A : memref<!tpu.dma_semaphore, #tpu.memory_space<semaphore_mem>>)
      %dma_wait3A = arith.constant 0 : i32
      %dma_wait3A_13 = arith.constant 0 : i32
      %dma_wait3A_14 = tpu.memref_slice %arg4[%add3A, %dma_wait3A, %dma_wait3A_13] : memref<32x144x128xi32, #tpu.memory_space<hbm>> -> memref<1x144x128xi32, #tpu.memory_space<hbm>>
      %dma_wait3A_15 = tpu.memref_squeeze %dma_wait3A_14 : memref<1x144x128xi32, #tpu.memory_space<hbm>> -> memref<144x128xi32, #tpu.memory_space<hbm>>
      %dma_wait3A_16 = arith.constant 0 : i32
      %dma_wait3A_17 = arith.constant 0 : i32
      %dma_wait3A_18 = tpu.memref_slice %arg4[%add3A, %dma_wait3A_16, %dma_wait3A_17] : memref<32x144x128xi32, #tpu.memory_space<hbm>> -> memref<1x144x128xi32, #tpu.memory_space<hbm>>
      %dma_wait3A_19 = tpu.memref_squeeze %dma_wait3A_18 : memref<1x144x128xi32, #tpu.memory_space<hbm>> -> memref<144x128xi32, #tpu.memory_space<hbm>>
      tpu.wait_dma2 semaphore(%run_scoped3A : memref<!tpu.dma_semaphore, #tpu.memory_space<semaphore_mem>>) src(%dma_wait3A_19 : memref<144x128xi32, #tpu.memory_space<hbm>>) dst(%arg8 : memref<144x128xi32, #tpu.memory_space<vmem>>)
      tpu.yield
    }) : () -> ()
    "tpu.region"() ({
      %run_scoped3A = tpu.sem_alloc : memref<!tpu.dma_semaphore, #tpu.memory_space<semaphore_mem>>
      %dma_start3A = arith.constant 0 : i32
      %dma_start3A_6 = arith.constant 0 : i32
      %dma_start3A_7 = tpu.memref_slice %arg5[%add3A, %dma_start3A, %dma_start3A_6] : memref<32x144x128xi32, #tpu.memory_space<hbm>> -> memref<1x144x128xi32, #tpu.memory_space<hbm>>
      %dma_start3A_8 = tpu.memref_squeeze %dma_start3A_7 : memref<1x144x128xi32, #tpu.memory_space<hbm>> -> memref<144x128xi32, #tpu.memory_space<hbm>>
      %dma_start3A_9 = arith.constant 0 : i32
      %dma_start3A_10 = arith.constant 0 : i32
      %dma_start3A_11 = tpu.memref_slice %arg5[%add3A, %dma_start3A_9, %dma_start3A_10] : memref<32x144x128xi32, #tpu.memory_space<hbm>> -> memref<1x144x128xi32, #tpu.memory_space<hbm>>
      %dma_start3A_12 = tpu.memref_squeeze %dma_start3A_11 : memref<1x144x128xi32, #tpu.memory_space<hbm>> -> memref<144x128xi32, #tpu.memory_space<hbm>>
      tpu.enqueue_dma source(%dma_start3A_12 : memref<144x128xi32, #tpu.memory_space<hbm>>) target(%arg9 : memref<144x128xi32, #tpu.memory_space<vmem>>) target_semaphore(%run_scoped3A : memref<!tpu.dma_semaphore, #tpu.memory_space<semaphore_mem>>)
      %dma_wait3A = arith.constant 0 : i32
      %dma_wait3A_13 = arith.constant 0 : i32
      %dma_wait3A_14 = tpu.memref_slice %arg5[%add3A, %dma_wait3A, %dma_wait3A_13] : memref<32x144x128xi32, #tpu.memory_space<hbm>> -> memref<1x144x128xi32, #tpu.memory_space<hbm>>
      %dma_wait3A_15 = tpu.memref_squeeze %dma_wait3A_14 : memref<1x144x128xi32, #tpu.memory_space<hbm>> -> memref<144x128xi32, #tpu.memory_space<hbm>>
      %dma_wait3A_16 = arith.constant 0 : i32
      %dma_wait3A_17 = arith.constant 0 : i32
      %dma_wait3A_18 = tpu.memref_slice %arg5[%add3A, %dma_wait3A_16, %dma_wait3A_17] : memref<32x144x128xi32, #tpu.memory_space<hbm>> -> memref<1x144x128xi32, #tpu.memory_space<hbm>>
      %dma_wait3A_19 = tpu.memref_squeeze %dma_wait3A_18 : memref<1x144x128xi32, #tpu.memory_space<hbm>> -> memref<144x128xi32, #tpu.memory_space<hbm>>
      tpu.wait_dma2 semaphore(%run_scoped3A : memref<!tpu.dma_semaphore, #tpu.memory_space<semaphore_mem>>) src(%dma_wait3A_19 : memref<144x128xi32, #tpu.memory_space<hbm>>) dst(%arg9 : memref<144x128xi32, #tpu.memory_space<vmem>>)
      tpu.yield
    }) : () -> ()
    %scan3A = arith.constant 0 : i32
    %scan3A_1 = arith.constant 0 : i32
    %scan3A_2 = arith.constant 144 : i32
    %scan3A_3 = arith.addi %scan3A_1, %scan3A_2 : i32
    %scan3A_4 = arith.constant 1 : i32
    scf.for %scan3A_6 = %scan3A_1 to %scan3A_3 step %scan3A_4  : i32 {
      %mul3A_7 = arith.constant 18432 : i32
      %mul3A_8 = arith.muli %add3A, %mul3A_7 : i32
      %mul3A_9 = arith.constant 128 : i32
      %mul3A_10 = arith.muli %scan3A_6, %mul3A_9 : i32
      %add3A_11 = arith.addi %mul3A_8, %mul3A_10 : i32
      %dma_start3A = arith.constant 0 : i32
      %dma_start3A_12 = tpu.memref_slice %arg8[%scan3A_6, %dma_start3A] : memref<144x128xi32, #tpu.memory_space<vmem>> -> memref<1x128xi32, #tpu.memory_space<vmem>>
      %dma_start3A_13 = tpu.memref_squeeze %dma_start3A_12 : memref<1x128xi32, #tpu.memory_space<vmem>> -> memref<128xi32, #tpu.memory_space<vmem>>
      %dma_start3A_14 = arith.constant 0 : i32
      %dma_start3A_15 = arith.constant 0 : i32
      %dma_start3A_16 = tpu.memref_slice %arg2[%dma_start3A_14, %dma_start3A_15] : memref<49152x128xf32, #tpu.memory_space<hbm>> -> memref<49152x128xf32, #tpu.memory_space<hbm>>
      tpu.enqueue_indirect_dma source(%dma_start3A_16 : memref<49152x128xf32, #tpu.memory_space<hbm>>) target(%arg10 : memref<128x128xf32, #tpu.memory_space<vmem>>) offsets(%dma_start3A_13 : memref<128xi32, #tpu.memory_space<vmem>>) semaphore(%arg12 : memref<!tpu.dma_semaphore, #tpu.memory_space<semaphore_mem>>)
      %dma_start3A_17 = arith.constant 0 : i32
      %dma_start3A_18 = tpu.memref_slice %arg9[%scan3A_6, %dma_start3A_17] : memref<144x128xi32, #tpu.memory_space<vmem>> -> memref<1x128xi32, #tpu.memory_space<vmem>>
      %dma_start3A_19 = tpu.memref_squeeze %dma_start3A_18 : memref<1x128xi32, #tpu.memory_space<vmem>> -> memref<128xi32, #tpu.memory_space<vmem>>
      %dma_start3A_20 = arith.constant 0 : i32
      %dma_start3A_21 = arith.constant 0 : i32
      %dma_start3A_22 = tpu.memref_slice %arg3[%dma_start3A_20, %dma_start3A_21] : memref<49152x256xf32, #tpu.memory_space<hbm>> -> memref<49152x256xf32, #tpu.memory_space<hbm>>
      tpu.enqueue_indirect_dma source(%dma_start3A_22 : memref<49152x256xf32, #tpu.memory_space<hbm>>) target(%arg11 : memref<128x256xf32, #tpu.memory_space<vmem>>) offsets(%dma_start3A_19 : memref<128xi32, #tpu.memory_space<vmem>>) semaphore(%arg13 : memref<!tpu.dma_semaphore, #tpu.memory_space<semaphore_mem>>)
      %dma_wait3A = arith.constant 0 : i32
      %dma_wait3A_23 = tpu.memref_slice %arg8[%scan3A_6, %dma_wait3A] : memref<144x128xi32, #tpu.memory_space<vmem>> -> memref<1x128xi32, #tpu.memory_space<vmem>>
      %dma_wait3A_24 = tpu.memref_squeeze %dma_wait3A_23 : memref<1x128xi32, #tpu.memory_space<vmem>> -> memref<128xi32, #tpu.memory_space<vmem>>
      %dma_wait3A_25 = arith.constant 0 : i32
      %dma_wait3A_26 = arith.constant 0 : i32
      %dma_wait3A_27 = tpu.memref_slice %arg2[%dma_wait3A_25, %dma_wait3A_26] : memref<49152x128xf32, #tpu.memory_space<hbm>> -> memref<49152x128xf32, #tpu.memory_space<hbm>>
      tpu.wait_indirect_dma semaphore(%arg12 : memref<!tpu.dma_semaphore, #tpu.memory_space<semaphore_mem>>) src(%dma_wait3A_27 : memref<49152x128xf32, #tpu.memory_space<hbm>>) dst(%arg10 : memref<128x128xf32, #tpu.memory_space<vmem>>)
      "tpu.region"() ({
        %run_scoped3A = tpu.sem_alloc : memref<!tpu.dma_semaphore, #tpu.memory_space<semaphore_mem>>
        %dma_start3A_34 = arith.constant 0 : i32
        %dma_start3A_35 = tpu.memref_slice %arg6[%add3A_11, %dma_start3A_34] : memref<589824x128xf32, #tpu.memory_space<hbm>> -> memref<128x128xf32, #tpu.memory_space<hbm>>
        %dma_start3A_36 = arith.constant 0 : i32
        %dma_start3A_37 = tpu.memref_slice %arg6[%add3A_11, %dma_start3A_36] : memref<589824x128xf32, #tpu.memory_space<hbm>> -> memref<128x128xf32, #tpu.memory_space<hbm>>
        tpu.enqueue_dma source(%arg10 : memref<128x128xf32, #tpu.memory_space<vmem>>) target(%dma_start3A_37 : memref<128x128xf32, #tpu.memory_space<hbm>>) target_semaphore(%run_scoped3A : memref<!tpu.dma_semaphore, #tpu.memory_space<semaphore_mem>>)
        %dma_wait3A_38 = arith.constant 0 : i32
        %dma_wait3A_39 = tpu.memref_slice %arg6[%add3A_11, %dma_wait3A_38] : memref<589824x128xf32, #tpu.memory_space<hbm>> -> memref<128x128xf32, #tpu.memory_space<hbm>>
        %dma_wait3A_40 = arith.constant 0 : i32
        %dma_wait3A_41 = tpu.memref_slice %arg6[%add3A_11, %dma_wait3A_40] : memref<589824x128xf32, #tpu.memory_space<hbm>> -> memref<128x128xf32, #tpu.memory_space<hbm>>
        tpu.wait_dma2 semaphore(%run_scoped3A : memref<!tpu.dma_semaphore, #tpu.memory_space<semaphore_mem>>) src(%arg10 : memref<128x128xf32, #tpu.memory_space<vmem>>) dst(%dma_wait3A_41 : memref<128x128xf32, #tpu.memory_space<hbm>>)
        tpu.yield
      }) : () -> ()
      %dma_wait3A_28 = arith.constant 0 : i32
      %dma_wait3A_29 = tpu.memref_slice %arg9[%scan3A_6, %dma_wait3A_28] : memref<144x128xi32, #tpu.memory_space<vmem>> -> memref<1x128xi32, #tpu.memory_space<vmem>>
      %dma_wait3A_30 = tpu.memref_squeeze %dma_wait3A_29 : memref<1x128xi32, #tpu.memory_space<vmem>> -> memref<128xi32, #tpu.memory_space<vmem>>
      %dma_wait3A_31 = arith.constant 0 : i32
      %dma_wait3A_32 = arith.constant 0 : i32
      %dma_wait3A_33 = tpu.memref_slice %arg3[%dma_wait3A_31, %dma_wait3A_32] : memref<49152x256xf32, #tpu.memory_space<hbm>> -> memref<49152x256xf32, #tpu.memory_space<hbm>>
      tpu.wait_indirect_dma semaphore(%arg13 : memref<!tpu.dma_semaphore, #tpu.memory_space<semaphore_mem>>) src(%dma_wait3A_33 : memref<49152x256xf32, #tpu.memory_space<hbm>>) dst(%arg11 : memref<128x256xf32, #tpu.memory_space<vmem>>)
      "tpu.region"() ({
        %run_scoped3A = tpu.sem_alloc : memref<!tpu.dma_semaphore, #tpu.memory_space<semaphore_mem>>
        %dma_start3A_34 = arith.constant 0 : i32
        %dma_start3A_35 = tpu.memref_slice %arg7[%add3A_11, %dma_start3A_34] : memref<589824x256xf32, #tpu.memory_space<hbm>> -> memref<128x256xf32, #tpu.memory_space<hbm>>
        %dma_start3A_36 = arith.constant 0 : i32
        %dma_start3A_37 = tpu.memref_slice %arg7[%add3A_11, %dma_start3A_36] : memref<589824x256xf32, #tpu.memory_space<hbm>> -> memref<128x256xf32, #tpu.memory_space<hbm>>
        tpu.enqueue_dma source(%arg11 : memref<128x256xf32, #tpu.memory_space<vmem>>) target(%dma_start3A_37 : memref<128x256xf32, #tpu.memory_space<hbm>>) target_semaphore(%run_scoped3A : memref<!tpu.dma_semaphore, #tpu.memory_space<semaphore_mem>>)
        %dma_wait3A_38 = arith.constant 0 : i32
        %dma_wait3A_39 = tpu.memref_slice %arg7[%add3A_11, %dma_wait3A_38] : memref<589824x256xf32, #tpu.memory_space<hbm>> -> memref<128x256xf32, #tpu.memory_space<hbm>>
        %dma_wait3A_40 = arith.constant 0 : i32
        %dma_wait3A_41 = tpu.memref_slice %arg7[%add3A_11, %dma_wait3A_40] : memref<589824x256xf32, #tpu.memory_space<hbm>> -> memref<128x256xf32, #tpu.memory_space<hbm>>
        tpu.wait_dma2 semaphore(%run_scoped3A : memref<!tpu.dma_semaphore, #tpu.memory_space<semaphore_mem>>) src(%arg11 : memref<128x256xf32, #tpu.memory_space<vmem>>) dst(%dma_wait3A_41 : memref<128x256xf32, #tpu.memory_space<hbm>>)
        tpu.yield
      }) : () -> ()
    }
    %scan3A_5 = arith.constant 144 : i32
    return
  }
}

module attributes {stable_mosaic.version = 14 : i64} {
  func.func @_qkv_body(%arg0: i32, %arg1: memref<2048x128xf32, #tpu.memory_space<vmem>>, %arg2: memref<128x128xf32, #tpu.memory_space<vmem>>, %arg3: memref<128x128xf32, #tpu.memory_space<vmem>>, %arg4: memref<128x128xf32, #tpu.memory_space<vmem>>, %arg5: memref<2048x128xf32, #tpu.memory_space<vmem>>, %arg6: memref<2048x256xf32, #tpu.memory_space<vmem>>) attributes {dimension_semantics = [#tpu.dimension_semantics<arbitrary>], iteration_bounds = array<i64: 24>, scalar_prefetch = 0 : i64, scratch_operands = 0 : i64, tpu.core_type = #tpu.core_type<tc>, window_params = [{transform_indices = @transform_0, window_bounds = array<i64: 2048, 128>}, {pipeline_mode = #tpu.pipeline_mode<synchronous>, transform_indices = @transform_1, window_bounds = array<i64: 128, 128>}, {pipeline_mode = #tpu.pipeline_mode<synchronous>, transform_indices = @transform_2, window_bounds = array<i64: 128, 128>}, {pipeline_mode = #tpu.pipeline_mode<synchronous>, transform_indices = @transform_3, window_bounds = array<i64: 128, 128>}, {transform_indices = @transform_4, window_bounds = array<i64: 2048, 128>}, {transform_indices = @transform_5, window_bounds = array<i64: 2048, 256>}]} {
    %get3A = arith.constant 0 : index
    %get3A_0 = arith.constant 0 : index
    %get3A_1 = vector.load %arg1[%get3A, %get3A_0] : memref<2048x128xf32, #tpu.memory_space<vmem>>, vector<2048x128xf32>
    %get3A_2 = arith.constant 0 : index
    %get3A_3 = arith.constant 0 : index
    %get3A_4 = vector.load %arg2[%get3A_2, %get3A_3] : memref<128x128xf32, #tpu.memory_space<vmem>>, vector<128x128xf32>
    %dot_general3A = arith.constant dense<0.000000e+00> : vector<2048x128xf32>
    %dot_general3A_5 = tpu.matmul %get3A_1, %get3A_4, %dot_general3A {dimension_numbers = #tpu.dot_dimension_numbers<[1], [0], [0], [1], [0, 0, 1, 1], [], []>, transpose_lhs_hint = false} : vector<2048x128xf32>, vector<128x128xf32>, vector<2048x128xf32> -> vector<2048x128xf32>
    %swap3A = arith.constant 0 : index
    %swap3A_6 = arith.constant 0 : index
    %swap3A_7 = vector.load %arg5[%swap3A, %swap3A_6] : memref<2048x128xf32, #tpu.memory_space<vmem>>, vector<2048x128xf32>
    tpu.vector_store %arg5[%swap3A, %swap3A_6], %dot_general3A_5 {strides = array<i32>} : memref<2048x128xf32, #tpu.memory_space<vmem>>, vector<2048x128xf32>,
    %get3A_8 = arith.constant 0 : index
    %get3A_9 = arith.constant 0 : index
    %get3A_10 = vector.load %arg3[%get3A_8, %get3A_9] : memref<128x128xf32, #tpu.memory_space<vmem>>, vector<128x128xf32>
    %dot_general3A_11 = arith.constant dense<0.000000e+00> : vector<2048x128xf32>
    %dot_general3A_12 = tpu.matmul %get3A_1, %get3A_10, %dot_general3A_11 {dimension_numbers = #tpu.dot_dimension_numbers<[1], [0], [0], [1], [0, 0, 1, 1], [], []>, transpose_lhs_hint = false} : vector<2048x128xf32>, vector<128x128xf32>, vector<2048x128xf32> -> vector<2048x128xf32>
    %get3A_13 = arith.constant 0 : index
    %get3A_14 = arith.constant 0 : index
    %get3A_15 = vector.load %arg4[%get3A_13, %get3A_14] : memref<128x128xf32, #tpu.memory_space<vmem>>, vector<128x128xf32>
    %dot_general3A_16 = arith.constant dense<0.000000e+00> : vector<2048x128xf32>
    %dot_general3A_17 = tpu.matmul %get3A_1, %get3A_15, %dot_general3A_16 {dimension_numbers = #tpu.dot_dimension_numbers<[1], [0], [0], [1], [0, 0, 1, 1], [], []>, transpose_lhs_hint = false} : vector<2048x128xf32>, vector<128x128xf32>, vector<2048x128xf32> -> vector<2048x128xf32>
    %concatenate3A = tpu.concatenate %dot_general3A_12, %dot_general3A_17 in 1 : vector<2048x128xf32>, vector<2048x128xf32> -> vector<2048x256xf32>
    %swap3A_18 = arith.constant 0 : index
    %swap3A_19 = arith.constant 0 : index
    %swap3A_20 = vector.load %arg6[%swap3A_18, %swap3A_19] : memref<2048x256xf32, #tpu.memory_space<vmem>>, vector<2048x256xf32>
    tpu.vector_store %arg6[%swap3A_18, %swap3A_19], %concatenate3A {strides = array<i32>} : memref<2048x256xf32, #tpu.memory_space<vmem>>, vector<2048x256xf32>,
    return
  }
  func.func @transform_0(%arg0: i32) -> (i32, i32) {
    %c0_i32 = arith.constant 0 : i32
    %c0_i32_0 = arith.constant 0 : i32
    return %arg0, %c0_i32 : i32, i32
  }
  func.func @transform_1(%arg0: i32) -> (i32, i32) {
    %c0_i32 = arith.constant 0 : i32
    %c0_i32_0 = arith.constant 0 : i32
    %c0_i32_1 = arith.constant 0 : i32
    return %c0_i32, %c0_i32_0 : i32, i32
  }
  func.func @transform_2(%arg0: i32) -> (i32, i32) {
    %c0_i32 = arith.constant 0 : i32
    %c0_i32_0 = arith.constant 0 : i32
    %c0_i32_1 = arith.constant 0 : i32
    return %c0_i32, %c0_i32_0 : i32, i32
  }
  func.func @transform_3(%arg0: i32) -> (i32, i32) {
    %c0_i32 = arith.constant 0 : i32
    %c0_i32_0 = arith.constant 0 : i32
    %c0_i32_1 = arith.constant 0 : i32
    return %c0_i32, %c0_i32_0 : i32, i32
  }
  func.func @transform_4(%arg0: i32) -> (i32, i32) {
    %c0_i32 = arith.constant 0 : i32
    %c0_i32_0 = arith.constant 0 : i32
    return %arg0, %c0_i32 : i32, i32
  }
  func.func @transform_5(%arg0: i32) -> (i32, i32) {
    %c0_i32 = arith.constant 0 : i32
    %c0_i32_0 = arith.constant 0 : i32
    return %arg0, %c0_i32 : i32, i32
  }
}

module attributes {stable_mosaic.version = 14 : i64} {
  func.func @_score_body(%arg0: i32, %arg1: memref<4096x128xf32, #tpu.memory_space<vmem>>, %arg2: memref<4096x256xf32, #tpu.memory_space<vmem>>, %arg3: memref<128x4xf32, #tpu.memory_space<vmem>>, %arg4: memref<4x128xf32, #tpu.memory_space<vmem>>, %arg5: memref<2x4096x128xf32, #tpu.memory_space<vmem>>) attributes {dimension_semantics = [#tpu.dimension_semantics<arbitrary>], iteration_bounds = array<i64: 144>, scalar_prefetch = 0 : i64, scratch_operands = 0 : i64, tpu.core_type = #tpu.core_type<tc>, window_params = [{transform_indices = @transform_0, window_bounds = array<i64: 4096, 128>}, {transform_indices = @transform_1, window_bounds = array<i64: 4096, 256>}, {pipeline_mode = #tpu.pipeline_mode<synchronous>, transform_indices = @transform_2, window_bounds = array<i64: 128, 4>}, {pipeline_mode = #tpu.pipeline_mode<synchronous>, transform_indices = @transform_3, window_bounds = array<i64: 4, 128>}, {transform_indices = @transform_4, window_bounds = array<i64: 2, 4096, 128>}]} {
    %get3A = arith.constant 0 : index
    %get3A_0 = arith.constant 0 : index
    %get3A_1 = vector.load %arg1[%get3A, %get3A_0] : memref<4096x128xf32, #tpu.memory_space<vmem>>, vector<4096x128xf32>
    %get3A_2 = arith.constant 0 : index
    %get3A_3 = arith.constant 0 : index
    %get3A_4 = vector.load %arg2[%get3A_2, %get3A_3] : memref<4096x256xf32, #tpu.memory_space<vmem>>, vector<4096x256xf32>
    %slice3A = vector.extract_strided_slice %get3A_4 {offsets = [0, 0], sizes = [4096, 128], strides = [1, 1]} : vector<4096x256xf32> to vector<4096x128xf32>
    %slice3A_5 = vector.extract_strided_slice %get3A_4 {offsets = [0, 128], sizes = [4096, 128], strides = [1, 1]} : vector<4096x256xf32> to vector<4096x128xf32>
    %mul3A = arith.mulf %get3A_1, %slice3A : vector<4096x128xf32>
    %get3A_6 = arith.constant 0 : index
    %get3A_7 = arith.constant 0 : index
    %get3A_8 = vector.load %arg3[%get3A_6, %get3A_7] : memref<128x4xf32, #tpu.memory_space<vmem>>, vector<128x4xf32>
    %dot_general3A = arith.constant dense<0.000000e+00> : vector<4096x4xf32>
    %dot_general3A_9 = tpu.matmul %mul3A, %get3A_8, %dot_general3A {dimension_numbers = #tpu.dot_dimension_numbers<[1], [0], [0], [1], [0, 0, 1, 1], [], []>, transpose_lhs_hint = false} : vector<4096x128xf32>, vector<128x4xf32>, vector<4096x4xf32> -> vector<4096x4xf32>
    %mul3A_10 = arith.constant 0.176776692 : f32
    %mul3A_11 = vector.broadcast %mul3A_10 : f32 to vector<4096x4xf32>
    %mul3A_12 = arith.mulf %dot_general3A_9, %mul3A_11 : vector<4096x4xf32>
    %exp3A = math.exp %mul3A_12 : vector<4096x4xf32>
    %get3A_13 = arith.constant 0 : index
    %get3A_14 = arith.constant 0 : index
    %get3A_15 = vector.load %arg4[%get3A_13, %get3A_14] : memref<4x128xf32, #tpu.memory_space<vmem>>, vector<4x128xf32>
    %dot_general3A_16 = arith.constant dense<0.000000e+00> : vector<4096x128xf32>
    %dot_general3A_17 = tpu.matmul %exp3A, %get3A_15, %dot_general3A_16 {dimension_numbers = #tpu.dot_dimension_numbers<[1], [0], [0], [1], [0, 0, 1, 1], [], []>, transpose_lhs_hint = false} : vector<4096x4xf32>, vector<4x128xf32>, vector<4096x128xf32> -> vector<4096x128xf32>
    %mul3A_18 = arith.mulf %slice3A_5, %dot_general3A_17 : vector<4096x128xf32>
    %broadcast_in_dim3A = arith.constant 0.000000e+00 : f32
    %broadcast_in_dim3A_19 = vector.broadcast %broadcast_in_dim3A : f32 to vector<4096x31xf32>
    %slice3A_20 = vector.extract_strided_slice %mul3A_18 {offsets = [0, 0], sizes = [4096, 32], strides = [1, 1]} : vector<4096x128xf32> to vector<4096x32xf32>
    %slice3A_21 = vector.extract_strided_slice %exp3A {offsets = [0, 0], sizes = [4096, 1], strides = [1, 1]} : vector<4096x4xf32> to vector<4096x1xf32>
    %slice3A_22 = vector.extract_strided_slice %mul3A_18 {offsets = [0, 32], sizes = [4096, 32], strides = [1, 1]} : vector<4096x128xf32> to vector<4096x32xf32>
    %slice3A_23 = vector.extract_strided_slice %exp3A {offsets = [0, 1], sizes = [4096, 1], strides = [1, 1]} : vector<4096x4xf32> to vector<4096x1xf32>
    %concatenate3A = tpu.concatenate %slice3A_20, %slice3A_21, %broadcast_in_dim3A_19, %slice3A_22, %slice3A_23, %broadcast_in_dim3A_19 in 1 : vector<4096x32xf32>, vector<4096x1xf32>, vector<4096x31xf32>, vector<4096x32xf32>, vector<4096x1xf32>, vector<4096x31xf32> -> vector<4096x128xf32>
    %swap3A = arith.constant 0 : index
    %swap3A_24 = arith.constant 0 : index
    %swap3A_25 = arith.constant 0 : index
    %swap3A_26 = vector.load %arg5[%swap3A, %swap3A_24, %swap3A_25] : memref<2x4096x128xf32, #tpu.memory_space<vmem>>, vector<1x4096x128xf32>
    %swap3A_27 = vector.shape_cast %swap3A_26 : vector<1x4096x128xf32> to vector<4096x128xf32>
    %swap3A_28 = vector.shape_cast %concatenate3A : vector<4096x128xf32> to vector<1x4096x128xf32>
    tpu.vector_store %arg5[%swap3A, %swap3A_24, %swap3A_25], %swap3A_28 {strides = array<i32>} : memref<2x4096x128xf32, #tpu.memory_space<vmem>>, vector<1x4096x128xf32>,
    %slice3A_29 = vector.extract_strided_slice %mul3A_18 {offsets = [0, 64], sizes = [4096, 32], strides = [1, 1]} : vector<4096x128xf32> to vector<4096x32xf32>
    %slice3A_30 = vector.extract_strided_slice %exp3A {offsets = [0, 2], sizes = [4096, 1], strides = [1, 1]} : vector<4096x4xf32> to vector<4096x1xf32>
    %slice3A_31 = vector.extract_strided_slice %mul3A_18 {offsets = [0, 96], sizes = [4096, 32], strides = [1, 1]} : vector<4096x128xf32> to vector<4096x32xf32>
    %slice3A_32 = vector.extract_strided_slice %exp3A {offsets = [0, 3], sizes = [4096, 1], strides = [1, 1]} : vector<4096x4xf32> to vector<4096x1xf32>
    %concatenate3A_33 = tpu.concatenate %slice3A_29, %slice3A_30, %broadcast_in_dim3A_19, %slice3A_31, %slice3A_32, %broadcast_in_dim3A_19 in 1 : vector<4096x32xf32>, vector<4096x1xf32>, vector<4096x31xf32>, vector<4096x32xf32>, vector<4096x1xf32>, vector<4096x31xf32> -> vector<4096x128xf32>
    %swap3A_34 = arith.constant 1 : index
    %swap3A_35 = arith.constant 0 : index
    %swap3A_36 = arith.constant 0 : index
    %swap3A_37 = vector.load %arg5[%swap3A_34, %swap3A_35, %swap3A_36] : memref<2x4096x128xf32, #tpu.memory_space<vmem>>, vector<1x4096x128xf32>
    %swap3A_38 = vector.shape_cast %swap3A_37 : vector<1x4096x128xf32> to vector<4096x128xf32>
    %swap3A_39 = vector.shape_cast %concatenate3A_33 : vector<4096x128xf32> to vector<1x4096x128xf32>
    tpu.vector_store %arg5[%swap3A_34, %swap3A_35, %swap3A_36], %swap3A_39 {strides = array<i32>} : memref<2x4096x128xf32, #tpu.memory_space<vmem>>, vector<1x4096x128xf32>,
    return
  }
  func.func @transform_0(%arg0: i32) -> (i32, i32) {
    %c0_i32 = arith.constant 0 : i32
    %c0_i32_0 = arith.constant 0 : i32
    return %arg0, %c0_i32 : i32, i32
  }
  func.func @transform_1(%arg0: i32) -> (i32, i32) {
    %c0_i32 = arith.constant 0 : i32
    %c0_i32_0 = arith.constant 0 : i32
    return %arg0, %c0_i32 : i32, i32
  }
  func.func @transform_2(%arg0: i32) -> (i32, i32) {
    %c0_i32 = arith.constant 0 : i32
    %c0_i32_0 = arith.constant 0 : i32
    %c0_i32_1 = arith.constant 0 : i32
    return %c0_i32, %c0_i32_0 : i32, i32
  }
  func.func @transform_3(%arg0: i32) -> (i32, i32) {
    %c0_i32 = arith.constant 0 : i32
    %c0_i32_0 = arith.constant 0 : i32
    %c0_i32_1 = arith.constant 0 : i32
    return %c0_i32, %c0_i32_0 : i32, i32
  }
  func.func @transform_4(%arg0: i32) -> (i32, i32, i32) {
    %c0_i32 = arith.constant 0 : i32
    %c0_i32_0 = arith.constant 0 : i32
    %c0_i32_1 = arith.constant 0 : i32
    return %c0_i32, %arg0, %c0_i32_0 : i32, i32, i32
  }
}

module attributes {stable_mosaic.version = 14 : i64} {
  func.func @_post_body(%arg0: i32, %arg1: memref<2048x128xf32, #tpu.memory_space<vmem>>, %arg2: memref<2x2048x128xf32, #tpu.memory_space<vmem>>, %arg3: memref<2048x3xf32, #tpu.memory_space<vmem>>, %arg4: memref<128x128xf32, #tpu.memory_space<vmem>>, %arg5: memref<128x256xf32, #tpu.memory_space<vmem>>, %arg6: memref<128x256xf32, #tpu.memory_space<vmem>>, %arg7: memref<1x256xf32, #tpu.memory_space<vmem>>, %arg8: memref<256x128xf32, #tpu.memory_space<vmem>>, %arg9: memref<1x128xf32, #tpu.memory_space<vmem>>, %arg10: memref<512x2048xf32, #tpu.memory_space<vmem>>, %arg11: memref<512x128xf32, #tpu.memory_space<vmem>>, %arg12: memref<512x3xf32, #tpu.memory_space<vmem>>) attributes {dimension_semantics = [#tpu.dimension_semantics<arbitrary>], iteration_bounds = array<i64: 24>, scalar_prefetch = 0 : i64, scratch_operands = 0 : i64, tpu.core_type = #tpu.core_type<tc>, window_params = [{transform_indices = @transform_0, window_bounds = array<i64: 2048, 128>}, {transform_indices = @transform_1, window_bounds = array<i64: 2, 2048, 128>}, {transform_indices = @transform_2, window_bounds = array<i64: 2048, 3>}, {pipeline_mode = #tpu.pipeline_mode<synchronous>, transform_indices = @transform_3, window_bounds = array<i64: 128, 128>}, {pipeline_mode = #tpu.pipeline_mode<synchronous>, transform_indices = @transform_4, window_bounds = array<i64: 128, 256>}, {pipeline_mode = #tpu.pipeline_mode<synchronous>, transform_indices = @transform_5, window_bounds = array<i64: 128, 256>}, {pipeline_mode = #tpu.pipeline_mode<synchronous>, transform_indices = @transform_6, window_bounds = array<i64: 1, 256>}, {pipeline_mode = #tpu.pipeline_mode<synchronous>, transform_indices = @transform_7, window_bounds = array<i64: 256, 128>}, {pipeline_mode = #tpu.pipeline_mode<synchronous>, transform_indices = @transform_8, window_bounds = array<i64: 1, 128>}, {pipeline_mode = #tpu.pipeline_mode<synchronous>, transform_indices = @transform_9, window_bounds = array<i64: 512, 2048>}, {transform_indices = @transform_10, window_bounds = array<i64: 512, 128>}, {transform_indices = @transform_11, window_bounds = array<i64: 512, 3>}]} {
    %get3A = arith.constant 0 : index
    %get3A_0 = arith.constant 0 : index
    %get3A_1 = vector.load %arg1[%get3A, %get3A_0] : memref<2048x128xf32, #tpu.memory_space<vmem>>, vector<2048x128xf32>
    %get3A_2 = arith.constant 0 : index
    %get3A_3 = arith.constant 0 : index
    %get3A_4 = arith.constant 0 : index
    %get3A_5 = vector.load %arg2[%get3A_2, %get3A_3, %get3A_4] : memref<2x2048x128xf32, #tpu.memory_space<vmem>>, vector<2x2048x128xf32>
    %slice3A = vector.extract_strided_slice %get3A_5 {offsets = [0, 0, 0], sizes = [1, 2048, 128], strides = [1, 1, 1]} : vector<2x2048x128xf32> to vector<1x2048x128xf32>
    %squeeze3A = vector.shape_cast %slice3A : vector<1x2048x128xf32> to vector<2048x128xf32>
    %slice3A_6 = vector.extract_strided_slice %squeeze3A {offsets = [0, 0], sizes = [2048, 32], strides = [1, 1]} : vector<2048x128xf32> to vector<2048x32xf32>
    %slice3A_7 = vector.extract_strided_slice %squeeze3A {offsets = [0, 32], sizes = [2048, 1], strides = [1, 1]} : vector<2048x128xf32> to vector<2048x1xf32>
    %add3A = arith.constant 9.99999971E-10 : f32
    %add3A_8 = vector.broadcast %add3A : f32 to vector<2048x1xf32>
    %add3A_9 = arith.addf %slice3A_7, %add3A_8 : vector<2048x1xf32>
    %div3A = vector.broadcast %add3A_9 : vector<2048x1xf32> to vector<2048x32xf32>
    %div3A_10 = arith.divf %slice3A_6, %div3A : vector<2048x32xf32>
    %slice3A_11 = vector.extract_strided_slice %squeeze3A {offsets = [0, 64], sizes = [2048, 32], strides = [1, 1]} : vector<2048x128xf32> to vector<2048x32xf32>
    %slice3A_12 = vector.extract_strided_slice %squeeze3A {offsets = [0, 96], sizes = [2048, 1], strides = [1, 1]} : vector<2048x128xf32> to vector<2048x1xf32>
    %add3A_13 = arith.constant 9.99999971E-10 : f32
    %add3A_14 = vector.broadcast %add3A_13 : f32 to vector<2048x1xf32>
    %add3A_15 = arith.addf %slice3A_12, %add3A_14 : vector<2048x1xf32>
    %div3A_16 = vector.broadcast %add3A_15 : vector<2048x1xf32> to vector<2048x32xf32>
    %div3A_17 = arith.divf %slice3A_11, %div3A_16 : vector<2048x32xf32>
    %slice3A_18 = vector.extract_strided_slice %get3A_5 {offsets = [1, 0, 0], sizes = [1, 2048, 128], strides = [1, 1, 1]} : vector<2x2048x128xf32> to vector<1x2048x128xf32>
    %squeeze3A_19 = vector.shape_cast %slice3A_18 : vector<1x2048x128xf32> to vector<2048x128xf32>
    %slice3A_20 = vector.extract_strided_slice %squeeze3A_19 {offsets = [0, 0], sizes = [2048, 32], strides = [1, 1]} : vector<2048x128xf32> to vector<2048x32xf32>
    %slice3A_21 = vector.extract_strided_slice %squeeze3A_19 {offsets = [0, 32], sizes = [2048, 1], strides = [1, 1]} : vector<2048x128xf32> to vector<2048x1xf32>
    %add3A_22 = arith.constant 9.99999971E-10 : f32
    %add3A_23 = vector.broadcast %add3A_22 : f32 to vector<2048x1xf32>
    %add3A_24 = arith.addf %slice3A_21, %add3A_23 : vector<2048x1xf32>
    %div3A_25 = vector.broadcast %add3A_24 : vector<2048x1xf32> to vector<2048x32xf32>
    %div3A_26 = arith.divf %slice3A_20, %div3A_25 : vector<2048x32xf32>
    %slice3A_27 = vector.extract_strided_slice %squeeze3A_19 {offsets = [0, 64], sizes = [2048, 32], strides = [1, 1]} : vector<2048x128xf32> to vector<2048x32xf32>
    %slice3A_28 = vector.extract_strided_slice %squeeze3A_19 {offsets = [0, 96], sizes = [2048, 1], strides = [1, 1]} : vector<2048x128xf32> to vector<2048x1xf32>
    %add3A_29 = arith.constant 9.99999971E-10 : f32
    %add3A_30 = vector.broadcast %add3A_29 : f32 to vector<2048x1xf32>
    %add3A_31 = arith.addf %slice3A_28, %add3A_30 : vector<2048x1xf32>
    %div3A_32 = vector.broadcast %add3A_31 : vector<2048x1xf32> to vector<2048x32xf32>
    %div3A_33 = arith.divf %slice3A_27, %div3A_32 : vector<2048x32xf32>
    %concatenate3A = tpu.concatenate %div3A_10, %div3A_17, %div3A_26, %div3A_33 in 1 : vector<2048x32xf32>, vector<2048x32xf32>, vector<2048x32xf32>, vector<2048x32xf32> -> vector<2048x128xf32>
    %get3A_34 = arith.constant 0 : index
    %get3A_35 = arith.constant 0 : index
    %get3A_36 = vector.load %arg4[%get3A_34, %get3A_35] : memref<128x128xf32, #tpu.memory_space<vmem>>, vector<128x128xf32>
    %dot_general3A = arith.constant dense<0.000000e+00> : vector<2048x128xf32>
    %dot_general3A_37 = tpu.matmul %concatenate3A, %get3A_36, %dot_general3A {dimension_numbers = #tpu.dot_dimension_numbers<[1], [0], [0], [1], [0, 0, 1, 1], [], []>, transpose_lhs_hint = false} : vector<2048x128xf32>, vector<128x128xf32>, vector<2048x128xf32> -> vector<2048x128xf32>
    %get3A_38 = arith.constant 0 : index
    %get3A_39 = arith.constant 0 : index
    %get3A_40 = vector.load %arg5[%get3A_38, %get3A_39] : memref<128x256xf32, #tpu.memory_space<vmem>>, vector<128x256xf32>
    %dot_general3A_41 = arith.constant dense<0.000000e+00> : vector<2048x256xf32>
    %dot_general3A_42 = tpu.matmul %get3A_1, %get3A_40, %dot_general3A_41 {dimension_numbers = #tpu.dot_dimension_numbers<[1], [0], [0], [1], [0, 0, 1, 1], [], []>, transpose_lhs_hint = false} : vector<2048x128xf32>, vector<128x256xf32>, vector<2048x256xf32> -> vector<2048x256xf32>
    %get3A_43 = arith.constant 0 : index
    %get3A_44 = arith.constant 0 : index
    %get3A_45 = vector.load %arg6[%get3A_43, %get3A_44] : memref<128x256xf32, #tpu.memory_space<vmem>>, vector<128x256xf32>
    %dot_general3A_46 = arith.constant dense<0.000000e+00> : vector<2048x256xf32>
    %dot_general3A_47 = tpu.matmul %dot_general3A_37, %get3A_45, %dot_general3A_46 {dimension_numbers = #tpu.dot_dimension_numbers<[1], [0], [0], [1], [0, 0, 1, 1], [], []>, transpose_lhs_hint = false} : vector<2048x128xf32>, vector<128x256xf32>, vector<2048x256xf32> -> vector<2048x256xf32>
    %add3A_48 = arith.addf %dot_general3A_42, %dot_general3A_47 : vector<2048x256xf32>
    %get3A_49 = arith.constant 0 : index
    %get3A_50 = arith.constant 0 : index
    %get3A_51 = vector.load %arg7[%get3A_49, %get3A_50] : memref<1x256xf32, #tpu.memory_space<vmem>>, vector<1x256xf32>
    %add3A_52 = vector.broadcast %get3A_51 : vector<1x256xf32> to vector<2048x256xf32>
    %add3A_53 = arith.addf %add3A_48, %add3A_52 : vector<2048x256xf32>
    %max3A = arith.constant 0.000000e+00 : f32
    %max3A_54 = vector.broadcast %max3A : f32 to vector<2048x256xf32>
    %max3A_55 = arith.maximumf %add3A_53, %max3A_54 : vector<2048x256xf32>
    %get3A_56 = arith.constant 0 : index
    %get3A_57 = arith.constant 0 : index
    %get3A_58 = vector.load %arg8[%get3A_56, %get3A_57] : memref<256x128xf32, #tpu.memory_space<vmem>>, vector<256x128xf32>
    %dot_general3A_59 = arith.constant dense<0.000000e+00> : vector<2048x128xf32>
    %dot_general3A_60 = tpu.matmul %max3A_55, %get3A_58, %dot_general3A_59 {dimension_numbers = #tpu.dot_dimension_numbers<[1], [0], [0], [1], [0, 0, 1, 1], [], []>, transpose_lhs_hint = false} : vector<2048x256xf32>, vector<256x128xf32>, vector<2048x128xf32> -> vector<2048x128xf32>
    %add3A_61 = arith.addf %get3A_1, %dot_general3A_60 : vector<2048x128xf32>
    %get3A_62 = arith.constant 0 : index
    %get3A_63 = arith.constant 0 : index
    %get3A_64 = vector.load %arg9[%get3A_62, %get3A_63] : memref<1x128xf32, #tpu.memory_space<vmem>>, vector<1x128xf32>
    %add3A_65 = vector.broadcast %get3A_64 : vector<1x128xf32> to vector<2048x128xf32>
    %add3A_66 = arith.addf %add3A_61, %add3A_65 : vector<2048x128xf32>
    %get3A_67 = arith.constant 0 : index
    %get3A_68 = arith.constant 0 : index
    %get3A_69 = vector.load %arg10[%get3A_67, %get3A_68] : memref<512x2048xf32, #tpu.memory_space<vmem>>, vector<512x2048xf32>
    %dot_general3A_70 = arith.constant dense<0.000000e+00> : vector<512x128xf32>
    %dot_general3A_71 = tpu.matmul %get3A_69, %add3A_66, %dot_general3A_70 {dimension_numbers = #tpu.dot_dimension_numbers<[1], [0], [0], [1], [0, 0, 1, 1], [], []>, transpose_lhs_hint = false} : vector<512x2048xf32>, vector<2048x128xf32>, vector<512x128xf32> -> vector<512x128xf32>
    %swap3A = arith.constant 0 : index
    %swap3A_72 = arith.constant 0 : index
    %swap3A_73 = vector.load %arg11[%swap3A, %swap3A_72] : memref<512x128xf32, #tpu.memory_space<vmem>>, vector<512x128xf32>
    tpu.vector_store %arg11[%swap3A, %swap3A_72], %dot_general3A_71 {strides = array<i32>} : memref<512x128xf32, #tpu.memory_space<vmem>>, vector<512x128xf32>,
    %get3A_74 = arith.constant 0 : index
    %get3A_75 = arith.constant 0 : index
    %get3A_76 = vector.load %arg10[%get3A_74, %get3A_75] : memref<512x2048xf32, #tpu.memory_space<vmem>>, vector<512x2048xf32>
    %get3A_77 = arith.constant 0 : index
    %get3A_78 = arith.constant 0 : index
    %get3A_79 = vector.load %arg3[%get3A_77, %get3A_78] : memref<2048x3xf32, #tpu.memory_space<vmem>>, vector<2048x3xf32>
    %dot_general3A_80 = arith.constant dense<0.000000e+00> : vector<512x3xf32>
    %dot_general3A_81 = tpu.matmul %get3A_76, %get3A_79, %dot_general3A_80 {dimension_numbers = #tpu.dot_dimension_numbers<[1], [0], [0], [1], [0, 0, 1, 1], [], []>, transpose_lhs_hint = false} : vector<512x2048xf32>, vector<2048x3xf32>, vector<512x3xf32> -> vector<512x3xf32>
    %mul3A = arith.mulf %dot_general3A_81, %dot_general3A_81 : vector<512x3xf32>
    %reduce_sum3A = arith.constant dense<0.000000e+00> : vector<512xf32>
    %reduce_sum3A_82 = vector.multi_reduction <add>, %mul3A, %reduce_sum3A [1] : vector<512x3xf32> to vector<512xf32>
    %broadcast_in_dim3A = vector.shape_cast %reduce_sum3A_82 : vector<512xf32> to vector<512x1xf32>
    %sqrt3A = math.sqrt %broadcast_in_dim3A : vector<512x1xf32>
    %add3A_83 = arith.constant 9.99999971E-10 : f32
    %add3A_84 = vector.broadcast %add3A_83 : f32 to vector<512x1xf32>
    %add3A_85 = arith.addf %sqrt3A, %add3A_84 : vector<512x1xf32>
    %div3A_86 = vector.broadcast %add3A_85 : vector<512x1xf32> to vector<512x3xf32>
    %div3A_87 = arith.divf %dot_general3A_81, %div3A_86 : vector<512x3xf32>
    %swap3A_88 = arith.constant 0 : index
    %swap3A_89 = arith.constant 0 : index
    %swap3A_90 = vector.load %arg12[%swap3A_88, %swap3A_89] : memref<512x3xf32, #tpu.memory_space<vmem>>, vector<512x3xf32>
    tpu.vector_store %arg12[%swap3A_88, %swap3A_89], %div3A_87 {strides = array<i32>} : memref<512x3xf32, #tpu.memory_space<vmem>>, vector<512x3xf32>,
    return
  }
  func.func @transform_0(%arg0: i32) -> (i32, i32) {
    %c0_i32 = arith.constant 0 : i32
    %c0_i32_0 = arith.constant 0 : i32
    return %arg0, %c0_i32 : i32, i32
  }
  func.func @transform_1(%arg0: i32) -> (i32, i32, i32) {
    %c0_i32 = arith.constant 0 : i32
    %c0_i32_0 = arith.constant 0 : i32
    %c0_i32_1 = arith.constant 0 : i32
    return %c0_i32, %arg0, %c0_i32_0 : i32, i32, i32
  }
  func.func @transform_2(%arg0: i32) -> (i32, i32) {
    %c0_i32 = arith.constant 0 : i32
    %c0_i32_0 = arith.constant 0 : i32
    return %arg0, %c0_i32 : i32, i32
  }
  func.func @transform_3(%arg0: i32) -> (i32, i32) {
    %c0_i32 = arith.constant 0 : i32
    %c0_i32_0 = arith.constant 0 : i32
    %c0_i32_1 = arith.constant 0 : i32
    return %c0_i32, %c0_i32_0 : i32, i32
  }
  func.func @transform_4(%arg0: i32) -> (i32, i32) {
    %c0_i32 = arith.constant 0 : i32
    %c0_i32_0 = arith.constant 0 : i32
    %c0_i32_1 = arith.constant 0 : i32
    return %c0_i32, %c0_i32_0 : i32, i32
  }
  func.func @transform_5(%arg0: i32) -> (i32, i32) {
    %c0_i32 = arith.constant 0 : i32
    %c0_i32_0 = arith.constant 0 : i32
    %c0_i32_1 = arith.constant 0 : i32
    return %c0_i32, %c0_i32_0 : i32, i32
  }
  func.func @transform_6(%arg0: i32) -> (i32, i32) {
    %c0_i32 = arith.constant 0 : i32
    %c0_i32_0 = arith.constant 0 : i32
    %c0_i32_1 = arith.constant 0 : i32
    return %c0_i32, %c0_i32_0 : i32, i32
  }
  func.func @transform_7(%arg0: i32) -> (i32, i32) {
    %c0_i32 = arith.constant 0 : i32
    %c0_i32_0 = arith.constant 0 : i32
    %c0_i32_1 = arith.constant 0 : i32
    return %c0_i32, %c0_i32_0 : i32, i32
  }
  func.func @transform_8(%arg0: i32) -> (i32, i32) {
    %c0_i32 = arith.constant 0 : i32
    %c0_i32_0 = arith.constant 0 : i32
    %c0_i32_1 = arith.constant 0 : i32
    return %c0_i32, %c0_i32_0 : i32, i32
  }
  func.func @transform_9(%arg0: i32) -> (i32, i32) {
    %c0_i32 = arith.constant 0 : i32
    %c0_i32_0 = arith.constant 0 : i32
    %c0_i32_1 = arith.constant 0 : i32
    return %c0_i32, %c0_i32_0 : i32, i32
  }
  func.func @transform_10(%arg0: i32) -> (i32, i32) {
    %c0_i32 = arith.constant 0 : i32
    %c0_i32_0 = arith.constant 0 : i32
    return %arg0, %c0_i32 : i32, i32
  }
  func.func @transform_11(%arg0: i32) -> (i32, i32) {
    %c0_i32 = arith.constant 0 : i32
    %c0_i32_0 = arith.constant 0 : i32
    return %arg0, %c0_i32 : i32, i32
  }
}

</mosaic_0001>

<sc_bundles>
// kernel: kernel.12.cloned.1.call-start
scs
__scs_entry_jumppad:
0x0: {  	(pc) =	sbr.rel $0x88, $3  }
0x1: {  	(tag) =	ssettag $0x0;
	lr =	simm.s32 $0x1  }
0x2: {  	[smem:$0x3F93] =	sst lr;
	_ =	strace $0xD0000000  }
0x3: {  	_ = 	snop  }
0x4: {  	_ = 	snop  }
0x5: {  	_ = 	snop  }
0x6: {  	_ = 	snop  }
0x7: {  	_ = 	snop  }
__scs_overlays_trampoline_lowered:
0x8: {  	[smem:$0x3FA2] =	sst s0  }
0x9: {  	[smem:$0x3FA3] =	sst s1  }
0xa: {  	[smem:$0x3FA4] =	sst s2  }
0xb: {  	[smem:$0x3FA5] =	sst s3  }
0xc: {  	[smem:$0x3FA6] =	sst s4  }
0xd: {  	[smem:$0x3FA7] =	sst s5  }
0xe: {  	[smem:$0x3FA8] =	sst s6  }
0xf: {  	[smem:$0x3FA9] =	sst s7  }
0x10: {  	[smem:$0x3FAA] =	sst s8  }
0x11: {  	[smem:$0x3FAB] =	sst s9;
	s0 =	simm.s32 @!p0 $0x0  }
0x12: {  	s1 =	sld [smem:$0x3F91];
	s0 =	simm.s32 @p0 $0x1  }
0x13: {  	[smem:$0x3FAC] =	sst s0;
	s0 =	simm.s32 @!p1 $0x0  }
0x14: {  	s2 =	sld [smem:$0x3F90];
	s0 =	simm.s32 @p1 $0x1  }
0x15: {  	[smem:$0x3FAD] =	sst s0;
	s0 =	simm.s32 @!p2 $0x0  }
0x16: {  	s3 =	sld [smem:$0x3FDB];
	s0 =	simm.s32 @p2 $0x1  }
0x17: {  	s4 =	simm.s32 $0x1BF5;
	[smem:$0x3FAF] =	sst s0  }
0x18: {  	s0 =	sld [smem:$0x3F92];
	_ =	swait.ge [sflag:s4], $0x0  }
0x19: {  	s7 =	sld [smem:$0x3F93]  }
0x1a: {  	s8 =	sadd.s32 $0xFFFFE003, lr  }
0x1b: {  	s9 =	sadd.s32 $0xFFFFFEF7, lr;
	s5 =	simm.s32 $0xFFFFFFFF;
	p2 =	slt.u32 s8, $0xFFFFF086  }
0x1c: {  	p1 =	slt.u32 s9, $0xF7A;
	s5 =	simm.s32 @!p2 $0x0  }
0x1d: {  	s5 =	simm.s32 @p1 $0x1;
	p0 =	seq.s32 s7, s2  }
0x1e: {  	s7 =	smul.u32 @!p0 $0xF7A, s2;
	p2 =	seq.s32 @!p0 s5, $0x0  }
0x1f: {  	s9 =	smul.u32 $0xF7A, s1;
	s8 =	simm.s32 @!p0 $0x1BF5;
	p2 =	por !p2, p0  }
0x20: {  	[sflag:s8] =	ssyncset.s32 @!p0 $0xFFFFF086;
	s6 =	sadd.s32 @!p0 s3, s7;
	s7 =	simm.s32 @!p0 $0x108  }
0x21: {  	s3 =	sadd.s32 s3, s9;
	s6 =	sadd.s32 @!p0 $0x88, s6;
	s7 =	simm.s32 @p2 $0x1082  }
0x22: {  	[simem:s7], [sflag:s8] =	dma.local @!p0 [hbm:s6], $0xF7A  }
0x23: {  	s9 =	sor.u32 $0xD0000000, s2;
	s6 =	simm.s32 $0x108;
	_ =	swait.ge @!p0 [sflag:s8], $0x0  }
0x24: {  	s3 =	sadd.s32 $0x88, s3;
	s6 =	simm.s32 @!p1 $0x1082;
	[sflag:s4] =	ssyncset.s32 $0xFFFFF086  }
0x25: {  	[simem:s6], [sflag:s4] =	dma.local [hbm:s3], $0xF7A  }
0x26: {  	[smem:$0x3F93] =	sst s1;
	(tag) =	ssettag s2;
	_ =	strace s9  }
0x27: {  	s1 =	sld [smem:$0x3FA3]  }
0x28: {  	s2 =	sld [smem:$0x3FA4]  }
0x29: {  	s4 =	sld [smem:$0x3FA6]  }
0x2a: {  	p0 =	seq.s32 s5, $0x0;
	s5 =	sld [smem:$0x3FA7]  }
0x2b: {  	s6 =	sld [smem:$0x3FA8]  }
0x2c: {  	s7 =	sld [smem:$0x3FA9]  }
0x2d: {  	s3 =	simm.s32 $0x108;
	s8 =	sld [smem:$0x3FAA]  }
0x2e: {  	s3 =	simm.s32 @!p0 $0x1082;
	s9 =	sld [smem:$0x3FAB]  }
0x2f: {  	lr =	sadd.s32 s0, s3;
	s0 =	sld [smem:$0x3FA2]  }
0x30: {  	s3 =	sld [smem:$0x3FA5]  }
0x31: {  	[smem:$0x3FAE] =	sst s10  }
0x32: {  	s10 =	sld [smem:$0x3FAC];
	_ =	sdelay $0x3  }
0x33: {  	p0 =	seq.s32 s10, $0x1;
	s10 =	sld [smem:$0x3FAE];
	_ =	sdelay $0x3  }
0x34: {  	[smem:$0x3FAE] =	sst s10  }
0x35: {  	s10 =	sld [smem:$0x3FAD];
	_ =	sdelay $0x3  }
0x36: {  	p1 =	seq.s32 s10, $0x1;
	s10 =	sld [smem:$0x3FAE];
	_ =	sdelay $0x3  }
0x37: {  	[smem:$0x3FAE] =	sst s10  }
0x38: {  	s10 =	sld [smem:$0x3FAF]  }
0x39: {  	_ = 	snop;
	(pc) =	sbr.ind lr, $3  }
0x3a: {  	_ = 	snop  }
0x3b: {  	_ = 	snop  }
0x3c: {  	p2 =	seq.s32 s10, $0x1;
	s10 =	sld [smem:$0x3FAE]  }
0x3d: {  	_ =	shalt  }
0x3e: {  	_ =	shalt  }
0x3f: {  	_ =	shalt  }
0x40: {  	_ =	shalt  }
0x41: {  	_ =	shalt  }
0x42: {  	_ =	shalt  }
0x43: {  	_ =	shalt  }
0x44: {  	_ =	shalt  }
0x45: {  	_ =	shalt  }
0x46: {  	_ =	shalt  }
0x47: {  	_ =	shalt  }
0x48: {  	_ =	shalt  }
0x49: {  	_ =	shalt  }
0x4a: {  	_ =	shalt  }
0x4b: {  	_ =	shalt  }
0x4c: {  	_ =	shalt  }
0x4d: {  	_ =	shalt  }
0x4e: {  	_ =	shalt  }
0x4f: {  	_ =	shalt  }
0x50: {  	_ =	shalt  }
0x51: {  	_ =	shalt  }
0x52: {  	_ =	shalt  }
0x53: {  	_ =	shalt  }
0x54: {  	_ =	shalt  }
0x55: {  	_ =	shalt  }
0x56: {  	_ =	shalt  }
0x57: {  	_ =	shalt  }
0x58: {  	_ =	shalt  }
0x59: {  	_ =	shalt  }
0x5a: {  	_ =	shalt  }
0x5b: {  	_ =	shalt  }
0x5c: {  	_ =	shalt  }
0x5d: {  	_ =	shalt  }
0x5e: {  	_ =	shalt  }
0x5f: {  	_ =	shalt  }
0x60: {  	_ =	shalt  }
0x61: {  	_ =	shalt  }
0x62: {  	_ =	shalt  }
0x63: {  	_ =	shalt  }
0x64: {  	_ =	shalt  }
0x65: {  	_ =	shalt  }
0x66: {  	_ =	shalt  }
0x67: {  	_ =	shalt  }
0x68: {  	_ =	shalt  }
0x69: {  	_ =	shalt  }
0x6a: {  	_ =	shalt  }
0x6b: {  	_ =	shalt  }
0x6c: {  	_ =	shalt  }
0x6d: {  	_ =	shalt  }
0x6e: {  	_ =	shalt  }
0x6f: {  	_ =	shalt  }
0x70: {  	_ =	shalt  }
0x71: {  	_ =	shalt  }
0x72: {  	_ =	shalt  }
0x73: {  	_ =	shalt  }
0x74: {  	_ =	shalt  }
0x75: {  	_ =	shalt  }
0x76: {  	_ =	shalt  }
0x77: {  	_ =	shalt  }
0x78: {  	_ =	shalt  }
0x79: {  	_ =	shalt  }
0x7a: {  	_ =	shalt  }
0x7b: {  	_ =	shalt  }
0x7c: {  	_ =	shalt  }
0x7d: {  	_ =	shalt  }
0x7e: {  	_ =	shalt  }
0x7f: {  	_ =	shalt  }
0x80: {  	_ =	shalt  }
0x81: {  	_ =	shalt  }
0x82: {  	_ =	shalt  }
0x83: {  	_ =	shalt  }
0x84: {  	_ =	shalt  }
0x85: {  	_ =	shalt  }
0x86: {  	_ =	shalt  }
0x87: {  	_ =	shalt  }
.Lfunc_end0:
.L_simem_size_0:
called_computation_lowered:
.L_overlay_start_0:
0x88: {  	s2 =	sld [smem:$0x3FD9]  }
0x89: {  	s3 =	sld [smem:$0x3FFE];
	_ =	sdelay $0x1  }
0x8a: {  	s1 =	srdreg.scid  }
0x8b: {  	s0 =	sand.u32 $0x1, s1  }
0x8c: {  	s15 =	sshll.u32 s0, $0xA;
	s2 =	sadd.s32 s3, s2  }
0x8d: {  	s2 =	sadd.s32 s2, s15  }
0x8e: {  	[smem:$0x3FBA] =	sst s2  }
0x8f: {  	_ = 	snop  }
0x90: {  	s2 =	sld [smem:$0x3FD0];
	_ =	sdelay $0x2  }
0x91: {  	s4 =	simm.s32 $0xB;
	s16 =	simm.s32 $0x10  }
0x92: {  	[smem:s16], [sflag:s4] =	dma.local [hbm:s2], $0x1  }
0x93: {  	_ =	swait.eq [sflag:s4], $0x1  }
0x94: {  	[sflag:s4] =	ssyncset.done $0x0  }
0x95: {  	s17 =	sld [smem:$0x10];
	[sflag:s4] =	ssyncadd.s32 $0xFFFFFFFF  }
0x96: {  	s18 =	sld [smem:$0x11];
	(tm) =	ssettm $0x1  }
0x97: {  	s19 =	sld [smem:$0x3FFB];
	_ =	sdelay $0x3  }
0x98: {  	_ =	strace s19  }
0x99: {  	s2 =	sld [smem:$0x3FFC];
	_ =	sdelay $0x3  }
0x9a: {  	_ =	strace s2  }
0x9b: {  	s2 =	sld [smem:$0x3FFD];
	_ =	sdelay $0x3  }
0x9c: {  	_ =	strace s2  }
0x9d: {  	_ =	strace $0x8FFFFFFF  }
0x9e: {  	s20 =	sld [smem:$0x3FDB];
	_ =	sdelay $0x1  }
0x9f: {  	s5 =	simm.s32 $_scs_section_size  }
0xa0: {  	s6 =	simm.s32 $_size__tile_overlayer_lowered;
	s7 =	simm.s32 $_tile_overlayer_lowered  }
0xa1: {  	s8 =	simm.s32 $0x1BFF;
	s21 =	sshll.u32 s7, $0x1;
	s5 =	sadd.s32 s5, s20  }
0xa2: {  	s22 =	simm.s32 $0x0;
	s6 =	sshll.u32 s6, $0x1;
	s7 =	sadd.s32 s21, s5  }
0xa3: {  	[timem:s22], [sflag:s8] =	dma.local [hbm:s7], s6  }
0xa4: {  	_ =	swait.ge [sflag:s8], s6  }
0xa5: {  	s6 =	ssub.s32 $0x0, s6;
	[sflag:s8] =	ssyncset.done $0x0  }
0xa6: {  	[sflag:s8] =	ssyncadd.s32 s6;
	_ =	sdelay $0x1  }
0xa7: {  	s23 =	simm.s32 $0x1B8B  }
0xa8: {  	_ =	swait.ge [sflag:s23], $0x1  }
0xa9: {  	[sflag:s23] =	ssyncset.done $0x0  }
0xaa: {  	[sflag:s23] =	ssyncadd.s32 $0xFFFFFFFF  }
0xab: {  	s6 =	sld [smem:$0x0]  }
0xac: {  	s7 =	sand.u32 $0xFFFFFFFE, s1  }
0xad: {  	p0 =	sne.s32 s1, s7  }
0xae: {  	s7 =	sshll.u32 @p0 s7, $0xE  }
0xaf: {  	s7 =	sadd.s32 @p0 $0x11B8D, s7;
	s8 =	sshll.u32 @p0 s6, $0x11  }
0xb0: {  	s7 =	sor.u32 @p0 s8, s7  }
0xb1: {  	[sflag:s7] =	ssyncadd.remote.s32 @p0 $0x1;
	_ =	sdelay $0x1  }
0xb2: {  	s7 =	simm.s32 @p0 $0x1B8D  }
0xb3: {  	_ =	swait.eq @p0 [sflag:s7], $0x1  }
0xb4: {  	[sflag:s7] =	ssyncadd.s32 @p0 $0xFFFFFFFF  }
0xb5: {  	s8 =	sshll.u32 @!p0 s1, $0xE  }
0xb6: {  	s8 =	sor.u32 @!p0 $0x4000, s8;
	s7 =	simm.s32 @!p0 $0x1B8D  }
0xb7: {  	s6 =	sshll.u32 @!p0 s6, $0x11;
	s8 =	sadd.s32 @!p0 $0x11B8D, s8;
	_ =	swait.eq @!p0 [sflag:s7], $0x1  }
0xb8: {  	s6 =	sor.u32 @!p0 s6, s8;
	[sflag:s7] =	ssyncadd.s32 @!p0 $0xFFFFFFFF  }
0xb9: {  	s25 =	simm.s32 $0x1B8E;
	s24 =	sld [smem:$0x3FFE];
	[sflag:s6] =	ssyncadd.remote.s32 @!p0 $0x1  }
0xba: {  	s26 =	simm.s32 $execute0_lowered;
	[smem:$0x3FD2] =	sst s25  }
0xbb: {  	s7 =	sshll.u32 s26, $0x1;
	_ =	strace $0x80000049;
	[dreg:$0x1] =	wrdreg $0xFFFFFFFF  }
0xbc: {  	s28 =	simm.s32 $_size_execute0_lowered;
	s5 =	sadd.s32 s5, s7;
	[dreg:$0x0] =	wrdreg $0x0  }
0xbd: {  	s7 =	sshll.u32 s28, $0x1;
	[dreg:$0x2] =	wrdreg s5  }
0xbe: {  	[dreg:$0x3] =	wrdreg s7  }
0xbf: {  	[dreg:$0x4] =	wrdreg $0xC0  }
0xc0: {  	_ =	task [dreg:s22], $0x5FFFF  }
0xc1: {  	[dreg:$0x1] =	wrdreg $0xFFFFFFFF  }
0xc2: {  	[dreg:$0x0] =	wrdreg $0x60  }
0xc3: {  	[dreg:$0x2] =	wrdreg s24  }
0xc4: {  	[dreg:$0x3] =	wrdreg s17  }
0xc5: {  	[dreg:$0x4] =	wrdreg s18  }
0xc6: {  	[dreg:$0x5] =	wrdreg $0x9  }
0xc7: {  	_ =	task.clear_ibuf [dreg:s22], $0x6FFFF;
	_ =	strace $0x90000049  }
0xc8: {  	s29 =	simm.s32 $0x9;
	_ =	strace $0x8000004B  }
0xc9: {  	_ =	swait.ge [sflag:s29], $0x1  }
0xca: {  	[sflag:s29] =	ssyncadd.s32 $0xFFFFFFFF  }
0xcb: {  	_ =	strace $0x9000004B  }
0xcc: {  	_ =	sfence  }
0xcd: {  	s30 =	sld [smem:$0x0];
	_ =	sdelay $0x2  }
0xce: {  	s31 =	sshll.u32 s1, $0xD;
	s1 =	sshrl.u32 s1, $0x2  }
0xcf: {  	s4 =	sand.u32 $0x4000, s31;
	s1 =	sadd.s32 s1, s30  }
0xd0: {  	s0 =	sor.u32 s4, s0;
	s1 =	sshll.u32 s1, $0x11  }
0xd1: {  	s0 =	sor.u32 s1, s0  }
0xd2: {  	s0 =	sadd.s32 $0x8F2B, s0  }
0xd3: {  	[sflag:s0] =	ssyncadd.remote.s32 $0x1  }
0xd4: {  	_ =	sfence.sel $0xFFFF  }
0xd5: {  	[dreg:$0x0] =	wrdreg $0xFFFFFFFF;
	(pc) =	sbr.abs _section_cstart, $3  }
0xd6: {  	[dreg:$0x1] =	wrdreg $0xFFFFFFFF  }
0xd7: {  	_ =	task.clear_ibuf [dreg:s22], $0x2FFFF;
	_ =	strace $0x9FFFFFFF  }
0xd8: {  	(tm) =	ssettm $0x7FFFFFFF  }
0xd9: {  	_ =	shalt  }
tec
execute0_lowered:
.L_overlay_start_1:
0x0: {  	(tag) =	ssettag $0x1  }
0x1: {  	s0 =	rddreg [dreg:$0x0]  }
0x2: {  	s2 =	rddreg [dreg:$0x1]  }
0x3: {  	s4 =	rddreg [dreg:$0x2]  }
0x4: {  	s1 =	simm.s32 $0x0;
	s8 =	stileid.u32;
	s21 =	srdreg.scid  }
0x5: {  	s11 =	simm.s32 $0x80;
	s12 =	simm.s32 $0x9000;
	s13 =	simm.s32 $0xD000  }
0x6: {  	s14 =	simm.s32 $0xD800;
	s15 =	simm.s32 $0xE000;
	s16 =	simm.s32 $0xE800  }
0x7: {  	s17 =	simm.s32 $0xF000;
	s18 =	simm.s32 $0xF800;
	s19 =	simm.s32 $0x10000  }
0x8: {  	s20 =	simm.s32 $0x10800;
	s28 =	simm.s32 $0x14000;
	s29 =	simm.s32 $0x14800  }
0x9: {  	s30 =	simm.s32 $0x1;
	s31 =	simm.s32 $0x2;
	[smem:$0x7FF] =	sst s1  }
0xa: {  	s3 =	sadd.s32 $0x1EEA600, s0;
	s5 =	smul.u32 $0x90000, s8;
	s6 =	sand.u32 $0x1, s21  }
0xb: {  	s7 =	sshll.u32 s8, $0x1;
	s8 =	smul.u32 $0x120000, s8;
	s21 =	simm.s32 $0x11000  }
0xc: {  	_ =	strace $0x8000004A;
	[dreg:$0x4] =	wrdreg s3;
	s3 =	sadd.s32 $0x1FAA600, s0  }
0xd: {  	s7 =	sor.u32 s6, s7;
	s9 =	ssub.s32 $0x2, s6;
	s10 =	smul.u32 $0x90000, s6  }
0xe: {  	s23 =	smul.u32 $0x48000, s6;
	s5 =	sadd.s32 s5, s0;
	s22 =	sshrl.u32 s9, $0x1  }
0xf: {  	s7 =	smul.u32 $0x4800, s7;
	s0 =	sadd.s32 s8, s0;
	s8 =	ssub.s32 s9, s22  }
0x10: {  	s0 =	sadd.s32 s10, s0;
	s26 =	sadd.s32 s23, s5;
	s9 =	simm.s32 $0x3  }
0x11: {  	s22 =	simm.s32 $0x11800;
	s7 =	sshrl.u32 s7, $0x3;
	s25 =	smax.u32 s8, $0x1  }
0x12: {  	s23 =	simm.s32 $0x12000;
	s2 =	sadd.s32 s2, s7;
	[dreg:$0x7] =	wrdreg s25  }
0x13: {  	v2 =	vlaneseq.u32;
	s10 =	sadd.s32 $0x2A2A600, s0;
	s24 =	sadd.s32 s4, s7;
	[dreg:$0x5] =	wrdreg s2  }
0x14: {  	vm0 =	vmmov $0xffff;
	v1 =	vshrl.u32 v2, $0x3;
	s0 =	simm.s32 $0x0;
	s25 =	simm.s32 $0x13000;
	[dreg:$0x6] =	wrdreg s24  }
0x15: {  	v0 =	vand.u32 $0x7, v2;
	v2 =	vor.u32 $0x8, v2;
	v1 =	vmul.u32 $0x8, v1;
	s2 =	sadd.s32 $0x212A600, s26;
	s24 =	simm.s32 $0x12800;
	s26 =	simm.s32 $0x13800  }
.LBB2_1:
0x16: {  	s4 =	rddreg [dreg:$0x5]  }
0x17: {  	[tilespmem:s1], [sflag:$0x3] =	stream.linear.gather [hbm4b:s4+s1], $0x4800, $0x38;
	[tilespmem:$0x15000] =	vst v63  }
0x18: {  	_ =	swait.ge [sflag:s9], $0x4800  }
0x19: {  	[sflag:s9] =	ssyncset.done $0x0  }
0x1a: {  	s5 =	simm.s32 $0x4800;
	s8 =	rddreg [dreg:$0x6];
	[sflag:s9] =	ssyncadd.s32 $0xFFFFB800  }
0x1b: {  	[tilespmem:s5], [sflag:$0x3] =	stream.linear.gather [hbm4b:s8+s1], $0x4800, $0x38;
	[tilespmem:$0x15000] =	vst v63  }
0x1c: {  	_ =	swait.ge [sflag:s9], $0x4800  }
0x1d: {  	s7 =	smov.u32 s10;
	[sflag:s9] =	ssyncset.done $0x0  }
0x1e: {  	s4 =	simm.s32 $0x0;
	s8 =	smov.u32 s2;
	[sflag:s9] =	ssyncadd.s32 $0xFFFFB800  }
.LBB2_2:
0x1f: {  	s6 =	rddreg [dreg:$0x4];
	s5 =	sshra.s32 s4, $0x2  }
0x20: {  	[tilespmem:s12], [sflag:$0x1] =	stream.indirect.gather [hbm4b:s6+s11], $0x80, s5, s11, $0xb8;
	[tilespmem:$0x15000] =	vst v63  }
0x21: {  	v3 =	vld [tilespmem:s5+$0x4800];
	_ =	sdelay $0x4  }
0x22: {  	v4 =	vshll.u32 v3, $0x1  }
0x23: {  	v3 =	vand.u32 $0x7, v3;
	v4 =	vand.u32 $0xFFFFFFF0, v4  }
0x24: {  	v3 =	vor.u32 v3, v4  }
0x25: {  	v4 =	vperm.xlane v3, v0;
	_ =	sdelay $0x1  }
0x26: {  	v3 =	vperm.xlane v3, v2;
	v4 =	vadd.s32 v1, v4;
	_ =	sdelay $0x1  }
0x27: {  	v3 =	vadd.s32 v1, v3;
	_ =	sdelay $0x2  }
0x28: {  	[tilespmem:s13], [sflag:$0x2] =	stream.indirect_vreg.gather [hbm4b:s3+s1], $0x80, v4, vm0, $0xb8;
	[tilespmem:$0x15000] =	vst v63  }
0x29: {  	_ = 	snop  }
0x2a: {  	[tilespmem:s14], [sflag:$0x2] =	stream.indirect_vreg.gather [hbm4b:s3+s1], $0x80, v3, vm0, $0xb8;
	[tilespmem:$0x15000] =	vst v63  }
0x2b: {  	v3 =	vld [tilespmem:s5+$0x4810];
	_ =	sdelay $0x4  }
0x2c: {  	v57 =	vshll.u32 v3, $0x1  }
0x2d: {  	v3 =	vand.u32 $0x7, v3;
	v4 =	vand.u32 $0xFFFFFFF0, v57  }
0x2e: {  	v3 =	vor.u32 v3, v4  }
0x2f: {  	v4 =	vperm.xlane v3, v0;
	_ =	sdelay $0x1  }
0x30: {  	v3 =	vperm.xlane v3, v2;
	v4 =	vadd.s32 v1, v4;
	_ =	sdelay $0x1  }
0x31: {  	v3 =	vadd.s32 v1, v3;
	_ =	sdelay $0x2  }
0x32: {  	[tilespmem:s15], [sflag:$0x2] =	stream.indirect_vreg.gather [hbm4b:s3+s1], $0x80, v4, vm0, $0xb8;
	[tilespmem:$0x15000] =	vst v63  }
0x33: {  	_ = 	snop  }
0x34: {  	[tilespmem:s16], [sflag:$0x2] =	stream.indirect_vreg.gather [hbm4b:s3+s1], $0x80, v3, vm0, $0xb8;
	[tilespmem:$0x15000] =	vst v63  }
0x35: {  	v3 =	vld [tilespmem:s5+$0x4820];
	_ =	sdelay $0x4  }
0x36: {  	v58 =	vshll.u32 v3, $0x1  }
0x37: {  	v3 =	vand.u32 $0x7, v3;
	v4 =	vand.u32 $0xFFFFFFF0, v58  }
0x38: {  	v3 =	vor.u32 v3, v4  }
0x39: {  	v4 =	vperm.xlane v3, v0;
	_ =	sdelay $0x1  }
0x3a: {  	v3 =	vperm.xlane v3, v2;
	v4 =	vadd.s32 v1, v4;
	_ =	sdelay $0x1  }
0x3b: {  	v3 =	vadd.s32 v1, v3;
	_ =	sdelay $0x2  }
0x3c: {  	[tilespmem:s17], [sflag:$0x2] =	stream.indirect_vreg.gather [hbm4b:s3+s1], $0x80, v4, vm0, $0xb8;
	[tilespmem:$0x15000] =	vst v63  }
0x3d: {  	_ = 	snop  }
0x3e: {  	[tilespmem:s18], [sflag:$0x2] =	stream.indirect_vreg.gather [hbm4b:s3+s1], $0x80, v3, vm0, $0xb8;
	[tilespmem:$0x15000] =	vst v63  }
0x3f: {  	v3 =	vld [tilespmem:s5+$0x4830];
	_ =	sdelay $0x4  }
0x40: {  	v59 =	vshll.u32 v3, $0x1  }
0x41: {  	v3 =	vand.u32 $0x7, v3;
	v4 =	vand.u32 $0xFFFFFFF0, v59  }
0x42: {  	v3 =	vor.u32 v3, v4  }
0x43: {  	v4 =	vperm.xlane v3, v0;
	_ =	sdelay $0x1  }
0x44: {  	v3 =	vperm.xlane v3, v2;
	v4 =	vadd.s32 v1, v4;
	_ =	sdelay $0x1  }
0x45: {  	v3 =	vadd.s32 v1, v3;
	_ =	sdelay $0x2  }
0x46: {  	[tilespmem:s19], [sflag:$0x2] =	stream.indirect_vreg.gather [hbm4b:s3+s1], $0x80, v4, vm0, $0xb8;
	[tilespmem:$0x15000] =	vst v63  }
0x47: {  	_ = 	snop  }
0x48: {  	[tilespmem:s20], [sflag:$0x2] =	stream.indirect_vreg.gather [hbm4b:s3+s1], $0x80, v3, vm0, $0xb8;
	[tilespmem:$0x15000] =	vst v63  }
0x49: {  	v3 =	vld [tilespmem:s5+$0x4840];
	_ =	sdelay $0x4  }
0x4a: {  	v60 =	vshll.u32 v3, $0x1  }
0x4b: {  	v3 =	vand.u32 $0x7, v3;
	v4 =	vand.u32 $0xFFFFFFF0, v60  }
0x4c: {  	v3 =	vor.u32 v3, v4  }
0x4d: {  	v4 =	vperm.xlane v3, v0;
	_ =	sdelay $0x1  }
0x4e: {  	v3 =	vperm.xlane v3, v2;
	v4 =	vadd.s32 v1, v4;
	_ =	sdelay $0x1  }
0x4f: {  	v3 =	vadd.s32 v1, v3;
	_ =	sdelay $0x2  }
0x50: {  	[tilespmem:s21], [sflag:$0x2] =	stream.indirect_vreg.gather [hbm4b:s3+s1], $0x80, v4, vm0, $0xb8;
	[tilespmem:$0x15000] =	vst v63  }
0x51: {  	_ = 	snop  }
0x52: {  	[tilespmem:s22], [sflag:$0x2] =	stream.indirect_vreg.gather [hbm4b:s3+s1], $0x80, v3, vm0, $0xb8;
	[tilespmem:$0x15000] =	vst v63  }
0x53: {  	v3 =	vld [tilespmem:s5+$0x4850];
	_ =	sdelay $0x4  }
0x54: {  	v61 =	vshll.u32 v3, $0x1  }
0x55: {  	v3 =	vand.u32 $0x7, v3;
	v4 =	vand.u32 $0xFFFFFFF0, v61  }
0x56: {  	v3 =	vor.u32 v3, v4  }
0x57: {  	v4 =	vperm.xlane v3, v0;
	_ =	sdelay $0x1  }
0x58: {  	v3 =	vperm.xlane v3, v2;
	v4 =	vadd.s32 v1, v4;
	_ =	sdelay $0x1  }
0x59: {  	v3 =	vadd.s32 v1, v3;
	_ =	sdelay $0x2  }
0x5a: {  	[tilespmem:s23], [sflag:$0x2] =	stream.indirect_vreg.gather [hbm4b:s3+s1], $0x80, v4, vm0, $0xb8;
	[tilespmem:$0x15000] =	vst v63  }
0x5b: {  	_ = 	snop  }
0x5c: {  	[tilespmem:s24], [sflag:$0x2] =	stream.indirect_vreg.gather [hbm4b:s3+s1], $0x80, v3, vm0, $0xb8;
	[tilespmem:$0x15000] =	vst v63  }
0x5d: {  	v3 =	vld [tilespmem:s5+$0x4860];
	_ =	sdelay $0x4  }
0x5e: {  	v62 =	vshll.u32 v3, $0x1  }
0x5f: {  	v3 =	vand.u32 $0x7, v3;
	v4 =	vand.u32 $0xFFFFFFF0, v62  }
0x60: {  	v3 =	vor.u32 v3, v4  }
0x61: {  	v4 =	vperm.xlane v3, v0;
	_ =	sdelay $0x1  }
0x62: {  	v3 =	vperm.xlane v3, v2;
	v4 =	vadd.s32 v1, v4;
	_ =	sdelay $0x1  }
0x63: {  	v3 =	vadd.s32 v1, v3;
	_ =	sdelay $0x2  }
0x64: {  	[tilespmem:s25], [sflag:$0x2] =	stream.indirect_vreg.gather [hbm4b:s3+s1], $0x80, v4, vm0, $0xb8;
	[tilespmem:$0x15000] =	vst v63  }
0x65: {  	_ = 	snop  }
0x66: {  	[tilespmem:s26], [sflag:$0x2] =	stream.indirect_vreg.gather [hbm4b:s3+s1], $0x80, v3, vm0, $0xb8;
	[tilespmem:$0x15000] =	vst v63  }
0x67: {  	v3 =	vld [tilespmem:s5+$0x4870];
	_ =	sdelay $0x4  }
0x68: {  	v63 =	vshll.u32 v3, $0x1  }
0x69: {  	v3 =	vand.u32 $0x7, v3;
	v4 =	vand.u32 $0xFFFFFFF0, v63  }
0x6a: {  	v3 =	vor.u32 v3, v4  }
0x6b: {  	v4 =	vperm.xlane v3, v0;
	_ =	sdelay $0x1  }
0x6c: {  	v3 =	vperm.xlane v3, v2;
	v4 =	vadd.s32 v1, v4;
	_ =	sdelay $0x1  }
0x6d: {  	v3 =	vadd.s32 v1, v3;
	_ =	sdelay $0x2  }
0x6e: {  	[tilespmem:s28], [sflag:$0x2] =	stream.indirect_vreg.gather [hbm4b:s3+s1], $0x80, v4, vm0, $0xb8;
	[tilespmem:$0x15000] =	vst v63  }
0x6f: {  	_ = 	snop  }
0x70: {  	[tilespmem:s29], [sflag:$0x2] =	stream.indirect_vreg.gather [hbm4b:s3+s1], $0x80, v3, vm0, $0xb8;
	[tilespmem:$0x15000] =	vst v63  }
0x71: {  	_ =	swait.ge [sflag:s30], $0x4000  }
0x72: {  	[sflag:s30] =	ssyncset.done $0x0  }
0x73: {  	[sflag:s30] =	ssyncadd.s32 $0xFFFFC000  }
0x74: {  	[hbm4b:s8+s1] =	stream.linear.scatter [tilespmem:s12], [sflag:$0x3], $0x4000, $0x38;
	[tilespmem:$0x15000] =	vst v63  }
0x75: {  	_ =	swait.ge [sflag:s9], $0x4000  }
0x76: {  	[sflag:s9] =	ssyncset.done $0x0  }
0x77: {  	[sflag:s9] =	ssyncadd.s32 $0xFFFFC000  }
0x78: {  	_ =	swait.ge [sflag:s31], $0x8000  }
0x79: {  	p0 =	sne.s32 s4, $0x11E00;
	[sflag:s31] =	ssyncset.done $0x0  }
.Ltmp0:
0x7a: {  	[sflag:s31] =	ssyncadd.s32 $0xFFFF8000;
	(pc) =	sbr.rel @p0 .LBB2_2-.Ltmp0, $4  }
0x7b: {  	[hbm4b:s7+s1] =	stream.linear.scatter [tilespmem:s13], [sflag:$0x3], $0x8000, $0x38;
	[tilespmem:$0x15000] =	vst v63  }
0x7c: {  	_ =	swait.ge [sflag:s9], $0x8000  }
0x7d: {  	s4 =	sadd.s32 $0x200, s4;
	[sflag:s9] =	ssyncset.done $0x0  }
0x7e: {  	s8 =	sadd.s32 $0x800, s8;
	s7 =	sadd.s32 $0x1000, s7;
	[sflag:s9] =	ssyncadd.s32 $0xFFFF8000  }
0x7f: {  	s0 =	sadd.s32 $0x1, s0;
	s4 =	rddreg [dreg:$0x7]  }
0x80: {  	p0 =	sne.s32 s0, s4  }
.Ltmp1:
0x81: {  	_ = 	snop;
	(pc) =	sbr.rel @p0 .LBB2_1-.Ltmp1, $1  }
0x82: {  	_ =	sdelay $0x3  }
0x83: {  	_ =	sfence.sel $0x180000  }
0x84: {  	[bflag:$0x0] =	sbarrier.arrive $0xFFFF  }
0x85: {  	_ =	strace $0x9000004A  }
0x86: {  	s0 =	stileid.u32;
	[bflag:$0x2] =	sbarrier.arrive $0xFFFF  }
0x87: {  	p0 =	sne.s32 s0, $0x0;
	s0 =	rddreg [dreg:$0x3]  }
0x88: {  	s0 =	sadd.s32 @!p0 $0x100000, s0  }
0x89: {  	[sflag:s0] =	ssyncadd.tile.s32 @!p0 $0x1;
	_ =	shalt  }
.Lfunc_end2:
_tile_overlayer_lowered:
.L_overlay_start_2:
0x8a: {  	(tag) =	ssettag $0x2  }
0x8b: {  	s0 =	rddreg [dreg:$0x0];
	s2 =	stileid.u32  }
0x8c: {  	s1 =	rddreg [dreg:$0x1];
	p0 =	sne.s32 s2, $0x0  }
0x8d: {  	s3 =	rddreg [dreg:$0x2];
	[bflag:$0x3] =	sbarrier.arrive $0xFFFF;
	s2 =	simm.s32 @!p0 $0x1C03  }
0x8e: {  	[timem:s3], [sflag:s2] =	dma.local @!p0 [hbm:s0], s1  }
0x8f: {  	s0 =	simm.s32 @!p0 $0x3  }
0x90: {  	_ =	swait.ge @!p0 [sflag:s0], s1  }
0x91: {  	s1 =	ssub.s32 @!p0 $0x0, s1;
	[sflag:s0] =	ssyncset.done @!p0 $0x0  }
0x92: {  	[sflag:s0] =	ssyncadd.s32 @!p0 s1  }
0x93: {  	[bflag:$0x3] =	sbarrier.arrive $0xFFFF  }
0x94: {  	_ =	shalt  }

// kernel: kernel.15.cloned.1.call-start
scs
__scs_entry_jumppad:
0x0: {  	(pc) =	sbr.rel $0x88, $3  }
0x1: {  	(tag) =	ssettag $0x0;
	lr =	simm.s32 $0x1  }
0x2: {  	[smem:$0x3F93] =	sst lr;
	_ =	strace $0xD0000000  }
0x3: {  	_ = 	snop  }
0x4: {  	_ = 	snop  }
0x5: {  	_ = 	snop  }
0x6: {  	_ = 	snop  }
0x7: {  	_ = 	snop  }
__scs_overlays_trampoline_lowered:
0x8: {  	[smem:$0x3FA2] =	sst s0  }
0x9: {  	[smem:$0x3FA3] =	sst s1  }
0xa: {  	[smem:$0x3FA4] =	sst s2  }
0xb: {  	[smem:$0x3FA5] =	sst s3  }
0xc: {  	[smem:$0x3FA6] =	sst s4  }
0xd: {  	[smem:$0x3FA7] =	sst s5  }
0xe: {  	[smem:$0x3FA8] =	sst s6  }
0xf: {  	[smem:$0x3FA9] =	sst s7  }
0x10: {  	[smem:$0x3FAA] =	sst s8  }
0x11: {  	[smem:$0x3FAB] =	sst s9;
	s0 =	simm.s32 @!p0 $0x0  }
0x12: {  	s1 =	sld [smem:$0x3F91];
	s0 =	simm.s32 @p0 $0x1  }
0x13: {  	[smem:$0x3FAC] =	sst s0;
	s0 =	simm.s32 @!p1 $0x0  }
0x14: {  	s2 =	sld [smem:$0x3F90];
	s0 =	simm.s32 @p1 $0x1  }
0x15: {  	[smem:$0x3FAD] =	sst s0;
	s0 =	simm.s32 @!p2 $0x0  }
0x16: {  	s3 =	sld [smem:$0x3FDB];
	s0 =	simm.s32 @p2 $0x1  }
0x17: {  	s4 =	simm.s32 $0x1BF5;
	[smem:$0x3FAF] =	sst s0  }
0x18: {  	s0 =	sld [smem:$0x3F92];
	_ =	swait.ge [sflag:s4], $0x0  }
0x19: {  	s7 =	sld [smem:$0x3F93]  }
0x1a: {  	s8 =	sadd.s32 $0xFFFFE003, lr  }
0x1b: {  	s9 =	sadd.s32 $0xFFFFFEF7, lr;
	s5 =	simm.s32 $0xFFFFFFFF;
	p2 =	slt.u32 s8, $0xFFFFF086  }
0x1c: {  	p1 =	slt.u32 s9, $0xF7A;
	s5 =	simm.s32 @!p2 $0x0  }
0x1d: {  	s5 =	simm.s32 @p1 $0x1;
	p0 =	seq.s32 s7, s2  }
0x1e: {  	s7 =	smul.u32 @!p0 $0xF7A, s2;
	p2 =	seq.s32 @!p0 s5, $0x0  }
0x1f: {  	s9 =	smul.u32 $0xF7A, s1;
	s8 =	simm.s32 @!p0 $0x1BF5;
	p2 =	por !p2, p0  }
0x20: {  	[sflag:s8] =	ssyncset.s32 @!p0 $0xFFFFF086;
	s6 =	sadd.s32 @!p0 s3, s7;
	s7 =	simm.s32 @!p0 $0x108  }
0x21: {  	s3 =	sadd.s32 s3, s9;
	s6 =	sadd.s32 @!p0 $0x88, s6;
	s7 =	simm.s32 @p2 $0x1082  }
0x22: {  	[simem:s7], [sflag:s8] =	dma.local @!p0 [hbm:s6], $0xF7A  }
0x23: {  	s9 =	sor.u32 $0xD0000000, s2;
	s6 =	simm.s32 $0x108;
	_ =	swait.ge @!p0 [sflag:s8], $0x0  }
0x24: {  	s3 =	sadd.s32 $0x88, s3;
	s6 =	simm.s32 @!p1 $0x1082;
	[sflag:s4] =	ssyncset.s32 $0xFFFFF086  }
0x25: {  	[simem:s6], [sflag:s4] =	dma.local [hbm:s3], $0xF7A  }
0x26: {  	[smem:$0x3F93] =	sst s1;
	(tag) =	ssettag s2;
	_ =	strace s9  }
0x27: {  	s1 =	sld [smem:$0x3FA3]  }
0x28: {  	s2 =	sld [smem:$0x3FA4]  }
0x29: {  	s4 =	sld [smem:$0x3FA6]  }
0x2a: {  	p0 =	seq.s32 s5, $0x0;
	s5 =	sld [smem:$0x3FA7]  }
0x2b: {  	s6 =	sld [smem:$0x3FA8]  }
0x2c: {  	s7 =	sld [smem:$0x3FA9]  }
0x2d: {  	s3 =	simm.s32 $0x108;
	s8 =	sld [smem:$0x3FAA]  }
0x2e: {  	s3 =	simm.s32 @!p0 $0x1082;
	s9 =	sld [smem:$0x3FAB]  }
0x2f: {  	lr =	sadd.s32 s0, s3;
	s0 =	sld [smem:$0x3FA2]  }
0x30: {  	s3 =	sld [smem:$0x3FA5]  }
0x31: {  	[smem:$0x3FAE] =	sst s10  }
0x32: {  	s10 =	sld [smem:$0x3FAC];
	_ =	sdelay $0x3  }
0x33: {  	p0 =	seq.s32 s10, $0x1;
	s10 =	sld [smem:$0x3FAE];
	_ =	sdelay $0x3  }
0x34: {  	[smem:$0x3FAE] =	sst s10  }
0x35: {  	s10 =	sld [smem:$0x3FAD];
	_ =	sdelay $0x3  }
0x36: {  	p1 =	seq.s32 s10, $0x1;
	s10 =	sld [smem:$0x3FAE];
	_ =	sdelay $0x3  }
0x37: {  	[smem:$0x3FAE] =	sst s10  }
0x38: {  	s10 =	sld [smem:$0x3FAF]  }
0x39: {  	_ = 	snop;
	(pc) =	sbr.ind lr, $3  }
0x3a: {  	_ = 	snop  }
0x3b: {  	_ = 	snop  }
0x3c: {  	p2 =	seq.s32 s10, $0x1;
	s10 =	sld [smem:$0x3FAE]  }
0x3d: {  	_ =	shalt  }
0x3e: {  	_ =	shalt  }
0x3f: {  	_ =	shalt  }
0x40: {  	_ =	shalt  }
0x41: {  	_ =	shalt  }
0x42: {  	_ =	shalt  }
0x43: {  	_ =	shalt  }
0x44: {  	_ =	shalt  }
0x45: {  	_ =	shalt  }
0x46: {  	_ =	shalt  }
0x47: {  	_ =	shalt  }
0x48: {  	_ =	shalt  }
0x49: {  	_ =	shalt  }
0x4a: {  	_ =	shalt  }
0x4b: {  	_ =	shalt  }
0x4c: {  	_ =	shalt  }
0x4d: {  	_ =	shalt  }
0x4e: {  	_ =	shalt  }
0x4f: {  	_ =	shalt  }
0x50: {  	_ =	shalt  }
0x51: {  	_ =	shalt  }
0x52: {  	_ =	shalt  }
0x53: {  	_ =	shalt  }
0x54: {  	_ =	shalt  }
0x55: {  	_ =	shalt  }
0x56: {  	_ =	shalt  }
0x57: {  	_ =	shalt  }
0x58: {  	_ =	shalt  }
0x59: {  	_ =	shalt  }
0x5a: {  	_ =	shalt  }
0x5b: {  	_ =	shalt  }
0x5c: {  	_ =	shalt  }
0x5d: {  	_ =	shalt  }
0x5e: {  	_ =	shalt  }
0x5f: {  	_ =	shalt  }
0x60: {  	_ =	shalt  }
0x61: {  	_ =	shalt  }
0x62: {  	_ =	shalt  }
0x63: {  	_ =	shalt  }
0x64: {  	_ =	shalt  }
0x65: {  	_ =	shalt  }
0x66: {  	_ =	shalt  }
0x67: {  	_ =	shalt  }
0x68: {  	_ =	shalt  }
0x69: {  	_ =	shalt  }
0x6a: {  	_ =	shalt  }
0x6b: {  	_ =	shalt  }
0x6c: {  	_ =	shalt  }
0x6d: {  	_ =	shalt  }
0x6e: {  	_ =	shalt  }
0x6f: {  	_ =	shalt  }
0x70: {  	_ =	shalt  }
0x71: {  	_ =	shalt  }
0x72: {  	_ =	shalt  }
0x73: {  	_ =	shalt  }
0x74: {  	_ =	shalt  }
0x75: {  	_ =	shalt  }
0x76: {  	_ =	shalt  }
0x77: {  	_ =	shalt  }
0x78: {  	_ =	shalt  }
0x79: {  	_ =	shalt  }
0x7a: {  	_ =	shalt  }
0x7b: {  	_ =	shalt  }
0x7c: {  	_ =	shalt  }
0x7d: {  	_ =	shalt  }
0x7e: {  	_ =	shalt  }
0x7f: {  	_ =	shalt  }
0x80: {  	_ =	shalt  }
0x81: {  	_ =	shalt  }
0x82: {  	_ =	shalt  }
0x83: {  	_ =	shalt  }
0x84: {  	_ =	shalt  }
0x85: {  	_ =	shalt  }
0x86: {  	_ =	shalt  }
0x87: {  	_ =	shalt  }
.Lfunc_end0:
.L_simem_size_0:
called_computation.1_lowered:
.L_overlay_start_0:
0x88: {  	s2 =	sld [smem:$0x3FD9]  }
0x89: {  	s3 =	sld [smem:$0x3FFE];
	_ =	sdelay $0x1  }
0x8a: {  	s1 =	srdreg.scid  }
0x8b: {  	s0 =	sand.u32 $0x1, s1  }
0x8c: {  	s15 =	sshll.u32 s0, $0xA;
	s2 =	sadd.s32 s3, s2  }
0x8d: {  	s2 =	sadd.s32 s2, s15  }
0x8e: {  	[smem:$0x3FBA] =	sst s2  }
0x8f: {  	_ = 	snop  }
0x90: {  	s2 =	sld [smem:$0x3FD0];
	_ =	sdelay $0x2  }
0x91: {  	s4 =	simm.s32 $0xB;
	s16 =	simm.s32 $0x10  }
0x92: {  	[smem:s16], [sflag:s4] =	dma.local [hbm:s2], $0x1  }
0x93: {  	_ =	swait.eq [sflag:s4], $0x1  }
0x94: {  	[sflag:s4] =	ssyncset.done $0x0  }
0x95: {  	s17 =	sld [smem:$0x10];
	[sflag:s4] =	ssyncadd.s32 $0xFFFFFFFF  }
0x96: {  	s18 =	sld [smem:$0x12];
	(tm) =	ssettm $0x1  }
0x97: {  	s19 =	sld [smem:$0x3FFB];
	_ =	sdelay $0x3  }
0x98: {  	_ =	strace s19  }
0x99: {  	s2 =	sld [smem:$0x3FFC];
	_ =	sdelay $0x3  }
0x9a: {  	_ =	strace s2  }
0x9b: {  	s2 =	sld [smem:$0x3FFD];
	_ =	sdelay $0x3  }
0x9c: {  	_ =	strace s2  }
0x9d: {  	_ =	strace $0x8FFFFFFF  }
0x9e: {  	s20 =	sld [smem:$0x3FDB];
	_ =	sdelay $0x1  }
0x9f: {  	s5 =	simm.s32 $_scs_section_size  }
0xa0: {  	s6 =	simm.s32 $_size__tile_overlayer_lowered;
	s7 =	simm.s32 $_tile_overlayer_lowered  }
0xa1: {  	s8 =	simm.s32 $0x1BFF;
	s21 =	sshll.u32 s7, $0x1;
	s5 =	sadd.s32 s5, s20  }
0xa2: {  	s22 =	simm.s32 $0x0;
	s6 =	sshll.u32 s6, $0x1;
	s7 =	sadd.s32 s21, s5  }
0xa3: {  	[timem:s22], [sflag:s8] =	dma.local [hbm:s7], s6  }
0xa4: {  	_ =	swait.ge [sflag:s8], s6  }
0xa5: {  	s6 =	ssub.s32 $0x0, s6;
	[sflag:s8] =	ssyncset.done $0x0  }
0xa6: {  	[sflag:s8] =	ssyncadd.s32 s6;
	_ =	sdelay $0x1  }
0xa7: {  	s23 =	simm.s32 $0x1B8B  }
0xa8: {  	_ =	swait.ge [sflag:s23], $0x1  }
0xa9: {  	[sflag:s23] =	ssyncset.done $0x0  }
0xaa: {  	[sflag:s23] =	ssyncadd.s32 $0xFFFFFFFF  }
0xab: {  	s6 =	sld [smem:$0x0]  }
0xac: {  	s7 =	sand.u32 $0xFFFFFFFE, s1  }
0xad: {  	p0 =	sne.s32 s1, s7  }
0xae: {  	s7 =	sshll.u32 @p0 s7, $0xE  }
0xaf: {  	s7 =	sadd.s32 @p0 $0x11B8D, s7;
	s8 =	sshll.u32 @p0 s6, $0x11  }
0xb0: {  	s7 =	sor.u32 @p0 s8, s7  }
0xb1: {  	[sflag:s7] =	ssyncadd.remote.s32 @p0 $0x1;
	_ =	sdelay $0x1  }
0xb2: {  	s7 =	simm.s32 @p0 $0x1B8D  }
0xb3: {  	_ =	swait.eq @p0 [sflag:s7], $0x1  }
0xb4: {  	[sflag:s7] =	ssyncadd.s32 @p0 $0xFFFFFFFF  }
0xb5: {  	s8 =	sshll.u32 @!p0 s1, $0xE  }
0xb6: {  	s8 =	sor.u32 @!p0 $0x4000, s8;
	s7 =	simm.s32 @!p0 $0x1B8D  }
0xb7: {  	s6 =	sshll.u32 @!p0 s6, $0x11;
	s8 =	sadd.s32 @!p0 $0x11B8D, s8;
	_ =	swait.eq @!p0 [sflag:s7], $0x1  }
0xb8: {  	s6 =	sor.u32 @!p0 s6, s8;
	[sflag:s7] =	ssyncadd.s32 @!p0 $0xFFFFFFFF  }
0xb9: {  	s25 =	simm.s32 $0x1B8E;
	s24 =	sld [smem:$0x3FFE];
	[sflag:s6] =	ssyncadd.remote.s32 @!p0 $0x1  }
0xba: {  	s26 =	simm.s32 $execute0_lowered;
	[smem:$0x3FD2] =	sst s25  }
0xbb: {  	s7 =	sshll.u32 s26, $0x1;
	_ =	strace $0x8000004F;
	[dreg:$0x1] =	wrdreg $0xFFFFFFFF  }
0xbc: {  	s28 =	simm.s32 $_size_execute0_lowered;
	s5 =	sadd.s32 s5, s7;
	[dreg:$0x0] =	wrdreg $0x0  }
0xbd: {  	s7 =	sshll.u32 s28, $0x1;
	[dreg:$0x2] =	wrdreg s5  }
0xbe: {  	[dreg:$0x3] =	wrdreg s7  }
0xbf: {  	[dreg:$0x4] =	wrdreg $0xC0  }
0xc0: {  	_ =	task [dreg:s22], $0x5FFFF  }
0xc1: {  	[dreg:$0x1] =	wrdreg $0xFFFFFFFF  }
0xc2: {  	[dreg:$0x0] =	wrdreg $0x60  }
0xc3: {  	[dreg:$0x2] =	wrdreg s24  }
0xc4: {  	[dreg:$0x3] =	wrdreg s17  }
0xc5: {  	[dreg:$0x4] =	wrdreg s18  }
0xc6: {  	[dreg:$0x5] =	wrdreg $0x49800  }
0xc7: {  	[dreg:$0x6] =	wrdreg $0x9  }
0xc8: {  	_ =	task.clear_ibuf [dreg:s22], $0x7FFFF;
	_ =	strace $0x9000004F  }
0xc9: {  	s29 =	simm.s32 $0x9;
	_ =	strace $0x80000051  }
0xca: {  	_ =	swait.ge [sflag:s29], $0x1  }
0xcb: {  	[sflag:s29] =	ssyncadd.s32 $0xFFFFFFFF  }
0xcc: {  	_ =	strace $0x90000051  }
0xcd: {  	_ =	sfence  }
0xce: {  	s30 =	sld [smem:$0x0];
	_ =	sdelay $0x2  }
0xcf: {  	s31 =	sshll.u32 s1, $0xD;
	s1 =	sshrl.u32 s1, $0x2  }
0xd0: {  	s4 =	sand.u32 $0x4000, s31;
	s1 =	sadd.s32 s1, s30  }
0xd1: {  	s0 =	sor.u32 s4, s0;
	s1 =	sshll.u32 s1, $0x11  }
0xd2: {  	s0 =	sor.u32 s1, s0  }
0xd3: {  	s0 =	sadd.s32 $0x8F2B, s0  }
0xd4: {  	[sflag:s0] =	ssyncadd.remote.s32 $0x1  }
0xd5: {  	_ =	sfence.sel $0xFFFF  }
0xd6: {  	[dreg:$0x0] =	wrdreg $0xFFFFFFFF;
	(pc) =	sbr.abs _section_cstart, $3  }
0xd7: {  	[dreg:$0x1] =	wrdreg $0xFFFFFFFF  }
0xd8: {  	_ =	task.clear_ibuf [dreg:s22], $0x2FFFF;
	_ =	strace $0x9FFFFFFF  }
0xd9: {  	(tm) =	ssettm $0x7FFFFFFF  }
tec
execute0_lowered:
.L_overlay_start_1:
0x0: {  	(tag) =	ssettag $0x1  }
0x1: {  	s0 =	rddreg [dreg:$0x0]  }
0x2: {  	s1 =	rddreg [dreg:$0x1]  }
0x3: {  	s3 =	rddreg [dreg:$0x3];
	s5 =	simm.s32 $0x0;
	s2 =	srdreg.scid  }
0x4: {  	s4 =	stileid.u32;
	s18 =	simm.s32 $0x4180;
	s19 =	simm.s32 $0x3  }
0x5: {  	s20 =	simm.s32 $0x180;
	s21 =	simm.s32 $0x2180;
	s8 =	smul.u32 $0x18000, s4  }
0x6: {  	s22 =	simm.s32 $0x1;
	s23 =	simm.s32 $0x40;
	s11 =	smul.u32 $0x68000, s4  }
0x7: {  	s24 =	simm.s32 $0x80;
	s2 =	sand.u32 $0x1, s2;
	s12 =	smul.u32 $0x60000, s4  }
0x8: {  	s28 =	simm.s32 $0x0;
	[smem:$0x7FF] =	sst s5;
	s7 =	smul.u32 $0x600000, s2  }
0x9: {  	s6 =	sadd.s32 $0x26A600, s0;
	s10 =	smul.u32 $0x4800000, s2;
	s2 =	ssub.s32 $0x2, s2  }
0xa: {  	s25 =	smul.u32 $0x480000, s4;
	_ =	strace $0x80000050;
	s9 =	sshrl.u32 s2, $0x1  }
0xb: {  	s26 =	sshrl.u32 s11, $0x2;
	s12 =	sshrl.u32 s12, $0x2;
	s7 =	sor.u32 s8, s7  }
0xc: {  	s2 =	ssub.s32 s2, s9;
	s14 =	sadd.s32 s25, s10;
	s8 =	sadd.s32 s26, s3  }
0xd: {  	s10 =	sor.u32 $0x4000, s10;
	s12 =	sadd.s32 s12, s3;
	s25 =	simm.s32 $0x2  }
0xe: {  	s26 =	simm.s32 $0x100;
	s7 =	sshrl.u32 s7, $0x3;
	s29 =	sshrl.u32 s14, $0x3  }
0xf: {  	s16 =	sor.u32 $0x2000, s14;
	s0 =	sadd.s32 s7, s0;
	s7 =	smul.u32 $0x9000, s4  }
0x10: {  	s9 =	sadd.s32 s6, s29;
	s31 =	sshrl.u32 s16, $0x3;
	s30 =	sadd.s32 $0x146A600, s0  }
0x11: {  	s16 =	smax.u32 s2, $0x1;
	s13 =	sadd.s32 $0x149A600, s0;
	s14 =	sadd.s32 $0x14CA600, s0  }
0x12: {  	s15 =	sadd.s32 $0x14FA600, s0;
	s0 =	sadd.s32 s31, s6;
	[dreg:$0x5] =	wrdreg s30  }
.LBB2_1:
0x13: {  	s2 =	rddreg [dreg:$0x2]  }
0x14: {  	[tilespmem:s18], [sflag:$0x3] =	stream.linear.gather [hbm4b:s2+s5], $0x800, $0x38;
	[tilespmem:$0x1E980] =	vst v63  }
0x15: {  	_ =	swait.ge [sflag:s19], $0x800  }
0x16: {  	[sflag:s19] =	ssyncset.done $0x0  }
0x17: {  	s31 =	sadd.s32 $0x0, s8;
	[sflag:s19] =	ssyncadd.s32 $0xFFFFF800  }
0x18: {  	[spmem:s31] =	stream.linear.scatter [tilespmem:s18], [sflag:$0x3], $0x800, $0x38;
	[tilespmem:$0x1E980] =	vst v63  }
0x19: {  	s2 =	simm.s32 $0x2000;
	_ =	swait.ge [sflag:s19], $0x800  }
.LBB2_2:
0x1a: {  	s17 =	sshra.s32 s2, $0x2;
	[sflag:s19] =	ssyncset.done $0x0;
	p0 =	sne.s32 s2, $0x66000  }
.Ltmp0:
0x1b: {  	s17 =	sadd.s32 s17, s8;
	[sflag:s19] =	ssyncadd.s32 $0xFFFFF800;
	(pc) =	sbr.rel @p0 .LBB2_2-.Ltmp0, $3  }
0x1c: {  	[spmem:s17] =	stream.linear.scatter [tilespmem:s18], [sflag:$0x3], $0x800, $0x38;
	[tilespmem:$0x1E980] =	vst v63  }
0x1d: {  	s2 =	sadd.s32 $0x2000, s2;
	_ =	sdelay $0x1  }
0x1e: {  	_ =	swait.ge [sflag:s19], $0x800  }
0x1f: {  	[sflag:s19] =	ssyncset.done $0x0  }
0x20: {  	s2 =	simm.s32 $0x0;
	[sflag:s19] =	ssyncadd.s32 $0xFFFFF800  }
0x21: {  	s17 =	sand.u32 $0xFC00, s2;
	[bflag:$0x0] =	sbarrier.arrive $0xFFFF  }
0x22: {  	[tilespmem:s20], [sflag:$0x1] =	stream.linear.gather [hbm4b:s9+s2], $0x2000, $0x38;
	[tilespmem:$0x1E980] =	vst v63  }
0x23: {  	s17 =	sadd.s32 s7, s17;
	s2 =	sand.u32 $0x380, s2  }
0x24: {  	s2 =	sor.u32 s2, s17  }
0x25: {  	s2 =	sshrl.u32 s2, $0x3  }
0x26: {  	[tilespmem:s21], [sflag:$0x2] =	stream.linear.gather [hbm4b:s0+s5], $0x2000, $0x38;
	[tilespmem:$0x1E980] =	vst v63  }
0x27: {  	s2 =	sadd.s32 s1, s2  }
0x28: {  	[tilespmem:s5], [sflag:$0x3] =	stream.linear.gather [hbm4b:s2+s5], $0x80, $0x38;
	[tilespmem:$0x1E980] =	vst v63  }
0x29: {  	_ =	swait.ge [sflag:s19], $0x80  }
0x2a: {  	[sflag:s19] =	ssyncset.done $0x0  }
0x2b: {  	[sflag:s19] =	ssyncadd.s32 $0xFFFFFF80  }
0x2c: {  	v2 =	vld [tilespmem:$0x70]  }
0x2d: {  	s2 =	sadd.s32 $0x0, s7;
	v4 =	vld [tilespmem:$0x40]  }
0x2e: {  	p0 =	slt.s32 s2, $0x8FF40;
	v1 =	vld [tilespmem:$0x0]  }
0x2f: {  	s2 =	simm.s32 @!p0 $0x8FF40;
	v3 =	vld [tilespmem:$0x60]  }
0x30: {  	s29 =	smov.u32 s0;
	s17 =	simm.s32 $0x80;
	s2 =	sshll.u32 s2, $0x7;
	v0 =	vld [tilespmem:$0x20]  }
.LBB2_4:
0x31: {  	p0 =	sne.s32 s17, $0x8F80;
	v5 =	vld [tilespmem:$0x30];
	s2 =	sadd.s32 s2, s10;
	s29 =	sadd.s32 $0x800, s29  }
0x32: {  	v2 =	vmin.u32 v2, $0x3000;
	v4 =	vmin.u32 v4, $0x3000;
	v6 =	vld [tilespmem:$0x10];
	s30 =	sshrl.u32 s2, $0x3;
	s2 =	smov.u32 s17;
	s17 =	sadd.s32 $0x80, s17  }
0x33: {  	[tilespmem:$0x100] =	vst v4;
	v4 =	vld [tilespmem:$0x50]  }
0x34: {  	s31 =	sand.u32 $0xFC00, s2;
	v1 =	vmin.u32 v1, $0x3000;
	v3 =	vmin.u32 v3, $0x3000;
	[tilespmem:$0x130] =	vst v2  }
0x35: {  	s4 =	sand.u32 $0x380, s2;
	s31 =	sadd.s32 s7, s31;
	v0 =	vmin.u32 v0, $0x3000;
	[tilespmem:$0x120] =	vst v3  }
0x36: {  	s4 =	sor.u32 s4, s31;
	[tilespmem:$0x80] =	vst v1;
	v1 =	vmin.u32 v5, $0x3000  }
0x37: {  	s4 =	sshrl.u32 s4, $0x3;
	v2 =	vmin.u32 v6, $0x3000;
	[tilespmem:$0xB0] =	vst v1  }
0x38: {  	[tilespmem:$0x90] =	vst v2;
	v1 =	vmin.u32 v4, $0x3000  }
0x39: {  	[tilespmem:$0x110] =	vst v1  }
0x3a: {  	[tilespmem:$0xA0] =	vst v0  }
0x3b: {  	_ =	swait.ge [sflag:s22], $0x2000  }
0x3c: {  	[sflag:s22] =	ssyncset.done $0x0  }
0x3d: {  	[sflag:s22] =	ssyncadd.s32 $0xFFFFE000  }
0x3e: {  	[spmem:s3] =	stream.indirect.scatter.add.f32 [tilespmem:s20], [sflag:$0x3], $0x80, s24, s23, $0xb8;
	[tilespmem:$0x1E980] =	vst v63  }
0x3f: {  	_ =	swait.ge [sflag:s19], $0x2000  }
0x40: {  	s30 =	sadd.s32 s6, s30;
	[sflag:s19] =	ssyncset.done $0x0  }
0x41: {  	[sflag:s19] =	ssyncadd.s32 $0xFFFFE000  }
0x42: {  	[tilespmem:s20], [sflag:$0x1] =	stream.linear.gather [hbm4b:s30+s5], $0x2000, $0x38;
	[tilespmem:$0x1E980] =	vst v63  }
0x43: {  	_ =	swait.ge [sflag:s25], $0x2000  }
0x44: {  	[sflag:s25] =	ssyncset.done $0x0  }
0x45: {  	[sflag:s25] =	ssyncadd.s32 $0xFFFFE000  }
0x46: {  	[spmem:s3] =	stream.indirect.scatter.add.f32 [tilespmem:s21], [sflag:$0x3], $0x80, s26, s23, $0xb8;
	[tilespmem:$0x1E980] =	vst v63  }
0x47: {  	_ =	swait.ge [sflag:s19], $0x2000  }
0x48: {  	[sflag:s19] =	ssyncset.done $0x0  }
0x49: {  	[sflag:s19] =	ssyncadd.s32 $0xFFFFE000  }
0x4a: {  	[tilespmem:s21], [sflag:$0x2] =	stream.linear.gather [hbm4b:s29+s5], $0x2000, $0x38;
	[tilespmem:$0x1E980] =	vst v63  }
0x4b: {  	s4 =	sadd.s32 s1, s4  }
0x4c: {  	[tilespmem:s5], [sflag:$0x3] =	stream.linear.gather [hbm4b:s4+s5], $0x80, $0x38;
	[tilespmem:$0x1E980] =	vst v63  }
0x4d: {  	_ =	swait.ge [sflag:s19], $0x80  }
0x4e: {  	[sflag:s19] =	ssyncset.done $0x0  }
0x4f: {  	[sflag:s19] =	ssyncadd.s32 $0xFFFFFF80  }
.Ltmp1:
0x50: {  	v2 =	vld [tilespmem:$0x70];
	(pc) =	sbr.rel @p0 .LBB2_4-.Ltmp1, $4  }
0x51: {  	s2 =	sadd.s32 s2, s7;
	v4 =	vld [tilespmem:$0x40]  }
0x52: {  	p1 =	slt.s32 s2, $0x8FF40;
	v1 =	vld [tilespmem:$0x0]  }
0x53: {  	s2 =	simm.s32 @!p1 $0x8FF40;
	v3 =	vld [tilespmem:$0x60]  }
0x54: {  	s2 =	sshll.u32 s2, $0x7;
	v0 =	vld [tilespmem:$0x20]  }
0x55: {  	v5 =	vld [tilespmem:$0x30];
	v2 =	vmin.u32 v2, $0x3000  }
0x56: {  	v6 =	vld [tilespmem:$0x10];
	v4 =	vmin.u32 v4, $0x3000;
	[tilespmem:$0x130] =	vst v2  }
0x57: {  	v60 =	vld [tilespmem:$0x50];
	[tilespmem:$0x100] =	vst v4;
	v1 =	vmin.u32 v1, $0x3000  }
0x58: {  	v3 =	vmin.u32 v3, $0x3000;
	[tilespmem:$0x80] =	vst v1  }
0x59: {  	[tilespmem:$0x120] =	vst v3;
	v0 =	vmin.u32 v0, $0x3000  }
0x5a: {  	v61 =	vmin.u32 v5, $0x3000;
	[tilespmem:$0xA0] =	vst v0  }
0x5b: {  	v62 =	vmin.u32 v6, $0x3000;
	[tilespmem:$0xB0] =	vst v61  }
0x5c: {  	v63 =	vmin.u32 v60, $0x3000;
	[tilespmem:$0x90] =	vst v62  }
0x5d: {  	[tilespmem:$0x110] =	vst v63  }
0x5e: {  	_ =	swait.ge [sflag:s22], $0x2000  }
0x5f: {  	[sflag:s22] =	ssyncset.done $0x0  }
0x60: {  	[sflag:s22] =	ssyncadd.s32 $0xFFFFE000  }
0x61: {  	[spmem:s3] =	stream.indirect.scatter.add.f32 [tilespmem:s20], [sflag:$0x3], $0x80, s24, s23, $0xb8;
	[tilespmem:$0x1E980] =	vst v63  }
0x62: {  	s2 =	sadd.s32 s2, s10;
	_ =	swait.ge [sflag:s19], $0x2000  }
0x63: {  	s2 =	sshrl.u32 s2, $0x3;
	[sflag:s19] =	ssyncset.done $0x0  }
0x64: {  	s2 =	sadd.s32 s6, s2;
	[sflag:s19] =	ssyncadd.s32 $0xFFFFE000  }
0x65: {  	[tilespmem:s20], [sflag:$0x1] =	stream.linear.gather [hbm4b:s2+s5], $0x2000, $0x38;
	[tilespmem:$0x1E980] =	vst v63  }
0x66: {  	_ =	swait.ge [sflag:s25], $0x2000  }
0x67: {  	[sflag:s25] =	ssyncset.done $0x0  }
0x68: {  	[sflag:s25] =	ssyncadd.s32 $0xFFFFE000  }
0x69: {  	[spmem:s3] =	stream.indirect.scatter.add.f32 [tilespmem:s21], [sflag:$0x3], $0x80, s26, s23, $0xb8;
	[tilespmem:$0x1E980] =	vst v63  }
0x6a: {  	_ =	swait.ge [sflag:s19], $0x2000  }
0x6b: {  	[sflag:s19] =	ssyncset.done $0x0  }
0x6c: {  	[sflag:s19] =	ssyncadd.s32 $0xFFFFE000  }
0x6d: {  	_ =	swait.ge [sflag:s22], $0x2000  }
0x6e: {  	[sflag:s22] =	ssyncset.done $0x0  }
0x6f: {  	s11 =	stileid.u32;
	[sflag:s22] =	ssyncadd.s32 $0xFFFFE000  }
0x70: {  	s2 =	sshll.u32 s11, $0x6;
	[bflag:$0x0] =	sbarrier.arrive $0xFFFF  }
0x71: {  	s30 =	sshrl.u32 s12, $0x3;
	s29 =	sor.u32 $0x1C03, s2;
	s17 =	rddreg [dreg:$0x5]  }
0x72: {  	[hbm:s17], [sflag:s29] =	dma.local [spmem:s30], $0x3000  }
0x73: {  	_ =	swait.ge [sflag:s19], $0x3000  }
0x74: {  	[sflag:s19] =	ssyncset.done $0x0  }
0x75: {  	[sflag:s19] =	ssyncadd.s32 $0xFFFFD000  }
0x76: {  	s31 =	sadd.s32 $0x0, s8;
	[bflag:$0x0] =	sbarrier.arrive $0xFFFF  }
0x77: {  	[spmem:s31] =	stream.linear.scatter [tilespmem:s18], [sflag:$0x3], $0x800, $0x38;
	[tilespmem:$0x1E980] =	vst v63  }
0x78: {  	s2 =	simm.s32 $0x2000;
	_ =	swait.ge [sflag:s19], $0x800  }
.LBB2_6:
0x79: {  	s4 =	sshra.s32 s2, $0x2;
	[sflag:s19] =	ssyncset.done $0x0;
	p0 =	sne.s32 s2, $0x66000  }
.Ltmp2:
0x7a: {  	s4 =	sadd.s32 s4, s8;
	[sflag:s19] =	ssyncadd.s32 $0xFFFFF800;
	(pc) =	sbr.rel @p0 .LBB2_6-.Ltmp2, $3  }
0x7b: {  	[spmem:s4] =	stream.linear.scatter [tilespmem:s18], [sflag:$0x3], $0x800, $0x38;
	[tilespmem:$0x1E980] =	vst v63  }
0x7c: {  	s2 =	sadd.s32 $0x2000, s2;
	_ =	sdelay $0x1  }
0x7d: {  	_ =	swait.ge [sflag:s19], $0x800  }
0x7e: {  	[sflag:s19] =	ssyncset.done $0x0  }
0x7f: {  	s2 =	simm.s32 $0x0;
	[sflag:s19] =	ssyncadd.s32 $0xFFFFF800  }
0x80: {  	s4 =	sand.u32 $0xFC00, s2;
	[bflag:$0x0] =	sbarrier.arrive $0xFFFF  }
0x81: {  	[tilespmem:s20], [sflag:$0x1] =	stream.linear.gather [hbm4b:s9+s2], $0x2000, $0x38;
	[tilespmem:$0x1E980] =	vst v63  }
0x82: {  	s4 =	sadd.s32 s7, s4;
	s2 =	sand.u32 $0x380, s2  }
0x83: {  	s2 =	sor.u32 s2, s4  }
0x84: {  	s2 =	sshrl.u32 s2, $0x3  }
0x85: {  	[tilespmem:s21], [sflag:$0x2] =	stream.linear.gather [hbm4b:s0+s5], $0x2000, $0x38;
	[tilespmem:$0x1E980] =	vst v63  }
0x86: {  	s2 =	sadd.s32 s1, s2  }
0x87: {  	[tilespmem:s5], [sflag:$0x3] =	stream.linear.gather [hbm4b:s2+s5], $0x80, $0x38;
	[tilespmem:$0x1E980] =	vst v63  }
0x88: {  	_ =	swait.ge [sflag:s19], $0x80  }
0x89: {  	[sflag:s19] =	ssyncset.done $0x0  }
0x8a: {  	[sflag:s19] =	ssyncadd.s32 $0xFFFFFF80  }
0x8b: {  	v0 =	vld [tilespmem:$0x70]  }
0x8c: {  	v1 =	vld [tilespmem:$0x30]  }
0x8d: {  	v2 =	vld [tilespmem:$0x60]  }
0x8e: {  	v4 =	vld [tilespmem:$0x20]  }
0x8f: {  	v6 =	vld [tilespmem:$0x0]  }
0x90: {  	v7 =	vld [tilespmem:$0x40];
	v0 =	vadd.s32 $0xFFFFD000, v0  }
0x91: {  	v3 =	vld [tilespmem:$0x50];
	v1 =	vadd.s32 $0xFFFFD000, v1;
	v0 =	vmin.u32 v0, $0x3000  }
0x92: {  	v5 =	vld [tilespmem:$0x10];
	v2 =	vadd.s32 $0xFFFFD000, v2;
	v1 =	vmin.u32 v1, $0x3000;
	[tilespmem:$0x130] =	vst v0  }
0x93: {  	v57 =	vadd.s32 $0xFFFFD000, v4;
	v2 =	vmin.u32 v2, $0x3000;
	[tilespmem:$0xB0] =	vst v1  }
0x94: {  	v60 =	vadd.s32 $0xFFFFD000, v6;
	v59 =	vmin.u32 v57, $0x3000;
	[tilespmem:$0x120] =	vst v2  }
0x95: {  	v62 =	vadd.s32 $0xFFFFD000, v7;
	v61 =	vmin.u32 v60, $0x3000;
	[tilespmem:$0xA0] =	vst v59  }
0x96: {  	v56 =	vadd.s32 $0xFFFFD000, v3;
	v63 =	vmin.u32 v62, $0x3000;
	[tilespmem:$0x80] =	vst v61  }
0x97: {  	v58 =	vadd.s32 $0xFFFFD000, v5;
	v0 =	vmin.u32 v56, $0x3000;
	[tilespmem:$0x100] =	vst v63  }
0x98: {  	v2 =	vmin.u32 v58, $0x3000;
	[tilespmem:$0x110] =	vst v0  }
0x99: {  	[tilespmem:$0x90] =	vst v2  }
0x9a: {  	s2 =	sadd.s32 $0x0, s7;
	_ =	swait.ge [sflag:s22], $0x2000  }
0x9b: {  	p0 =	slt.s32 s2, $0x8FF40;
	[sflag:s22] =	ssyncset.done $0x0  }
0x9c: {  	s2 =	simm.s32 @!p0 $0x8FF40;
	[sflag:s22] =	ssyncadd.s32 $0xFFFFE000  }
0x9d: {  	[spmem:s3] =	stream.indirect.scatter.add.f32 [tilespmem:s20], [sflag:$0x3], $0x80, s24, s23, $0xb8;
	[tilespmem:$0x1E980] =	vst v63  }
0x9e: {  	s31 =	simm.s32 $0x80;
	s2 =	sshll.u32 s2, $0x7;
	_ =	swait.ge [sflag:s19], $0x2000  }
0x9f: {  	s17 =	smov.u32 s0;
	s2 =	sadd.s32 s2, s10;
	[sflag:s19] =	ssyncset.done $0x0  }
.LBB2_8:
0xa0: {  	[sflag:s19] =	ssyncadd.s32 $0xFFFFE000  }
0xa1: {  	s4 =	sshrl.u32 s2, $0x3;
	s17 =	sadd.s32 $0x800, s17;
	s2 =	smov.u32 s31  }
0xa2: {  	p0 =	sne.s32 s31, $0x8F80;
	s31 =	sadd.s32 $0x80, s31;
	s4 =	sadd.s32 s6, s4  }
0xa3: {  	[tilespmem:s20], [sflag:$0x1] =	stream.linear.gather [hbm4b:s4+s5], $0x2000, $0x38;
	[tilespmem:$0x1E980] =	vst v63  }
0xa4: {  	_ =	swait.ge [sflag:s25], $0x2000  }
0xa5: {  	[sflag:s25] =	ssyncset.done $0x0  }
0xa6: {  	s4 =	sand.u32 $0xFC00, s2;
	[sflag:s25] =	ssyncadd.s32 $0xFFFFE000  }
0xa7: {  	[spmem:s3] =	stream.indirect.scatter.add.f32 [tilespmem:s21], [sflag:$0x3], $0x80, s26, s23, $0xb8;
	[tilespmem:$0x1E980] =	vst v63  }
0xa8: {  	s11 =	sand.u32 $0x380, s2;
	s4 =	sadd.s32 s7, s4;
	_ =	swait.ge [sflag:s19], $0x2000  }
0xa9: {  	s4 =	sor.u32 s11, s4;
	[sflag:s19] =	ssyncset.done $0x0  }
0xaa: {  	s4 =	sshrl.u32 s4, $0x3;
	[sflag:s19] =	ssyncadd.s32 $0xFFFFE000  }
0xab: {  	[tilespmem:s21], [sflag:$0x2] =	stream.linear.gather [hbm4b:s17+s5], $0x2000, $0x38;
	[tilespmem:$0x1E980] =	vst v63  }
0xac: {  	s4 =	sadd.s32 s1, s4  }
0xad: {  	[tilespmem:s5], [sflag:$0x3] =	stream.linear.gather [hbm4b:s4+s5], $0x80, $0x38;
	[tilespmem:$0x1E980] =	vst v63  }
0xae: {  	_ =	swait.ge [sflag:s19], $0x80  }
0xaf: {  	[sflag:s19] =	ssyncset.done $0x0  }
0xb0: {  	[sflag:s19] =	ssyncadd.s32 $0xFFFFFF80  }
0xb1: {  	v0 =	vld [tilespmem:$0x70]  }
0xb2: {  	v1 =	vld [tilespmem:$0x30]  }
0xb3: {  	v2 =	vld [tilespmem:$0x60]  }
0xb4: {  	v3 =	vld [tilespmem:$0x50]  }
0xb5: {  	v4 =	vld [tilespmem:$0x20]  }
0xb6: {  	v5 =	vld [tilespmem:$0x10];
	v0 =	vadd.s32 $0xFFFFD000, v0  }
0xb7: {  	v6 =	vld [tilespmem:$0x0];
	v1 =	vadd.s32 $0xFFFFD000, v1;
	v0 =	vmin.u32 v0, $0x3000  }
0xb8: {  	v7 =	vld [tilespmem:$0x40];
	v2 =	vadd.s32 $0xFFFFD000, v2;
	v1 =	vmin.u32 v1, $0x3000;
	[tilespmem:$0x130] =	vst v0  }
0xb9: {  	v0 =	vadd.s32 $0xFFFFD000, v3;
	v2 =	vmin.u32 v2, $0x3000;
	[tilespmem:$0xB0] =	vst v1  }
0xba: {  	v0 =	vmin.u32 v0, $0x3000;
	v1 =	vadd.s32 $0xFFFFD000, v4;
	[tilespmem:$0x120] =	vst v2  }
0xbb: {  	v2 =	vadd.s32 $0xFFFFD000, v5;
	[tilespmem:$0x110] =	vst v0;
	v0 =	vmin.u32 v1, $0x3000  }
0xbc: {  	v1 =	vadd.s32 $0xFFFFD000, v6;
	v2 =	vmin.u32 v2, $0x3000;
	[tilespmem:$0xA0] =	vst v0  }
0xbd: {  	v0 =	vmin.u32 v1, $0x3000;
	v1 =	vadd.s32 $0xFFFFD000, v7;
	[tilespmem:$0x90] =	vst v2  }
0xbe: {  	[tilespmem:$0x80] =	vst v0;
	v0 =	vmin.u32 v1, $0x3000  }
0xbf: {  	[tilespmem:$0x100] =	vst v0  }
0xc0: {  	s2 =	sadd.s32 s2, s7;
	_ =	swait.ge [sflag:s22], $0x2000  }
.Ltmp3:
0xc1: {  	p1 =	slt.s32 s2, $0x8FF40;
	[sflag:s22] =	ssyncset.done $0x0;
	(pc) =	sbr.rel @p0 .LBB2_8-.Ltmp3, $4  }
0xc2: {  	s2 =	simm.s32 @!p1 $0x8FF40;
	[sflag:s22] =	ssyncadd.s32 $0xFFFFE000  }
0xc3: {  	[spmem:s3] =	stream.indirect.scatter.add.f32 [tilespmem:s20], [sflag:$0x3], $0x80, s24, s23, $0xb8;
	[tilespmem:$0x1E980] =	vst v63  }
0xc4: {  	s2 =	sshll.u32 s2, $0x7;
	_ =	swait.ge [sflag:s19], $0x2000  }
0xc5: {  	s2 =	sadd.s32 s2, s10;
	[sflag:s19] =	ssyncset.done $0x0  }
0xc6: {  	s2 =	sshrl.u32 s2, $0x3  }
0xc7: {  	[sflag:s19] =	ssyncadd.s32 $0xFFFFE000;
	s2 =	sadd.s32 s6, s2  }
0xc8: {  	[tilespmem:s20], [sflag:$0x1] =	stream.linear.gather [hbm4b:s2+s5], $0x2000, $0x38;
	[tilespmem:$0x1E980] =	vst v63  }
0xc9: {  	_ =	swait.ge [sflag:s25], $0x2000  }
0xca: {  	[sflag:s25] =	ssyncset.done $0x0  }
0xcb: {  	[sflag:s25] =	ssyncadd.s32 $0xFFFFE000  }
0xcc: {  	[spmem:s3] =	stream.indirect.scatter.add.f32 [tilespmem:s21], [sflag:$0x3], $0x80, s26, s23, $0xb8;
	[tilespmem:$0x1E980] =	vst v63  }
0xcd: {  	_ =	swait.ge [sflag:s19], $0x2000  }
0xce: {  	[sflag:s19] =	ssyncset.done $0x0  }
0xcf: {  	[sflag:s19] =	ssyncadd.s32 $0xFFFFE000  }
0xd0: {  	_ =	swait.ge [sflag:s22], $0x2000  }
0xd1: {  	[sflag:s22] =	ssyncset.done $0x0  }
0xd2: {  	[sflag:s22] =	ssyncadd.s32 $0xFFFFE000  }
0xd3: {  	[bflag:$0x0] =	sbarrier.arrive $0xFFFF  }
0xd4: {  	[hbm:s13], [sflag:s29] =	dma.local [spmem:s30], $0x3000  }
0xd5: {  	_ =	swait.ge [sflag:s19], $0x3000  }
0xd6: {  	[sflag:s19] =	ssyncset.done $0x0  }
0xd7: {  	[sflag:s19] =	ssyncadd.s32 $0xFFFFD000  }
0xd8: {  	s31 =	sadd.s32 $0x0, s8;
	[bflag:$0x0] =	sbarrier.arrive $0xFFFF  }
0xd9: {  	[spmem:s31] =	stream.linear.scatter [tilespmem:s18], [sflag:$0x3], $0x800, $0x38;
	[tilespmem:$0x1E980] =	vst v63  }
0xda: {  	s2 =	simm.s32 $0x2000;
	_ =	swait.ge [sflag:s19], $0x800  }
.LBB2_10:
0xdb: {  	s4 =	sshra.s32 s2, $0x2;
	[sflag:s19] =	ssyncset.done $0x0;
	p0 =	sne.s32 s2, $0x66000  }
.Ltmp4:
0xdc: {  	s4 =	sadd.s32 s4, s8;
	[sflag:s19] =	ssyncadd.s32 $0xFFFFF800;
	(pc) =	sbr.rel @p0 .LBB2_10-.Ltmp4, $3  }
0xdd: {  	[spmem:s4] =	stream.linear.scatter [tilespmem:s18], [sflag:$0x3], $0x800, $0x38;
	[tilespmem:$0x1E980] =	vst v63  }
0xde: {  	s2 =	sadd.s32 $0x2000, s2;
	_ =	sdelay $0x1  }
0xdf: {  	_ =	swait.ge [sflag:s19], $0x800  }
0xe0: {  	[sflag:s19] =	ssyncset.done $0x0  }
0xe1: {  	s2 =	simm.s32 $0x0;
	[sflag:s19] =	ssyncadd.s32 $0xFFFFF800  }
0xe2: {  	s4 =	sand.u32 $0xFC00, s2;
	[bflag:$0x0] =	sbarrier.arrive $0xFFFF  }
0xe3: {  	[tilespmem:s20], [sflag:$0x1] =	stream.linear.gather [hbm4b:s9+s2], $0x2000, $0x38;
	[tilespmem:$0x1E980] =	vst v63  }
0xe4: {  	s4 =	sadd.s32 s7, s4;
	s2 =	sand.u32 $0x380, s2  }
0xe5: {  	s2 =	sor.u32 s2, s4  }
0xe6: {  	s2 =	sshrl.u32 s2, $0x3  }
0xe7: {  	[tilespmem:s21], [sflag:$0x2] =	stream.linear.gather [hbm4b:s0+s5], $0x2000, $0x38;
	[tilespmem:$0x1E980] =	vst v63  }
0xe8: {  	s2 =	sadd.s32 s1, s2  }
0xe9: {  	[tilespmem:s5], [sflag:$0x3] =	stream.linear.gather [hbm4b:s2+s5], $0x80, $0x38;
	[tilespmem:$0x1E980] =	vst v63  }
0xea: {  	_ =	swait.ge [sflag:s19], $0x80  }
0xeb: {  	[sflag:s19] =	ssyncset.done $0x0  }
0xec: {  	[sflag:s19] =	ssyncadd.s32 $0xFFFFFF80  }
0xed: {  	v0 =	vld [tilespmem:$0x70]  }
0xee: {  	v1 =	vld [tilespmem:$0x30]  }
0xef: {  	v2 =	vld [tilespmem:$0x60]  }
0xf0: {  	v4 =	vld [tilespmem:$0x20]  }
0xf1: {  	v6 =	vld [tilespmem:$0x0]  }
0xf2: {  	v7 =	vld [tilespmem:$0x40];
	v0 =	vadd.s32 $0xFFFFA000, v0  }
0xf3: {  	v3 =	vld [tilespmem:$0x50];
	v1 =	vadd.s32 $0xFFFFA000, v1;
	v0 =	vmin.u32 v0, $0x3000  }
0xf4: {  	v5 =	vld [tilespmem:$0x10];
	v2 =	vadd.s32 $0xFFFFA000, v2;
	v1 =	vmin.u32 v1, $0x3000;
	[tilespmem:$0x130] =	vst v0  }
0xf5: {  	v57 =	vadd.s32 $0xFFFFA000, v4;
	v2 =	vmin.u32 v2, $0x3000;
	[tilespmem:$0xB0] =	vst v1  }
0xf6: {  	v60 =	vadd.s32 $0xFFFFA000, v6;
	v59 =	vmin.u32 v57, $0x3000;
	[tilespmem:$0x120] =	vst v2  }
0xf7: {  	v62 =	vadd.s32 $0xFFFFA000, v7;
	v61 =	vmin.u32 v60, $0x3000;
	[tilespmem:$0xA0] =	vst v59  }
0xf8: {  	v56 =	vadd.s32 $0xFFFFA000, v3;
	v63 =	vmin.u32 v62, $0x3000;
	[tilespmem:$0x80] =	vst v61  }
0xf9: {  	v58 =	vadd.s32 $0xFFFFA000, v5;
	v0 =	vmin.u32 v56, $0x3000;
	[tilespmem:$0x100] =	vst v63  }
0xfa: {  	v2 =	vmin.u32 v58, $0x3000;
	[tilespmem:$0x110] =	vst v0  }
0xfb: {  	[tilespmem:$0x90] =	vst v2  }
0xfc: {  	s2 =	sadd.s32 $0x0, s7;
	_ =	swait.ge [sflag:s22], $0x2000  }
0xfd: {  	p0 =	slt.s32 s2, $0x8FF40;
	[sflag:s22] =	ssyncset.done $0x0  }
0xfe: {  	s2 =	simm.s32 @!p0 $0x8FF40;
	[sflag:s22] =	ssyncadd.s32 $0xFFFFE000  }
0xff: {  	[spmem:s3] =	stream.indirect.scatter.add.f32 [tilespmem:s20], [sflag:$0x3], $0x80, s24, s23, $0xb8;
	[tilespmem:$0x1E980] =	vst v63  }
0x100: {  	s31 =	simm.s32 $0x80;
	s2 =	sshll.u32 s2, $0x7;
	_ =	swait.ge [sflag:s19], $0x2000  }
0x101: {  	s17 =	smov.u32 s0;
	s2 =	sadd.s32 s2, s10;
	[sflag:s19] =	ssyncset.done $0x0  }
.LBB2_12:
0x102: {  	[sflag:s19] =	ssyncadd.s32 $0xFFFFE000  }
0x103: {  	s4 =	sshrl.u32 s2, $0x3;
	s17 =	sadd.s32 $0x800, s17;
	s2 =	smov.u32 s31  }
0x104: {  	p0 =	sne.s32 s31, $0x8F80;
	s31 =	sadd.s32 $0x80, s31;
	s4 =	sadd.s32 s6, s4  }
0x105: {  	[tilespmem:s20], [sflag:$0x1] =	stream.linear.gather [hbm4b:s4+s5], $0x2000, $0x38;
	[tilespmem:$0x1E980] =	vst v63  }
0x106: {  	_ =	swait.ge [sflag:s25], $0x2000  }
0x107: {  	[sflag:s25] =	ssyncset.done $0x0  }
0x108: {  	s4 =	sand.u32 $0xFC00, s2;
	[sflag:s25] =	ssyncadd.s32 $0xFFFFE000  }
0x109: {  	[spmem:s3] =	stream.indirect.scatter.add.f32 [tilespmem:s21], [sflag:$0x3], $0x80, s26, s23, $0xb8;
	[tilespmem:$0x1E980] =	vst v63  }
0x10a: {  	s11 =	sand.u32 $0x380, s2;
	s4 =	sadd.s32 s7, s4;
	_ =	swait.ge [sflag:s19], $0x2000  }
0x10b: {  	s4 =	sor.u32 s11, s4;
	[sflag:s19] =	ssyncset.done $0x0  }
0x10c: {  	s4 =	sshrl.u32 s4, $0x3;
	[sflag:s19] =	ssyncadd.s32 $0xFFFFE000  }
0x10d: {  	[tilespmem:s21], [sflag:$0x2] =	stream.linear.gather [hbm4b:s17+s5], $0x2000, $0x38;
	[tilespmem:$0x1E980] =	vst v63  }
0x10e: {  	s4 =	sadd.s32 s1, s4  }
0x10f: {  	[tilespmem:s5], [sflag:$0x3] =	stream.linear.gather [hbm4b:s4+s5], $0x80, $0x38;
	[tilespmem:$0x1E980] =	vst v63  }
0x110: {  	_ =	swait.ge [sflag:s19], $0x80  }
0x111: {  	[sflag:s19] =	ssyncset.done $0x0  }
0x112: {  	[sflag:s19] =	ssyncadd.s32 $0xFFFFFF80  }
0x113: {  	v0 =	vld [tilespmem:$0x70]  }
0x114: {  	v1 =	vld [tilespmem:$0x30]  }
0x115: {  	v2 =	vld [tilespmem:$0x60]  }
0x116: {  	v3 =	vld [tilespmem:$0x50]  }
0x117: {  	v4 =	vld [tilespmem:$0x20]  }
0x118: {  	v5 =	vld [tilespmem:$0x10];
	v0 =	vadd.s32 $0xFFFFA000, v0  }
0x119: {  	v6 =	vld [tilespmem:$0x0];
	v1 =	vadd.s32 $0xFFFFA000, v1;
	v0 =	vmin.u32 v0, $0x3000  }
0x11a: {  	v7 =	vld [tilespmem:$0x40];
	v2 =	vadd.s32 $0xFFFFA000, v2;
	v1 =	vmin.u32 v1, $0x3000;
	[tilespmem:$0x130] =	vst v0  }
0x11b: {  	v0 =	vadd.s32 $0xFFFFA000, v3;
	v2 =	vmin.u32 v2, $0x3000;
	[tilespmem:$0xB0] =	vst v1  }
0x11c: {  	v0 =	vmin.u32 v0, $0x3000;
	v1 =	vadd.s32 $0xFFFFA000, v4;
	[tilespmem:$0x120] =	vst v2  }
0x11d: {  	v2 =	vadd.s32 $0xFFFFA000, v5;
	[tilespmem:$0x110] =	vst v0;
	v0 =	vmin.u32 v1, $0x3000  }
0x11e: {  	v1 =	vadd.s32 $0xFFFFA000, v6;
	v2 =	vmin.u32 v2, $0x3000;
	[tilespmem:$0xA0] =	vst v0  }
0x11f: {  	v0 =	vmin.u32 v1, $0x3000;
	v1 =	vadd.s32 $0xFFFFA000, v7;
	[tilespmem:$0x90] =	vst v2  }
0x120: {  	[tilespmem:$0x80] =	vst v0;
	v0 =	vmin.u32 v1, $0x3000  }
0x121: {  	[tilespmem:$0x100] =	vst v0  }
0x122: {  	s2 =	sadd.s32 s2, s7;
	_ =	swait.ge [sflag:s22], $0x2000  }
.Ltmp5:
0x123: {  	p1 =	slt.s32 s2, $0x8FF40;
	[sflag:s22] =	ssyncset.done $0x0;
	(pc) =	sbr.rel @p0 .LBB2_12-.Ltmp5, $4  }
0x124: {  	s2 =	simm.s32 @!p1 $0x8FF40;
	[sflag:s22] =	ssyncadd.s32 $0xFFFFE000  }
0x125: {  	[spmem:s3] =	stream.indirect.scatter.add.f32 [tilespmem:s20], [sflag:$0x3], $0x80, s24, s23, $0xb8;
	[tilespmem:$0x1E980] =	vst v63  }
0x126: {  	s2 =	sshll.u32 s2, $0x7;
	_ =	swait.ge [sflag:s19], $0x2000  }
0x127: {  	s2 =	sadd.s32 s2, s10;
	[sflag:s19] =	ssyncset.done $0x0  }
0x128: {  	s2 =	sshrl.u32 s2, $0x3  }
0x129: {  	[sflag:s19] =	ssyncadd.s32 $0xFFFFE000;
	s2 =	sadd.s32 s6, s2  }
0x12a: {  	[tilespmem:s20], [sflag:$0x1] =	stream.linear.gather [hbm4b:s2+s5], $0x2000, $0x38;
	[tilespmem:$0x1E980] =	vst v63  }
0x12b: {  	_ =	swait.ge [sflag:s25], $0x2000  }
0x12c: {  	[sflag:s25] =	ssyncset.done $0x0  }
0x12d: {  	[sflag:s25] =	ssyncadd.s32 $0xFFFFE000  }
0x12e: {  	[spmem:s3] =	stream.indirect.scatter.add.f32 [tilespmem:s21], [sflag:$0x3], $0x80, s26, s23, $0xb8;
	[tilespmem:$0x1E980] =	vst v63  }
0x12f: {  	_ =	swait.ge [sflag:s19], $0x2000  }
0x130: {  	[sflag:s19] =	ssyncset.done $0x0  }
0x131: {  	[sflag:s19] =	ssyncadd.s32 $0xFFFFE000  }
0x132: {  	_ =	swait.ge [sflag:s22], $0x2000  }
0x133: {  	[sflag:s22] =	ssyncset.done $0x0  }
0x134: {  	[sflag:s22] =	ssyncadd.s32 $0xFFFFE000  }
0x135: {  	[bflag:$0x0] =	sbarrier.arrive $0xFFFF  }
0x136: {  	[hbm:s14], [sflag:s29] =	dma.local [spmem:s30], $0x3000  }
0x137: {  	_ =	swait.ge [sflag:s19], $0x3000  }
0x138: {  	[sflag:s19] =	ssyncset.done $0x0  }
0x139: {  	[sflag:s19] =	ssyncadd.s32 $0xFFFFD000  }
0x13a: {  	s31 =	sadd.s32 $0x0, s8;
	[bflag:$0x0] =	sbarrier.arrive $0xFFFF  }
0x13b: {  	[spmem:s31] =	stream.linear.scatter [tilespmem:s18], [sflag:$0x3], $0x800, $0x38;
	[tilespmem:$0x1E980] =	vst v63  }
0x13c: {  	s2 =	simm.s32 $0x2000;
	_ =	swait.ge [sflag:s19], $0x800  }
.LBB2_14:
0x13d: {  	s4 =	sshra.s32 s2, $0x2;
	[sflag:s19] =	ssyncset.done $0x0;
	p0 =	sne.s32 s2, $0x66000  }
.Ltmp6:
0x13e: {  	s4 =	sadd.s32 s4, s8;
	[sflag:s19] =	ssyncadd.s32 $0xFFFFF800;
	(pc) =	sbr.rel @p0 .LBB2_14-.Ltmp6, $3  }
0x13f: {  	[spmem:s4] =	stream.linear.scatter [tilespmem:s18], [sflag:$0x3], $0x800, $0x38;
	[tilespmem:$0x1E980] =	vst v63  }
0x140: {  	s2 =	sadd.s32 $0x2000, s2;
	_ =	sdelay $0x1  }
0x141: {  	_ =	swait.ge [sflag:s19], $0x800  }
0x142: {  	[sflag:s19] =	ssyncset.done $0x0  }
0x143: {  	s2 =	simm.s32 $0x0;
	[sflag:s19] =	ssyncadd.s32 $0xFFFFF800  }
0x144: {  	s4 =	sand.u32 $0xFC00, s2;
	[bflag:$0x0] =	sbarrier.arrive $0xFFFF  }
0x145: {  	[tilespmem:s20], [sflag:$0x1] =	stream.linear.gather [hbm4b:s9+s2], $0x2000, $0x38;
	[tilespmem:$0x1E980] =	vst v63  }
0x146: {  	s4 =	sadd.s32 s7, s4;
	s2 =	sand.u32 $0x380, s2  }
0x147: {  	s2 =	sor.u32 s2, s4  }
0x148: {  	s2 =	sshrl.u32 s2, $0x3  }
0x149: {  	[tilespmem:s21], [sflag:$0x2] =	stream.linear.gather [hbm4b:s0+s5], $0x2000, $0x38;
	[tilespmem:$0x1E980] =	vst v63  }
0x14a: {  	s2 =	sadd.s32 s1, s2  }
0x14b: {  	[tilespmem:s5], [sflag:$0x3] =	stream.linear.gather [hbm4b:s2+s5], $0x80, $0x38;
	[tilespmem:$0x1E980] =	vst v63  }
0x14c: {  	_ =	swait.ge [sflag:s19], $0x80  }
0x14d: {  	[sflag:s19] =	ssyncset.done $0x0  }
0x14e: {  	[sflag:s19] =	ssyncadd.s32 $0xFFFFFF80  }
0x14f: {  	v0 =	vld [tilespmem:$0x70]  }
0x150: {  	v1 =	vld [tilespmem:$0x30]  }
0x151: {  	v2 =	vld [tilespmem:$0x60]  }
0x152: {  	v4 =	vld [tilespmem:$0x20]  }
0x153: {  	v6 =	vld [tilespmem:$0x0]  }
0x154: {  	v7 =	vld [tilespmem:$0x40];
	v0 =	vadd.s32 $0xFFFF7000, v0  }
0x155: {  	v3 =	vld [tilespmem:$0x50];
	v1 =	vadd.s32 $0xFFFF7000, v1;
	v0 =	vmin.u32 v0, $0x3000  }
0x156: {  	v5 =	vld [tilespmem:$0x10];
	v2 =	vadd.s32 $0xFFFF7000, v2;
	v1 =	vmin.u32 v1, $0x3000;
	[tilespmem:$0x130] =	vst v0  }
0x157: {  	v57 =	vadd.s32 $0xFFFF7000, v4;
	v2 =	vmin.u32 v2, $0x3000;
	[tilespmem:$0xB0] =	vst v1  }
0x158: {  	v60 =	vadd.s32 $0xFFFF7000, v6;
	v59 =	vmin.u32 v57, $0x3000;
	[tilespmem:$0x120] =	vst v2  }
0x159: {  	v62 =	vadd.s32 $0xFFFF7000, v7;
	v61 =	vmin.u32 v60, $0x3000;
	[tilespmem:$0xA0] =	vst v59  }
0x15a: {  	v56 =	vadd.s32 $0xFFFF7000, v3;
	v63 =	vmin.u32 v62, $0x3000;
	[tilespmem:$0x80] =	vst v61  }
0x15b: {  	v58 =	vadd.s32 $0xFFFF7000, v5;
	v0 =	vmin.u32 v56, $0x3000;
	[tilespmem:$0x100] =	vst v63  }
0x15c: {  	v2 =	vmin.u32 v58, $0x3000;
	[tilespmem:$0x110] =	vst v0  }
0x15d: {  	[tilespmem:$0x90] =	vst v2  }
0x15e: {  	s2 =	sadd.s32 $0x0, s7;
	_ =	swait.ge [sflag:s22], $0x2000  }
0x15f: {  	p0 =	slt.s32 s2, $0x8FF40;
	[sflag:s22] =	ssyncset.done $0x0  }
0x160: {  	s2 =	simm.s32 @!p0 $0x8FF40;
	[sflag:s22] =	ssyncadd.s32 $0xFFFFE000  }
0x161: {  	[spmem:s3] =	stream.indirect.scatter.add.f32 [tilespmem:s20], [sflag:$0x3], $0x80, s24, s23, $0xb8;
	[tilespmem:$0x1E980] =	vst v63  }
0x162: {  	s31 =	simm.s32 $0x80;
	s2 =	sshll.u32 s2, $0x7;
	_ =	swait.ge [sflag:s19], $0x2000  }
0x163: {  	s17 =	smov.u32 s0;
	s2 =	sadd.s32 s2, s10;
	[sflag:s19] =	ssyncset.done $0x0  }
.LBB2_16:
0x164: {  	[sflag:s19] =	ssyncadd.s32 $0xFFFFE000  }
0x165: {  	s4 =	sshrl.u32 s2, $0x3;
	s17 =	sadd.s32 $0x800, s17;
	s2 =	smov.u32 s31  }
0x166: {  	p0 =	sne.s32 s31, $0x8F80;
	s31 =	sadd.s32 $0x80, s31;
	s4 =	sadd.s32 s6, s4  }
0x167: {  	[tilespmem:s20], [sflag:$0x1] =	stream.linear.gather [hbm4b:s4+s5], $0x2000, $0x38;
	[tilespmem:$0x1E980] =	vst v63  }
0x168: {  	_ =	swait.ge [sflag:s25], $0x2000  }
0x169: {  	[sflag:s25] =	ssyncset.done $0x0  }
0x16a: {  	s4 =	sand.u32 $0xFC00, s2;
	[sflag:s25] =	ssyncadd.s32 $0xFFFFE000  }
0x16b: {  	[spmem:s3] =	stream.indirect.scatter.add.f32 [tilespmem:s21], [sflag:$0x3], $0x80, s26, s23, $0xb8;
	[tilespmem:$0x1E980] =	vst v63  }
0x16c: {  	s11 =	sand.u32 $0x380, s2;
	s4 =	sadd.s32 s7, s4;
	_ =	swait.ge [sflag:s19], $0x2000  }
0x16d: {  	s4 =	sor.u32 s11, s4;
	[sflag:s19] =	ssyncset.done $0x0  }
0x16e: {  	s4 =	sshrl.u32 s4, $0x3;
	[sflag:s19] =	ssyncadd.s32 $0xFFFFE000  }
0x16f: {  	[tilespmem:s21], [sflag:$0x2] =	stream.linear.gather [hbm4b:s17+s5], $0x2000, $0x38;
	[tilespmem:$0x1E980] =	vst v63  }
0x170: {  	s4 =	sadd.s32 s1, s4  }
0x171: {  	[tilespmem:s5], [sflag:$0x3] =	stream.linear.gather [hbm4b:s4+s5], $0x80, $0x38;
	[tilespmem:$0x1E980] =	vst v63  }
0x172: {  	_ =	swait.ge [sflag:s19], $0x80  }
0x173: {  	[sflag:s19] =	ssyncset.done $0x0  }
0x174: {  	[sflag:s19] =	ssyncadd.s32 $0xFFFFFF80  }
0x175: {  	v0 =	vld [tilespmem:$0x70]  }
0x176: {  	v1 =	vld [tilespmem:$0x30]  }
0x177: {  	v2 =	vld [tilespmem:$0x60]  }
0x178: {  	v3 =	vld [tilespmem:$0x50]  }
0x179: {  	v4 =	vld [tilespmem:$0x20]  }
0x17a: {  	v5 =	vld [tilespmem:$0x10];
	v0 =	vadd.s32 $0xFFFF7000, v0  }
0x17b: {  	v6 =	vld [tilespmem:$0x0];
	v1 =	vadd.s32 $0xFFFF7000, v1;
	v0 =	vmin.u32 v0, $0x3000  }
0x17c: {  	v7 =	vld [tilespmem:$0x40];
	v2 =	vadd.s32 $0xFFFF7000, v2;
	v1 =	vmin.u32 v1, $0x3000;
	[tilespmem:$0x130] =	vst v0  }
0x17d: {  	v0 =	vadd.s32 $0xFFFF7000, v3;
	v2 =	vmin.u32 v2, $0x3000;
	[tilespmem:$0xB0] =	vst v1  }
0x17e: {  	v0 =	vmin.u32 v0, $0x3000;
	v1 =	vadd.s32 $0xFFFF7000, v4;
	[tilespmem:$0x120] =	vst v2  }
0x17f: {  	v2 =	vadd.s32 $0xFFFF7000, v5;
	[tilespmem:$0x110] =	vst v0;
	v0 =	vmin.u32 v1, $0x3000  }
0x180: {  	v1 =	vadd.s32 $0xFFFF7000, v6;
	v2 =	vmin.u32 v2, $0x3000;
	[tilespmem:$0xA0] =	vst v0  }
0x181: {  	v0 =	vmin.u32 v1, $0x3000;
	v1 =	vadd.s32 $0xFFFF7000, v7;
	[tilespmem:$0x90] =	vst v2  }
0x182: {  	[tilespmem:$0x80] =	vst v0;
	v0 =	vmin.u32 v1, $0x3000  }
0x183: {  	[tilespmem:$0x100] =	vst v0  }
0x184: {  	s2 =	sadd.s32 s2, s7;
	_ =	swait.ge [sflag:s22], $0x2000  }
.Ltmp7:
0x185: {  	p1 =	slt.s32 s2, $0x8FF40;
	[sflag:s22] =	ssyncset.done $0x0;
	(pc) =	sbr.rel @p0 .LBB2_16-.Ltmp7, $4  }
0x186: {  	s2 =	simm.s32 @!p1 $0x8FF40;
	[sflag:s22] =	ssyncadd.s32 $0xFFFFE000  }
0x187: {  	[spmem:s3] =	stream.indirect.scatter.add.f32 [tilespmem:s20], [sflag:$0x3], $0x80, s24, s23, $0xb8;
	[tilespmem:$0x1E980] =	vst v63  }
0x188: {  	s2 =	sshll.u32 s2, $0x7;
	_ =	swait.ge [sflag:s19], $0x2000  }
0x189: {  	s2 =	sadd.s32 s2, s10;
	[sflag:s19] =	ssyncset.done $0x0  }
0x18a: {  	s2 =	sshrl.u32 s2, $0x3  }
0x18b: {  	[sflag:s19] =	ssyncadd.s32 $0xFFFFE000;
	s2 =	sadd.s32 s6, s2  }
0x18c: {  	[tilespmem:s20], [sflag:$0x1] =	stream.linear.gather [hbm4b:s2+s5], $0x2000, $0x38;
	[tilespmem:$0x1E980] =	vst v63  }
0x18d: {  	_ =	swait.ge [sflag:s25], $0x2000  }
0x18e: {  	[sflag:s25] =	ssyncset.done $0x0  }
0x18f: {  	[sflag:s25] =	ssyncadd.s32 $0xFFFFE000  }
0x190: {  	[spmem:s3] =	stream.indirect.scatter.add.f32 [tilespmem:s21], [sflag:$0x3], $0x80, s26, s23, $0xb8;
	[tilespmem:$0x1E980] =	vst v63  }
0x191: {  	_ =	swait.ge [sflag:s19], $0x2000  }
0x192: {  	[sflag:s19] =	ssyncset.done $0x0  }
0x193: {  	[sflag:s19] =	ssyncadd.s32 $0xFFFFE000  }
0x194: {  	_ =	swait.ge [sflag:s22], $0x2000  }
0x195: {  	[sflag:s22] =	ssyncset.done $0x0  }
0x196: {  	s28 =	sadd.s32 $0x1, s28;
	[sflag:s22] =	ssyncadd.s32 $0xFFFFE000  }
0x197: {  	p0 =	sne.s32 s28, s16;
	[bflag:$0x0] =	sbarrier.arrive $0xFFFF  }
0x198: {  	[hbm:s15], [sflag:s29] =	dma.local [spmem:s30], $0x3000  }
.Ltmp8:
0x199: {  	_ =	swait.ge [sflag:s19], $0x3000;
	(pc) =	sbr.rel @p0 .LBB2_1-.Ltmp8, $3  }
0x19a: {  	[sflag:s19] =	ssyncset.done $0x0  }
0x19b: {  	[sflag:s19] =	ssyncadd.s32 $0xFFFFD000  }
0x19c: {  	[bflag:$0x0] =	sbarrier.arrive $0xFFFF;
	_ =	sdelay $0x1  }
0x19d: {  	_ =	sfence.sel $0x180000  }
0x19e: {  	[bflag:$0x0] =	sbarrier.arrive $0xFFFF  }
0x19f: {  	_ =	strace $0x90000050  }
0x1a0: {  	s0 =	stileid.u32;
	[bflag:$0x2] =	sbarrier.arrive $0xFFFF  }
0x1a1: {  	p0 =	sne.s32 s0, $0x0;
	s0 =	rddreg [dreg:$0x4]  }
0x1a2: {  	s0 =	sadd.s32 @!p0 $0x100000, s0  }
0x1a3: {  	[sflag:s0] =	ssyncadd.tile.s32 @!p0 $0x1;
	_ =	shalt  }
.Lfunc_end2:
_tile_overlayer_lowered:
.L_overlay_start_2:
0x1a4: {  	(tag) =	ssettag $0x2  }
0x1a5: {  	s0 =	rddreg [dreg:$0x0];
	s2 =	stileid.u32  }
0x1a6: {  	s1 =	rddreg [dreg:$0x1];
	p0 =	sne.s32 s2, $0x0  }
0x1a7: {  	s3 =	rddreg [dreg:$0x2];
	[bflag:$0x3] =	sbarrier.arrive $0xFFFF;
	s2 =	simm.s32 @!p0 $0x1C03  }
0x1a8: {  	[timem:s3], [sflag:s2] =	dma.local @!p0 [hbm:s0], s1  }
0x1a9: {  	s0 =	simm.s32 @!p0 $0x3  }
0x1aa: {  	_ =	swait.ge @!p0 [sflag:s0], s1  }
0x1ab: {  	s1 =	ssub.s32 @!p0 $0x0, s1;
	[sflag:s0] =	ssyncset.done @!p0 $0x0  }
0x1ac: {  	[sflag:s0] =	ssyncadd.s32 @!p0 s1  }
0x1ad: {  	[bflag:$0x3] =	sbarrier.arrive $0xFFFF  }
0x1ae: {  	_ =	shalt  }

// kernel: kernel.18.cloned.1.call-start
scs
__scs_entry_jumppad:
0x0: {  	(pc) =	sbr.rel $0x88, $3  }
0x1: {  	(tag) =	ssettag $0x0;
	lr =	simm.s32 $0x1  }
0x2: {  	[smem:$0x3F93] =	sst lr;
	_ =	strace $0xD0000000  }
0x3: {  	_ = 	snop  }
0x4: {  	_ = 	snop  }
0x5: {  	_ = 	snop  }
0x6: {  	_ = 	snop  }
0x7: {  	_ = 	snop  }
__scs_overlays_trampoline_lowered:
0x8: {  	[smem:$0x3FA2] =	sst s0  }
0x9: {  	[smem:$0x3FA3] =	sst s1  }
0xa: {  	[smem:$0x3FA4] =	sst s2  }
0xb: {  	[smem:$0x3FA5] =	sst s3  }
0xc: {  	[smem:$0x3FA6] =	sst s4  }
0xd: {  	[smem:$0x3FA7] =	sst s5  }
0xe: {  	[smem:$0x3FA8] =	sst s6  }
0xf: {  	[smem:$0x3FA9] =	sst s7  }
0x10: {  	[smem:$0x3FAA] =	sst s8  }
0x11: {  	[smem:$0x3FAB] =	sst s9;
	s0 =	simm.s32 @!p0 $0x0  }
0x12: {  	s1 =	sld [smem:$0x3F91];
	s0 =	simm.s32 @p0 $0x1  }
0x13: {  	[smem:$0x3FAC] =	sst s0;
	s0 =	simm.s32 @!p1 $0x0  }
0x14: {  	s2 =	sld [smem:$0x3F90];
	s0 =	simm.s32 @p1 $0x1  }
0x15: {  	[smem:$0x3FAD] =	sst s0;
	s0 =	simm.s32 @!p2 $0x0  }
0x16: {  	s3 =	sld [smem:$0x3FDB];
	s0 =	simm.s32 @p2 $0x1  }
0x17: {  	s4 =	simm.s32 $0x1BF5;
	[smem:$0x3FAF] =	sst s0  }
0x18: {  	s0 =	sld [smem:$0x3F92];
	_ =	swait.ge [sflag:s4], $0x0  }
0x19: {  	s7 =	sld [smem:$0x3F93]  }
0x1a: {  	s8 =	sadd.s32 $0xFFFFE003, lr  }
0x1b: {  	s9 =	sadd.s32 $0xFFFFFEF7, lr;
	s5 =	simm.s32 $0xFFFFFFFF;
	p2 =	slt.u32 s8, $0xFFFFF086  }
0x1c: {  	p1 =	slt.u32 s9, $0xF7A;
	s5 =	simm.s32 @!p2 $0x0  }
0x1d: {  	s5 =	simm.s32 @p1 $0x1;
	p0 =	seq.s32 s7, s2  }
0x1e: {  	s7 =	smul.u32 @!p0 $0xF7A, s2;
	p2 =	seq.s32 @!p0 s5, $0x0  }
0x1f: {  	s9 =	smul.u32 $0xF7A, s1;
	s8 =	simm.s32 @!p0 $0x1BF5;
	p2 =	por !p2, p0  }
0x20: {  	[sflag:s8] =	ssyncset.s32 @!p0 $0xFFFFF086;
	s6 =	sadd.s32 @!p0 s3, s7;
	s7 =	simm.s32 @!p0 $0x108  }
0x21: {  	s3 =	sadd.s32 s3, s9;
	s6 =	sadd.s32 @!p0 $0x88, s6;
	s7 =	simm.s32 @p2 $0x1082  }
0x22: {  	[simem:s7], [sflag:s8] =	dma.local @!p0 [hbm:s6], $0xF7A  }
0x23: {  	s9 =	sor.u32 $0xD0000000, s2;
	s6 =	simm.s32 $0x108;
	_ =	swait.ge @!p0 [sflag:s8], $0x0  }
0x24: {  	s3 =	sadd.s32 $0x88, s3;
	s6 =	simm.s32 @!p1 $0x1082;
	[sflag:s4] =	ssyncset.s32 $0xFFFFF086  }
0x25: {  	[simem:s6], [sflag:s4] =	dma.local [hbm:s3], $0xF7A  }
0x26: {  	[smem:$0x3F93] =	sst s1;
	(tag) =	ssettag s2;
	_ =	strace s9  }
0x27: {  	s1 =	sld [smem:$0x3FA3]  }
0x28: {  	s2 =	sld [smem:$0x3FA4]  }
0x29: {  	s4 =	sld [smem:$0x3FA6]  }
0x2a: {  	p0 =	seq.s32 s5, $0x0;
	s5 =	sld [smem:$0x3FA7]  }
0x2b: {  	s6 =	sld [smem:$0x3FA8]  }
0x2c: {  	s7 =	sld [smem:$0x3FA9]  }
0x2d: {  	s3 =	simm.s32 $0x108;
	s8 =	sld [smem:$0x3FAA]  }
0x2e: {  	s3 =	simm.s32 @!p0 $0x1082;
	s9 =	sld [smem:$0x3FAB]  }
0x2f: {  	lr =	sadd.s32 s0, s3;
	s0 =	sld [smem:$0x3FA2]  }
0x30: {  	s3 =	sld [smem:$0x3FA5]  }
0x31: {  	[smem:$0x3FAE] =	sst s10  }
0x32: {  	s10 =	sld [smem:$0x3FAC];
	_ =	sdelay $0x3  }
0x33: {  	p0 =	seq.s32 s10, $0x1;
	s10 =	sld [smem:$0x3FAE];
	_ =	sdelay $0x3  }
0x34: {  	[smem:$0x3FAE] =	sst s10  }
0x35: {  	s10 =	sld [smem:$0x3FAD];
	_ =	sdelay $0x3  }
0x36: {  	p1 =	seq.s32 s10, $0x1;
	s10 =	sld [smem:$0x3FAE];
	_ =	sdelay $0x3  }
0x37: {  	[smem:$0x3FAE] =	sst s10  }
0x38: {  	s10 =	sld [smem:$0x3FAF]  }
0x39: {  	_ = 	snop;
	(pc) =	sbr.ind lr, $3  }
0x3a: {  	_ = 	snop  }
0x3b: {  	_ = 	snop  }
0x3c: {  	p2 =	seq.s32 s10, $0x1;
	s10 =	sld [smem:$0x3FAE]  }
0x3d: {  	_ =	shalt  }
0x3e: {  	_ =	shalt  }
0x3f: {  	_ =	shalt  }
0x40: {  	_ =	shalt  }
0x41: {  	_ =	shalt  }
0x42: {  	_ =	shalt  }
0x43: {  	_ =	shalt  }
0x44: {  	_ =	shalt  }
0x45: {  	_ =	shalt  }
0x46: {  	_ =	shalt  }
0x47: {  	_ =	shalt  }
0x48: {  	_ =	shalt  }
0x49: {  	_ =	shalt  }
0x4a: {  	_ =	shalt  }
0x4b: {  	_ =	shalt  }
0x4c: {  	_ =	shalt  }
0x4d: {  	_ =	shalt  }
0x4e: {  	_ =	shalt  }
0x4f: {  	_ =	shalt  }
0x50: {  	_ =	shalt  }
0x51: {  	_ =	shalt  }
0x52: {  	_ =	shalt  }
0x53: {  	_ =	shalt  }
0x54: {  	_ =	shalt  }
0x55: {  	_ =	shalt  }
0x56: {  	_ =	shalt  }
0x57: {  	_ =	shalt  }
0x58: {  	_ =	shalt  }
0x59: {  	_ =	shalt  }
0x5a: {  	_ =	shalt  }
0x5b: {  	_ =	shalt  }
0x5c: {  	_ =	shalt  }
0x5d: {  	_ =	shalt  }
0x5e: {  	_ =	shalt  }
0x5f: {  	_ =	shalt  }
0x60: {  	_ =	shalt  }
0x61: {  	_ =	shalt  }
0x62: {  	_ =	shalt  }
0x63: {  	_ =	shalt  }
0x64: {  	_ =	shalt  }
0x65: {  	_ =	shalt  }
0x66: {  	_ =	shalt  }
0x67: {  	_ =	shalt  }
0x68: {  	_ =	shalt  }
0x69: {  	_ =	shalt  }
0x6a: {  	_ =	shalt  }
0x6b: {  	_ =	shalt  }
0x6c: {  	_ =	shalt  }
0x6d: {  	_ =	shalt  }
0x6e: {  	_ =	shalt  }
0x6f: {  	_ =	shalt  }
0x70: {  	_ =	shalt  }
0x71: {  	_ =	shalt  }
0x72: {  	_ =	shalt  }
0x73: {  	_ =	shalt  }
0x74: {  	_ =	shalt  }
0x75: {  	_ =	shalt  }
0x76: {  	_ =	shalt  }
0x77: {  	_ =	shalt  }
0x78: {  	_ =	shalt  }
0x79: {  	_ =	shalt  }
0x7a: {  	_ =	shalt  }
0x7b: {  	_ =	shalt  }
0x7c: {  	_ =	shalt  }
0x7d: {  	_ =	shalt  }
0x7e: {  	_ =	shalt  }
0x7f: {  	_ =	shalt  }
0x80: {  	_ =	shalt  }
0x81: {  	_ =	shalt  }
0x82: {  	_ =	shalt  }
0x83: {  	_ =	shalt  }
0x84: {  	_ =	shalt  }
0x85: {  	_ =	shalt  }
0x86: {  	_ =	shalt  }
0x87: {  	_ =	shalt  }
.Lfunc_end0:
.L_simem_size_0:
called_computation.2_lowered:
.L_overlay_start_0:
0x88: {  	s2 =	sld [smem:$0x3FD9]  }
0x89: {  	s3 =	sld [smem:$0x3FFE];
	_ =	sdelay $0x1  }
0x8a: {  	s1 =	srdreg.scid  }
0x8b: {  	s0 =	sand.u32 $0x1, s1  }
0x8c: {  	s16 =	sshll.u32 s0, $0xA;
	s2 =	sadd.s32 s3, s2  }
0x8d: {  	s2 =	sadd.s32 s2, s16  }
0x8e: {  	[smem:$0x3FBA] =	sst s2  }
0x8f: {  	_ = 	snop  }
0x90: {  	(tm) =	ssettm $0x1  }
0x91: {  	s17 =	sld [smem:$0x3FFB];
	_ =	sdelay $0x3  }
0x92: {  	_ =	strace s17  }
0x93: {  	s2 =	sld [smem:$0x3FFC];
	_ =	sdelay $0x3  }
0x94: {  	_ =	strace s2  }
0x95: {  	s2 =	sld [smem:$0x3FFD];
	_ =	sdelay $0x3  }
0x96: {  	_ =	strace s2  }
0x97: {  	_ =	strace $0x8FFFFFFF  }
0x98: {  	s18 =	sld [smem:$0x3FDB];
	_ =	sdelay $0x1  }
0x99: {  	s19 =	simm.s32 $_scs_section_size  }
0x9a: {  	s4 =	simm.s32 $_size__tile_overlayer_lowered;
	s5 =	simm.s32 $_tile_overlayer_lowered  }
0x9b: {  	s22 =	simm.s32 $0x1BFF;
	s21 =	sshll.u32 s5, $0x1;
	s2 =	sadd.s32 s19, s18  }
0x9c: {  	s6 =	simm.s32 $0x0;
	s20 =	sshll.u32 s4, $0x1;
	s4 =	sadd.s32 s21, s2  }
0x9d: {  	[timem:s6], [sflag:s22] =	dma.local [hbm:s4], s20  }
0x9e: {  	_ =	swait.ge [sflag:s22], s20  }
0x9f: {  	s3 =	ssub.s32 $0x0, s20;
	[sflag:s22] =	ssyncset.done $0x0  }
0xa0: {  	[sflag:s22] =	ssyncadd.s32 s3;
	_ =	sdelay $0x1  }
0xa1: {  	s23 =	simm.s32 $0x1B8B  }
0xa2: {  	_ =	swait.ge [sflag:s23], $0x1  }
0xa3: {  	[sflag:s23] =	ssyncset.done $0x0  }
0xa4: {  	s25 =	simm.s32 $0x1B8E;
	s24 =	sld [smem:$0x3FFE];
	[sflag:s23] =	ssyncadd.s32 $0xFFFFFFFF  }
0xa5: {  	s26 =	simm.s32 $execute0_lowered;
	[smem:$0x3FD2] =	sst s25  }
0xa6: {  	s4 =	sshll.u32 s26, $0x1;
	_ =	strace $0x80000046;
	[dreg:$0x1] =	wrdreg $0xFFFFFFFF  }
0xa7: {  	s28 =	simm.s32 $_size_execute0_lowered;
	s2 =	sadd.s32 s2, s4;
	[dreg:$0x0] =	wrdreg $0x0  }
0xa8: {  	s4 =	sshll.u32 s28, $0x1;
	[dreg:$0x2] =	wrdreg s2  }
0xa9: {  	[dreg:$0x3] =	wrdreg s4  }
0xaa: {  	[dreg:$0x4] =	wrdreg $0xC0  }
0xab: {  	_ =	task [dreg:s6], $0x5FFFF  }
0xac: {  	[dreg:$0x1] =	wrdreg $0xFFFFFFFF  }
0xad: {  	[dreg:$0x0] =	wrdreg $0x60  }
0xae: {  	[dreg:$0x2] =	wrdreg s24  }
0xaf: {  	[dreg:$0x3] =	wrdreg $0xA  }
0xb0: {  	_ =	task.clear_ibuf [dreg:s6], $0x4FFFF;
	_ =	strace $0x90000046  }
0xb1: {  	s29 =	simm.s32 $0xA;
	_ =	strace $0x80000048  }
0xb2: {  	_ =	swait.ge [sflag:s29], $0x1  }
0xb3: {  	[sflag:s29] =	ssyncadd.s32 $0xFFFFFFFF  }
0xb4: {  	_ =	strace $0x90000048  }
0xb5: {  	_ =	sfence  }
0xb6: {  	s30 =	sld [smem:$0x0];
	_ =	sdelay $0x2  }
0xb7: {  	s31 =	sshll.u32 s1, $0xD;
	s1 =	sshrl.u32 s1, $0x2  }
0xb8: {  	s3 =	sand.u32 $0x4000, s31;
	s1 =	sadd.s32 s1, s30  }
0xb9: {  	s0 =	sor.u32 s3, s0;
	s1 =	sshll.u32 s1, $0x11  }
0xba: {  	s0 =	sor.u32 s1, s0  }
0xbb: {  	s0 =	sadd.s32 $0x8F2B, s0  }
0xbc: {  	[sflag:s0] =	ssyncadd.remote.s32 $0x1  }
0xbd: {  	_ =	sfence.sel $0xFFFF  }
0xbe: {  	[dreg:$0x0] =	wrdreg $0xFFFFFFFF;
	(pc) =	sbr.abs _section_cstart, $3  }
0xbf: {  	[dreg:$0x1] =	wrdreg $0xFFFFFFFF  }
0xc0: {  	_ =	task.clear_ibuf [dreg:s6], $0x2FFFF;
	_ =	strace $0x9FFFFFFF  }
0xc1: {  	(tm) =	ssettm $0x7FFFFFFF  }
tec
execute0_lowered:
.L_overlay_start_1:
0x0: {  	(tag) =	ssettag $0x1  }
0x1: {  	s0 =	rddreg [dreg:$0x0];
	s1 =	srdreg.scid  }
0x2: {  	s6 =	stileid.u32;
	s2 =	simm.s32 $0x0;
	s11 =	simm.s32 $0x80  }
0x3: {  	s12 =	simm.s32 $0x9000;
	s13 =	simm.s32 $0xD000;
	s14 =	simm.s32 $0xD800  }
0x4: {  	s15 =	simm.s32 $0xE000;
	s16 =	simm.s32 $0xE800;
	s17 =	simm.s32 $0xF000  }
0x5: {  	s18 =	simm.s32 $0xF800;
	s19 =	simm.s32 $0x10000;
	s20 =	simm.s32 $0x10800  }
0x6: {  	s28 =	simm.s32 $0x14000;
	s29 =	simm.s32 $0x14800;
	s30 =	simm.s32 $0x1  }
0x7: {  	s31 =	simm.s32 $0x2;
	s1 =	sand.u32 $0x1, s1;
	s22 =	smul.u32 $0x90000, s6  }
0x8: {  	s3 =	sshll.u32 s6, $0x1;
	[smem:$0x7FF] =	sst s2;
	s6 =	smul.u32 $0x120000, s6  }
0x9: {  	s4 =	sadd.s32 $0xEA600, s0;
	s3 =	sor.u32 s1, s3;
	s9 =	smul.u32 $0x90000, s1  }
0xa: {  	_ =	strace $0x80000047;
	s7 =	ssub.s32 $0x2, s1;
	s5 =	smul.u32 $0x4800, s3  }
0xb: {  	[dreg:$0x2] =	wrdreg s4;
	s1 =	smul.u32 $0x48000, s1;
	s8 =	sshrl.u32 s7, $0x1  }
0xc: {  	s3 =	sadd.s32 $0x1AA600, s0;
	s23 =	ssub.s32 s7, s8;
	s21 =	sshrl.u32 s5, $0x3  }
0xd: {  	s5 =	sadd.s32 s22, s0;
	s25 =	smax.u32 s23, $0x1;
	s22 =	simm.s32 $0x11800  }
0xe: {  	s23 =	simm.s32 $0x12000;
	s4 =	sadd.s32 s21, s0;
	s0 =	sadd.s32 s6, s0  }
0xf: {  	[dreg:$0x5] =	wrdreg s25;
	s26 =	sadd.s32 s1, s5;
	s21 =	simm.s32 $0x11000  }
0x10: {  	s25 =	simm.s32 $0x13000;
	s24 =	sadd.s32 $0xD8600, s4;
	s4 =	sadd.s32 $0xC6600, s4  }
0x11: {  	v2 =	vlaneseq.u32;
	s0 =	sadd.s32 s9, s0;
	s1 =	sadd.s32 $0x32A600, s26;
	[dreg:$0x3] =	wrdreg s24  }
0x12: {  	vm0 =	vmmov $0xffff;
	v1 =	vshrl.u32 v2, $0x3;
	s9 =	simm.s32 $0x3;
	s26 =	simm.s32 $0x13800;
	[dreg:$0x4] =	wrdreg s4  }
0x13: {  	v0 =	vand.u32 $0x7, v2;
	v2 =	vor.u32 $0x8, v2;
	v1 =	vmul.u32 $0x8, v1;
	s10 =	sadd.s32 $0xC2A600, s0;
	s24 =	simm.s32 $0x12800;
	s0 =	simm.s32 $0x0  }
.LBB2_1:
0x14: {  	s4 =	rddreg [dreg:$0x3]  }
0x15: {  	[tilespmem:s2], [sflag:$0x3] =	stream.linear.gather [hbm4b:s4+s2], $0x4800, $0x38;
	[tilespmem:$0x15000] =	vst v63  }
0x16: {  	_ =	swait.ge [sflag:s9], $0x4800  }
0x17: {  	[sflag:s9] =	ssyncset.done $0x0  }
0x18: {  	s5 =	simm.s32 $0x4800;
	s8 =	rddreg [dreg:$0x4];
	[sflag:s9] =	ssyncadd.s32 $0xFFFFB800  }
0x19: {  	[tilespmem:s5], [sflag:$0x3] =	stream.linear.gather [hbm4b:s8+s2], $0x4800, $0x38;
	[tilespmem:$0x15000] =	vst v63  }
0x1a: {  	_ =	swait.ge [sflag:s9], $0x4800  }
0x1b: {  	s7 =	smov.u32 s10;
	[sflag:s9] =	ssyncset.done $0x0  }
0x1c: {  	s4 =	simm.s32 $0x0;
	s8 =	smov.u32 s1;
	[sflag:s9] =	ssyncadd.s32 $0xFFFFB800  }
.LBB2_2:
0x1d: {  	s6 =	rddreg [dreg:$0x2];
	s5 =	sshra.s32 s4, $0x2  }
0x1e: {  	[tilespmem:s12], [sflag:$0x1] =	stream.indirect.gather [hbm4b:s6+s11], $0x80, s5, s11, $0xb8;
	[tilespmem:$0x15000] =	vst v63  }
0x1f: {  	v3 =	vld [tilespmem:s5+$0x4800];
	_ =	sdelay $0x4  }
0x20: {  	v4 =	vshll.u32 v3, $0x1  }
0x21: {  	v3 =	vand.u32 $0x7, v3;
	v4 =	vand.u32 $0xFFFFFFF0, v4  }
0x22: {  	v3 =	vor.u32 v3, v4  }
0x23: {  	v4 =	vperm.xlane v3, v0;
	_ =	sdelay $0x1  }
0x24: {  	v3 =	vperm.xlane v3, v2;
	v4 =	vadd.s32 v1, v4;
	_ =	sdelay $0x1  }
0x25: {  	v3 =	vadd.s32 v1, v3;
	_ =	sdelay $0x2  }
0x26: {  	[tilespmem:s13], [sflag:$0x2] =	stream.indirect_vreg.gather [hbm4b:s3+s2], $0x80, v4, vm0, $0xb8;
	[tilespmem:$0x15000] =	vst v63  }
0x27: {  	_ = 	snop  }
0x28: {  	[tilespmem:s14], [sflag:$0x2] =	stream.indirect_vreg.gather [hbm4b:s3+s2], $0x80, v3, vm0, $0xb8;
	[tilespmem:$0x15000] =	vst v63  }
0x29: {  	v3 =	vld [tilespmem:s5+$0x4810];
	_ =	sdelay $0x4  }
0x2a: {  	v57 =	vshll.u32 v3, $0x1  }
0x2b: {  	v3 =	vand.u32 $0x7, v3;
	v4 =	vand.u32 $0xFFFFFFF0, v57  }
0x2c: {  	v3 =	vor.u32 v3, v4  }
0x2d: {  	v4 =	vperm.xlane v3, v0;
	_ =	sdelay $0x1  }
0x2e: {  	v3 =	vperm.xlane v3, v2;
	v4 =	vadd.s32 v1, v4;
	_ =	sdelay $0x1  }
0x2f: {  	v3 =	vadd.s32 v1, v3;
	_ =	sdelay $0x2  }
0x30: {  	[tilespmem:s15], [sflag:$0x2] =	stream.indirect_vreg.gather [hbm4b:s3+s2], $0x80, v4, vm0, $0xb8;
	[tilespmem:$0x15000] =	vst v63  }
0x31: {  	_ = 	snop  }
0x32: {  	[tilespmem:s16], [sflag:$0x2] =	stream.indirect_vreg.gather [hbm4b:s3+s2], $0x80, v3, vm0, $0xb8;
	[tilespmem:$0x15000] =	vst v63  }
0x33: {  	v3 =	vld [tilespmem:s5+$0x4820];
	_ =	sdelay $0x4  }
0x34: {  	v58 =	vshll.u32 v3, $0x1  }
0x35: {  	v3 =	vand.u32 $0x7, v3;
	v4 =	vand.u32 $0xFFFFFFF0, v58  }
0x36: {  	v3 =	vor.u32 v3, v4  }
0x37: {  	v4 =	vperm.xlane v3, v0;
	_ =	sdelay $0x1  }
0x38: {  	v3 =	vperm.xlane v3, v2;
	v4 =	vadd.s32 v1, v4;
	_ =	sdelay $0x1  }
0x39: {  	v3 =	vadd.s32 v1, v3;
	_ =	sdelay $0x2  }
0x3a: {  	[tilespmem:s17], [sflag:$0x2] =	stream.indirect_vreg.gather [hbm4b:s3+s2], $0x80, v4, vm0, $0xb8;
	[tilespmem:$0x15000] =	vst v63  }
0x3b: {  	_ = 	snop  }
0x3c: {  	[tilespmem:s18], [sflag:$0x2] =	stream.indirect_vreg.gather [hbm4b:s3+s2], $0x80, v3, vm0, $0xb8;
	[tilespmem:$0x15000] =	vst v63  }
0x3d: {  	v3 =	vld [tilespmem:s5+$0x4830];
	_ =	sdelay $0x4  }
0x3e: {  	v59 =	vshll.u32 v3, $0x1  }
0x3f: {  	v3 =	vand.u32 $0x7, v3;
	v4 =	vand.u32 $0xFFFFFFF0, v59  }
0x40: {  	v3 =	vor.u32 v3, v4  }
0x41: {  	v4 =	vperm.xlane v3, v0;
	_ =	sdelay $0x1  }
0x42: {  	v3 =	vperm.xlane v3, v2;
	v4 =	vadd.s32 v1, v4;
	_ =	sdelay $0x1  }
0x43: {  	v3 =	vadd.s32 v1, v3;
	_ =	sdelay $0x2  }
0x44: {  	[tilespmem:s19], [sflag:$0x2] =	stream.indirect_vreg.gather [hbm4b:s3+s2], $0x80, v4, vm0, $0xb8;
	[tilespmem:$0x15000] =	vst v63  }
0x45: {  	_ = 	snop  }
0x46: {  	[tilespmem:s20], [sflag:$0x2] =	stream.indirect_vreg.gather [hbm4b:s3+s2], $0x80, v3, vm0, $0xb8;
	[tilespmem:$0x15000] =	vst v63  }
0x47: {  	v3 =	vld [tilespmem:s5+$0x4840];
	_ =	sdelay $0x4  }
0x48: {  	v60 =	vshll.u32 v3, $0x1  }
0x49: {  	v3 =	vand.u32 $0x7, v3;
	v4 =	vand.u32 $0xFFFFFFF0, v60  }
0x4a: {  	v3 =	vor.u32 v3, v4  }
0x4b: {  	v4 =	vperm.xlane v3, v0;
	_ =	sdelay $0x1  }
0x4c: {  	v3 =	vperm.xlane v3, v2;
	v4 =	vadd.s32 v1, v4;
	_ =	sdelay $0x1  }
0x4d: {  	v3 =	vadd.s32 v1, v3;
	_ =	sdelay $0x2  }
0x4e: {  	[tilespmem:s21], [sflag:$0x2] =	stream.indirect_vreg.gather [hbm4b:s3+s2], $0x80, v4, vm0, $0xb8;
	[tilespmem:$0x15000] =	vst v63  }
0x4f: {  	_ = 	snop  }
0x50: {  	[tilespmem:s22], [sflag:$0x2] =	stream.indirect_vreg.gather [hbm4b:s3+s2], $0x80, v3, vm0, $0xb8;
	[tilespmem:$0x15000] =	vst v63  }
0x51: {  	v3 =	vld [tilespmem:s5+$0x4850];
	_ =	sdelay $0x4  }
0x52: {  	v61 =	vshll.u32 v3, $0x1  }
0x53: {  	v3 =	vand.u32 $0x7, v3;
	v4 =	vand.u32 $0xFFFFFFF0, v61  }
0x54: {  	v3 =	vor.u32 v3, v4  }
0x55: {  	v4 =	vperm.xlane v3, v0;
	_ =	sdelay $0x1  }
0x56: {  	v3 =	vperm.xlane v3, v2;
	v4 =	vadd.s32 v1, v4;
	_ =	sdelay $0x1  }
0x57: {  	v3 =	vadd.s32 v1, v3;
	_ =	sdelay $0x2  }
0x58: {  	[tilespmem:s23], [sflag:$0x2] =	stream.indirect_vreg.gather [hbm4b:s3+s2], $0x80, v4, vm0, $0xb8;
	[tilespmem:$0x15000] =	vst v63  }
0x59: {  	_ = 	snop  }
0x5a: {  	[tilespmem:s24], [sflag:$0x2] =	stream.indirect_vreg.gather [hbm4b:s3+s2], $0x80, v3, vm0, $0xb8;
	[tilespmem:$0x15000] =	vst v63  }
0x5b: {  	v3 =	vld [tilespmem:s5+$0x4860];
	_ =	sdelay $0x4  }
0x5c: {  	v62 =	vshll.u32 v3, $0x1  }
0x5d: {  	v3 =	vand.u32 $0x7, v3;
	v4 =	vand.u32 $0xFFFFFFF0, v62  }
0x5e: {  	v3 =	vor.u32 v3, v4  }
0x5f: {  	v4 =	vperm.xlane v3, v0;
	_ =	sdelay $0x1  }
0x60: {  	v3 =	vperm.xlane v3, v2;
	v4 =	vadd.s32 v1, v4;
	_ =	sdelay $0x1  }
0x61: {  	v3 =	vadd.s32 v1, v3;
	_ =	sdelay $0x2  }
0x62: {  	[tilespmem:s25], [sflag:$0x2] =	stream.indirect_vreg.gather [hbm4b:s3+s2], $0x80, v4, vm0, $0xb8;
	[tilespmem:$0x15000] =	vst v63  }
0x63: {  	_ = 	snop  }
0x64: {  	[tilespmem:s26], [sflag:$0x2] =	stream.indirect_vreg.gather [hbm4b:s3+s2], $0x80, v3, vm0, $0xb8;
	[tilespmem:$0x15000] =	vst v63  }
0x65: {  	v3 =	vld [tilespmem:s5+$0x4870];
	_ =	sdelay $0x4  }
0x66: {  	v63 =	vshll.u32 v3, $0x1  }
0x67: {  	v3 =	vand.u32 $0x7, v3;
	v4 =	vand.u32 $0xFFFFFFF0, v63  }
0x68: {  	v3 =	vor.u32 v3, v4  }
0x69: {  	v4 =	vperm.xlane v3, v0;
	_ =	sdelay $0x1  }
0x6a: {  	v3 =	vperm.xlane v3, v2;
	v4 =	vadd.s32 v1, v4;
	_ =	sdelay $0x1  }
0x6b: {  	v3 =	vadd.s32 v1, v3;
	_ =	sdelay $0x2  }
0x6c: {  	[tilespmem:s28], [sflag:$0x2] =	stream.indirect_vreg.gather [hbm4b:s3+s2], $0x80, v4, vm0, $0xb8;
	[tilespmem:$0x15000] =	vst v63  }
0x6d: {  	_ = 	snop  }
0x6e: {  	[tilespmem:s29], [sflag:$0x2] =	stream.indirect_vreg.gather [hbm4b:s3+s2], $0x80, v3, vm0, $0xb8;
	[tilespmem:$0x15000] =	vst v63  }
0x6f: {  	_ =	swait.ge [sflag:s30], $0x4000  }
0x70: {  	[sflag:s30] =	ssyncset.done $0x0  }
0x71: {  	[sflag:s30] =	ssyncadd.s32 $0xFFFFC000  }
0x72: {  	[hbm4b:s8+s2] =	stream.linear.scatter [tilespmem:s12], [sflag:$0x3], $0x4000, $0x38;
	[tilespmem:$0x15000] =	vst v63  }
0x73: {  	_ =	swait.ge [sflag:s9], $0x4000  }
0x74: {  	[sflag:s9] =	ssyncset.done $0x0  }
0x75: {  	[sflag:s9] =	ssyncadd.s32 $0xFFFFC000  }
0x76: {  	_ =	swait.ge [sflag:s31], $0x8000  }
0x77: {  	p0 =	sne.s32 s4, $0x11E00;
	[sflag:s31] =	ssyncset.done $0x0  }
.Ltmp0:
0x78: {  	[sflag:s31] =	ssyncadd.s32 $0xFFFF8000;
	(pc) =	sbr.rel @p0 .LBB2_2-.Ltmp0, $4  }
0x79: {  	[hbm4b:s7+s2] =	stream.linear.scatter [tilespmem:s13], [sflag:$0x3], $0x8000, $0x38;
	[tilespmem:$0x15000] =	vst v63  }
0x7a: {  	_ =	swait.ge [sflag:s9], $0x8000  }
0x7b: {  	s4 =	sadd.s32 $0x200, s4;
	[sflag:s9] =	ssyncset.done $0x0  }
0x7c: {  	s8 =	sadd.s32 $0x800, s8;
	s7 =	sadd.s32 $0x1000, s7;
	[sflag:s9] =	ssyncadd.s32 $0xFFFF8000  }
0x7d: {  	s0 =	sadd.s32 $0x1, s0;
	s4 =	rddreg [dreg:$0x5]  }
0x7e: {  	p0 =	sne.s32 s0, s4  }
.Ltmp1:
0x7f: {  	_ = 	snop;
	(pc) =	sbr.rel @p0 .LBB2_1-.Ltmp1, $1  }
0x80: {  	_ =	sdelay $0x3  }
0x81: {  	_ =	sfence.sel $0x180000  }
0x82: {  	[bflag:$0x0] =	sbarrier.arrive $0xFFFF  }
0x83: {  	_ =	strace $0x90000047  }
0x84: {  	s0 =	stileid.u32;
	[bflag:$0x2] =	sbarrier.arrive $0xFFFF  }
0x85: {  	p0 =	sne.s32 s0, $0x0;
	s0 =	rddreg [dreg:$0x1]  }
0x86: {  	s0 =	sadd.s32 @!p0 $0x100000, s0  }
0x87: {  	[sflag:s0] =	ssyncadd.tile.s32 @!p0 $0x1;
	_ =	shalt  }
.Lfunc_end2:
_tile_overlayer_lowered:
.L_overlay_start_2:
0x88: {  	(tag) =	ssettag $0x2  }
0x89: {  	s0 =	rddreg [dreg:$0x0];
	s2 =	stileid.u32  }
0x8a: {  	s1 =	rddreg [dreg:$0x1];
	p0 =	sne.s32 s2, $0x0  }
0x8b: {  	s3 =	rddreg [dreg:$0x2];
	[bflag:$0x3] =	sbarrier.arrive $0xFFFF;
	s2 =	simm.s32 @!p0 $0x1C03  }
0x8c: {  	[timem:s3], [sflag:s2] =	dma.local @!p0 [hbm:s0], s1  }
0x8d: {  	s0 =	simm.s32 @!p0 $0x3  }
0x8e: {  	_ =	swait.ge @!p0 [sflag:s0], s1  }
0x8f: {  	s1 =	ssub.s32 @!p0 $0x0, s1;
	[sflag:s0] =	ssyncset.done @!p0 $0x0  }
0x90: {  	[sflag:s0] =	ssyncadd.s32 @!p0 s1  }
0x91: {  	[bflag:$0x3] =	sbarrier.arrive $0xFFFF  }
0x92: {  	_ =	shalt  }

// kernel: kernel.21.cloned.1.call-start
scs
__scs_entry_jumppad:
0x0: {  	(pc) =	sbr.rel $0x88, $3  }
0x1: {  	(tag) =	ssettag $0x0;
	lr =	simm.s32 $0x1  }
0x2: {  	[smem:$0x3F93] =	sst lr;
	_ =	strace $0xD0000000  }
0x3: {  	_ = 	snop  }
0x4: {  	_ = 	snop  }
0x5: {  	_ = 	snop  }
0x6: {  	_ = 	snop  }
0x7: {  	_ = 	snop  }
__scs_overlays_trampoline_lowered:
0x8: {  	[smem:$0x3FA2] =	sst s0  }
0x9: {  	[smem:$0x3FA3] =	sst s1  }
0xa: {  	[smem:$0x3FA4] =	sst s2  }
0xb: {  	[smem:$0x3FA5] =	sst s3  }
0xc: {  	[smem:$0x3FA6] =	sst s4  }
0xd: {  	[smem:$0x3FA7] =	sst s5  }
0xe: {  	[smem:$0x3FA8] =	sst s6  }
0xf: {  	[smem:$0x3FA9] =	sst s7  }
0x10: {  	[smem:$0x3FAA] =	sst s8  }
0x11: {  	[smem:$0x3FAB] =	sst s9;
	s0 =	simm.s32 @!p0 $0x0  }
0x12: {  	s1 =	sld [smem:$0x3F91];
	s0 =	simm.s32 @p0 $0x1  }
0x13: {  	[smem:$0x3FAC] =	sst s0;
	s0 =	simm.s32 @!p1 $0x0  }
0x14: {  	s2 =	sld [smem:$0x3F90];
	s0 =	simm.s32 @p1 $0x1  }
0x15: {  	[smem:$0x3FAD] =	sst s0;
	s0 =	simm.s32 @!p2 $0x0  }
0x16: {  	s3 =	sld [smem:$0x3FDB];
	s0 =	simm.s32 @p2 $0x1  }
0x17: {  	s4 =	simm.s32 $0x1BF5;
	[smem:$0x3FAF] =	sst s0  }
0x18: {  	s0 =	sld [smem:$0x3F92];
	_ =	swait.ge [sflag:s4], $0x0  }
0x19: {  	s7 =	sld [smem:$0x3F93]  }
0x1a: {  	s8 =	sadd.s32 $0xFFFFE003, lr  }
0x1b: {  	s9 =	sadd.s32 $0xFFFFFEF7, lr;
	s5 =	simm.s32 $0xFFFFFFFF;
	p2 =	slt.u32 s8, $0xFFFFF086  }
0x1c: {  	p1 =	slt.u32 s9, $0xF7A;
	s5 =	simm.s32 @!p2 $0x0  }
0x1d: {  	s5 =	simm.s32 @p1 $0x1;
	p0 =	seq.s32 s7, s2  }
0x1e: {  	s7 =	smul.u32 @!p0 $0xF7A, s2;
	p2 =	seq.s32 @!p0 s5, $0x0  }
0x1f: {  	s9 =	smul.u32 $0xF7A, s1;
	s8 =	simm.s32 @!p0 $0x1BF5;
	p2 =	por !p2, p0  }
0x20: {  	[sflag:s8] =	ssyncset.s32 @!p0 $0xFFFFF086;
	s6 =	sadd.s32 @!p0 s3, s7;
	s7 =	simm.s32 @!p0 $0x108  }
0x21: {  	s3 =	sadd.s32 s3, s9;
	s6 =	sadd.s32 @!p0 $0x88, s6;
	s7 =	simm.s32 @p2 $0x1082  }
0x22: {  	[simem:s7], [sflag:s8] =	dma.local @!p0 [hbm:s6], $0xF7A  }
0x23: {  	s9 =	sor.u32 $0xD0000000, s2;
	s6 =	simm.s32 $0x108;
	_ =	swait.ge @!p0 [sflag:s8], $0x0  }
0x24: {  	s3 =	sadd.s32 $0x88, s3;
	s6 =	simm.s32 @!p1 $0x1082;
	[sflag:s4] =	ssyncset.s32 $0xFFFFF086  }
0x25: {  	[simem:s6], [sflag:s4] =	dma.local [hbm:s3], $0xF7A  }
0x26: {  	[smem:$0x3F93] =	sst s1;
	(tag) =	ssettag s2;
	_ =	strace s9  }
0x27: {  	s1 =	sld [smem:$0x3FA3]  }
0x28: {  	s2 =	sld [smem:$0x3FA4]  }
0x29: {  	s4 =	sld [smem:$0x3FA6]  }
0x2a: {  	p0 =	seq.s32 s5, $0x0;
	s5 =	sld [smem:$0x3FA7]  }
0x2b: {  	s6 =	sld [smem:$0x3FA8]  }
0x2c: {  	s7 =	sld [smem:$0x3FA9]  }
0x2d: {  	s3 =	simm.s32 $0x108;
	s8 =	sld [smem:$0x3FAA]  }
0x2e: {  	s3 =	simm.s32 @!p0 $0x1082;
	s9 =	sld [smem:$0x3FAB]  }
0x2f: {  	lr =	sadd.s32 s0, s3;
	s0 =	sld [smem:$0x3FA2]  }
0x30: {  	s3 =	sld [smem:$0x3FA5]  }
0x31: {  	[smem:$0x3FAE] =	sst s10  }
0x32: {  	s10 =	sld [smem:$0x3FAC];
	_ =	sdelay $0x3  }
0x33: {  	p0 =	seq.s32 s10, $0x1;
	s10 =	sld [smem:$0x3FAE];
	_ =	sdelay $0x3  }
0x34: {  	[smem:$0x3FAE] =	sst s10  }
0x35: {  	s10 =	sld [smem:$0x3FAD];
	_ =	sdelay $0x3  }
0x36: {  	p1 =	seq.s32 s10, $0x1;
	s10 =	sld [smem:$0x3FAE];
	_ =	sdelay $0x3  }
0x37: {  	[smem:$0x3FAE] =	sst s10  }
0x38: {  	s10 =	sld [smem:$0x3FAF]  }
0x39: {  	_ = 	snop;
	(pc) =	sbr.ind lr, $3  }
0x3a: {  	_ = 	snop  }
0x3b: {  	_ = 	snop  }
0x3c: {  	p2 =	seq.s32 s10, $0x1;
	s10 =	sld [smem:$0x3FAE]  }
0x3d: {  	_ =	shalt  }
0x3e: {  	_ =	shalt  }
0x3f: {  	_ =	shalt  }
0x40: {  	_ =	shalt  }
0x41: {  	_ =	shalt  }
0x42: {  	_ =	shalt  }
0x43: {  	_ =	shalt  }
0x44: {  	_ =	shalt  }
0x45: {  	_ =	shalt  }
0x46: {  	_ =	shalt  }
0x47: {  	_ =	shalt  }
0x48: {  	_ =	shalt  }
0x49: {  	_ =	shalt  }
0x4a: {  	_ =	shalt  }
0x4b: {  	_ =	shalt  }
0x4c: {  	_ =	shalt  }
0x4d: {  	_ =	shalt  }
0x4e: {  	_ =	shalt  }
0x4f: {  	_ =	shalt  }
0x50: {  	_ =	shalt  }
0x51: {  	_ =	shalt  }
0x52: {  	_ =	shalt  }
0x53: {  	_ =	shalt  }
0x54: {  	_ =	shalt  }
0x55: {  	_ =	shalt  }
0x56: {  	_ =	shalt  }
0x57: {  	_ =	shalt  }
0x58: {  	_ =	shalt  }
0x59: {  	_ =	shalt  }
0x5a: {  	_ =	shalt  }
0x5b: {  	_ =	shalt  }
0x5c: {  	_ =	shalt  }
0x5d: {  	_ =	shalt  }
0x5e: {  	_ =	shalt  }
0x5f: {  	_ =	shalt  }
0x60: {  	_ =	shalt  }
0x61: {  	_ =	shalt  }
0x62: {  	_ =	shalt  }
0x63: {  	_ =	shalt  }
0x64: {  	_ =	shalt  }
0x65: {  	_ =	shalt  }
0x66: {  	_ =	shalt  }
0x67: {  	_ =	shalt  }
0x68: {  	_ =	shalt  }
0x69: {  	_ =	shalt  }
0x6a: {  	_ =	shalt  }
0x6b: {  	_ =	shalt  }
0x6c: {  	_ =	shalt  }
0x6d: {  	_ =	shalt  }
0x6e: {  	_ =	shalt  }
0x6f: {  	_ =	shalt  }
0x70: {  	_ =	shalt  }
0x71: {  	_ =	shalt  }
0x72: {  	_ =	shalt  }
0x73: {  	_ =	shalt  }
0x74: {  	_ =	shalt  }
0x75: {  	_ =	shalt  }
0x76: {  	_ =	shalt  }
0x77: {  	_ =	shalt  }
0x78: {  	_ =	shalt  }
0x79: {  	_ =	shalt  }
0x7a: {  	_ =	shalt  }
0x7b: {  	_ =	shalt  }
0x7c: {  	_ =	shalt  }
0x7d: {  	_ =	shalt  }
0x7e: {  	_ =	shalt  }
0x7f: {  	_ =	shalt  }
0x80: {  	_ =	shalt  }
0x81: {  	_ =	shalt  }
0x82: {  	_ =	shalt  }
0x83: {  	_ =	shalt  }
0x84: {  	_ =	shalt  }
0x85: {  	_ =	shalt  }
0x86: {  	_ =	shalt  }
0x87: {  	_ =	shalt  }
.Lfunc_end0:
.L_simem_size_0:
called_computation.3_lowered:
.L_overlay_start_0:
0x88: {  	s2 =	sld [smem:$0x3FD9]  }
0x89: {  	s3 =	sld [smem:$0x3FFE];
	_ =	sdelay $0x1  }
0x8a: {  	s1 =	srdreg.scid  }
0x8b: {  	s0 =	sand.u32 $0x1, s1  }
0x8c: {  	s15 =	sshll.u32 s0, $0xA;
	s2 =	sadd.s32 s3, s2  }
0x8d: {  	s2 =	sadd.s32 s2, s15  }
0x8e: {  	[smem:$0x3FBA] =	sst s2  }
0x8f: {  	_ = 	snop  }
0x90: {  	s2 =	sld [smem:$0x3FD0];
	_ =	sdelay $0x2  }
0x91: {  	s16 =	simm.s32 $0xB;
	s4 =	simm.s32 $0x10  }
0x92: {  	[smem:s4], [sflag:s16] =	dma.local [hbm:s2], $0x1  }
0x93: {  	_ =	swait.eq [sflag:s16], $0x1  }
0x94: {  	[sflag:s16] =	ssyncset.done $0x0  }
0x95: {  	[sflag:s16] =	ssyncadd.s32 $0xFFFFFFFF  }
0x96: {  	s17 =	sld [smem:$0x12];
	(tm) =	ssettm $0x1  }
0x97: {  	s18 =	sld [smem:$0x3FFB];
	_ =	sdelay $0x3  }
0x98: {  	_ =	strace s18  }
0x99: {  	s2 =	sld [smem:$0x3FFC];
	_ =	sdelay $0x3  }
0x9a: {  	_ =	strace s2  }
0x9b: {  	s2 =	sld [smem:$0x3FFD];
	_ =	sdelay $0x3  }
0x9c: {  	_ =	strace s2  }
0x9d: {  	_ =	strace $0x8FFFFFFF  }
0x9e: {  	s19 =	sld [smem:$0x3FDB];
	_ =	sdelay $0x1  }
0x9f: {  	s20 =	simm.s32 $_scs_section_size  }
0xa0: {  	s5 =	simm.s32 $_size__tile_overlayer_lowered;
	s6 =	simm.s32 $_tile_overlayer_lowered  }
0xa1: {  	s7 =	simm.s32 $0x1BFF;
	s21 =	sshll.u32 s6, $0x1;
	s4 =	sadd.s32 s20, s19  }
0xa2: {  	s22 =	simm.s32 $0x0;
	s5 =	sshll.u32 s5, $0x1;
	s6 =	sadd.s32 s21, s4  }
0xa3: {  	[timem:s22], [sflag:s7] =	dma.local [hbm:s6], s5  }
0xa4: {  	_ =	swait.ge [sflag:s7], s5  }
0xa5: {  	s5 =	ssub.s32 $0x0, s5;
	[sflag:s7] =	ssyncset.done $0x0  }
0xa6: {  	[sflag:s7] =	ssyncadd.s32 s5;
	_ =	sdelay $0x1  }
0xa7: {  	s23 =	simm.s32 $0x1B8B  }
0xa8: {  	_ =	swait.ge [sflag:s23], $0x1  }
0xa9: {  	[sflag:s23] =	ssyncset.done $0x0  }
0xaa: {  	[sflag:s23] =	ssyncadd.s32 $0xFFFFFFFF  }
0xab: {  	s5 =	sld [smem:$0x0]  }
0xac: {  	s6 =	sand.u32 $0xFFFFFFFE, s1  }
0xad: {  	p0 =	sne.s32 s1, s6  }
0xae: {  	s6 =	sshll.u32 @p0 s6, $0xE  }
0xaf: {  	s6 =	sadd.s32 @p0 $0x11B8D, s6;
	s7 =	sshll.u32 @p0 s5, $0x11  }
0xb0: {  	s6 =	sor.u32 @p0 s7, s6  }
0xb1: {  	[sflag:s6] =	ssyncadd.remote.s32 @p0 $0x1;
	_ =	sdelay $0x1  }
0xb2: {  	s6 =	simm.s32 @p0 $0x1B8D  }
0xb3: {  	_ =	swait.eq @p0 [sflag:s6], $0x1  }
0xb4: {  	[sflag:s6] =	ssyncadd.s32 @p0 $0xFFFFFFFF  }
0xb5: {  	s7 =	sshll.u32 @!p0 s1, $0xE  }
0xb6: {  	s7 =	sor.u32 @!p0 $0x4000, s7;
	s6 =	simm.s32 @!p0 $0x1B8D  }
0xb7: {  	s5 =	sshll.u32 @!p0 s5, $0x11;
	s7 =	sadd.s32 @!p0 $0x11B8D, s7;
	_ =	swait.eq @!p0 [sflag:s6], $0x1  }
0xb8: {  	s5 =	sor.u32 @!p0 s5, s7;
	[sflag:s6] =	ssyncadd.s32 @!p0 $0xFFFFFFFF  }
0xb9: {  	s25 =	simm.s32 $0x1B8E;
	s24 =	sld [smem:$0x3FFE];
	[sflag:s5] =	ssyncadd.remote.s32 @!p0 $0x1  }
0xba: {  	s26 =	simm.s32 $execute0_lowered;
	[smem:$0x3FD2] =	sst s25  }
0xbb: {  	s6 =	sshll.u32 s26, $0x1;
	_ =	strace $0x8000004C;
	[dreg:$0x1] =	wrdreg $0xFFFFFFFF  }
0xbc: {  	s28 =	simm.s32 $_size_execute0_lowered;
	s4 =	sadd.s32 s4, s6;
	[dreg:$0x0] =	wrdreg $0x0  }
0xbd: {  	s6 =	sshll.u32 s28, $0x1;
	[dreg:$0x2] =	wrdreg s4  }
0xbe: {  	[dreg:$0x3] =	wrdreg s6  }
0xbf: {  	[dreg:$0x4] =	wrdreg $0xC0  }
0xc0: {  	_ =	task [dreg:s22], $0x5FFFF  }
0xc1: {  	[dreg:$0x1] =	wrdreg $0xFFFFFFFF  }
0xc2: {  	[dreg:$0x0] =	wrdreg $0x60  }
0xc3: {  	[dreg:$0x2] =	wrdreg s24  }
0xc4: {  	[dreg:$0x3] =	wrdreg s17  }
0xc5: {  	[dreg:$0x4] =	wrdreg $0x49800  }
0xc6: {  	[dreg:$0x5] =	wrdreg $0xA  }
0xc7: {  	_ =	task.clear_ibuf [dreg:s22], $0x6FFFF;
	_ =	strace $0x9000004C  }
0xc8: {  	s29 =	simm.s32 $0xA;
	_ =	strace $0x8000004E  }
0xc9: {  	_ =	swait.ge [sflag:s29], $0x1  }
0xca: {  	[sflag:s29] =	ssyncadd.s32 $0xFFFFFFFF  }
0xcb: {  	_ =	strace $0x9000004E  }
0xcc: {  	_ =	sfence  }
0xcd: {  	s30 =	sld [smem:$0x0];
	_ =	sdelay $0x2  }
0xce: {  	s31 =	sshll.u32 s1, $0xD;
	s1 =	sshrl.u32 s1, $0x2  }
0xcf: {  	s4 =	sand.u32 $0x4000, s31;
	s1 =	sadd.s32 s1, s30  }
0xd0: {  	s0 =	sor.u32 s4, s0;
	s1 =	sshll.u32 s1, $0x11  }
0xd1: {  	s0 =	sor.u32 s1, s0  }
0xd2: {  	s0 =	sadd.s32 $0x8F2B, s0  }
0xd3: {  	[sflag:s0] =	ssyncadd.remote.s32 $0x1  }
0xd4: {  	_ =	sfence.sel $0xFFFF  }
0xd5: {  	[dreg:$0x0] =	wrdreg $0xFFFFFFFF;
	(pc) =	sbr.abs _section_cstart, $3  }
0xd6: {  	[dreg:$0x1] =	wrdreg $0xFFFFFFFF  }
0xd7: {  	_ =	task.clear_ibuf [dreg:s22], $0x2FFFF;
	_ =	strace $0x9FFFFFFF  }
0xd8: {  	(tm) =	ssettm $0x7FFFFFFF  }
0xd9: {  	_ =	shalt  }
tec
execute0_lowered:
.L_overlay_start_1:
0x0: {  	(tag) =	ssettag $0x1  }
0x1: {  	s0 =	rddreg [dreg:$0x0]  }
0x2: {  	s2 =	rddreg [dreg:$0x2]  }
0x3: {  	s4 =	simm.s32 $0x0;
	s1 =	srdreg.scid;
	s3 =	stileid.u32  }
0x4: {  	s18 =	simm.s32 $0x4180;
	s19 =	simm.s32 $0x3;
	s20 =	simm.s32 $0x180  }
0x5: {  	s21 =	simm.s32 $0x2180;
	s22 =	simm.s32 $0x1;
	s8 =	smul.u32 $0x18000, s3  }
0x6: {  	s23 =	simm.s32 $0x40;
	s24 =	simm.s32 $0x80;
	s11 =	smul.u32 $0x68000, s3  }
0x7: {  	s28 =	simm.s32 $0x0;
	s1 =	sand.u32 $0x1, s1;
	s12 =	smul.u32 $0x60000, s3  }
0x8: {  	[smem:$0x7FF] =	sst s4;
	s5 =	sadd.s32 $0x3C2A600, s0;
	s7 =	smul.u32 $0x600000, s1  }
0x9: {  	s6 =	sadd.s32 $0xD8600, s0;
	s10 =	smul.u32 $0x4800000, s1;
	s1 =	ssub.s32 $0x2, s1  }
0xa: {  	s25 =	smul.u32 $0x480000, s3;
	_ =	strace $0x8000004D;
	s9 =	sshrl.u32 s1, $0x1  }
0xb: {  	s26 =	sshrl.u32 s11, $0x2;
	s12 =	sshrl.u32 s12, $0x2;
	s7 =	sor.u32 s8, s7  }
0xc: {  	s1 =	ssub.s32 s1, s9;
	s14 =	sadd.s32 s25, s10;
	s8 =	sadd.s32 s26, s2  }
0xd: {  	s10 =	sor.u32 $0x4000, s10;
	s12 =	sadd.s32 s12, s2;
	s25 =	simm.s32 $0x2  }
0xe: {  	s26 =	simm.s32 $0x100;
	s7 =	sshrl.u32 s7, $0x3;
	s29 =	sshrl.u32 s14, $0x3  }
0xf: {  	s16 =	sor.u32 $0x2000, s14;
	s0 =	sadd.s32 s7, s0;
	s7 =	smul.u32 $0x9000, s3  }
0x10: {  	s9 =	sadd.s32 s5, s29;
	s31 =	sshrl.u32 s16, $0x3;
	s30 =	sadd.s32 $0xEA600, s0  }
0x11: {  	s16 =	smax.u32 s1, $0x1;
	s13 =	sadd.s32 $0x11A600, s0;
	s14 =	sadd.s32 $0x14A600, s0  }
0x12: {  	s15 =	sadd.s32 $0x17A600, s0;
	s0 =	sadd.s32 s31, s5;
	[dreg:$0x4] =	wrdreg s30  }
.LBB2_1:
0x13: {  	s1 =	rddreg [dreg:$0x1]  }
0x14: {  	[tilespmem:s18], [sflag:$0x3] =	stream.linear.gather [hbm4b:s1+s4], $0x800, $0x38;
	[tilespmem:$0x1E980] =	vst v63  }
0x15: {  	_ =	swait.ge [sflag:s19], $0x800  }
0x16: {  	[sflag:s19] =	ssyncset.done $0x0  }
0x17: {  	s31 =	sadd.s32 $0x0, s8;
	[sflag:s19] =	ssyncadd.s32 $0xFFFFF800  }
0x18: {  	[spmem:s31] =	stream.linear.scatter [tilespmem:s18], [sflag:$0x3], $0x800, $0x38;
	[tilespmem:$0x1E980] =	vst v63  }
0x19: {  	s1 =	simm.s32 $0x2000;
	_ =	swait.ge [sflag:s19], $0x800  }
.LBB2_2:
0x1a: {  	s17 =	sshra.s32 s1, $0x2;
	[sflag:s19] =	ssyncset.done $0x0;
	p0 =	sne.s32 s1, $0x66000  }
.Ltmp0:
0x1b: {  	s17 =	sadd.s32 s17, s8;
	[sflag:s19] =	ssyncadd.s32 $0xFFFFF800;
	(pc) =	sbr.rel @p0 .LBB2_2-.Ltmp0, $3  }
0x1c: {  	[spmem:s17] =	stream.linear.scatter [tilespmem:s18], [sflag:$0x3], $0x800, $0x38;
	[tilespmem:$0x1E980] =	vst v63  }
0x1d: {  	s1 =	sadd.s32 $0x2000, s1;
	_ =	sdelay $0x1  }
0x1e: {  	_ =	swait.ge [sflag:s19], $0x800  }
0x1f: {  	[sflag:s19] =	ssyncset.done $0x0  }
0x20: {  	s1 =	simm.s32 $0x0;
	[sflag:s19] =	ssyncadd.s32 $0xFFFFF800  }
0x21: {  	s17 =	sand.u32 $0xFC00, s1;
	[bflag:$0x0] =	sbarrier.arrive $0xFFFF  }
0x22: {  	[tilespmem:s20], [sflag:$0x1] =	stream.linear.gather [hbm4b:s9+s1], $0x2000, $0x38;
	[tilespmem:$0x1E980] =	vst v63  }
0x23: {  	s17 =	sadd.s32 s7, s17;
	s1 =	sand.u32 $0x380, s1  }
0x24: {  	s1 =	sor.u32 s1, s17  }
0x25: {  	s1 =	sshrl.u32 s1, $0x3  }
0x26: {  	[tilespmem:s21], [sflag:$0x2] =	stream.linear.gather [hbm4b:s0+s4], $0x2000, $0x38;
	[tilespmem:$0x1E980] =	vst v63  }
0x27: {  	s1 =	sadd.s32 s6, s1  }
0x28: {  	[tilespmem:s4], [sflag:$0x3] =	stream.linear.gather [hbm4b:s1+s4], $0x80, $0x38;
	[tilespmem:$0x1E980] =	vst v63  }
0x29: {  	_ =	swait.ge [sflag:s19], $0x80  }
0x2a: {  	[sflag:s19] =	ssyncset.done $0x0  }
0x2b: {  	[sflag:s19] =	ssyncadd.s32 $0xFFFFFF80  }
0x2c: {  	v2 =	vld [tilespmem:$0x70]  }
0x2d: {  	s1 =	sadd.s32 $0x0, s7;
	v4 =	vld [tilespmem:$0x40]  }
0x2e: {  	p0 =	slt.s32 s1, $0x8FF40;
	v1 =	vld [tilespmem:$0x0]  }
0x2f: {  	s1 =	simm.s32 @!p0 $0x8FF40;
	v3 =	vld [tilespmem:$0x60]  }
0x30: {  	s29 =	smov.u32 s0;
	s17 =	simm.s32 $0x80;
	s1 =	sshll.u32 s1, $0x7;
	v0 =	vld [tilespmem:$0x20]  }
.LBB2_4:
0x31: {  	p0 =	sne.s32 s17, $0x8F80;
	v5 =	vld [tilespmem:$0x30];
	s1 =	sadd.s32 s1, s10;
	s29 =	sadd.s32 $0x800, s29  }
0x32: {  	v2 =	vmin.u32 v2, $0x3000;
	v4 =	vmin.u32 v4, $0x3000;
	v6 =	vld [tilespmem:$0x10];
	s30 =	sshrl.u32 s1, $0x3;
	s1 =	smov.u32 s17;
	s17 =	sadd.s32 $0x80, s17  }
0x33: {  	[tilespmem:$0x100] =	vst v4;
	v4 =	vld [tilespmem:$0x50]  }
0x34: {  	s31 =	sand.u32 $0xFC00, s1;
	v1 =	vmin.u32 v1, $0x3000;
	v3 =	vmin.u32 v3, $0x3000;
	[tilespmem:$0x130] =	vst v2  }
0x35: {  	s3 =	sand.u32 $0x380, s1;
	s31 =	sadd.s32 s7, s31;
	v0 =	vmin.u32 v0, $0x3000;
	[tilespmem:$0x120] =	vst v3  }
0x36: {  	s3 =	sor.u32 s3, s31;
	[tilespmem:$0x80] =	vst v1;
	v1 =	vmin.u32 v5, $0x3000  }
0x37: {  	s3 =	sshrl.u32 s3, $0x3;
	v2 =	vmin.u32 v6, $0x3000;
	[tilespmem:$0xB0] =	vst v1  }
0x38: {  	[tilespmem:$0x90] =	vst v2;
	v1 =	vmin.u32 v4, $0x3000  }
0x39: {  	[tilespmem:$0x110] =	vst v1  }
0x3a: {  	[tilespmem:$0xA0] =	vst v0  }
0x3b: {  	_ =	swait.ge [sflag:s22], $0x2000  }
0x3c: {  	[sflag:s22] =	ssyncset.done $0x0  }
0x3d: {  	[sflag:s22] =	ssyncadd.s32 $0xFFFFE000  }
0x3e: {  	[spmem:s2] =	stream.indirect.scatter.add.f32 [tilespmem:s20], [sflag:$0x3], $0x80, s24, s23, $0xb8;
	[tilespmem:$0x1E980] =	vst v63  }
0x3f: {  	_ =	swait.ge [sflag:s19], $0x2000  }
0x40: {  	s30 =	sadd.s32 s5, s30;
	[sflag:s19] =	ssyncset.done $0x0  }
0x41: {  	[sflag:s19] =	ssyncadd.s32 $0xFFFFE000  }
0x42: {  	[tilespmem:s20], [sflag:$0x1] =	stream.linear.gather [hbm4b:s30+s4], $0x2000, $0x38;
	[tilespmem:$0x1E980] =	vst v63  }
0x43: {  	_ =	swait.ge [sflag:s25], $0x2000  }
0x44: {  	[sflag:s25] =	ssyncset.done $0x0  }
0x45: {  	[sflag:s25] =	ssyncadd.s32 $0xFFFFE000  }
0x46: {  	[spmem:s2] =	stream.indirect.scatter.add.f32 [tilespmem:s21], [sflag:$0x3], $0x80, s26, s23, $0xb8;
	[tilespmem:$0x1E980] =	vst v63  }
0x47: {  	_ =	swait.ge [sflag:s19], $0x2000  }
0x48: {  	[sflag:s19] =	ssyncset.done $0x0  }
0x49: {  	[sflag:s19] =	ssyncadd.s32 $0xFFFFE000  }
0x4a: {  	[tilespmem:s21], [sflag:$0x2] =	stream.linear.gather [hbm4b:s29+s4], $0x2000, $0x38;
	[tilespmem:$0x1E980] =	vst v63  }
0x4b: {  	s3 =	sadd.s32 s6, s3  }
0x4c: {  	[tilespmem:s4], [sflag:$0x3] =	stream.linear.gather [hbm4b:s3+s4], $0x80, $0x38;
	[tilespmem:$0x1E980] =	vst v63  }
0x4d: {  	_ =	swait.ge [sflag:s19], $0x80  }
0x4e: {  	[sflag:s19] =	ssyncset.done $0x0  }
0x4f: {  	[sflag:s19] =	ssyncadd.s32 $0xFFFFFF80  }
.Ltmp1:
0x50: {  	v2 =	vld [tilespmem:$0x70];
	(pc) =	sbr.rel @p0 .LBB2_4-.Ltmp1, $4  }
0x51: {  	s1 =	sadd.s32 s1, s7;
	v4 =	vld [tilespmem:$0x40]  }
0x52: {  	p1 =	slt.s32 s1, $0x8FF40;
	v1 =	vld [tilespmem:$0x0]  }
0x53: {  	s1 =	simm.s32 @!p1 $0x8FF40;
	v3 =	vld [tilespmem:$0x60]  }
0x54: {  	s1 =	sshll.u32 s1, $0x7;
	v0 =	vld [tilespmem:$0x20]  }
0x55: {  	v5 =	vld [tilespmem:$0x30];
	v2 =	vmin.u32 v2, $0x3000  }
0x56: {  	v6 =	vld [tilespmem:$0x10];
	v4 =	vmin.u32 v4, $0x3000;
	[tilespmem:$0x130] =	vst v2  }
0x57: {  	v60 =	vld [tilespmem:$0x50];
	[tilespmem:$0x100] =	vst v4;
	v1 =	vmin.u32 v1, $0x3000  }
0x58: {  	v3 =	vmin.u32 v3, $0x3000;
	[tilespmem:$0x80] =	vst v1  }
0x59: {  	[tilespmem:$0x120] =	vst v3;
	v0 =	vmin.u32 v0, $0x3000  }
0x5a: {  	v61 =	vmin.u32 v5, $0x3000;
	[tilespmem:$0xA0] =	vst v0  }
0x5b: {  	v62 =	vmin.u32 v6, $0x3000;
	[tilespmem:$0xB0] =	vst v61  }
0x5c: {  	v63 =	vmin.u32 v60, $0x3000;
	[tilespmem:$0x90] =	vst v62  }
0x5d: {  	[tilespmem:$0x110] =	vst v63  }
0x5e: {  	_ =	swait.ge [sflag:s22], $0x2000  }
0x5f: {  	[sflag:s22] =	ssyncset.done $0x0  }
0x60: {  	[sflag:s22] =	ssyncadd.s32 $0xFFFFE000  }
0x61: {  	[spmem:s2] =	stream.indirect.scatter.add.f32 [tilespmem:s20], [sflag:$0x3], $0x80, s24, s23, $0xb8;
	[tilespmem:$0x1E980] =	vst v63  }
0x62: {  	s1 =	sadd.s32 s1, s10;
	_ =	swait.ge [sflag:s19], $0x2000  }
0x63: {  	s1 =	sshrl.u32 s1, $0x3;
	[sflag:s19] =	ssyncset.done $0x0  }
0x64: {  	s1 =	sadd.s32 s5, s1;
	[sflag:s19] =	ssyncadd.s32 $0xFFFFE000  }
0x65: {  	[tilespmem:s20], [sflag:$0x1] =	stream.linear.gather [hbm4b:s1+s4], $0x2000, $0x38;
	[tilespmem:$0x1E980] =	vst v63  }
0x66: {  	_ =	swait.ge [sflag:s25], $0x2000  }
0x67: {  	[sflag:s25] =	ssyncset.done $0x0  }
0x68: {  	[sflag:s25] =	ssyncadd.s32 $0xFFFFE000  }
0x69: {  	[spmem:s2] =	stream.indirect.scatter.add.f32 [tilespmem:s21], [sflag:$0x3], $0x80, s26, s23, $0xb8;
	[tilespmem:$0x1E980] =	vst v63  }
0x6a: {  	_ =	swait.ge [sflag:s19], $0x2000  }
0x6b: {  	[sflag:s19] =	ssyncset.done $0x0  }
0x6c: {  	[sflag:s19] =	ssyncadd.s32 $0xFFFFE000  }
0x6d: {  	_ =	swait.ge [sflag:s22], $0x2000  }
0x6e: {  	[sflag:s22] =	ssyncset.done $0x0  }
0x6f: {  	s11 =	stileid.u32;
	[sflag:s22] =	ssyncadd.s32 $0xFFFFE000  }
0x70: {  	s1 =	sshll.u32 s11, $0x6;
	[bflag:$0x0] =	sbarrier.arrive $0xFFFF  }
0x71: {  	s30 =	sshrl.u32 s12, $0x3;
	s29 =	sor.u32 $0x1C03, s1;
	s17 =	rddreg [dreg:$0x4]  }
0x72: {  	[hbm:s17], [sflag:s29] =	dma.local [spmem:s30], $0x3000  }
0x73: {  	_ =	swait.ge [sflag:s19], $0x3000  }
0x74: {  	[sflag:s19] =	ssyncset.done $0x0  }
0x75: {  	[sflag:s19] =	ssyncadd.s32 $0xFFFFD000  }
0x76: {  	s31 =	sadd.s32 $0x0, s8;
	[bflag:$0x0] =	sbarrier.arrive $0xFFFF  }
0x77: {  	[spmem:s31] =	stream.linear.scatter [tilespmem:s18], [sflag:$0x3], $0x800, $0x38;
	[tilespmem:$0x1E980] =	vst v63  }
0x78: {  	s1 =	simm.s32 $0x2000;
	_ =	swait.ge [sflag:s19], $0x800  }
.LBB2_6:
0x79: {  	s3 =	sshra.s32 s1, $0x2;
	[sflag:s19] =	ssyncset.done $0x0;
	p0 =	sne.s32 s1, $0x66000  }
.Ltmp2:
0x7a: {  	s3 =	sadd.s32 s3, s8;
	[sflag:s19] =	ssyncadd.s32 $0xFFFFF800;
	(pc) =	sbr.rel @p0 .LBB2_6-.Ltmp2, $3  }
0x7b: {  	[spmem:s3] =	stream.linear.scatter [tilespmem:s18], [sflag:$0x3], $0x800, $0x38;
	[tilespmem:$0x1E980] =	vst v63  }
0x7c: {  	s1 =	sadd.s32 $0x2000, s1;
	_ =	sdelay $0x1  }
0x7d: {  	_ =	swait.ge [sflag:s19], $0x800  }
0x7e: {  	[sflag:s19] =	ssyncset.done $0x0  }
0x7f: {  	s1 =	simm.s32 $0x0;
	[sflag:s19] =	ssyncadd.s32 $0xFFFFF800  }
0x80: {  	s3 =	sand.u32 $0xFC00, s1;
	[bflag:$0x0] =	sbarrier.arrive $0xFFFF  }
0x81: {  	[tilespmem:s20], [sflag:$0x1] =	stream.linear.gather [hbm4b:s9+s1], $0x2000, $0x38;
	[tilespmem:$0x1E980] =	vst v63  }
0x82: {  	s3 =	sadd.s32 s7, s3;
	s1 =	sand.u32 $0x380, s1  }
0x83: {  	s1 =	sor.u32 s1, s3  }
0x84: {  	s1 =	sshrl.u32 s1, $0x3  }
0x85: {  	[tilespmem:s21], [sflag:$0x2] =	stream.linear.gather [hbm4b:s0+s4], $0x2000, $0x38;
	[tilespmem:$0x1E980] =	vst v63  }
0x86: {  	s1 =	sadd.s32 s6, s1  }
0x87: {  	[tilespmem:s4], [sflag:$0x3] =	stream.linear.gather [hbm4b:s1+s4], $0x80, $0x38;
	[tilespmem:$0x1E980] =	vst v63  }
0x88: {  	_ =	swait.ge [sflag:s19], $0x80  }
0x89: {  	[sflag:s19] =	ssyncset.done $0x0  }
0x8a: {  	[sflag:s19] =	ssyncadd.s32 $0xFFFFFF80  }
0x8b: {  	v0 =	vld [tilespmem:$0x70]  }
0x8c: {  	v1 =	vld [tilespmem:$0x30]  }
0x8d: {  	v2 =	vld [tilespmem:$0x60]  }
0x8e: {  	v4 =	vld [tilespmem:$0x20]  }
0x8f: {  	v6 =	vld [tilespmem:$0x0]  }
0x90: {  	v7 =	vld [tilespmem:$0x40];
	v0 =	vadd.s32 $0xFFFFD000, v0  }
0x91: {  	v3 =	vld [tilespmem:$0x50];
	v1 =	vadd.s32 $0xFFFFD000, v1;
	v0 =	vmin.u32 v0, $0x3000  }
0x92: {  	v5 =	vld [tilespmem:$0x10];
	v2 =	vadd.s32 $0xFFFFD000, v2;
	v1 =	vmin.u32 v1, $0x3000;
	[tilespmem:$0x130] =	vst v0  }
0x93: {  	v57 =	vadd.s32 $0xFFFFD000, v4;
	v2 =	vmin.u32 v2, $0x3000;
	[tilespmem:$0xB0] =	vst v1  }
0x94: {  	v60 =	vadd.s32 $0xFFFFD000, v6;
	v59 =	vmin.u32 v57, $0x3000;
	[tilespmem:$0x120] =	vst v2  }
0x95: {  	v62 =	vadd.s32 $0xFFFFD000, v7;
	v61 =	vmin.u32 v60, $0x3000;
	[tilespmem:$0xA0] =	vst v59  }
0x96: {  	v56 =	vadd.s32 $0xFFFFD000, v3;
	v63 =	vmin.u32 v62, $0x3000;
	[tilespmem:$0x80] =	vst v61  }
0x97: {  	v58 =	vadd.s32 $0xFFFFD000, v5;
	v0 =	vmin.u32 v56, $0x3000;
	[tilespmem:$0x100] =	vst v63  }
0x98: {  	v2 =	vmin.u32 v58, $0x3000;
	[tilespmem:$0x110] =	vst v0  }
0x99: {  	[tilespmem:$0x90] =	vst v2  }
0x9a: {  	s1 =	sadd.s32 $0x0, s7;
	_ =	swait.ge [sflag:s22], $0x2000  }
0x9b: {  	p0 =	slt.s32 s1, $0x8FF40;
	[sflag:s22] =	ssyncset.done $0x0  }
0x9c: {  	s1 =	simm.s32 @!p0 $0x8FF40;
	[sflag:s22] =	ssyncadd.s32 $0xFFFFE000  }
0x9d: {  	[spmem:s2] =	stream.indirect.scatter.add.f32 [tilespmem:s20], [sflag:$0x3], $0x80, s24, s23, $0xb8;
	[tilespmem:$0x1E980] =	vst v63  }
0x9e: {  	s31 =	simm.s32 $0x80;
	s1 =	sshll.u32 s1, $0x7;
	_ =	swait.ge [sflag:s19], $0x2000  }
0x9f: {  	s17 =	smov.u32 s0;
	s1 =	sadd.s32 s1, s10;
	[sflag:s19] =	ssyncset.done $0x0  }
.LBB2_8:
0xa0: {  	[sflag:s19] =	ssyncadd.s32 $0xFFFFE000  }
0xa1: {  	s3 =	sshrl.u32 s1, $0x3;
	s17 =	sadd.s32 $0x800, s17;
	s1 =	smov.u32 s31  }
0xa2: {  	p0 =	sne.s32 s31, $0x8F80;
	s31 =	sadd.s32 $0x80, s31;
	s3 =	sadd.s32 s5, s3  }
0xa3: {  	[tilespmem:s20], [sflag:$0x1] =	stream.linear.gather [hbm4b:s3+s4], $0x2000, $0x38;
	[tilespmem:$0x1E980] =	vst v63  }
0xa4: {  	_ =	swait.ge [sflag:s25], $0x2000  }
0xa5: {  	[sflag:s25] =	ssyncset.done $0x0  }
0xa6: {  	s3 =	sand.u32 $0xFC00, s1;
	[sflag:s25] =	ssyncadd.s32 $0xFFFFE000  }
0xa7: {  	[spmem:s2] =	stream.indirect.scatter.add.f32 [tilespmem:s21], [sflag:$0x3], $0x80, s26, s23, $0xb8;
	[tilespmem:$0x1E980] =	vst v63  }
0xa8: {  	s11 =	sand.u32 $0x380, s1;
	s3 =	sadd.s32 s7, s3;
	_ =	swait.ge [sflag:s19], $0x2000  }
0xa9: {  	s3 =	sor.u32 s11, s3;
	[sflag:s19] =	ssyncset.done $0x0  }
0xaa: {  	s3 =	sshrl.u32 s3, $0x3;
	[sflag:s19] =	ssyncadd.s32 $0xFFFFE000  }
0xab: {  	[tilespmem:s21], [sflag:$0x2] =	stream.linear.gather [hbm4b:s17+s4], $0x2000, $0x38;
	[tilespmem:$0x1E980] =	vst v63  }
0xac: {  	s3 =	sadd.s32 s6, s3  }
0xad: {  	[tilespmem:s4], [sflag:$0x3] =	stream.linear.gather [hbm4b:s3+s4], $0x80, $0x38;
	[tilespmem:$0x1E980] =	vst v63  }
0xae: {  	_ =	swait.ge [sflag:s19], $0x80  }
0xaf: {  	[sflag:s19] =	ssyncset.done $0x0  }
0xb0: {  	[sflag:s19] =	ssyncadd.s32 $0xFFFFFF80  }
0xb1: {  	v0 =	vld [tilespmem:$0x70]  }
0xb2: {  	v1 =	vld [tilespmem:$0x30]  }
0xb3: {  	v2 =	vld [tilespmem:$0x60]  }
0xb4: {  	v3 =	vld [tilespmem:$0x50]  }
0xb5: {  	v4 =	vld [tilespmem:$0x20]  }
0xb6: {  	v5 =	vld [tilespmem:$0x10];
	v0 =	vadd.s32 $0xFFFFD000, v0  }
0xb7: {  	v6 =	vld [tilespmem:$0x0];
	v1 =	vadd.s32 $0xFFFFD000, v1;
	v0 =	vmin.u32 v0, $0x3000  }
0xb8: {  	v7 =	vld [tilespmem:$0x40];
	v2 =	vadd.s32 $0xFFFFD000, v2;
	v1 =	vmin.u32 v1, $0x3000;
	[tilespmem:$0x130] =	vst v0  }
0xb9: {  	v0 =	vadd.s32 $0xFFFFD000, v3;
	v2 =	vmin.u32 v2, $0x3000;
	[tilespmem:$0xB0] =	vst v1  }
0xba: {  	v0 =	vmin.u32 v0, $0x3000;
	v1 =	vadd.s32 $0xFFFFD000, v4;
	[tilespmem:$0x120] =	vst v2  }
0xbb: {  	v2 =	vadd.s32 $0xFFFFD000, v5;
	[tilespmem:$0x110] =	vst v0;
	v0 =	vmin.u32 v1, $0x3000  }
0xbc: {  	v1 =	vadd.s32 $0xFFFFD000, v6;
	v2 =	vmin.u32 v2, $0x3000;
	[tilespmem:$0xA0] =	vst v0  }
0xbd: {  	v0 =	vmin.u32 v1, $0x3000;
	v1 =	vadd.s32 $0xFFFFD000, v7;
	[tilespmem:$0x90] =	vst v2  }
0xbe: {  	[tilespmem:$0x80] =	vst v0;
	v0 =	vmin.u32 v1, $0x3000  }
0xbf: {  	[tilespmem:$0x100] =	vst v0  }
0xc0: {  	s1 =	sadd.s32 s1, s7;
	_ =	swait.ge [sflag:s22], $0x2000  }
.Ltmp3:
0xc1: {  	p1 =	slt.s32 s1, $0x8FF40;
	[sflag:s22] =	ssyncset.done $0x0;
	(pc) =	sbr.rel @p0 .LBB2_8-.Ltmp3, $4  }
0xc2: {  	s1 =	simm.s32 @!p1 $0x8FF40;
	[sflag:s22] =	ssyncadd.s32 $0xFFFFE000  }
0xc3: {  	[spmem:s2] =	stream.indirect.scatter.add.f32 [tilespmem:s20], [sflag:$0x3], $0x80, s24, s23, $0xb8;
	[tilespmem:$0x1E980] =	vst v63  }
0xc4: {  	s1 =	sshll.u32 s1, $0x7;
	_ =	swait.ge [sflag:s19], $0x2000  }
0xc5: {  	s1 =	sadd.s32 s1, s10;
	[sflag:s19] =	ssyncset.done $0x0  }
0xc6: {  	s1 =	sshrl.u32 s1, $0x3  }
0xc7: {  	[sflag:s19] =	ssyncadd.s32 $0xFFFFE000;
	s1 =	sadd.s32 s5, s1  }
0xc8: {  	[tilespmem:s20], [sflag:$0x1] =	stream.linear.gather [hbm4b:s1+s4], $0x2000, $0x38;
	[tilespmem:$0x1E980] =	vst v63  }
0xc9: {  	_ =	swait.ge [sflag:s25], $0x2000  }
0xca: {  	[sflag:s25] =	ssyncset.done $0x0  }
0xcb: {  	[sflag:s25] =	ssyncadd.s32 $0xFFFFE000  }
0xcc: {  	[spmem:s2] =	stream.indirect.scatter.add.f32 [tilespmem:s21], [sflag:$0x3], $0x80, s26, s23, $0xb8;
	[tilespmem:$0x1E980] =	vst v63  }
0xcd: {  	_ =	swait.ge [sflag:s19], $0x2000  }
0xce: {  	[sflag:s19] =	ssyncset.done $0x0  }
0xcf: {  	[sflag:s19] =	ssyncadd.s32 $0xFFFFE000  }
0xd0: {  	_ =	swait.ge [sflag:s22], $0x2000  }
0xd1: {  	[sflag:s22] =	ssyncset.done $0x0  }
0xd2: {  	[sflag:s22] =	ssyncadd.s32 $0xFFFFE000  }
0xd3: {  	[bflag:$0x0] =	sbarrier.arrive $0xFFFF  }
0xd4: {  	[hbm:s13], [sflag:s29] =	dma.local [spmem:s30], $0x3000  }
0xd5: {  	_ =	swait.ge [sflag:s19], $0x3000  }
0xd6: {  	[sflag:s19] =	ssyncset.done $0x0  }
0xd7: {  	[sflag:s19] =	ssyncadd.s32 $0xFFFFD000  }
0xd8: {  	s31 =	sadd.s32 $0x0, s8;
	[bflag:$0x0] =	sbarrier.arrive $0xFFFF  }
0xd9: {  	[spmem:s31] =	stream.linear.scatter [tilespmem:s18], [sflag:$0x3], $0x800, $0x38;
	[tilespmem:$0x1E980] =	vst v63  }
0xda: {  	s1 =	simm.s32 $0x2000;
	_ =	swait.ge [sflag:s19], $0x800  }
.LBB2_10:
0xdb: {  	s3 =	sshra.s32 s1, $0x2;
	[sflag:s19] =	ssyncset.done $0x0;
	p0 =	sne.s32 s1, $0x66000  }
.Ltmp4:
0xdc: {  	s3 =	sadd.s32 s3, s8;
	[sflag:s19] =	ssyncadd.s32 $0xFFFFF800;
	(pc) =	sbr.rel @p0 .LBB2_10-.Ltmp4, $3  }
0xdd: {  	[spmem:s3] =	stream.linear.scatter [tilespmem:s18], [sflag:$0x3], $0x800, $0x38;
	[tilespmem:$0x1E980] =	vst v63  }
0xde: {  	s1 =	sadd.s32 $0x2000, s1;
	_ =	sdelay $0x1  }
0xdf: {  	_ =	swait.ge [sflag:s19], $0x800  }
0xe0: {  	[sflag:s19] =	ssyncset.done $0x0  }
0xe1: {  	s1 =	simm.s32 $0x0;
	[sflag:s19] =	ssyncadd.s32 $0xFFFFF800  }
0xe2: {  	s3 =	sand.u32 $0xFC00, s1;
	[bflag:$0x0] =	sbarrier.arrive $0xFFFF  }
0xe3: {  	[tilespmem:s20], [sflag:$0x1] =	stream.linear.gather [hbm4b:s9+s1], $0x2000, $0x38;
	[tilespmem:$0x1E980] =	vst v63  }
0xe4: {  	s3 =	sadd.s32 s7, s3;
	s1 =	sand.u32 $0x380, s1  }
0xe5: {  	s1 =	sor.u32 s1, s3  }
0xe6: {  	s1 =	sshrl.u32 s1, $0x3  }
0xe7: {  	[tilespmem:s21], [sflag:$0x2] =	stream.linear.gather [hbm4b:s0+s4], $0x2000, $0x38;
	[tilespmem:$0x1E980] =	vst v63  }
0xe8: {  	s1 =	sadd.s32 s6, s1  }
0xe9: {  	[tilespmem:s4], [sflag:$0x3] =	stream.linear.gather [hbm4b:s1+s4], $0x80, $0x38;
	[tilespmem:$0x1E980] =	vst v63  }
0xea: {  	_ =	swait.ge [sflag:s19], $0x80  }
0xeb: {  	[sflag:s19] =	ssyncset.done $0x0  }
0xec: {  	[sflag:s19] =	ssyncadd.s32 $0xFFFFFF80  }
0xed: {  	v0 =	vld [tilespmem:$0x70]  }
0xee: {  	v1 =	vld [tilespmem:$0x30]  }
0xef: {  	v2 =	vld [tilespmem:$0x60]  }
0xf0: {  	v4 =	vld [tilespmem:$0x20]  }
0xf1: {  	v6 =	vld [tilespmem:$0x0]  }
0xf2: {  	v7 =	vld [tilespmem:$0x40];
	v0 =	vadd.s32 $0xFFFFA000, v0  }
0xf3: {  	v3 =	vld [tilespmem:$0x50];
	v1 =	vadd.s32 $0xFFFFA000, v1;
	v0 =	vmin.u32 v0, $0x3000  }
0xf4: {  	v5 =	vld [tilespmem:$0x10];
	v2 =	vadd.s32 $0xFFFFA000, v2;
	v1 =	vmin.u32 v1, $0x3000;
	[tilespmem:$0x130] =	vst v0  }
0xf5: {  	v57 =	vadd.s32 $0xFFFFA000, v4;
	v2 =	vmin.u32 v2, $0x3000;
	[tilespmem:$0xB0] =	vst v1  }
0xf6: {  	v60 =	vadd.s32 $0xFFFFA000, v6;
	v59 =	vmin.u32 v57, $0x3000;
	[tilespmem:$0x120] =	vst v2  }
0xf7: {  	v62 =	vadd.s32 $0xFFFFA000, v7;
	v61 =	vmin.u32 v60, $0x3000;
	[tilespmem:$0xA0] =	vst v59  }
0xf8: {  	v56 =	vadd.s32 $0xFFFFA000, v3;
	v63 =	vmin.u32 v62, $0x3000;
	[tilespmem:$0x80] =	vst v61  }
0xf9: {  	v58 =	vadd.s32 $0xFFFFA000, v5;
	v0 =	vmin.u32 v56, $0x3000;
	[tilespmem:$0x100] =	vst v63  }
0xfa: {  	v2 =	vmin.u32 v58, $0x3000;
	[tilespmem:$0x110] =	vst v0  }
0xfb: {  	[tilespmem:$0x90] =	vst v2  }
0xfc: {  	s1 =	sadd.s32 $0x0, s7;
	_ =	swait.ge [sflag:s22], $0x2000  }
0xfd: {  	p0 =	slt.s32 s1, $0x8FF40;
	[sflag:s22] =	ssyncset.done $0x0  }
0xfe: {  	s1 =	simm.s32 @!p0 $0x8FF40;
	[sflag:s22] =	ssyncadd.s32 $0xFFFFE000  }
0xff: {  	[spmem:s2] =	stream.indirect.scatter.add.f32 [tilespmem:s20], [sflag:$0x3], $0x80, s24, s23, $0xb8;
	[tilespmem:$0x1E980] =	vst v63  }
0x100: {  	s31 =	simm.s32 $0x80;
	s1 =	sshll.u32 s1, $0x7;
	_ =	swait.ge [sflag:s19], $0x2000  }
0x101: {  	s17 =	smov.u32 s0;
	s1 =	sadd.s32 s1, s10;
	[sflag:s19] =	ssyncset.done $0x0  }
.LBB2_12:
0x102: {  	[sflag:s19] =	ssyncadd.s32 $0xFFFFE000  }
0x103: {  	s3 =	sshrl.u32 s1, $0x3;
	s17 =	sadd.s32 $0x800, s17;
	s1 =	smov.u32 s31  }
0x104: {  	p0 =	sne.s32 s31, $0x8F80;
	s31 =	sadd.s32 $0x80, s31;
	s3 =	sadd.s32 s5, s3  }
0x105: {  	[tilespmem:s20], [sflag:$0x1] =	stream.linear.gather [hbm4b:s3+s4], $0x2000, $0x38;
	[tilespmem:$0x1E980] =	vst v63  }
0x106: {  	_ =	swait.ge [sflag:s25], $0x2000  }
0x107: {  	[sflag:s25] =	ssyncset.done $0x0  }
0x108: {  	s3 =	sand.u32 $0xFC00, s1;
	[sflag:s25] =	ssyncadd.s32 $0xFFFFE000  }
0x109: {  	[spmem:s2] =	stream.indirect.scatter.add.f32 [tilespmem:s21], [sflag:$0x3], $0x80, s26, s23, $0xb8;
	[tilespmem:$0x1E980] =	vst v63  }
0x10a: {  	s11 =	sand.u32 $0x380, s1;
	s3 =	sadd.s32 s7, s3;
	_ =	swait.ge [sflag:s19], $0x2000  }
0x10b: {  	s3 =	sor.u32 s11, s3;
	[sflag:s19] =	ssyncset.done $0x0  }
0x10c: {  	s3 =	sshrl.u32 s3, $0x3;
	[sflag:s19] =	ssyncadd.s32 $0xFFFFE000  }
0x10d: {  	[tilespmem:s21], [sflag:$0x2] =	stream.linear.gather [hbm4b:s17+s4], $0x2000, $0x38;
	[tilespmem:$0x1E980] =	vst v63  }
0x10e: {  	s3 =	sadd.s32 s6, s3  }
0x10f: {  	[tilespmem:s4], [sflag:$0x3] =	stream.linear.gather [hbm4b:s3+s4], $0x80, $0x38;
	[tilespmem:$0x1E980] =	vst v63  }
0x110: {  	_ =	swait.ge [sflag:s19], $0x80  }
0x111: {  	[sflag:s19] =	ssyncset.done $0x0  }
0x112: {  	[sflag:s19] =	ssyncadd.s32 $0xFFFFFF80  }
0x113: {  	v0 =	vld [tilespmem:$0x70]  }
0x114: {  	v1 =	vld [tilespmem:$0x30]  }
0x115: {  	v2 =	vld [tilespmem:$0x60]  }
0x116: {  	v3 =	vld [tilespmem:$0x50]  }
0x117: {  	v4 =	vld [tilespmem:$0x20]  }
0x118: {  	v5 =	vld [tilespmem:$0x10];
	v0 =	vadd.s32 $0xFFFFA000, v0  }
0x119: {  	v6 =	vld [tilespmem:$0x0];
	v1 =	vadd.s32 $0xFFFFA000, v1;
	v0 =	vmin.u32 v0, $0x3000  }
0x11a: {  	v7 =	vld [tilespmem:$0x40];
	v2 =	vadd.s32 $0xFFFFA000, v2;
	v1 =	vmin.u32 v1, $0x3000;
	[tilespmem:$0x130] =	vst v0  }
0x11b: {  	v0 =	vadd.s32 $0xFFFFA000, v3;
	v2 =	vmin.u32 v2, $0x3000;
	[tilespmem:$0xB0] =	vst v1  }
0x11c: {  	v0 =	vmin.u32 v0, $0x3000;
	v1 =	vadd.s32 $0xFFFFA000, v4;
	[tilespmem:$0x120] =	vst v2  }
0x11d: {  	v2 =	vadd.s32 $0xFFFFA000, v5;
	[tilespmem:$0x110] =	vst v0;
	v0 =	vmin.u32 v1, $0x3000  }
0x11e: {  	v1 =	vadd.s32 $0xFFFFA000, v6;
	v2 =	vmin.u32 v2, $0x3000;
	[tilespmem:$0xA0] =	vst v0  }
0x11f: {  	v0 =	vmin.u32 v1, $0x3000;
	v1 =	vadd.s32 $0xFFFFA000, v7;
	[tilespmem:$0x90] =	vst v2  }
0x120: {  	[tilespmem:$0x80] =	vst v0;
	v0 =	vmin.u32 v1, $0x3000  }
0x121: {  	[tilespmem:$0x100] =	vst v0  }
0x122: {  	s1 =	sadd.s32 s1, s7;
	_ =	swait.ge [sflag:s22], $0x2000  }
.Ltmp5:
0x123: {  	p1 =	slt.s32 s1, $0x8FF40;
	[sflag:s22] =	ssyncset.done $0x0;
	(pc) =	sbr.rel @p0 .LBB2_12-.Ltmp5, $4  }
0x124: {  	s1 =	simm.s32 @!p1 $0x8FF40;
	[sflag:s22] =	ssyncadd.s32 $0xFFFFE000  }
0x125: {  	[spmem:s2] =	stream.indirect.scatter.add.f32 [tilespmem:s20], [sflag:$0x3], $0x80, s24, s23, $0xb8;
	[tilespmem:$0x1E980] =	vst v63  }
0x126: {  	s1 =	sshll.u32 s1, $0x7;
	_ =	swait.ge [sflag:s19], $0x2000  }
0x127: {  	s1 =	sadd.s32 s1, s10;
	[sflag:s19] =	ssyncset.done $0x0  }
0x128: {  	s1 =	sshrl.u32 s1, $0x3  }
0x129: {  	[sflag:s19] =	ssyncadd.s32 $0xFFFFE000;
	s1 =	sadd.s32 s5, s1  }
0x12a: {  	[tilespmem:s20], [sflag:$0x1] =	stream.linear.gather [hbm4b:s1+s4], $0x2000, $0x38;
	[tilespmem:$0x1E980] =	vst v63  }
0x12b: {  	_ =	swait.ge [sflag:s25], $0x2000  }
0x12c: {  	[sflag:s25] =	ssyncset.done $0x0  }
0x12d: {  	[sflag:s25] =	ssyncadd.s32 $0xFFFFE000  }
0x12e: {  	[spmem:s2] =	stream.indirect.scatter.add.f32 [tilespmem:s21], [sflag:$0x3], $0x80, s26, s23, $0xb8;
	[tilespmem:$0x1E980] =	vst v63  }
0x12f: {  	_ =	swait.ge [sflag:s19], $0x2000  }
0x130: {  	[sflag:s19] =	ssyncset.done $0x0  }
0x131: {  	[sflag:s19] =	ssyncadd.s32 $0xFFFFE000  }
0x132: {  	_ =	swait.ge [sflag:s22], $0x2000  }
0x133: {  	[sflag:s22] =	ssyncset.done $0x0  }
0x134: {  	[sflag:s22] =	ssyncadd.s32 $0xFFFFE000  }
0x135: {  	[bflag:$0x0] =	sbarrier.arrive $0xFFFF  }
0x136: {  	[hbm:s14], [sflag:s29] =	dma.local [spmem:s30], $0x3000  }
0x137: {  	_ =	swait.ge [sflag:s19], $0x3000  }
0x138: {  	[sflag:s19] =	ssyncset.done $0x0  }
0x139: {  	[sflag:s19] =	ssyncadd.s32 $0xFFFFD000  }
0x13a: {  	s31 =	sadd.s32 $0x0, s8;
	[bflag:$0x0] =	sbarrier.arrive $0xFFFF  }
0x13b: {  	[spmem:s31] =	stream.linear.scatter [tilespmem:s18], [sflag:$0x3], $0x800, $0x38;
	[tilespmem:$0x1E980] =	vst v63  }
0x13c: {  	s1 =	simm.s32 $0x2000;
	_ =	swait.ge [sflag:s19], $0x800  }
.LBB2_14:
0x13d: {  	s3 =	sshra.s32 s1, $0x2;
	[sflag:s19] =	ssyncset.done $0x0;
	p0 =	sne.s32 s1, $0x66000  }
.Ltmp6:
0x13e: {  	s3 =	sadd.s32 s3, s8;
	[sflag:s19] =	ssyncadd.s32 $0xFFFFF800;
	(pc) =	sbr.rel @p0 .LBB2_14-.Ltmp6, $3  }
0x13f: {  	[spmem:s3] =	stream.linear.scatter [tilespmem:s18], [sflag:$0x3], $0x800, $0x38;
	[tilespmem:$0x1E980] =	vst v63  }
0x140: {  	s1 =	sadd.s32 $0x2000, s1;
	_ =	sdelay $0x1  }
0x141: {  	_ =	swait.ge [sflag:s19], $0x800  }
0x142: {  	[sflag:s19] =	ssyncset.done $0x0  }
0x143: {  	s1 =	simm.s32 $0x0;
	[sflag:s19] =	ssyncadd.s32 $0xFFFFF800  }
0x144: {  	s3 =	sand.u32 $0xFC00, s1;
	[bflag:$0x0] =	sbarrier.arrive $0xFFFF  }
0x145: {  	[tilespmem:s20], [sflag:$0x1] =	stream.linear.gather [hbm4b:s9+s1], $0x2000, $0x38;
	[tilespmem:$0x1E980] =	vst v63  }
0x146: {  	s3 =	sadd.s32 s7, s3;
	s1 =	sand.u32 $0x380, s1  }
0x147: {  	s1 =	sor.u32 s1, s3  }
0x148: {  	s1 =	sshrl.u32 s1, $0x3  }
0x149: {  	[tilespmem:s21], [sflag:$0x2] =	stream.linear.gather [hbm4b:s0+s4], $0x2000, $0x38;
	[tilespmem:$0x1E980] =	vst v63  }
0x14a: {  	s1 =	sadd.s32 s6, s1  }
0x14b: {  	[tilespmem:s4], [sflag:$0x3] =	stream.linear.gather [hbm4b:s1+s4], $0x80, $0x38;
	[tilespmem:$0x1E980] =	vst v63  }
0x14c: {  	_ =	swait.ge [sflag:s19], $0x80  }
0x14d: {  	[sflag:s19] =	ssyncset.done $0x0  }
0x14e: {  	[sflag:s19] =	ssyncadd.s32 $0xFFFFFF80  }
0x14f: {  	v0 =	vld [tilespmem:$0x70]  }
0x150: {  	v1 =	vld [tilespmem:$0x30]  }
0x151: {  	v2 =	vld [tilespmem:$0x60]  }
0x152: {  	v4 =	vld [tilespmem:$0x20]  }
0x153: {  	v6 =	vld [tilespmem:$0x0]  }
0x154: {  	v7 =	vld [tilespmem:$0x40];
	v0 =	vadd.s32 $0xFFFF7000, v0  }
0x155: {  	v3 =	vld [tilespmem:$0x50];
	v1 =	vadd.s32 $0xFFFF7000, v1;
	v0 =	vmin.u32 v0, $0x3000  }
0x156: {  	v5 =	vld [tilespmem:$0x10];
	v2 =	vadd.s32 $0xFFFF7000, v2;
	v1 =	vmin.u32 v1, $0x3000;
	[tilespmem:$0x130] =	vst v0  }
0x157: {  	v57 =	vadd.s32 $0xFFFF7000, v4;
	v2 =	vmin.u32 v2, $0x3000;
	[tilespmem:$0xB0] =	vst v1  }
0x158: {  	v60 =	vadd.s32 $0xFFFF7000, v6;
	v59 =	vmin.u32 v57, $0x3000;
	[tilespmem:$0x120] =	vst v2  }
0x159: {  	v62 =	vadd.s32 $0xFFFF7000, v7;
	v61 =	vmin.u32 v60, $0x3000;
	[tilespmem:$0xA0] =	vst v59  }
0x15a: {  	v56 =	vadd.s32 $0xFFFF7000, v3;
	v63 =	vmin.u32 v62, $0x3000;
	[tilespmem:$0x80] =	vst v61  }
0x15b: {  	v58 =	vadd.s32 $0xFFFF7000, v5;
	v0 =	vmin.u32 v56, $0x3000;
	[tilespmem:$0x100] =	vst v63  }
0x15c: {  	v2 =	vmin.u32 v58, $0x3000;
	[tilespmem:$0x110] =	vst v0  }
0x15d: {  	[tilespmem:$0x90] =	vst v2  }
0x15e: {  	s1 =	sadd.s32 $0x0, s7;
	_ =	swait.ge [sflag:s22], $0x2000  }
0x15f: {  	p0 =	slt.s32 s1, $0x8FF40;
	[sflag:s22] =	ssyncset.done $0x0  }
0x160: {  	s1 =	simm.s32 @!p0 $0x8FF40;
	[sflag:s22] =	ssyncadd.s32 $0xFFFFE000  }
0x161: {  	[spmem:s2] =	stream.indirect.scatter.add.f32 [tilespmem:s20], [sflag:$0x3], $0x80, s24, s23, $0xb8;
	[tilespmem:$0x1E980] =	vst v63  }
0x162: {  	s31 =	simm.s32 $0x80;
	s1 =	sshll.u32 s1, $0x7;
	_ =	swait.ge [sflag:s19], $0x2000  }
0x163: {  	s17 =	smov.u32 s0;
	s1 =	sadd.s32 s1, s10;
	[sflag:s19] =	ssyncset.done $0x0  }
.LBB2_16:
0x164: {  	[sflag:s19] =	ssyncadd.s32 $0xFFFFE000  }
0x165: {  	s3 =	sshrl.u32 s1, $0x3;
	s17 =	sadd.s32 $0x800, s17;
	s1 =	smov.u32 s31  }
0x166: {  	p0 =	sne.s32 s31, $0x8F80;
	s31 =	sadd.s32 $0x80, s31;
	s3 =	sadd.s32 s5, s3  }
0x167: {  	[tilespmem:s20], [sflag:$0x1] =	stream.linear.gather [hbm4b:s3+s4], $0x2000, $0x38;
	[tilespmem:$0x1E980] =	vst v63  }
0x168: {  	_ =	swait.ge [sflag:s25], $0x2000  }
0x169: {  	[sflag:s25] =	ssyncset.done $0x0  }
0x16a: {  	s3 =	sand.u32 $0xFC00, s1;
	[sflag:s25] =	ssyncadd.s32 $0xFFFFE000  }
0x16b: {  	[spmem:s2] =	stream.indirect.scatter.add.f32 [tilespmem:s21], [sflag:$0x3], $0x80, s26, s23, $0xb8;
	[tilespmem:$0x1E980] =	vst v63  }
0x16c: {  	s11 =	sand.u32 $0x380, s1;
	s3 =	sadd.s32 s7, s3;
	_ =	swait.ge [sflag:s19], $0x2000  }
0x16d: {  	s3 =	sor.u32 s11, s3;
	[sflag:s19] =	ssyncset.done $0x0  }
0x16e: {  	s3 =	sshrl.u32 s3, $0x3;
	[sflag:s19] =	ssyncadd.s32 $0xFFFFE000  }
0x16f: {  	[tilespmem:s21], [sflag:$0x2] =	stream.linear.gather [hbm4b:s17+s4], $0x2000, $0x38;
	[tilespmem:$0x1E980] =	vst v63  }
0x170: {  	s3 =	sadd.s32 s6, s3  }
0x171: {  	[tilespmem:s4], [sflag:$0x3] =	stream.linear.gather [hbm4b:s3+s4], $0x80, $0x38;
	[tilespmem:$0x1E980] =	vst v63  }
0x172: {  	_ =	swait.ge [sflag:s19], $0x80  }
0x173: {  	[sflag:s19] =	ssyncset.done $0x0  }
0x174: {  	[sflag:s19] =	ssyncadd.s32 $0xFFFFFF80  }
0x175: {  	v0 =	vld [tilespmem:$0x70]  }
0x176: {  	v1 =	vld [tilespmem:$0x30]  }
0x177: {  	v2 =	vld [tilespmem:$0x60]  }
0x178: {  	v3 =	vld [tilespmem:$0x50]  }
0x179: {  	v4 =	vld [tilespmem:$0x20]  }
0x17a: {  	v5 =	vld [tilespmem:$0x10];
	v0 =	vadd.s32 $0xFFFF7000, v0  }
0x17b: {  	v6 =	vld [tilespmem:$0x0];
	v1 =	vadd.s32 $0xFFFF7000, v1;
	v0 =	vmin.u32 v0, $0x3000  }
0x17c: {  	v7 =	vld [tilespmem:$0x40];
	v2 =	vadd.s32 $0xFFFF7000, v2;
	v1 =	vmin.u32 v1, $0x3000;
	[tilespmem:$0x130] =	vst v0  }
0x17d: {  	v0 =	vadd.s32 $0xFFFF7000, v3;
	v2 =	vmin.u32 v2, $0x3000;
	[tilespmem:$0xB0] =	vst v1  }
0x17e: {  	v0 =	vmin.u32 v0, $0x3000;
	v1 =	vadd.s32 $0xFFFF7000, v4;
	[tilespmem:$0x120] =	vst v2  }
0x17f: {  	v2 =	vadd.s32 $0xFFFF7000, v5;
	[tilespmem:$0x110] =	vst v0;
	v0 =	vmin.u32 v1, $0x3000  }
0x180: {  	v1 =	vadd.s32 $0xFFFF7000, v6;
	v2 =	vmin.u32 v2, $0x3000;
	[tilespmem:$0xA0] =	vst v0  }
0x181: {  	v0 =	vmin.u32 v1, $0x3000;
	v1 =	vadd.s32 $0xFFFF7000, v7;
	[tilespmem:$0x90] =	vst v2  }
0x182: {  	[tilespmem:$0x80] =	vst v0;
	v0 =	vmin.u32 v1, $0x3000  }
0x183: {  	[tilespmem:$0x100] =	vst v0  }
0x184: {  	s1 =	sadd.s32 s1, s7;
	_ =	swait.ge [sflag:s22], $0x2000  }
.Ltmp7:
0x185: {  	p1 =	slt.s32 s1, $0x8FF40;
	[sflag:s22] =	ssyncset.done $0x0;
	(pc) =	sbr.rel @p0 .LBB2_16-.Ltmp7, $4  }
0x186: {  	s1 =	simm.s32 @!p1 $0x8FF40;
	[sflag:s22] =	ssyncadd.s32 $0xFFFFE000  }
0x187: {  	[spmem:s2] =	stream.indirect.scatter.add.f32 [tilespmem:s20], [sflag:$0x3], $0x80, s24, s23, $0xb8;
	[tilespmem:$0x1E980] =	vst v63  }
0x188: {  	s1 =	sshll.u32 s1, $0x7;
	_ =	swait.ge [sflag:s19], $0x2000  }
0x189: {  	s1 =	sadd.s32 s1, s10;
	[sflag:s19] =	ssyncset.done $0x0  }
0x18a: {  	s1 =	sshrl.u32 s1, $0x3  }
0x18b: {  	[sflag:s19] =	ssyncadd.s32 $0xFFFFE000;
	s1 =	sadd.s32 s5, s1  }
0x18c: {  	[tilespmem:s20], [sflag:$0x1] =	stream.linear.gather [hbm4b:s1+s4], $0x2000, $0x38;
	[tilespmem:$0x1E980] =	vst v63  }
0x18d: {  	_ =	swait.ge [sflag:s25], $0x2000  }
0x18e: {  	[sflag:s25] =	ssyncset.done $0x0  }
0x18f: {  	[sflag:s25] =	ssyncadd.s32 $0xFFFFE000  }
0x190: {  	[spmem:s2] =	stream.indirect.scatter.add.f32 [tilespmem:s21], [sflag:$0x3], $0x80, s26, s23, $0xb8;
	[tilespmem:$0x1E980] =	vst v63  }
0x191: {  	_ =	swait.ge [sflag:s19], $0x2000  }
0x192: {  	[sflag:s19] =	ssyncset.done $0x0  }
0x193: {  	[sflag:s19] =	ssyncadd.s32 $0xFFFFE000  }
0x194: {  	_ =	swait.ge [sflag:s22], $0x2000  }
0x195: {  	[sflag:s22] =	ssyncset.done $0x0  }
0x196: {  	s28 =	sadd.s32 $0x1, s28;
	[sflag:s22] =	ssyncadd.s32 $0xFFFFE000  }
0x197: {  	p0 =	sne.s32 s28, s16;
	[bflag:$0x0] =	sbarrier.arrive $0xFFFF  }
0x198: {  	[hbm:s15], [sflag:s29] =	dma.local [spmem:s30], $0x3000  }
.Ltmp8:
0x199: {  	_ =	swait.ge [sflag:s19], $0x3000;
	(pc) =	sbr.rel @p0 .LBB2_1-.Ltmp8, $3  }
0x19a: {  	[sflag:s19] =	ssyncset.done $0x0  }
0x19b: {  	[sflag:s19] =	ssyncadd.s32 $0xFFFFD000  }
0x19c: {  	[bflag:$0x0] =	sbarrier.arrive $0xFFFF;
	_ =	sdelay $0x1  }
0x19d: {  	_ =	sfence.sel $0x180000  }
0x19e: {  	[bflag:$0x0] =	sbarrier.arrive $0xFFFF  }
0x19f: {  	_ =	strace $0x9000004D  }
0x1a0: {  	s0 =	stileid.u32;
	[bflag:$0x2] =	sbarrier.arrive $0xFFFF  }
0x1a1: {  	p0 =	sne.s32 s0, $0x0;
	s0 =	rddreg [dreg:$0x3]  }
0x1a2: {  	s0 =	sadd.s32 @!p0 $0x100000, s0  }
0x1a3: {  	[sflag:s0] =	ssyncadd.tile.s32 @!p0 $0x1;
	_ =	shalt  }
.Lfunc_end2:
_tile_overlayer_lowered:
.L_overlay_start_2:
0x1a4: {  	(tag) =	ssettag $0x2  }
0x1a5: {  	s0 =	rddreg [dreg:$0x0];
	s2 =	stileid.u32  }
0x1a6: {  	s1 =	rddreg [dreg:$0x1];
	p0 =	sne.s32 s2, $0x0  }
0x1a7: {  	s3 =	rddreg [dreg:$0x2];
	[bflag:$0x3] =	sbarrier.arrive $0xFFFF;
	s2 =	simm.s32 @!p0 $0x1C03  }
0x1a8: {  	[timem:s3], [sflag:s2] =	dma.local @!p0 [hbm:s0], s1  }
0x1a9: {  	s0 =	simm.s32 @!p0 $0x3  }
0x1aa: {  	_ =	swait.ge @!p0 [sflag:s0], s1  }
0x1ab: {  	s1 =	ssub.s32 @!p0 $0x0, s1;
	[sflag:s0] =	ssyncset.done @!p0 $0x0  }
0x1ac: {  	[sflag:s0] =	ssyncadd.s32 @!p0 s1  }
0x1ad: {  	[bflag:$0x3] =	sbarrier.arrive $0xFFFF  }
0x1ae: {  	_ =	shalt  }

</sc_bundles>
